<compile_context>
chip_gen: v7x
topology: tpu7x:2x2x1
jax: 0.10.2.dev20260603
libtpu: 0.0.44.dev20260713+nightly
codegen_flags: <defaults>
</compile_context>

<pallas_src>
import jax
import jax.numpy as jnp
from jax import lax
from jax.experimental import pallas as pl
from jax.experimental.pallas import tpu as pltpu
from jax.experimental.pallas import tpu_sc as plsc

B = 8
PIX = 3 * 384 * 384
TOTAL = 28
NC, NS = 2, 16
NW = NC * NS
CHUNK = PIX // NW
LANES = 16
STARTS = [i * (i - 1) // 2 for i in range(B)]
LENS = list(range(B))
PATCH_OWNER = [(j, i) for i in range(B) for j in range(STARTS[i], STARTS[i] + LENS[i])]


def _sc_body(
    img_hbm, adv_hbm, msk_hbm, out_hbm,
    out0, out1, out2, adv0, adv1, msk0, msk1,
    s_img0, s_img1, s_img2, s_st0, s_st1, s_st2, s_p0, s_p1,
):
    wid = lax.axis_index("s") * NC + lax.axis_index("c")
    base = wid * CHUNK

    outs = [out0, out1, out2]
    advs = [adv0, adv1]
    msks = [msk0, msk1]
    s_imgs = [s_img0, s_img1, s_img2]
    s_sts = [s_st0, s_st1, s_st2]
    s_ps = [s_p0, s_p1]

    def row(a, i):
        return a.at[pl.ds(i * PIX + base, CHUNK)]

    def apply_patch(adv_ref, msk_ref, out_ref):
        @plsc.parallel_loop(0, CHUNK, step=LANES, unroll=8)
        def _(k):
            sl = pl.ds(k, LANES)
            m = msk_ref[sl]
            out_ref[sl] = jnp.where(m < 0.5, out_ref[sl], adv_ref[sl])

    img_loads = [None] * B
    stores = [None] * B
    patch_copies = [None] * TOTAL

    def start_img(i):
        img_loads[i] = pltpu.async_copy(row(img_hbm, i), outs[i % 3], s_imgs[i % 3])

    def start_patch(k):
        j, _ = PATCH_OWNER[k]
        b = k % 2
        a = pltpu.async_copy(row(adv_hbm, j), advs[b], s_ps[b])
        m = pltpu.async_copy(row(msk_hbm, j), msks[b], s_ps[b])
        patch_copies[k] = (a, m)

    start_img(0)
    start_img(1)
    start_img(2)
    start_patch(0)
    start_patch(1)
    k = 0
    for i in range(B):
        img_loads[i].wait()
        for _ in range(LENS[i]):
            b = k % 2
            patch_copies[k][0].wait()
            patch_copies[k][1].wait()
            apply_patch(advs[b], msks[b], outs[i % 3])
            if k + 2 < TOTAL:
                start_patch(k + 2)
            k += 1
        stores[i] = pltpu.async_copy(outs[i % 3], row(out_hbm, i), s_sts[i % 3])
        if i + 3 < B:
            stores[i].wait()
            start_img(i + 3)
    for i in range(B - 3, B):
        stores[i].wait()


@jax.jit
def _run(img_flat, adv_flat, msk_flat):
    mesh = plsc.VectorSubcoreMesh(
        core_axis_name="c", subcore_axis_name="s", num_cores=NC, num_subcores=NS
    )
    return pl.kernel(
        _sc_body,
        out_type=jax.ShapeDtypeStruct((B * PIX,), jnp.float32),
        mesh=mesh,
        scratch_types=(
            [pltpu.VMEM((CHUNK,), jnp.float32)] * 7
            + [pltpu.SemaphoreType.DMA] * 8
        ),
    )(img_flat, adv_flat, msk_flat)


def kernel(img_batch, target_lens, adv_batch, msk_batch):
    del target_lens
    shape = img_batch.shape
    out = _run(
        img_batch.reshape(-1),
        adv_batch.reshape(-1),
        msk_batch.reshape(-1),
    )
    return out.reshape(shape)

# --- scband reference (transcript-rebuilt; emitter-appended) ---
"""Pipeline reference for scband-patch-applier-80882824118584 (READ-ONLY COPY).

The authoritative reference and input builder live on the scoring server;
editing this copy changes nothing except your own understanding.
"""

import jax, jax.numpy as jnp
import numpy as np


def setup_inputs(seed: int = 0) -> dict:
    key = jax.random.key(seed)
    k1, k2, k3 = jax.random.split(key, 3)
    B, C, H, W = 8, 3, 384, 384
    target_lens = jnp.arange(B, dtype=jnp.int32)  # sum = 28
    total = 28
    img_batch = jax.random.uniform(k1, (B, C, H, W), dtype=jnp.float32)
    adv_batch = jax.random.uniform(k2, (total, C, H, W), dtype=jnp.float32)
    msk_batch = jax.random.uniform(k3, (total, C, H, W), dtype=jnp.float32)
    return {"img_batch": img_batch, "target_lens": target_lens, "adv_batch": adv_batch, "msk_batch": msk_batch}


def reference(img_batch, target_lens, adv_batch, msk_batch):
    # Faithful translation of PatchApplier.forward: sequential masked overwrite
    # of each image by every adversarial patch belonging to that image
    # (ragged layout: patches j in [cumsum, cumsum + target_lens[i]) belong to image i).
    total = adv_batch.shape[0]
    cum = jnp.cumsum(target_lens)
    owners = jnp.searchsorted(cum, jnp.arange(total, dtype=cum.dtype), side="right")

    def body(j, out):
        i = owners[j]
        img = out[i]
        new = jnp.where(msk_batch[j] < 0.5, img, adv_batch[j])
        return out.at[i].set(new)

    return jax.lax.fori_loop(0, total, body, img_batch)

if __name__ == "__main__":
    import jax
    _d = setup_inputs()
    print(jax.jit(kernel)(*tuple(_d.values())))

</pallas_src>

<mosaic_0001>
#map = affine_map<(d0, d1) -> (0)>
module attributes {stable_mosaic.version = 14 : i64} {
  func.func @_sc_body(%arg0: i32, %arg1: i32, %arg2: memref<3538944xf32, #tpu.memory_space<hbm>>, %arg3: memref<12386304xf32, #tpu.memory_space<hbm>>, %arg4: memref<12386304xf32, #tpu.memory_space<hbm>>, %arg5: memref<3538944xf32, #tpu.memory_space<hbm>>, %arg6: memref<13824xf32, #tpu.memory_space<vmem>>, %arg7: memref<13824xf32, #tpu.memory_space<vmem>>, %arg8: memref<13824xf32, #tpu.memory_space<vmem>>, %arg9: memref<13824xf32, #tpu.memory_space<vmem>>, %arg10: memref<13824xf32, #tpu.memory_space<vmem>>, %arg11: memref<13824xf32, #tpu.memory_space<vmem>>, %arg12: memref<13824xf32, #tpu.memory_space<vmem>>, %arg13: memref<!tpu.dma_semaphore, #tpu.memory_space<semaphore_mem>>, %arg14: memref<!tpu.dma_semaphore, #tpu.memory_space<semaphore_mem>>, %arg15: memref<!tpu.dma_semaphore, #tpu.memory_space<semaphore_mem>>, %arg16: memref<!tpu.dma_semaphore, #tpu.memory_space<semaphore_mem>>, %arg17: memref<!tpu.dma_semaphore, #tpu.memory_space<semaphore_mem>>, %arg18: memref<!tpu.dma_semaphore, #tpu.memory_space<semaphore_mem>>, %arg19: memref<!tpu.dma_semaphore, #tpu.memory_space<semaphore_mem>>, %arg20: memref<!tpu.dma_semaphore, #tpu.memory_space<semaphore_mem>>) attributes {dimension_semantics = [#tpu.dimension_semantics<core_parallel>, #tpu.dimension_semantics<subcore_parallel>], iteration_bounds = array<i64: 2, 16>, scalar_prefetch = 0 : i64, scratch_operands = 15 : i64, tpu.core_type = #tpu.core_type<sc_vector_subcore>, window_params = [{transform_indices = #map}, {transform_indices = #map}, {transform_indices = #map}, {transform_indices = #map}]} {
    %mul3A = arith.constant 2 : i32
    %mul3A_0 = arith.muli %arg1, %mul3A : i32
    %add3A = arith.addi %mul3A_0, %arg0 : i32
    %mul3A_1 = arith.constant 13824 : i32
    %mul3A_2 = arith.muli %add3A, %mul3A_1 : i32
    %add3A_3 = arith.constant 0 : i32
    %add3A_4 = arith.addi %add3A_3, %mul3A_2 : i32
    %dma_start3A = tpu.memref_slice %arg2[%add3A_4] : memref<3538944xf32, #tpu.memory_space<hbm>> -> memref<13824xf32, #tpu.memory_space<hbm>>
    %dma_start3A_5 = tpu.memref_slice %arg2[%add3A_4] : memref<3538944xf32, #tpu.memory_space<hbm>> -> memref<13824xf32, #tpu.memory_space<hbm>>
    tpu.enqueue_dma source(%dma_start3A_5 : memref<13824xf32, #tpu.memory_space<hbm>>) target(%arg6 : memref<13824xf32, #tpu.memory_space<vmem>>) target_semaphore(%arg13 : memref<!tpu.dma_semaphore, #tpu.memory_space<semaphore_mem>>)
    %add3A_6 = arith.constant 442368 : i32
    %add3A_7 = arith.addi %add3A_6, %mul3A_2 : i32
    %dma_start3A_8 = tpu.memref_slice %arg2[%add3A_7] : memref<3538944xf32, #tpu.memory_space<hbm>> -> memref<13824xf32, #tpu.memory_space<hbm>>
    %dma_start3A_9 = tpu.memref_slice %arg2[%add3A_7] : memref<3538944xf32, #tpu.memory_space<hbm>> -> memref<13824xf32, #tpu.memory_space<hbm>>
    tpu.enqueue_dma source(%dma_start3A_9 : memref<13824xf32, #tpu.memory_space<hbm>>) target(%arg7 : memref<13824xf32, #tpu.memory_space<vmem>>) target_semaphore(%arg14 : memref<!tpu.dma_semaphore, #tpu.memory_space<semaphore_mem>>)
    %add3A_10 = arith.constant 884736 : i32
    %add3A_11 = arith.addi %add3A_10, %mul3A_2 : i32
    %dma_start3A_12 = tpu.memref_slice %arg2[%add3A_11] : memref<3538944xf32, #tpu.memory_space<hbm>> -> memref<13824xf32, #tpu.memory_space<hbm>>
    %dma_start3A_13 = tpu.memref_slice %arg2[%add3A_11] : memref<3538944xf32, #tpu.memory_space<hbm>> -> memref<13824xf32, #tpu.memory_space<hbm>>
    tpu.enqueue_dma source(%dma_start3A_13 : memref<13824xf32, #tpu.memory_space<hbm>>) target(%arg8 : memref<13824xf32, #tpu.memory_space<vmem>>) target_semaphore(%arg15 : memref<!tpu.dma_semaphore, #tpu.memory_space<semaphore_mem>>)
    %add3A_14 = arith.constant 0 : i32
    %add3A_15 = arith.addi %add3A_14, %mul3A_2 : i32
    %dma_start3A_16 = tpu.memref_slice %arg3[%add3A_15] : memref<12386304xf32, #tpu.memory_space<hbm>> -> memref<13824xf32, #tpu.memory_space<hbm>>
    %dma_start3A_17 = tpu.memref_slice %arg3[%add3A_15] : memref<12386304xf32, #tpu.memory_space<hbm>> -> memref<13824xf32, #tpu.memory_space<hbm>>
    tpu.enqueue_dma source(%dma_start3A_17 : memref<13824xf32, #tpu.memory_space<hbm>>) target(%arg9 : memref<13824xf32, #tpu.memory_space<vmem>>) target_semaphore(%arg19 : memref<!tpu.dma_semaphore, #tpu.memory_space<semaphore_mem>>)
    %add3A_18 = arith.constant 0 : i32
    %add3A_19 = arith.addi %add3A_18, %mul3A_2 : i32
    %dma_start3A_20 = tpu.memref_slice %arg4[%add3A_19] : memref<12386304xf32, #tpu.memory_space<hbm>> -> memref<13824xf32, #tpu.memory_space<hbm>>
    %dma_start3A_21 = tpu.memref_slice %arg4[%add3A_19] : memref<12386304xf32, #tpu.memory_space<hbm>> -> memref<13824xf32, #tpu.memory_space<hbm>>
    tpu.enqueue_dma source(%dma_start3A_21 : memref<13824xf32, #tpu.memory_space<hbm>>) target(%arg11 : memref<13824xf32, #tpu.memory_space<vmem>>) target_semaphore(%arg19 : memref<!tpu.dma_semaphore, #tpu.memory_space<semaphore_mem>>)
    %add3A_22 = arith.constant 442368 : i32
    %add3A_23 = arith.addi %add3A_22, %mul3A_2 : i32
    %dma_start3A_24 = tpu.memref_slice %arg3[%add3A_23] : memref<12386304xf32, #tpu.memory_space<hbm>> -> memref<13824xf32, #tpu.memory_space<hbm>>
    %dma_start3A_25 = tpu.memref_slice %arg3[%add3A_23] : memref<12386304xf32, #tpu.memory_space<hbm>> -> memref<13824xf32, #tpu.memory_space<hbm>>
    tpu.enqueue_dma source(%dma_start3A_25 : memref<13824xf32, #tpu.memory_space<hbm>>) target(%arg10 : memref<13824xf32, #tpu.memory_space<vmem>>) target_semaphore(%arg20 : memref<!tpu.dma_semaphore, #tpu.memory_space<semaphore_mem>>)
    %add3A_26 = arith.constant 442368 : i32
    %add3A_27 = arith.addi %add3A_26, %mul3A_2 : i32
    %dma_start3A_28 = tpu.memref_slice %arg4[%add3A_27] : memref<12386304xf32, #tpu.memory_space<hbm>> -> memref<13824xf32, #tpu.memory_space<hbm>>
    %dma_start3A_29 = tpu.memref_slice %arg4[%add3A_27] : memref<12386304xf32, #tpu.memory_space<hbm>> -> memref<13824xf32, #tpu.memory_space<hbm>>
    tpu.enqueue_dma source(%dma_start3A_29 : memref<13824xf32, #tpu.memory_space<hbm>>) target(%arg12 : memref<13824xf32, #tpu.memory_space<vmem>>) target_semaphore(%arg20 : memref<!tpu.dma_semaphore, #tpu.memory_space<semaphore_mem>>)
    %dma_wait3A = tpu.memref_slice %arg2[%add3A_4] : memref<3538944xf32, #tpu.memory_space<hbm>> -> memref<13824xf32, #tpu.memory_space<hbm>>
    %dma_wait3A_30 = tpu.memref_slice %arg2[%add3A_4] : memref<3538944xf32, #tpu.memory_space<hbm>> -> memref<13824xf32, #tpu.memory_space<hbm>>
    tpu.wait_dma2 semaphore(%arg13 : memref<!tpu.dma_semaphore, #tpu.memory_space<semaphore_mem>>) src(%dma_wait3A_30 : memref<13824xf32, #tpu.memory_space<hbm>>) dst(%arg6 : memref<13824xf32, #tpu.memory_space<vmem>>)
    %add3A_31 = arith.constant 0 : i32
    %add3A_32 = arith.addi %add3A_31, %mul3A_2 : i32
    %dma_start3A_33 = tpu.memref_slice %arg5[%add3A_32] : memref<3538944xf32, #tpu.memory_space<hbm>> -> memref<13824xf32, #tpu.memory_space<hbm>>
    %dma_start3A_34 = tpu.memref_slice %arg5[%add3A_32] : memref<3538944xf32, #tpu.memory_space<hbm>> -> memref<13824xf32, #tpu.memory_space<hbm>>
    tpu.enqueue_dma source(%arg6 : memref<13824xf32, #tpu.memory_space<vmem>>) target(%dma_start3A_34 : memref<13824xf32, #tpu.memory_space<hbm>>) target_semaphore(%arg16 : memref<!tpu.dma_semaphore, #tpu.memory_space<semaphore_mem>>)
    %dma_wait3A_35 = tpu.memref_slice %arg5[%add3A_32] : memref<3538944xf32, #tpu.memory_space<hbm>> -> memref<13824xf32, #tpu.memory_space<hbm>>
    %dma_wait3A_36 = tpu.memref_slice %arg5[%add3A_32] : memref<3538944xf32, #tpu.memory_space<hbm>> -> memref<13824xf32, #tpu.memory_space<hbm>>
    tpu.wait_dma2 semaphore(%arg16 : memref<!tpu.dma_semaphore, #tpu.memory_space<semaphore_mem>>) src(%arg6 : memref<13824xf32, #tpu.memory_space<vmem>>) dst(%dma_wait3A_36 : memref<13824xf32, #tpu.memory_space<hbm>>)
    %add3A_37 = arith.constant 1327104 : i32
    %add3A_38 = arith.addi %add3A_37, %mul3A_2 : i32
    %dma_start3A_39 = tpu.memref_slice %arg2[%add3A_38] : memref<3538944xf32, #tpu.memory_space<hbm>> -> memref<13824xf32, #tpu.memory_space<hbm>>
    %dma_start3A_40 = tpu.memref_slice %arg2[%add3A_38] : memref<3538944xf32, #tpu.memory_space<hbm>> -> memref<13824xf32, #tpu.memory_space<hbm>>
    tpu.enqueue_dma source(%dma_start3A_40 : memref<13824xf32, #tpu.memory_space<hbm>>) target(%arg6 : memref<13824xf32, #tpu.memory_space<vmem>>) target_semaphore(%arg13 : memref<!tpu.dma_semaphore, #tpu.memory_space<semaphore_mem>>)
    %dma_wait3A_41 = tpu.memref_slice %arg2[%add3A_7] : memref<3538944xf32, #tpu.memory_space<hbm>> -> memref<13824xf32, #tpu.memory_space<hbm>>
    %dma_wait3A_42 = tpu.memref_slice %arg2[%add3A_7] : memref<3538944xf32, #tpu.memory_space<hbm>> -> memref<13824xf32, #tpu.memory_space<hbm>>
    tpu.wait_dma2 semaphore(%arg14 : memref<!tpu.dma_semaphore, #tpu.memory_space<semaphore_mem>>) src(%dma_wait3A_42 : memref<13824xf32, #tpu.memory_space<hbm>>) dst(%arg7 : memref<13824xf32, #tpu.memory_space<vmem>>)
    %dma_wait3A_43 = tpu.memref_slice %arg3[%add3A_15] : memref<12386304xf32, #tpu.memory_space<hbm>> -> memref<13824xf32, #tpu.memory_space<hbm>>
    %dma_wait3A_44 = tpu.memref_slice %arg3[%add3A_15] : memref<12386304xf32, #tpu.memory_space<hbm>> -> memref<13824xf32, #tpu.memory_space<hbm>>
    tpu.wait_dma2 semaphore(%arg19 : memref<!tpu.dma_semaphore, #tpu.memory_space<semaphore_mem>>) src(%dma_wait3A_44 : memref<13824xf32, #tpu.memory_space<hbm>>) dst(%arg9 : memref<13824xf32, #tpu.memory_space<vmem>>)
    %dma_wait3A_45 = tpu.memref_slice %arg4[%add3A_19] : memref<12386304xf32, #tpu.memory_space<hbm>> -> memref<13824xf32, #tpu.memory_space<hbm>>
    %dma_wait3A_46 = tpu.memref_slice %arg4[%add3A_19] : memref<12386304xf32, #tpu.memory_space<hbm>> -> memref<13824xf32, #tpu.memory_space<hbm>>
    tpu.wait_dma2 semaphore(%arg19 : memref<!tpu.dma_semaphore, #tpu.memory_space<semaphore_mem>>) src(%dma_wait3A_46 : memref<13824xf32, #tpu.memory_space<hbm>>) dst(%arg11 : memref<13824xf32, #tpu.memory_space<vmem>>)
    %parallel_loop3A = arith.constant 0 : i32
    %parallel_loop3A_47 = arith.constant 13824 : i32
    %parallel_loop3A_48 = arith.constant 16 : i32
    scf.for %parallel_loop3A_516 = %parallel_loop3A to %parallel_loop3A_47 step %parallel_loop3A_48  : i32 {
      %parallel_loop3A_517 = arith.index_cast %parallel_loop3A_516 : i32 to index
      %parallel_loop3A_518 = tpu.vector_load %arg11[%parallel_loop3A_517] {strides = array<i32>} : memref<13824xf32, #tpu.memory_space<vmem>>, vector<16xf32>,
      %parallel_loop3A_519 = vector.shape_cast %parallel_loop3A_518 : vector<16xf32> to vector<16xf32>
      %parallel_loop3A_520 = arith.constant 5.000000e-01 : f32
      %parallel_loop3A_521 = vector.broadcast %parallel_loop3A_520 : f32 to vector<16xf32>
      %parallel_loop3A_522 = arith.cmpf olt, %parallel_loop3A_519, %parallel_loop3A_521 : vector<16xf32>
      %parallel_loop3A_523 = arith.index_cast %parallel_loop3A_516 : i32 to index
      %parallel_loop3A_524 = tpu.vector_load %arg7[%parallel_loop3A_523] {strides = array<i32>} : memref<13824xf32, #tpu.memory_space<vmem>>, vector<16xf32>,
      %parallel_loop3A_525 = vector.shape_cast %parallel_loop3A_524 : vector<16xf32> to vector<16xf32>
      %parallel_loop3A_526 = arith.index_cast %parallel_loop3A_516 : i32 to index
      %parallel_loop3A_527 = tpu.vector_load %arg9[%parallel_loop3A_526] {strides = array<i32>} : memref<13824xf32, #tpu.memory_space<vmem>>, vector<16xf32>,
      %parallel_loop3A_528 = vector.shape_cast %parallel_loop3A_527 : vector<16xf32> to vector<16xf32>
      %parallel_loop3A_529 = arith.select %parallel_loop3A_522, %parallel_loop3A_525, %parallel_loop3A_528 : vector<16xi1>, vector<16xf32>
      %parallel_loop3A_530 = arith.index_cast %parallel_loop3A_516 : i32 to index
      %parallel_loop3A_531 = tpu.vector_load %arg7[%parallel_loop3A_530] {strides = array<i32>} : memref<13824xf32, #tpu.memory_space<vmem>>, vector<16xf32>,
      %parallel_loop3A_532 = vector.shape_cast %parallel_loop3A_531 : vector<16xf32> to vector<16xf32>
      %parallel_loop3A_533 = vector.shape_cast %parallel_loop3A_529 : vector<16xf32> to vector<16xf32>
      tpu.vector_store %arg7[%parallel_loop3A_530], %parallel_loop3A_533 {strides = array<i32>} : memref<13824xf32, #tpu.memory_space<vmem>>, vector<16xf32>,
    } {sc.loop_unroll_factor = 8 : i64, sc.parallel_access}
    %add3A_49 = arith.constant 884736 : i32
    %add3A_50 = arith.addi %add3A_49, %mul3A_2 : i32
    %dma_start3A_51 = tpu.memref_slice %arg3[%add3A_50] : memref<12386304xf32, #tpu.memory_space<hbm>> -> memref<13824xf32, #tpu.memory_space<hbm>>
    %dma_start3A_52 = tpu.memref_slice %arg3[%add3A_50] : memref<12386304xf32, #tpu.memory_space<hbm>> -> memref<13824xf32, #tpu.memory_space<hbm>>
    tpu.enqueue_dma source(%dma_start3A_52 : memref<13824xf32, #tpu.memory_space<hbm>>) target(%arg9 : memref<13824xf32, #tpu.memory_space<vmem>>) target_semaphore(%arg19 : memref<!tpu.dma_semaphore, #tpu.memory_space<semaphore_mem>>)
    %add3A_53 = arith.constant 884736 : i32
    %add3A_54 = arith.addi %add3A_53, %mul3A_2 : i32
    %dma_start3A_55 = tpu.memref_slice %arg4[%add3A_54] : memref<12386304xf32, #tpu.memory_space<hbm>> -> memref<13824xf32, #tpu.memory_space<hbm>>
    %dma_start3A_56 = tpu.memref_slice %arg4[%add3A_54] : memref<12386304xf32, #tpu.memory_space<hbm>> -> memref<13824xf32, #tpu.memory_space<hbm>>
    tpu.enqueue_dma source(%dma_start3A_56 : memref<13824xf32, #tpu.memory_space<hbm>>) target(%arg11 : memref<13824xf32, #tpu.memory_space<vmem>>) target_semaphore(%arg19 : memref<!tpu.dma_semaphore, #tpu.memory_space<semaphore_mem>>)
    %add3A_57 = arith.constant 442368 : i32
    %add3A_58 = arith.addi %add3A_57, %mul3A_2 : i32
    %dma_start3A_59 = tpu.memref_slice %arg5[%add3A_58] : memref<3538944xf32, #tpu.memory_space<hbm>> -> memref<13824xf32, #tpu.memory_space<hbm>>
    %dma_start3A_60 = tpu.memref_slice %arg5[%add3A_58] : memref<3538944xf32, #tpu.memory_space<hbm>> -> memref<13824xf32, #tpu.memory_space<hbm>>
    tpu.enqueue_dma source(%arg7 : memref<13824xf32, #tpu.memory_space<vmem>>) target(%dma_start3A_60 : memref<13824xf32, #tpu.memory_space<hbm>>) target_semaphore(%arg17 : memref<!tpu.dma_semaphore, #tpu.memory_space<semaphore_mem>>)
    %dma_wait3A_61 = tpu.memref_slice %arg5[%add3A_58] : memref<3538944xf32, #tpu.memory_space<hbm>> -> memref<13824xf32, #tpu.memory_space<hbm>>
    %dma_wait3A_62 = tpu.memref_slice %arg5[%add3A_58] : memref<3538944xf32, #tpu.memory_space<hbm>> -> memref<13824xf32, #tpu.memory_space<hbm>>
    tpu.wait_dma2 semaphore(%arg17 : memref<!tpu.dma_semaphore, #tpu.memory_space<semaphore_mem>>) src(%arg7 : memref<13824xf32, #tpu.memory_space<vmem>>) dst(%dma_wait3A_62 : memref<13824xf32, #tpu.memory_space<hbm>>)
    %add3A_63 = arith.constant 1769472 : i32
    %add3A_64 = arith.addi %add3A_63, %mul3A_2 : i32
    %dma_start3A_65 = tpu.memref_slice %arg2[%add3A_64] : memref<3538944xf32, #tpu.memory_space<hbm>> -> memref<13824xf32, #tpu.memory_space<hbm>>
    %dma_start3A_66 = tpu.memref_slice %arg2[%add3A_64] : memref<3538944xf32, #tpu.memory_space<hbm>> -> memref<13824xf32, #tpu.memory_space<hbm>>
    tpu.enqueue_dma source(%dma_start3A_66 : memref<13824xf32, #tpu.memory_space<hbm>>) target(%arg7 : memref<13824xf32, #tpu.memory_space<vmem>>) target_semaphore(%arg14 : memref<!tpu.dma_semaphore, #tpu.memory_space<semaphore_mem>>)
    %dma_wait3A_67 = tpu.memref_slice %arg2[%add3A_11] : memref<3538944xf32, #tpu.memory_space<hbm>> -> memref<13824xf32, #tpu.memory_space<hbm>>
    %dma_wait3A_68 = tpu.memref_slice %arg2[%add3A_11] : memref<3538944xf32, #tpu.memory_space<hbm>> -> memref<13824xf32, #tpu.memory_space<hbm>>
    tpu.wait_dma2 semaphore(%arg15 : memref<!tpu.dma_semaphore, #tpu.memory_space<semaphore_mem>>) src(%dma_wait3A_68 : memref<13824xf32, #tpu.memory_space<hbm>>) dst(%arg8 : memref<13824xf32, #tpu.memory_space<vmem>>)
    %dma_wait3A_69 = tpu.memref_slice %arg3[%add3A_23] : memref<12386304xf32, #tpu.memory_space<hbm>> -> memref<13824xf32, #tpu.memory_space<hbm>>
    %dma_wait3A_70 = tpu.memref_slice %arg3[%add3A_23] : memref<12386304xf32, #tpu.memory_space<hbm>> -> memref<13824xf32, #tpu.memory_space<hbm>>
    tpu.wait_dma2 semaphore(%arg20 : memref<!tpu.dma_semaphore, #tpu.memory_space<semaphore_mem>>) src(%dma_wait3A_70 : memref<13824xf32, #tpu.memory_space<hbm>>) dst(%arg10 : memref<13824xf32, #tpu.memory_space<vmem>>)
    %dma_wait3A_71 = tpu.memref_slice %arg4[%add3A_27] : memref<12386304xf32, #tpu.memory_space<hbm>> -> memref<13824xf32, #tpu.memory_space<hbm>>
    %dma_wait3A_72 = tpu.memref_slice %arg4[%add3A_27] : memref<12386304xf32, #tpu.memory_space<hbm>> -> memref<13824xf32, #tpu.memory_space<hbm>>
    tpu.wait_dma2 semaphore(%arg20 : memref<!tpu.dma_semaphore, #tpu.memory_space<semaphore_mem>>) src(%dma_wait3A_72 : memref<13824xf32, #tpu.memory_space<hbm>>) dst(%arg12 : memref<13824xf32, #tpu.memory_space<vmem>>)
    %parallel_loop3A_73 = arith.constant 0 : i32
    %parallel_loop3A_74 = arith.constant 13824 : i32
    %parallel_loop3A_75 = arith.constant 16 : i32
    scf.for %parallel_loop3A_516 = %parallel_loop3A_73 to %parallel_loop3A_74 step %parallel_loop3A_75  : i32 {
      %parallel_loop3A_517 = arith.index_cast %parallel_loop3A_516 : i32 to index
      %parallel_loop3A_518 = tpu.vector_load %arg12[%parallel_loop3A_517] {strides = array<i32>} : memref<13824xf32, #tpu.memory_space<vmem>>, vector<16xf32>,
      %parallel_loop3A_519 = vector.shape_cast %parallel_loop3A_518 : vector<16xf32> to vector<16xf32>
      %parallel_loop3A_520 = arith.constant 5.000000e-01 : f32
      %parallel_loop3A_521 = vector.broadcast %parallel_loop3A_520 : f32 to vector<16xf32>
      %parallel_loop3A_522 = arith.cmpf olt, %parallel_loop3A_519, %parallel_loop3A_521 : vector<16xf32>
      %parallel_loop3A_523 = arith.index_cast %parallel_loop3A_516 : i32 to index
      %parallel_loop3A_524 = tpu.vector_load %arg8[%parallel_loop3A_523] {strides = array<i32>} : memref<13824xf32, #tpu.memory_space<vmem>>, vector<16xf32>,
      %parallel_loop3A_525 = vector.shape_cast %parallel_loop3A_524 : vector<16xf32> to vector<16xf32>
      %parallel_loop3A_526 = arith.index_cast %parallel_loop3A_516 : i32 to index
      %parallel_loop3A_527 = tpu.vector_load %arg10[%parallel_loop3A_526] {strides = array<i32>} : memref<13824xf32, #tpu.memory_space<vmem>>, vector<16xf32>,
      %parallel_loop3A_528 = vector.shape_cast %parallel_loop3A_527 : vector<16xf32> to vector<16xf32>
      %parallel_loop3A_529 = arith.select %parallel_loop3A_522, %parallel_loop3A_525, %parallel_loop3A_528 : vector<16xi1>, vector<16xf32>
      %parallel_loop3A_530 = arith.index_cast %parallel_loop3A_516 : i32 to index
      %parallel_loop3A_531 = tpu.vector_load %arg8[%parallel_loop3A_530] {strides = array<i32>} : memref<13824xf32, #tpu.memory_space<vmem>>, vector<16xf32>,
      %parallel_loop3A_532 = vector.shape_cast %parallel_loop3A_531 : vector<16xf32> to vector<16xf32>
      %parallel_loop3A_533 = vector.shape_cast %parallel_loop3A_529 : vector<16xf32> to vector<16xf32>
      tpu.vector_store %arg8[%parallel_loop3A_530], %parallel_loop3A_533 {strides = array<i32>} : memref<13824xf32, #tpu.memory_space<vmem>>, vector<16xf32>,
    } {sc.loop_unroll_factor = 8 : i64, sc.parallel_access}
    %add3A_76 = arith.constant 1327104 : i32
    %add3A_77 = arith.addi %add3A_76, %mul3A_2 : i32
    %dma_start3A_78 = tpu.memref_slice %arg3[%add3A_77] : memref<12386304xf32, #tpu.memory_space<hbm>> -> memref<13824xf32, #tpu.memory_space<hbm>>
    %dma_start3A_79 = tpu.memref_slice %arg3[%add3A_77] : memref<12386304xf32, #tpu.memory_space<hbm>> -> memref<13824xf32, #tpu.memory_space<hbm>>
    tpu.enqueue_dma source(%dma_start3A_79 : memref<13824xf32, #tpu.memory_space<hbm>>) target(%arg10 : memref<13824xf32, #tpu.memory_space<vmem>>) target_semaphore(%arg20 : memref<!tpu.dma_semaphore, #tpu.memory_space<semaphore_mem>>)
    %add3A_80 = arith.constant 1327104 : i32
    %add3A_81 = arith.addi %add3A_80, %mul3A_2 : i32
    %dma_start3A_82 = tpu.memref_slice %arg4[%add3A_81] : memref<12386304xf32, #tpu.memory_space<hbm>> -> memref<13824xf32, #tpu.memory_space<hbm>>
    %dma_start3A_83 = tpu.memref_slice %arg4[%add3A_81] : memref<12386304xf32, #tpu.memory_space<hbm>> -> memref<13824xf32, #tpu.memory_space<hbm>>
    tpu.enqueue_dma source(%dma_start3A_83 : memref<13824xf32, #tpu.memory_space<hbm>>) target(%arg12 : memref<13824xf32, #tpu.memory_space<vmem>>) target_semaphore(%arg20 : memref<!tpu.dma_semaphore, #tpu.memory_space<semaphore_mem>>)
    %dma_wait3A_84 = tpu.memref_slice %arg3[%add3A_50] : memref<12386304xf32, #tpu.memory_space<hbm>> -> memref<13824xf32, #tpu.memory_space<hbm>>
    %dma_wait3A_85 = tpu.memref_slice %arg3[%add3A_50] : memref<12386304xf32, #tpu.memory_space<hbm>> -> memref<13824xf32, #tpu.memory_space<hbm>>
    tpu.wait_dma2 semaphore(%arg19 : memref<!tpu.dma_semaphore, #tpu.memory_space<semaphore_mem>>) src(%dma_wait3A_85 : memref<13824xf32, #tpu.memory_space<hbm>>) dst(%arg9 : memref<13824xf32, #tpu.memory_space<vmem>>)
    %dma_wait3A_86 = tpu.memref_slice %arg4[%add3A_54] : memref<12386304xf32, #tpu.memory_space<hbm>> -> memref<13824xf32, #tpu.memory_space<hbm>>
    %dma_wait3A_87 = tpu.memref_slice %arg4[%add3A_54] : memref<12386304xf32, #tpu.memory_space<hbm>> -> memref<13824xf32, #tpu.memory_space<hbm>>
    tpu.wait_dma2 semaphore(%arg19 : memref<!tpu.dma_semaphore, #tpu.memory_space<semaphore_mem>>) src(%dma_wait3A_87 : memref<13824xf32, #tpu.memory_space<hbm>>) dst(%arg11 : memref<13824xf32, #tpu.memory_space<vmem>>)
    %parallel_loop3A_88 = arith.constant 0 : i32
    %parallel_loop3A_89 = arith.constant 13824 : i32
    %parallel_loop3A_90 = arith.constant 16 : i32
    scf.for %parallel_loop3A_516 = %parallel_loop3A_88 to %parallel_loop3A_89 step %parallel_loop3A_90  : i32 {
      %parallel_loop3A_517 = arith.index_cast %parallel_loop3A_516 : i32 to index
      %parallel_loop3A_518 = tpu.vector_load %arg11[%parallel_loop3A_517] {strides = array<i32>} : memref<13824xf32, #tpu.memory_space<vmem>>, vector<16xf32>,
      %parallel_loop3A_519 = vector.shape_cast %parallel_loop3A_518 : vector<16xf32> to vector<16xf32>
      %parallel_loop3A_520 = arith.constant 5.000000e-01 : f32
      %parallel_loop3A_521 = vector.broadcast %parallel_loop3A_520 : f32 to vector<16xf32>
      %parallel_loop3A_522 = arith.cmpf olt, %parallel_loop3A_519, %parallel_loop3A_521 : vector<16xf32>
      %parallel_loop3A_523 = arith.index_cast %parallel_loop3A_516 : i32 to index
      %parallel_loop3A_524 = tpu.vector_load %arg8[%parallel_loop3A_523] {strides = array<i32>} : memref<13824xf32, #tpu.memory_space<vmem>>, vector<16xf32>,
      %parallel_loop3A_525 = vector.shape_cast %parallel_loop3A_524 : vector<16xf32> to vector<16xf32>
      %parallel_loop3A_526 = arith.index_cast %parallel_loop3A_516 : i32 to index
      %parallel_loop3A_527 = tpu.vector_load %arg9[%parallel_loop3A_526] {strides = array<i32>} : memref<13824xf32, #tpu.memory_space<vmem>>, vector<16xf32>,
      %parallel_loop3A_528 = vector.shape_cast %parallel_loop3A_527 : vector<16xf32> to vector<16xf32>
      %parallel_loop3A_529 = arith.select %parallel_loop3A_522, %parallel_loop3A_525, %parallel_loop3A_528 : vector<16xi1>, vector<16xf32>
      %parallel_loop3A_530 = arith.index_cast %parallel_loop3A_516 : i32 to index
      %parallel_loop3A_531 = tpu.vector_load %arg8[%parallel_loop3A_530] {strides = array<i32>} : memref<13824xf32, #tpu.memory_space<vmem>>, vector<16xf32>,
      %parallel_loop3A_532 = vector.shape_cast %parallel_loop3A_531 : vector<16xf32> to vector<16xf32>
      %parallel_loop3A_533 = vector.shape_cast %parallel_loop3A_529 : vector<16xf32> to vector<16xf32>
      tpu.vector_store %arg8[%parallel_loop3A_530], %parallel_loop3A_533 {strides = array<i32>} : memref<13824xf32, #tpu.memory_space<vmem>>, vector<16xf32>,
    } {sc.loop_unroll_factor = 8 : i64, sc.parallel_access}
    %add3A_91 = arith.constant 1769472 : i32
    %add3A_92 = arith.addi %add3A_91, %mul3A_2 : i32
    %dma_start3A_93 = tpu.memref_slice %arg3[%add3A_92] : memref<12386304xf32, #tpu.memory_space<hbm>> -> memref<13824xf32, #tpu.memory_space<hbm>>
    %dma_start3A_94 = tpu.memref_slice %arg3[%add3A_92] : memref<12386304xf32, #tpu.memory_space<hbm>> -> memref<13824xf32, #tpu.memory_space<hbm>>
    tpu.enqueue_dma source(%dma_start3A_94 : memref<13824xf32, #tpu.memory_space<hbm>>) target(%arg9 : memref<13824xf32, #tpu.memory_space<vmem>>) target_semaphore(%arg19 : memref<!tpu.dma_semaphore, #tpu.memory_space<semaphore_mem>>)
    %add3A_95 = arith.constant 1769472 : i32
    %add3A_96 = arith.addi %add3A_95, %mul3A_2 : i32
    %dma_start3A_97 = tpu.memref_slice %arg4[%add3A_96] : memref<12386304xf32, #tpu.memory_space<hbm>> -> memref<13824xf32, #tpu.memory_space<hbm>>
    %dma_start3A_98 = tpu.memref_slice %arg4[%add3A_96] : memref<12386304xf32, #tpu.memory_space<hbm>> -> memref<13824xf32, #tpu.memory_space<hbm>>
    tpu.enqueue_dma source(%dma_start3A_98 : memref<13824xf32, #tpu.memory_space<hbm>>) target(%arg11 : memref<13824xf32, #tpu.memory_space<vmem>>) target_semaphore(%arg19 : memref<!tpu.dma_semaphore, #tpu.memory_space<semaphore_mem>>)
    %add3A_99 = arith.constant 884736 : i32
    %add3A_100 = arith.addi %add3A_99, %mul3A_2 : i32
    %dma_start3A_101 = tpu.memref_slice %arg5[%add3A_100] : memref<3538944xf32, #tpu.memory_space<hbm>> -> memref<13824xf32, #tpu.memory_space<hbm>>
    %dma_start3A_102 = tpu.memref_slice %arg5[%add3A_100] : memref<3538944xf32, #tpu.memory_space<hbm>> -> memref<13824xf32, #tpu.memory_space<hbm>>
    tpu.enqueue_dma source(%arg8 : memref<13824xf32, #tpu.memory_space<vmem>>) target(%dma_start3A_102 : memref<13824xf32, #tpu.memory_space<hbm>>) target_semaphore(%arg18 : memref<!tpu.dma_semaphore, #tpu.memory_space<semaphore_mem>>)
    %dma_wait3A_103 = tpu.memref_slice %arg5[%add3A_100] : memref<3538944xf32, #tpu.memory_space<hbm>> -> memref<13824xf32, #tpu.memory_space<hbm>>
    %dma_wait3A_104 = tpu.memref_slice %arg5[%add3A_100] : memref<3538944xf32, #tpu.memory_space<hbm>> -> memref<13824xf32, #tpu.memory_space<hbm>>
    tpu.wait_dma2 semaphore(%arg18 : memref<!tpu.dma_semaphore, #tpu.memory_space<semaphore_mem>>) src(%arg8 : memref<13824xf32, #tpu.memory_space<vmem>>) dst(%dma_wait3A_104 : memref<13824xf32, #tpu.memory_space<hbm>>)
    %add3A_105 = arith.constant 2211840 : i32
    %add3A_106 = arith.addi %add3A_105, %mul3A_2 : i32
    %dma_start3A_107 = tpu.memref_slice %arg2[%add3A_106] : memref<3538944xf32, #tpu.memory_space<hbm>> -> memref<13824xf32, #tpu.memory_space<hbm>>
    %dma_start3A_108 = tpu.memref_slice %arg2[%add3A_106] : memref<3538944xf32, #tpu.memory_space<hbm>> -> memref<13824xf32, #tpu.memory_space<hbm>>
    tpu.enqueue_dma source(%dma_start3A_108 : memref<13824xf32, #tpu.memory_space<hbm>>) target(%arg8 : memref<13824xf32, #tpu.memory_space<vmem>>) target_semaphore(%arg15 : memref<!tpu.dma_semaphore, #tpu.memory_space<semaphore_mem>>)
    %dma_wait3A_109 = tpu.memref_slice %arg2[%add3A_38] : memref<3538944xf32, #tpu.memory_space<hbm>> -> memref<13824xf32, #tpu.memory_space<hbm>>
    %dma_wait3A_110 = tpu.memref_slice %arg2[%add3A_38] : memref<3538944xf32, #tpu.memory_space<hbm>> -> memref<13824xf32, #tpu.memory_space<hbm>>
    tpu.wait_dma2 semaphore(%arg13 : memref<!tpu.dma_semaphore, #tpu.memory_space<semaphore_mem>>) src(%dma_wait3A_110 : memref<13824xf32, #tpu.memory_space<hbm>>) dst(%arg6 : memref<13824xf32, #tpu.memory_space<vmem>>)
    %dma_wait3A_111 = tpu.memref_slice %arg3[%add3A_77] : memref<12386304xf32, #tpu.memory_space<hbm>> -> memref<13824xf32, #tpu.memory_space<hbm>>
    %dma_wait3A_112 = tpu.memref_slice %arg3[%add3A_77] : memref<12386304xf32, #tpu.memory_space<hbm>> -> memref<13824xf32, #tpu.memory_space<hbm>>
    tpu.wait_dma2 semaphore(%arg20 : memref<!tpu.dma_semaphore, #tpu.memory_space<semaphore_mem>>) src(%dma_wait3A_112 : memref<13824xf32, #tpu.memory_space<hbm>>) dst(%arg10 : memref<13824xf32, #tpu.memory_space<vmem>>)
    %dma_wait3A_113 = tpu.memref_slice %arg4[%add3A_81] : memref<12386304xf32, #tpu.memory_space<hbm>> -> memref<13824xf32, #tpu.memory_space<hbm>>
    %dma_wait3A_114 = tpu.memref_slice %arg4[%add3A_81] : memref<12386304xf32, #tpu.memory_space<hbm>> -> memref<13824xf32, #tpu.memory_space<hbm>>
    tpu.wait_dma2 semaphore(%arg20 : memref<!tpu.dma_semaphore, #tpu.memory_space<semaphore_mem>>) src(%dma_wait3A_114 : memref<13824xf32, #tpu.memory_space<hbm>>) dst(%arg12 : memref<13824xf32, #tpu.memory_space<vmem>>)
    %parallel_loop3A_115 = arith.constant 0 : i32
    %parallel_loop3A_116 = arith.constant 13824 : i32
    %parallel_loop3A_117 = arith.constant 16 : i32
    scf.for %parallel_loop3A_516 = %parallel_loop3A_115 to %parallel_loop3A_116 step %parallel_loop3A_117  : i32 {
      %parallel_loop3A_517 = arith.index_cast %parallel_loop3A_516 : i32 to index
      %parallel_loop3A_518 = tpu.vector_load %arg12[%parallel_loop3A_517] {strides = array<i32>} : memref<13824xf32, #tpu.memory_space<vmem>>, vector<16xf32>,
      %parallel_loop3A_519 = vector.shape_cast %parallel_loop3A_518 : vector<16xf32> to vector<16xf32>
      %parallel_loop3A_520 = arith.constant 5.000000e-01 : f32
      %parallel_loop3A_521 = vector.broadcast %parallel_loop3A_520 : f32 to vector<16xf32>
      %parallel_loop3A_522 = arith.cmpf olt, %parallel_loop3A_519, %parallel_loop3A_521 : vector<16xf32>
      %parallel_loop3A_523 = arith.index_cast %parallel_loop3A_516 : i32 to index
      %parallel_loop3A_524 = tpu.vector_load %arg6[%parallel_loop3A_523] {strides = array<i32>} : memref<13824xf32, #tpu.memory_space<vmem>>, vector<16xf32>,
      %parallel_loop3A_525 = vector.shape_cast %parallel_loop3A_524 : vector<16xf32> to vector<16xf32>
      %parallel_loop3A_526 = arith.index_cast %parallel_loop3A_516 : i32 to index
      %parallel_loop3A_527 = tpu.vector_load %arg10[%parallel_loop3A_526] {strides = array<i32>} : memref<13824xf32, #tpu.memory_space<vmem>>, vector<16xf32>,
      %parallel_loop3A_528 = vector.shape_cast %parallel_loop3A_527 : vector<16xf32> to vector<16xf32>
      %parallel_loop3A_529 = arith.select %parallel_loop3A_522, %parallel_loop3A_525, %parallel_loop3A_528 : vector<16xi1>, vector<16xf32>
      %parallel_loop3A_530 = arith.index_cast %parallel_loop3A_516 : i32 to index
      %parallel_loop3A_531 = tpu.vector_load %arg6[%parallel_loop3A_530] {strides = array<i32>} : memref<13824xf32, #tpu.memory_space<vmem>>, vector<16xf32>,
      %parallel_loop3A_532 = vector.shape_cast %parallel_loop3A_531 : vector<16xf32> to vector<16xf32>
      %parallel_loop3A_533 = vector.shape_cast %parallel_loop3A_529 : vector<16xf32> to vector<16xf32>
      tpu.vector_store %arg6[%parallel_loop3A_530], %parallel_loop3A_533 {strides = array<i32>} : memref<13824xf32, #tpu.memory_space<vmem>>, vector<16xf32>,
    } {sc.loop_unroll_factor = 8 : i64, sc.parallel_access}
    %add3A_118 = arith.constant 2211840 : i32
    %add3A_119 = arith.addi %add3A_118, %mul3A_2 : i32
    %dma_start3A_120 = tpu.memref_slice %arg3[%add3A_119] : memref<12386304xf32, #tpu.memory_space<hbm>> -> memref<13824xf32, #tpu.memory_space<hbm>>
    %dma_start3A_121 = tpu.memref_slice %arg3[%add3A_119] : memref<12386304xf32, #tpu.memory_space<hbm>> -> memref<13824xf32, #tpu.memory_space<hbm>>
    tpu.enqueue_dma source(%dma_start3A_121 : memref<13824xf32, #tpu.memory_space<hbm>>) target(%arg10 : memref<13824xf32, #tpu.memory_space<vmem>>) target_semaphore(%arg20 : memref<!tpu.dma_semaphore, #tpu.memory_space<semaphore_mem>>)
    %add3A_122 = arith.constant 2211840 : i32
    %add3A_123 = arith.addi %add3A_122, %mul3A_2 : i32
    %dma_start3A_124 = tpu.memref_slice %arg4[%add3A_123] : memref<12386304xf32, #tpu.memory_space<hbm>> -> memref<13824xf32, #tpu.memory_space<hbm>>
    %dma_start3A_125 = tpu.memref_slice %arg4[%add3A_123] : memref<12386304xf32, #tpu.memory_space<hbm>> -> memref<13824xf32, #tpu.memory_space<hbm>>
    tpu.enqueue_dma source(%dma_start3A_125 : memref<13824xf32, #tpu.memory_space<hbm>>) target(%arg12 : memref<13824xf32, #tpu.memory_space<vmem>>) target_semaphore(%arg20 : memref<!tpu.dma_semaphore, #tpu.memory_space<semaphore_mem>>)
    %dma_wait3A_126 = tpu.memref_slice %arg3[%add3A_92] : memref<12386304xf32, #tpu.memory_space<hbm>> -> memref<13824xf32, #tpu.memory_space<hbm>>
    %dma_wait3A_127 = tpu.memref_slice %arg3[%add3A_92] : memref<12386304xf32, #tpu.memory_space<hbm>> -> memref<13824xf32, #tpu.memory_space<hbm>>
    tpu.wait_dma2 semaphore(%arg19 : memref<!tpu.dma_semaphore, #tpu.memory_space<semaphore_mem>>) src(%dma_wait3A_127 : memref<13824xf32, #tpu.memory_space<hbm>>) dst(%arg9 : memref<13824xf32, #tpu.memory_space<vmem>>)
    %dma_wait3A_128 = tpu.memref_slice %arg4[%add3A_96] : memref<12386304xf32, #tpu.memory_space<hbm>> -> memref<13824xf32, #tpu.memory_space<hbm>>
    %dma_wait3A_129 = tpu.memref_slice %arg4[%add3A_96] : memref<12386304xf32, #tpu.memory_space<hbm>> -> memref<13824xf32, #tpu.memory_space<hbm>>
    tpu.wait_dma2 semaphore(%arg19 : memref<!tpu.dma_semaphore, #tpu.memory_space<semaphore_mem>>) src(%dma_wait3A_129 : memref<13824xf32, #tpu.memory_space<hbm>>) dst(%arg11 : memref<13824xf32, #tpu.memory_space<vmem>>)
    %parallel_loop3A_130 = arith.constant 0 : i32
    %parallel_loop3A_131 = arith.constant 13824 : i32
    %parallel_loop3A_132 = arith.constant 16 : i32
    scf.for %parallel_loop3A_516 = %parallel_loop3A_130 to %parallel_loop3A_131 step %parallel_loop3A_132  : i32 {
      %parallel_loop3A_517 = arith.index_cast %parallel_loop3A_516 : i32 to index
      %parallel_loop3A_518 = tpu.vector_load %arg11[%parallel_loop3A_517] {strides = array<i32>} : memref<13824xf32, #tpu.memory_space<vmem>>, vector<16xf32>,
      %parallel_loop3A_519 = vector.shape_cast %parallel_loop3A_518 : vector<16xf32> to vector<16xf32>
      %parallel_loop3A_520 = arith.constant 5.000000e-01 : f32
      %parallel_loop3A_521 = vector.broadcast %parallel_loop3A_520 : f32 to vector<16xf32>
      %parallel_loop3A_522 = arith.cmpf olt, %parallel_loop3A_519, %parallel_loop3A_521 : vector<16xf32>
      %parallel_loop3A_523 = arith.index_cast %parallel_loop3A_516 : i32 to index
      %parallel_loop3A_524 = tpu.vector_load %arg6[%parallel_loop3A_523] {strides = array<i32>} : memref<13824xf32, #tpu.memory_space<vmem>>, vector<16xf32>,
      %parallel_loop3A_525 = vector.shape_cast %parallel_loop3A_524 : vector<16xf32> to vector<16xf32>
      %parallel_loop3A_526 = arith.index_cast %parallel_loop3A_516 : i32 to index
      %parallel_loop3A_527 = tpu.vector_load %arg9[%parallel_loop3A_526] {strides = array<i32>} : memref<13824xf32, #tpu.memory_space<vmem>>, vector<16xf32>,
      %parallel_loop3A_528 = vector.shape_cast %parallel_loop3A_527 : vector<16xf32> to vector<16xf32>
      %parallel_loop3A_529 = arith.select %parallel_loop3A_522, %parallel_loop3A_525, %parallel_loop3A_528 : vector<16xi1>, vector<16xf32>
      %parallel_loop3A_530 = arith.index_cast %parallel_loop3A_516 : i32 to index
      %parallel_loop3A_531 = tpu.vector_load %arg6[%parallel_loop3A_530] {strides = array<i32>} : memref<13824xf32, #tpu.memory_space<vmem>>, vector<16xf32>,
      %parallel_loop3A_532 = vector.shape_cast %parallel_loop3A_531 : vector<16xf32> to vector<16xf32>
      %parallel_loop3A_533 = vector.shape_cast %parallel_loop3A_529 : vector<16xf32> to vector<16xf32>
      tpu.vector_store %arg6[%parallel_loop3A_530], %parallel_loop3A_533 {strides = array<i32>} : memref<13824xf32, #tpu.memory_space<vmem>>, vector<16xf32>,
    } {sc.loop_unroll_factor = 8 : i64, sc.parallel_access}
    %add3A_133 = arith.constant 2654208 : i32
    %add3A_134 = arith.addi %add3A_133, %mul3A_2 : i32
    %dma_start3A_135 = tpu.memref_slice %arg3[%add3A_134] : memref<12386304xf32, #tpu.memory_space<hbm>> -> memref<13824xf32, #tpu.memory_space<hbm>>
    %dma_start3A_136 = tpu.memref_slice %arg3[%add3A_134] : memref<12386304xf32, #tpu.memory_space<hbm>> -> memref<13824xf32, #tpu.memory_space<hbm>>
    tpu.enqueue_dma source(%dma_start3A_136 : memref<13824xf32, #tpu.memory_space<hbm>>) target(%arg9 : memref<13824xf32, #tpu.memory_space<vmem>>) target_semaphore(%arg19 : memref<!tpu.dma_semaphore, #tpu.memory_space<semaphore_mem>>)
    %add3A_137 = arith.constant 2654208 : i32
    %add3A_138 = arith.addi %add3A_137, %mul3A_2 : i32
    %dma_start3A_139 = tpu.memref_slice %arg4[%add3A_138] : memref<12386304xf32, #tpu.memory_space<hbm>> -> memref<13824xf32, #tpu.memory_space<hbm>>
    %dma_start3A_140 = tpu.memref_slice %arg4[%add3A_138] : memref<12386304xf32, #tpu.memory_space<hbm>> -> memref<13824xf32, #tpu.memory_space<hbm>>
    tpu.enqueue_dma source(%dma_start3A_140 : memref<13824xf32, #tpu.memory_space<hbm>>) target(%arg11 : memref<13824xf32, #tpu.memory_space<vmem>>) target_semaphore(%arg19 : memref<!tpu.dma_semaphore, #tpu.memory_space<semaphore_mem>>)
    %dma_wait3A_141 = tpu.memref_slice %arg3[%add3A_119] : memref<12386304xf32, #tpu.memory_space<hbm>> -> memref<13824xf32, #tpu.memory_space<hbm>>
    %dma_wait3A_142 = tpu.memref_slice %arg3[%add3A_119] : memref<12386304xf32, #tpu.memory_space<hbm>> -> memref<13824xf32, #tpu.memory_space<hbm>>
    tpu.wait_dma2 semaphore(%arg20 : memref<!tpu.dma_semaphore, #tpu.memory_space<semaphore_mem>>) src(%dma_wait3A_142 : memref<13824xf32, #tpu.memory_space<hbm>>) dst(%arg10 : memref<13824xf32, #tpu.memory_space<vmem>>)
    %dma_wait3A_143 = tpu.memref_slice %arg4[%add3A_123] : memref<12386304xf32, #tpu.memory_space<hbm>> -> memref<13824xf32, #tpu.memory_space<hbm>>
    %dma_wait3A_144 = tpu.memref_slice %arg4[%add3A_123] : memref<12386304xf32, #tpu.memory_space<hbm>> -> memref<13824xf32, #tpu.memory_space<hbm>>
    tpu.wait_dma2 semaphore(%arg20 : memref<!tpu.dma_semaphore, #tpu.memory_space<semaphore_mem>>) src(%dma_wait3A_144 : memref<13824xf32, #tpu.memory_space<hbm>>) dst(%arg12 : memref<13824xf32, #tpu.memory_space<vmem>>)
    %parallel_loop3A_145 = arith.constant 0 : i32
    %parallel_loop3A_146 = arith.constant 13824 : i32
    %parallel_loop3A_147 = arith.constant 16 : i32
    scf.for %parallel_loop3A_516 = %parallel_loop3A_145 to %parallel_loop3A_146 step %parallel_loop3A_147  : i32 {
      %parallel_loop3A_517 = arith.index_cast %parallel_loop3A_516 : i32 to index
      %parallel_loop3A_518 = tpu.vector_load %arg12[%parallel_loop3A_517] {strides = array<i32>} : memref<13824xf32, #tpu.memory_space<vmem>>, vector<16xf32>,
      %parallel_loop3A_519 = vector.shape_cast %parallel_loop3A_518 : vector<16xf32> to vector<16xf32>
      %parallel_loop3A_520 = arith.constant 5.000000e-01 : f32
      %parallel_loop3A_521 = vector.broadcast %parallel_loop3A_520 : f32 to vector<16xf32>
      %parallel_loop3A_522 = arith.cmpf olt, %parallel_loop3A_519, %parallel_loop3A_521 : vector<16xf32>
      %parallel_loop3A_523 = arith.index_cast %parallel_loop3A_516 : i32 to index
      %parallel_loop3A_524 = tpu.vector_load %arg6[%parallel_loop3A_523] {strides = array<i32>} : memref<13824xf32, #tpu.memory_space<vmem>>, vector<16xf32>,
      %parallel_loop3A_525 = vector.shape_cast %parallel_loop3A_524 : vector<16xf32> to vector<16xf32>
      %parallel_loop3A_526 = arith.index_cast %parallel_loop3A_516 : i32 to index
      %parallel_loop3A_527 = tpu.vector_load %arg10[%parallel_loop3A_526] {strides = array<i32>} : memref<13824xf32, #tpu.memory_space<vmem>>, vector<16xf32>,
      %parallel_loop3A_528 = vector.shape_cast %parallel_loop3A_527 : vector<16xf32> to vector<16xf32>
      %parallel_loop3A_529 = arith.select %parallel_loop3A_522, %parallel_loop3A_525, %parallel_loop3A_528 : vector<16xi1>, vector<16xf32>
      %parallel_loop3A_530 = arith.index_cast %parallel_loop3A_516 : i32 to index
      %parallel_loop3A_531 = tpu.vector_load %arg6[%parallel_loop3A_530] {strides = array<i32>} : memref<13824xf32, #tpu.memory_space<vmem>>, vector<16xf32>,
      %parallel_loop3A_532 = vector.shape_cast %parallel_loop3A_531 : vector<16xf32> to vector<16xf32>
      %parallel_loop3A_533 = vector.shape_cast %parallel_loop3A_529 : vector<16xf32> to vector<16xf32>
      tpu.vector_store %arg6[%parallel_loop3A_530], %parallel_loop3A_533 {strides = array<i32>} : memref<13824xf32, #tpu.memory_space<vmem>>, vector<16xf32>,
    } {sc.loop_unroll_factor = 8 : i64, sc.parallel_access}
    %add3A_148 = arith.constant 3096576 : i32
    %add3A_149 = arith.addi %add3A_148, %mul3A_2 : i32
    %dma_start3A_150 = tpu.memref_slice %arg3[%add3A_149] : memref<12386304xf32, #tpu.memory_space<hbm>> -> memref<13824xf32, #tpu.memory_space<hbm>>
    %dma_start3A_151 = tpu.memref_slice %arg3[%add3A_149] : memref<12386304xf32, #tpu.memory_space<hbm>> -> memref<13824xf32, #tpu.memory_space<hbm>>
    tpu.enqueue_dma source(%dma_start3A_151 : memref<13824xf32, #tpu.memory_space<hbm>>) target(%arg10 : memref<13824xf32, #tpu.memory_space<vmem>>) target_semaphore(%arg20 : memref<!tpu.dma_semaphore, #tpu.memory_space<semaphore_mem>>)
    %add3A_152 = arith.constant 3096576 : i32
    %add3A_153 = arith.addi %add3A_152, %mul3A_2 : i32
    %dma_start3A_154 = tpu.memref_slice %arg4[%add3A_153] : memref<12386304xf32, #tpu.memory_space<hbm>> -> memref<13824xf32, #tpu.memory_space<hbm>>
    %dma_start3A_155 = tpu.memref_slice %arg4[%add3A_153] : memref<12386304xf32, #tpu.memory_space<hbm>> -> memref<13824xf32, #tpu.memory_space<hbm>>
    tpu.enqueue_dma source(%dma_start3A_155 : memref<13824xf32, #tpu.memory_space<hbm>>) target(%arg12 : memref<13824xf32, #tpu.memory_space<vmem>>) target_semaphore(%arg20 : memref<!tpu.dma_semaphore, #tpu.memory_space<semaphore_mem>>)
    %add3A_156 = arith.constant 1327104 : i32
    %add3A_157 = arith.addi %add3A_156, %mul3A_2 : i32
    %dma_start3A_158 = tpu.memref_slice %arg5[%add3A_157] : memref<3538944xf32, #tpu.memory_space<hbm>> -> memref<13824xf32, #tpu.memory_space<hbm>>
    %dma_start3A_159 = tpu.memref_slice %arg5[%add3A_157] : memref<3538944xf32, #tpu.memory_space<hbm>> -> memref<13824xf32, #tpu.memory_space<hbm>>
    tpu.enqueue_dma source(%arg6 : memref<13824xf32, #tpu.memory_space<vmem>>) target(%dma_start3A_159 : memref<13824xf32, #tpu.memory_space<hbm>>) target_semaphore(%arg16 : memref<!tpu.dma_semaphore, #tpu.memory_space<semaphore_mem>>)
    %dma_wait3A_160 = tpu.memref_slice %arg5[%add3A_157] : memref<3538944xf32, #tpu.memory_space<hbm>> -> memref<13824xf32, #tpu.memory_space<hbm>>
    %dma_wait3A_161 = tpu.memref_slice %arg5[%add3A_157] : memref<3538944xf32, #tpu.memory_space<hbm>> -> memref<13824xf32, #tpu.memory_space<hbm>>
    tpu.wait_dma2 semaphore(%arg16 : memref<!tpu.dma_semaphore, #tpu.memory_space<semaphore_mem>>) src(%arg6 : memref<13824xf32, #tpu.memory_space<vmem>>) dst(%dma_wait3A_161 : memref<13824xf32, #tpu.memory_space<hbm>>)
    %add3A_162 = arith.constant 2654208 : i32
    %add3A_163 = arith.addi %add3A_162, %mul3A_2 : i32
    %dma_start3A_164 = tpu.memref_slice %arg2[%add3A_163] : memref<3538944xf32, #tpu.memory_space<hbm>> -> memref<13824xf32, #tpu.memory_space<hbm>>
    %dma_start3A_165 = tpu.memref_slice %arg2[%add3A_163] : memref<3538944xf32, #tpu.memory_space<hbm>> -> memref<13824xf32, #tpu.memory_space<hbm>>
    tpu.enqueue_dma source(%dma_start3A_165 : memref<13824xf32, #tpu.memory_space<hbm>>) target(%arg6 : memref<13824xf32, #tpu.memory_space<vmem>>) target_semaphore(%arg13 : memref<!tpu.dma_semaphore, #tpu.memory_space<semaphore_mem>>)
    %dma_wait3A_166 = tpu.memref_slice %arg2[%add3A_64] : memref<3538944xf32, #tpu.memory_space<hbm>> -> memref<13824xf32, #tpu.memory_space<hbm>>
    %dma_wait3A_167 = tpu.memref_slice %arg2[%add3A_64] : memref<3538944xf32, #tpu.memory_space<hbm>> -> memref<13824xf32, #tpu.memory_space<hbm>>
    tpu.wait_dma2 semaphore(%arg14 : memref<!tpu.dma_semaphore, #tpu.memory_space<semaphore_mem>>) src(%dma_wait3A_167 : memref<13824xf32, #tpu.memory_space<hbm>>) dst(%arg7 : memref<13824xf32, #tpu.memory_space<vmem>>)
    %dma_wait3A_168 = tpu.memref_slice %arg3[%add3A_134] : memref<12386304xf32, #tpu.memory_space<hbm>> -> memref<13824xf32, #tpu.memory_space<hbm>>
    %dma_wait3A_169 = tpu.memref_slice %arg3[%add3A_134] : memref<12386304xf32, #tpu.memory_space<hbm>> -> memref<13824xf32, #tpu.memory_space<hbm>>
    tpu.wait_dma2 semaphore(%arg19 : memref<!tpu.dma_semaphore, #tpu.memory_space<semaphore_mem>>) src(%dma_wait3A_169 : memref<13824xf32, #tpu.memory_space<hbm>>) dst(%arg9 : memref<13824xf32, #tpu.memory_space<vmem>>)
    %dma_wait3A_170 = tpu.memref_slice %arg4[%add3A_138] : memref<12386304xf32, #tpu.memory_space<hbm>> -> memref<13824xf32, #tpu.memory_space<hbm>>
    %dma_wait3A_171 = tpu.memref_slice %arg4[%add3A_138] : memref<12386304xf32, #tpu.memory_space<hbm>> -> memref<13824xf32, #tpu.memory_space<hbm>>
    tpu.wait_dma2 semaphore(%arg19 : memref<!tpu.dma_semaphore, #tpu.memory_space<semaphore_mem>>) src(%dma_wait3A_171 : memref<13824xf32, #tpu.memory_space<hbm>>) dst(%arg11 : memref<13824xf32, #tpu.memory_space<vmem>>)
    %parallel_loop3A_172 = arith.constant 0 : i32
    %parallel_loop3A_173 = arith.constant 13824 : i32
    %parallel_loop3A_174 = arith.constant 16 : i32
    scf.for %parallel_loop3A_516 = %parallel_loop3A_172 to %parallel_loop3A_173 step %parallel_loop3A_174  : i32 {
      %parallel_loop3A_517 = arith.index_cast %parallel_loop3A_516 : i32 to index
      %parallel_loop3A_518 = tpu.vector_load %arg11[%parallel_loop3A_517] {strides = array<i32>} : memref<13824xf32, #tpu.memory_space<vmem>>, vector<16xf32>,
      %parallel_loop3A_519 = vector.shape_cast %parallel_loop3A_518 : vector<16xf32> to vector<16xf32>
      %parallel_loop3A_520 = arith.constant 5.000000e-01 : f32
      %parallel_loop3A_521 = vector.broadcast %parallel_loop3A_520 : f32 to vector<16xf32>
      %parallel_loop3A_522 = arith.cmpf olt, %parallel_loop3A_519, %parallel_loop3A_521 : vector<16xf32>
      %parallel_loop3A_523 = arith.index_cast %parallel_loop3A_516 : i32 to index
      %parallel_loop3A_524 = tpu.vector_load %arg7[%parallel_loop3A_523] {strides = array<i32>} : memref<13824xf32, #tpu.memory_space<vmem>>, vector<16xf32>,
      %parallel_loop3A_525 = vector.shape_cast %parallel_loop3A_524 : vector<16xf32> to vector<16xf32>
      %parallel_loop3A_526 = arith.index_cast %parallel_loop3A_516 : i32 to index
      %parallel_loop3A_527 = tpu.vector_load %arg9[%parallel_loop3A_526] {strides = array<i32>} : memref<13824xf32, #tpu.memory_space<vmem>>, vector<16xf32>,
      %parallel_loop3A_528 = vector.shape_cast %parallel_loop3A_527 : vector<16xf32> to vector<16xf32>
      %parallel_loop3A_529 = arith.select %parallel_loop3A_522, %parallel_loop3A_525, %parallel_loop3A_528 : vector<16xi1>, vector<16xf32>
      %parallel_loop3A_530 = arith.index_cast %parallel_loop3A_516 : i32 to index
      %parallel_loop3A_531 = tpu.vector_load %arg7[%parallel_loop3A_530] {strides = array<i32>} : memref<13824xf32, #tpu.memory_space<vmem>>, vector<16xf32>,
      %parallel_loop3A_532 = vector.shape_cast %parallel_loop3A_531 : vector<16xf32> to vector<16xf32>
      %parallel_loop3A_533 = vector.shape_cast %parallel_loop3A_529 : vector<16xf32> to vector<16xf32>
      tpu.vector_store %arg7[%parallel_loop3A_530], %parallel_loop3A_533 {strides = array<i32>} : memref<13824xf32, #tpu.memory_space<vmem>>, vector<16xf32>,
    } {sc.loop_unroll_factor = 8 : i64, sc.parallel_access}
    %add3A_175 = arith.constant 3538944 : i32
    %add3A_176 = arith.addi %add3A_175, %mul3A_2 : i32
    %dma_start3A_177 = tpu.memref_slice %arg3[%add3A_176] : memref<12386304xf32, #tpu.memory_space<hbm>> -> memref<13824xf32, #tpu.memory_space<hbm>>
    %dma_start3A_178 = tpu.memref_slice %arg3[%add3A_176] : memref<12386304xf32, #tpu.memory_space<hbm>> -> memref<13824xf32, #tpu.memory_space<hbm>>
    tpu.enqueue_dma source(%dma_start3A_178 : memref<13824xf32, #tpu.memory_space<hbm>>) target(%arg9 : memref<13824xf32, #tpu.memory_space<vmem>>) target_semaphore(%arg19 : memref<!tpu.dma_semaphore, #tpu.memory_space<semaphore_mem>>)
    %add3A_179 = arith.constant 3538944 : i32
    %add3A_180 = arith.addi %add3A_179, %mul3A_2 : i32
    %dma_start3A_181 = tpu.memref_slice %arg4[%add3A_180] : memref<12386304xf32, #tpu.memory_space<hbm>> -> memref<13824xf32, #tpu.memory_space<hbm>>
    %dma_start3A_182 = tpu.memref_slice %arg4[%add3A_180] : memref<12386304xf32, #tpu.memory_space<hbm>> -> memref<13824xf32, #tpu.memory_space<hbm>>
    tpu.enqueue_dma source(%dma_start3A_182 : memref<13824xf32, #tpu.memory_space<hbm>>) target(%arg11 : memref<13824xf32, #tpu.memory_space<vmem>>) target_semaphore(%arg19 : memref<!tpu.dma_semaphore, #tpu.memory_space<semaphore_mem>>)
    %dma_wait3A_183 = tpu.memref_slice %arg3[%add3A_149] : memref<12386304xf32, #tpu.memory_space<hbm>> -> memref<13824xf32, #tpu.memory_space<hbm>>
    %dma_wait3A_184 = tpu.memref_slice %arg3[%add3A_149] : memref<12386304xf32, #tpu.memory_space<hbm>> -> memref<13824xf32, #tpu.memory_space<hbm>>
    tpu.wait_dma2 semaphore(%arg20 : memref<!tpu.dma_semaphore, #tpu.memory_space<semaphore_mem>>) src(%dma_wait3A_184 : memref<13824xf32, #tpu.memory_space<hbm>>) dst(%arg10 : memref<13824xf32, #tpu.memory_space<vmem>>)
    %dma_wait3A_185 = tpu.memref_slice %arg4[%add3A_153] : memref<12386304xf32, #tpu.memory_space<hbm>> -> memref<13824xf32, #tpu.memory_space<hbm>>
    %dma_wait3A_186 = tpu.memref_slice %arg4[%add3A_153] : memref<12386304xf32, #tpu.memory_space<hbm>> -> memref<13824xf32, #tpu.memory_space<hbm>>
    tpu.wait_dma2 semaphore(%arg20 : memref<!tpu.dma_semaphore, #tpu.memory_space<semaphore_mem>>) src(%dma_wait3A_186 : memref<13824xf32, #tpu.memory_space<hbm>>) dst(%arg12 : memref<13824xf32, #tpu.memory_space<vmem>>)
    %parallel_loop3A_187 = arith.constant 0 : i32
    %parallel_loop3A_188 = arith.constant 13824 : i32
    %parallel_loop3A_189 = arith.constant 16 : i32
    scf.for %parallel_loop3A_516 = %parallel_loop3A_187 to %parallel_loop3A_188 step %parallel_loop3A_189  : i32 {
      %parallel_loop3A_517 = arith.index_cast %parallel_loop3A_516 : i32 to index
      %parallel_loop3A_518 = tpu.vector_load %arg12[%parallel_loop3A_517] {strides = array<i32>} : memref<13824xf32, #tpu.memory_space<vmem>>, vector<16xf32>,
      %parallel_loop3A_519 = vector.shape_cast %parallel_loop3A_518 : vector<16xf32> to vector<16xf32>
      %parallel_loop3A_520 = arith.constant 5.000000e-01 : f32
      %parallel_loop3A_521 = vector.broadcast %parallel_loop3A_520 : f32 to vector<16xf32>
      %parallel_loop3A_522 = arith.cmpf olt, %parallel_loop3A_519, %parallel_loop3A_521 : vector<16xf32>
      %parallel_loop3A_523 = arith.index_cast %parallel_loop3A_516 : i32 to index
      %parallel_loop3A_524 = tpu.vector_load %arg7[%parallel_loop3A_523] {strides = array<i32>} : memref<13824xf32, #tpu.memory_space<vmem>>, vector<16xf32>,
      %parallel_loop3A_525 = vector.shape_cast %parallel_loop3A_524 : vector<16xf32> to vector<16xf32>
      %parallel_loop3A_526 = arith.index_cast %parallel_loop3A_516 : i32 to index
      %parallel_loop3A_527 = tpu.vector_load %arg10[%parallel_loop3A_526] {strides = array<i32>} : memref<13824xf32, #tpu.memory_space<vmem>>, vector<16xf32>,
      %parallel_loop3A_528 = vector.shape_cast %parallel_loop3A_527 : vector<16xf32> to vector<16xf32>
      %parallel_loop3A_529 = arith.select %parallel_loop3A_522, %parallel_loop3A_525, %parallel_loop3A_528 : vector<16xi1>, vector<16xf32>
      %parallel_loop3A_530 = arith.index_cast %parallel_loop3A_516 : i32 to index
      %parallel_loop3A_531 = tpu.vector_load %arg7[%parallel_loop3A_530] {strides = array<i32>} : memref<13824xf32, #tpu.memory_space<vmem>>, vector<16xf32>,
      %parallel_loop3A_532 = vector.shape_cast %parallel_loop3A_531 : vector<16xf32> to vector<16xf32>
      %parallel_loop3A_533 = vector.shape_cast %parallel_loop3A_529 : vector<16xf32> to vector<16xf32>
      tpu.vector_store %arg7[%parallel_loop3A_530], %parallel_loop3A_533 {strides = array<i32>} : memref<13824xf32, #tpu.memory_space<vmem>>, vector<16xf32>,
    } {sc.loop_unroll_factor = 8 : i64, sc.parallel_access}
    %add3A_190 = arith.constant 3981312 : i32
    %add3A_191 = arith.addi %add3A_190, %mul3A_2 : i32
    %dma_start3A_192 = tpu.memref_slice %arg3[%add3A_191] : memref<12386304xf32, #tpu.memory_space<hbm>> -> memref<13824xf32, #tpu.memory_space<hbm>>
    %dma_start3A_193 = tpu.memref_slice %arg3[%add3A_191] : memref<12386304xf32, #tpu.memory_space<hbm>> -> memref<13824xf32, #tpu.memory_space<hbm>>
    tpu.enqueue_dma source(%dma_start3A_193 : memref<13824xf32, #tpu.memory_space<hbm>>) target(%arg10 : memref<13824xf32, #tpu.memory_space<vmem>>) target_semaphore(%arg20 : memref<!tpu.dma_semaphore, #tpu.memory_space<semaphore_mem>>)
    %add3A_194 = arith.constant 3981312 : i32
    %add3A_195 = arith.addi %add3A_194, %mul3A_2 : i32
    %dma_start3A_196 = tpu.memref_slice %arg4[%add3A_195] : memref<12386304xf32, #tpu.memory_space<hbm>> -> memref<13824xf32, #tpu.memory_space<hbm>>
    %dma_start3A_197 = tpu.memref_slice %arg4[%add3A_195] : memref<12386304xf32, #tpu.memory_space<hbm>> -> memref<13824xf32, #tpu.memory_space<hbm>>
    tpu.enqueue_dma source(%dma_start3A_197 : memref<13824xf32, #tpu.memory_space<hbm>>) target(%arg12 : memref<13824xf32, #tpu.memory_space<vmem>>) target_semaphore(%arg20 : memref<!tpu.dma_semaphore, #tpu.memory_space<semaphore_mem>>)
    %dma_wait3A_198 = tpu.memref_slice %arg3[%add3A_176] : memref<12386304xf32, #tpu.memory_space<hbm>> -> memref<13824xf32, #tpu.memory_space<hbm>>
    %dma_wait3A_199 = tpu.memref_slice %arg3[%add3A_176] : memref<12386304xf32, #tpu.memory_space<hbm>> -> memref<13824xf32, #tpu.memory_space<hbm>>
    tpu.wait_dma2 semaphore(%arg19 : memref<!tpu.dma_semaphore, #tpu.memory_space<semaphore_mem>>) src(%dma_wait3A_199 : memref<13824xf32, #tpu.memory_space<hbm>>) dst(%arg9 : memref<13824xf32, #tpu.memory_space<vmem>>)
    %dma_wait3A_200 = tpu.memref_slice %arg4[%add3A_180] : memref<12386304xf32, #tpu.memory_space<hbm>> -> memref<13824xf32, #tpu.memory_space<hbm>>
    %dma_wait3A_201 = tpu.memref_slice %arg4[%add3A_180] : memref<12386304xf32, #tpu.memory_space<hbm>> -> memref<13824xf32, #tpu.memory_space<hbm>>
    tpu.wait_dma2 semaphore(%arg19 : memref<!tpu.dma_semaphore, #tpu.memory_space<semaphore_mem>>) src(%dma_wait3A_201 : memref<13824xf32, #tpu.memory_space<hbm>>) dst(%arg11 : memref<13824xf32, #tpu.memory_space<vmem>>)
    %parallel_loop3A_202 = arith.constant 0 : i32
    %parallel_loop3A_203 = arith.constant 13824 : i32
    %parallel_loop3A_204 = arith.constant 16 : i32
    scf.for %parallel_loop3A_516 = %parallel_loop3A_202 to %parallel_loop3A_203 step %parallel_loop3A_204  : i32 {
      %parallel_loop3A_517 = arith.index_cast %parallel_loop3A_516 : i32 to index
      %parallel_loop3A_518 = tpu.vector_load %arg11[%parallel_loop3A_517] {strides = array<i32>} : memref<13824xf32, #tpu.memory_space<vmem>>, vector<16xf32>,
      %parallel_loop3A_519 = vector.shape_cast %parallel_loop3A_518 : vector<16xf32> to vector<16xf32>
      %parallel_loop3A_520 = arith.constant 5.000000e-01 : f32
      %parallel_loop3A_521 = vector.broadcast %parallel_loop3A_520 : f32 to vector<16xf32>
      %parallel_loop3A_522 = arith.cmpf olt, %parallel_loop3A_519, %parallel_loop3A_521 : vector<16xf32>
      %parallel_loop3A_523 = arith.index_cast %parallel_loop3A_516 : i32 to index
      %parallel_loop3A_524 = tpu.vector_load %arg7[%parallel_loop3A_523] {strides = array<i32>} : memref<13824xf32, #tpu.memory_space<vmem>>, vector<16xf32>,
      %parallel_loop3A_525 = vector.shape_cast %parallel_loop3A_524 : vector<16xf32> to vector<16xf32>
      %parallel_loop3A_526 = arith.index_cast %parallel_loop3A_516 : i32 to index
      %parallel_loop3A_527 = tpu.vector_load %arg9[%parallel_loop3A_526] {strides = array<i32>} : memref<13824xf32, #tpu.memory_space<vmem>>, vector<16xf32>,
      %parallel_loop3A_528 = vector.shape_cast %parallel_loop3A_527 : vector<16xf32> to vector<16xf32>
      %parallel_loop3A_529 = arith.select %parallel_loop3A_522, %parallel_loop3A_525, %parallel_loop3A_528 : vector<16xi1>, vector<16xf32>
      %parallel_loop3A_530 = arith.index_cast %parallel_loop3A_516 : i32 to index
      %parallel_loop3A_531 = tpu.vector_load %arg7[%parallel_loop3A_530] {strides = array<i32>} : memref<13824xf32, #tpu.memory_space<vmem>>, vector<16xf32>,
      %parallel_loop3A_532 = vector.shape_cast %parallel_loop3A_531 : vector<16xf32> to vector<16xf32>
      %parallel_loop3A_533 = vector.shape_cast %parallel_loop3A_529 : vector<16xf32> to vector<16xf32>
      tpu.vector_store %arg7[%parallel_loop3A_530], %parallel_loop3A_533 {strides = array<i32>} : memref<13824xf32, #tpu.memory_space<vmem>>, vector<16xf32>,
    } {sc.loop_unroll_factor = 8 : i64, sc.parallel_access}
    %add3A_205 = arith.constant 4423680 : i32
    %add3A_206 = arith.addi %add3A_205, %mul3A_2 : i32
    %dma_start3A_207 = tpu.memref_slice %arg3[%add3A_206] : memref<12386304xf32, #tpu.memory_space<hbm>> -> memref<13824xf32, #tpu.memory_space<hbm>>
    %dma_start3A_208 = tpu.memref_slice %arg3[%add3A_206] : memref<12386304xf32, #tpu.memory_space<hbm>> -> memref<13824xf32, #tpu.memory_space<hbm>>
    tpu.enqueue_dma source(%dma_start3A_208 : memref<13824xf32, #tpu.memory_space<hbm>>) target(%arg9 : memref<13824xf32, #tpu.memory_space<vmem>>) target_semaphore(%arg19 : memref<!tpu.dma_semaphore, #tpu.memory_space<semaphore_mem>>)
    %add3A_209 = arith.constant 4423680 : i32
    %add3A_210 = arith.addi %add3A_209, %mul3A_2 : i32
    %dma_start3A_211 = tpu.memref_slice %arg4[%add3A_210] : memref<12386304xf32, #tpu.memory_space<hbm>> -> memref<13824xf32, #tpu.memory_space<hbm>>
    %dma_start3A_212 = tpu.memref_slice %arg4[%add3A_210] : memref<12386304xf32, #tpu.memory_space<hbm>> -> memref<13824xf32, #tpu.memory_space<hbm>>
    tpu.enqueue_dma source(%dma_start3A_212 : memref<13824xf32, #tpu.memory_space<hbm>>) target(%arg11 : memref<13824xf32, #tpu.memory_space<vmem>>) target_semaphore(%arg19 : memref<!tpu.dma_semaphore, #tpu.memory_space<semaphore_mem>>)
    %dma_wait3A_213 = tpu.memref_slice %arg3[%add3A_191] : memref<12386304xf32, #tpu.memory_space<hbm>> -> memref<13824xf32, #tpu.memory_space<hbm>>
    %dma_wait3A_214 = tpu.memref_slice %arg3[%add3A_191] : memref<12386304xf32, #tpu.memory_space<hbm>> -> memref<13824xf32, #tpu.memory_space<hbm>>
    tpu.wait_dma2 semaphore(%arg20 : memref<!tpu.dma_semaphore, #tpu.memory_space<semaphore_mem>>) src(%dma_wait3A_214 : memref<13824xf32, #tpu.memory_space<hbm>>) dst(%arg10 : memref<13824xf32, #tpu.memory_space<vmem>>)
    %dma_wait3A_215 = tpu.memref_slice %arg4[%add3A_195] : memref<12386304xf32, #tpu.memory_space<hbm>> -> memref<13824xf32, #tpu.memory_space<hbm>>
    %dma_wait3A_216 = tpu.memref_slice %arg4[%add3A_195] : memref<12386304xf32, #tpu.memory_space<hbm>> -> memref<13824xf32, #tpu.memory_space<hbm>>
    tpu.wait_dma2 semaphore(%arg20 : memref<!tpu.dma_semaphore, #tpu.memory_space<semaphore_mem>>) src(%dma_wait3A_216 : memref<13824xf32, #tpu.memory_space<hbm>>) dst(%arg12 : memref<13824xf32, #tpu.memory_space<vmem>>)
    %parallel_loop3A_217 = arith.constant 0 : i32
    %parallel_loop3A_218 = arith.constant 13824 : i32
    %parallel_loop3A_219 = arith.constant 16 : i32
    scf.for %parallel_loop3A_516 = %parallel_loop3A_217 to %parallel_loop3A_218 step %parallel_loop3A_219  : i32 {
      %parallel_loop3A_517 = arith.index_cast %parallel_loop3A_516 : i32 to index
      %parallel_loop3A_518 = tpu.vector_load %arg12[%parallel_loop3A_517] {strides = array<i32>} : memref<13824xf32, #tpu.memory_space<vmem>>, vector<16xf32>,
      %parallel_loop3A_519 = vector.shape_cast %parallel_loop3A_518 : vector<16xf32> to vector<16xf32>
      %parallel_loop3A_520 = arith.constant 5.000000e-01 : f32
      %parallel_loop3A_521 = vector.broadcast %parallel_loop3A_520 : f32 to vector<16xf32>
      %parallel_loop3A_522 = arith.cmpf olt, %parallel_loop3A_519, %parallel_loop3A_521 : vector<16xf32>
      %parallel_loop3A_523 = arith.index_cast %parallel_loop3A_516 : i32 to index
      %parallel_loop3A_524 = tpu.vector_load %arg7[%parallel_loop3A_523] {strides = array<i32>} : memref<13824xf32, #tpu.memory_space<vmem>>, vector<16xf32>,
      %parallel_loop3A_525 = vector.shape_cast %parallel_loop3A_524 : vector<16xf32> to vector<16xf32>
      %parallel_loop3A_526 = arith.index_cast %parallel_loop3A_516 : i32 to index
      %parallel_loop3A_527 = tpu.vector_load %arg10[%parallel_loop3A_526] {strides = array<i32>} : memref<13824xf32, #tpu.memory_space<vmem>>, vector<16xf32>,
      %parallel_loop3A_528 = vector.shape_cast %parallel_loop3A_527 : vector<16xf32> to vector<16xf32>
      %parallel_loop3A_529 = arith.select %parallel_loop3A_522, %parallel_loop3A_525, %parallel_loop3A_528 : vector<16xi1>, vector<16xf32>
      %parallel_loop3A_530 = arith.index_cast %parallel_loop3A_516 : i32 to index
      %parallel_loop3A_531 = tpu.vector_load %arg7[%parallel_loop3A_530] {strides = array<i32>} : memref<13824xf32, #tpu.memory_space<vmem>>, vector<16xf32>,
      %parallel_loop3A_532 = vector.shape_cast %parallel_loop3A_531 : vector<16xf32> to vector<16xf32>
      %parallel_loop3A_533 = vector.shape_cast %parallel_loop3A_529 : vector<16xf32> to vector<16xf32>
      tpu.vector_store %arg7[%parallel_loop3A_530], %parallel_loop3A_533 {strides = array<i32>} : memref<13824xf32, #tpu.memory_space<vmem>>, vector<16xf32>,
    } {sc.loop_unroll_factor = 8 : i64, sc.parallel_access}
    %add3A_220 = arith.constant 4866048 : i32
    %add3A_221 = arith.addi %add3A_220, %mul3A_2 : i32
    %dma_start3A_222 = tpu.memref_slice %arg3[%add3A_221] : memref<12386304xf32, #tpu.memory_space<hbm>> -> memref<13824xf32, #tpu.memory_space<hbm>>
    %dma_start3A_223 = tpu.memref_slice %arg3[%add3A_221] : memref<12386304xf32, #tpu.memory_space<hbm>> -> memref<13824xf32, #tpu.memory_space<hbm>>
    tpu.enqueue_dma source(%dma_start3A_223 : memref<13824xf32, #tpu.memory_space<hbm>>) target(%arg10 : memref<13824xf32, #tpu.memory_space<vmem>>) target_semaphore(%arg20 : memref<!tpu.dma_semaphore, #tpu.memory_space<semaphore_mem>>)
    %add3A_224 = arith.constant 4866048 : i32
    %add3A_225 = arith.addi %add3A_224, %mul3A_2 : i32
    %dma_start3A_226 = tpu.memref_slice %arg4[%add3A_225] : memref<12386304xf32, #tpu.memory_space<hbm>> -> memref<13824xf32, #tpu.memory_space<hbm>>
    %dma_start3A_227 = tpu.memref_slice %arg4[%add3A_225] : memref<12386304xf32, #tpu.memory_space<hbm>> -> memref<13824xf32, #tpu.memory_space<hbm>>
    tpu.enqueue_dma source(%dma_start3A_227 : memref<13824xf32, #tpu.memory_space<hbm>>) target(%arg12 : memref<13824xf32, #tpu.memory_space<vmem>>) target_semaphore(%arg20 : memref<!tpu.dma_semaphore, #tpu.memory_space<semaphore_mem>>)
    %add3A_228 = arith.constant 1769472 : i32
    %add3A_229 = arith.addi %add3A_228, %mul3A_2 : i32
    %dma_start3A_230 = tpu.memref_slice %arg5[%add3A_229] : memref<3538944xf32, #tpu.memory_space<hbm>> -> memref<13824xf32, #tpu.memory_space<hbm>>
    %dma_start3A_231 = tpu.memref_slice %arg5[%add3A_229] : memref<3538944xf32, #tpu.memory_space<hbm>> -> memref<13824xf32, #tpu.memory_space<hbm>>
    tpu.enqueue_dma source(%arg7 : memref<13824xf32, #tpu.memory_space<vmem>>) target(%dma_start3A_231 : memref<13824xf32, #tpu.memory_space<hbm>>) target_semaphore(%arg17 : memref<!tpu.dma_semaphore, #tpu.memory_space<semaphore_mem>>)
    %dma_wait3A_232 = tpu.memref_slice %arg5[%add3A_229] : memref<3538944xf32, #tpu.memory_space<hbm>> -> memref<13824xf32, #tpu.memory_space<hbm>>
    %dma_wait3A_233 = tpu.memref_slice %arg5[%add3A_229] : memref<3538944xf32, #tpu.memory_space<hbm>> -> memref<13824xf32, #tpu.memory_space<hbm>>
    tpu.wait_dma2 semaphore(%arg17 : memref<!tpu.dma_semaphore, #tpu.memory_space<semaphore_mem>>) src(%arg7 : memref<13824xf32, #tpu.memory_space<vmem>>) dst(%dma_wait3A_233 : memref<13824xf32, #tpu.memory_space<hbm>>)
    %add3A_234 = arith.constant 3096576 : i32
    %add3A_235 = arith.addi %add3A_234, %mul3A_2 : i32
    %dma_start3A_236 = tpu.memref_slice %arg2[%add3A_235] : memref<3538944xf32, #tpu.memory_space<hbm>> -> memref<13824xf32, #tpu.memory_space<hbm>>
    %dma_start3A_237 = tpu.memref_slice %arg2[%add3A_235] : memref<3538944xf32, #tpu.memory_space<hbm>> -> memref<13824xf32, #tpu.memory_space<hbm>>
    tpu.enqueue_dma source(%dma_start3A_237 : memref<13824xf32, #tpu.memory_space<hbm>>) target(%arg7 : memref<13824xf32, #tpu.memory_space<vmem>>) target_semaphore(%arg14 : memref<!tpu.dma_semaphore, #tpu.memory_space<semaphore_mem>>)
    %dma_wait3A_238 = tpu.memref_slice %arg2[%add3A_106] : memref<3538944xf32, #tpu.memory_space<hbm>> -> memref<13824xf32, #tpu.memory_space<hbm>>
    %dma_wait3A_239 = tpu.memref_slice %arg2[%add3A_106] : memref<3538944xf32, #tpu.memory_space<hbm>> -> memref<13824xf32, #tpu.memory_space<hbm>>
    tpu.wait_dma2 semaphore(%arg15 : memref<!tpu.dma_semaphore, #tpu.memory_space<semaphore_mem>>) src(%dma_wait3A_239 : memref<13824xf32, #tpu.memory_space<hbm>>) dst(%arg8 : memref<13824xf32, #tpu.memory_space<vmem>>)
    %dma_wait3A_240 = tpu.memref_slice %arg3[%add3A_206] : memref<12386304xf32, #tpu.memory_space<hbm>> -> memref<13824xf32, #tpu.memory_space<hbm>>
    %dma_wait3A_241 = tpu.memref_slice %arg3[%add3A_206] : memref<12386304xf32, #tpu.memory_space<hbm>> -> memref<13824xf32, #tpu.memory_space<hbm>>
    tpu.wait_dma2 semaphore(%arg19 : memref<!tpu.dma_semaphore, #tpu.memory_space<semaphore_mem>>) src(%dma_wait3A_241 : memref<13824xf32, #tpu.memory_space<hbm>>) dst(%arg9 : memref<13824xf32, #tpu.memory_space<vmem>>)
    %dma_wait3A_242 = tpu.memref_slice %arg4[%add3A_210] : memref<12386304xf32, #tpu.memory_space<hbm>> -> memref<13824xf32, #tpu.memory_space<hbm>>
    %dma_wait3A_243 = tpu.memref_slice %arg4[%add3A_210] : memref<12386304xf32, #tpu.memory_space<hbm>> -> memref<13824xf32, #tpu.memory_space<hbm>>
    tpu.wait_dma2 semaphore(%arg19 : memref<!tpu.dma_semaphore, #tpu.memory_space<semaphore_mem>>) src(%dma_wait3A_243 : memref<13824xf32, #tpu.memory_space<hbm>>) dst(%arg11 : memref<13824xf32, #tpu.memory_space<vmem>>)
    %parallel_loop3A_244 = arith.constant 0 : i32
    %parallel_loop3A_245 = arith.constant 13824 : i32
    %parallel_loop3A_246 = arith.constant 16 : i32
    scf.for %parallel_loop3A_516 = %parallel_loop3A_244 to %parallel_loop3A_245 step %parallel_loop3A_246  : i32 {
      %parallel_loop3A_517 = arith.index_cast %parallel_loop3A_516 : i32 to index
      %parallel_loop3A_518 = tpu.vector_load %arg11[%parallel_loop3A_517] {strides = array<i32>} : memref<13824xf32, #tpu.memory_space<vmem>>, vector<16xf32>,
      %parallel_loop3A_519 = vector.shape_cast %parallel_loop3A_518 : vector<16xf32> to vector<16xf32>
      %parallel_loop3A_520 = arith.constant 5.000000e-01 : f32
      %parallel_loop3A_521 = vector.broadcast %parallel_loop3A_520 : f32 to vector<16xf32>
      %parallel_loop3A_522 = arith.cmpf olt, %parallel_loop3A_519, %parallel_loop3A_521 : vector<16xf32>
      %parallel_loop3A_523 = arith.index_cast %parallel_loop3A_516 : i32 to index
      %parallel_loop3A_524 = tpu.vector_load %arg8[%parallel_loop3A_523] {strides = array<i32>} : memref<13824xf32, #tpu.memory_space<vmem>>, vector<16xf32>,
      %parallel_loop3A_525 = vector.shape_cast %parallel_loop3A_524 : vector<16xf32> to vector<16xf32>
      %parallel_loop3A_526 = arith.index_cast %parallel_loop3A_516 : i32 to index
      %parallel_loop3A_527 = tpu.vector_load %arg9[%parallel_loop3A_526] {strides = array<i32>} : memref<13824xf32, #tpu.memory_space<vmem>>, vector<16xf32>,
      %parallel_loop3A_528 = vector.shape_cast %parallel_loop3A_527 : vector<16xf32> to vector<16xf32>
      %parallel_loop3A_529 = arith.select %parallel_loop3A_522, %parallel_loop3A_525, %parallel_loop3A_528 : vector<16xi1>, vector<16xf32>
      %parallel_loop3A_530 = arith.index_cast %parallel_loop3A_516 : i32 to index
      %parallel_loop3A_531 = tpu.vector_load %arg8[%parallel_loop3A_530] {strides = array<i32>} : memref<13824xf32, #tpu.memory_space<vmem>>, vector<16xf32>,
      %parallel_loop3A_532 = vector.shape_cast %parallel_loop3A_531 : vector<16xf32> to vector<16xf32>
      %parallel_loop3A_533 = vector.shape_cast %parallel_loop3A_529 : vector<16xf32> to vector<16xf32>
      tpu.vector_store %arg8[%parallel_loop3A_530], %parallel_loop3A_533 {strides = array<i32>} : memref<13824xf32, #tpu.memory_space<vmem>>, vector<16xf32>,
    } {sc.loop_unroll_factor = 8 : i64, sc.parallel_access}
    %add3A_247 = arith.constant 5308416 : i32
    %add3A_248 = arith.addi %add3A_247, %mul3A_2 : i32
    %dma_start3A_249 = tpu.memref_slice %arg3[%add3A_248] : memref<12386304xf32, #tpu.memory_space<hbm>> -> memref<13824xf32, #tpu.memory_space<hbm>>
    %dma_start3A_250 = tpu.memref_slice %arg3[%add3A_248] : memref<12386304xf32, #tpu.memory_space<hbm>> -> memref<13824xf32, #tpu.memory_space<hbm>>
    tpu.enqueue_dma source(%dma_start3A_250 : memref<13824xf32, #tpu.memory_space<hbm>>) target(%arg9 : memref<13824xf32, #tpu.memory_space<vmem>>) target_semaphore(%arg19 : memref<!tpu.dma_semaphore, #tpu.memory_space<semaphore_mem>>)
    %add3A_251 = arith.constant 5308416 : i32
    %add3A_252 = arith.addi %add3A_251, %mul3A_2 : i32
    %dma_start3A_253 = tpu.memref_slice %arg4[%add3A_252] : memref<12386304xf32, #tpu.memory_space<hbm>> -> memref<13824xf32, #tpu.memory_space<hbm>>
    %dma_start3A_254 = tpu.memref_slice %arg4[%add3A_252] : memref<12386304xf32, #tpu.memory_space<hbm>> -> memref<13824xf32, #tpu.memory_space<hbm>>
    tpu.enqueue_dma source(%dma_start3A_254 : memref<13824xf32, #tpu.memory_space<hbm>>) target(%arg11 : memref<13824xf32, #tpu.memory_space<vmem>>) target_semaphore(%arg19 : memref<!tpu.dma_semaphore, #tpu.memory_space<semaphore_mem>>)
    %dma_wait3A_255 = tpu.memref_slice %arg3[%add3A_221] : memref<12386304xf32, #tpu.memory_space<hbm>> -> memref<13824xf32, #tpu.memory_space<hbm>>
    %dma_wait3A_256 = tpu.memref_slice %arg3[%add3A_221] : memref<12386304xf32, #tpu.memory_space<hbm>> -> memref<13824xf32, #tpu.memory_space<hbm>>
    tpu.wait_dma2 semaphore(%arg20 : memref<!tpu.dma_semaphore, #tpu.memory_space<semaphore_mem>>) src(%dma_wait3A_256 : memref<13824xf32, #tpu.memory_space<hbm>>) dst(%arg10 : memref<13824xf32, #tpu.memory_space<vmem>>)
    %dma_wait3A_257 = tpu.memref_slice %arg4[%add3A_225] : memref<12386304xf32, #tpu.memory_space<hbm>> -> memref<13824xf32, #tpu.memory_space<hbm>>
    %dma_wait3A_258 = tpu.memref_slice %arg4[%add3A_225] : memref<12386304xf32, #tpu.memory_space<hbm>> -> memref<13824xf32, #tpu.memory_space<hbm>>
    tpu.wait_dma2 semaphore(%arg20 : memref<!tpu.dma_semaphore, #tpu.memory_space<semaphore_mem>>) src(%dma_wait3A_258 : memref<13824xf32, #tpu.memory_space<hbm>>) dst(%arg12 : memref<13824xf32, #tpu.memory_space<vmem>>)
    %parallel_loop3A_259 = arith.constant 0 : i32
    %parallel_loop3A_260 = arith.constant 13824 : i32
    %parallel_loop3A_261 = arith.constant 16 : i32
    scf.for %parallel_loop3A_516 = %parallel_loop3A_259 to %parallel_loop3A_260 step %parallel_loop3A_261  : i32 {
      %parallel_loop3A_517 = arith.index_cast %parallel_loop3A_516 : i32 to index
      %parallel_loop3A_518 = tpu.vector_load %arg12[%parallel_loop3A_517] {strides = array<i32>} : memref<13824xf32, #tpu.memory_space<vmem>>, vector<16xf32>,
      %parallel_loop3A_519 = vector.shape_cast %parallel_loop3A_518 : vector<16xf32> to vector<16xf32>
      %parallel_loop3A_520 = arith.constant 5.000000e-01 : f32
      %parallel_loop3A_521 = vector.broadcast %parallel_loop3A_520 : f32 to vector<16xf32>
      %parallel_loop3A_522 = arith.cmpf olt, %parallel_loop3A_519, %parallel_loop3A_521 : vector<16xf32>
      %parallel_loop3A_523 = arith.index_cast %parallel_loop3A_516 : i32 to index
      %parallel_loop3A_524 = tpu.vector_load %arg8[%parallel_loop3A_523] {strides = array<i32>} : memref<13824xf32, #tpu.memory_space<vmem>>, vector<16xf32>,
      %parallel_loop3A_525 = vector.shape_cast %parallel_loop3A_524 : vector<16xf32> to vector<16xf32>
      %parallel_loop3A_526 = arith.index_cast %parallel_loop3A_516 : i32 to index
      %parallel_loop3A_527 = tpu.vector_load %arg10[%parallel_loop3A_526] {strides = array<i32>} : memref<13824xf32, #tpu.memory_space<vmem>>, vector<16xf32>,
      %parallel_loop3A_528 = vector.shape_cast %parallel_loop3A_527 : vector<16xf32> to vector<16xf32>
      %parallel_loop3A_529 = arith.select %parallel_loop3A_522, %parallel_loop3A_525, %parallel_loop3A_528 : vector<16xi1>, vector<16xf32>
      %parallel_loop3A_530 = arith.index_cast %parallel_loop3A_516 : i32 to index
      %parallel_loop3A_531 = tpu.vector_load %arg8[%parallel_loop3A_530] {strides = array<i32>} : memref<13824xf32, #tpu.memory_space<vmem>>, vector<16xf32>,
      %parallel_loop3A_532 = vector.shape_cast %parallel_loop3A_531 : vector<16xf32> to vector<16xf32>
      %parallel_loop3A_533 = vector.shape_cast %parallel_loop3A_529 : vector<16xf32> to vector<16xf32>
      tpu.vector_store %arg8[%parallel_loop3A_530], %parallel_loop3A_533 {strides = array<i32>} : memref<13824xf32, #tpu.memory_space<vmem>>, vector<16xf32>,
    } {sc.loop_unroll_factor = 8 : i64, sc.parallel_access}
    %add3A_262 = arith.constant 5750784 : i32
    %add3A_263 = arith.addi %add3A_262, %mul3A_2 : i32
    %dma_start3A_264 = tpu.memref_slice %arg3[%add3A_263] : memref<12386304xf32, #tpu.memory_space<hbm>> -> memref<13824xf32, #tpu.memory_space<hbm>>
    %dma_start3A_265 = tpu.memref_slice %arg3[%add3A_263] : memref<12386304xf32, #tpu.memory_space<hbm>> -> memref<13824xf32, #tpu.memory_space<hbm>>
    tpu.enqueue_dma source(%dma_start3A_265 : memref<13824xf32, #tpu.memory_space<hbm>>) target(%arg10 : memref<13824xf32, #tpu.memory_space<vmem>>) target_semaphore(%arg20 : memref<!tpu.dma_semaphore, #tpu.memory_space<semaphore_mem>>)
    %add3A_266 = arith.constant 5750784 : i32
    %add3A_267 = arith.addi %add3A_266, %mul3A_2 : i32
    %dma_start3A_268 = tpu.memref_slice %arg4[%add3A_267] : memref<12386304xf32, #tpu.memory_space<hbm>> -> memref<13824xf32, #tpu.memory_space<hbm>>
    %dma_start3A_269 = tpu.memref_slice %arg4[%add3A_267] : memref<12386304xf32, #tpu.memory_space<hbm>> -> memref<13824xf32, #tpu.memory_space<hbm>>
    tpu.enqueue_dma source(%dma_start3A_269 : memref<13824xf32, #tpu.memory_space<hbm>>) target(%arg12 : memref<13824xf32, #tpu.memory_space<vmem>>) target_semaphore(%arg20 : memref<!tpu.dma_semaphore, #tpu.memory_space<semaphore_mem>>)
    %dma_wait3A_270 = tpu.memref_slice %arg3[%add3A_248] : memref<12386304xf32, #tpu.memory_space<hbm>> -> memref<13824xf32, #tpu.memory_space<hbm>>
    %dma_wait3A_271 = tpu.memref_slice %arg3[%add3A_248] : memref<12386304xf32, #tpu.memory_space<hbm>> -> memref<13824xf32, #tpu.memory_space<hbm>>
    tpu.wait_dma2 semaphore(%arg19 : memref<!tpu.dma_semaphore, #tpu.memory_space<semaphore_mem>>) src(%dma_wait3A_271 : memref<13824xf32, #tpu.memory_space<hbm>>) dst(%arg9 : memref<13824xf32, #tpu.memory_space<vmem>>)
    %dma_wait3A_272 = tpu.memref_slice %arg4[%add3A_252] : memref<12386304xf32, #tpu.memory_space<hbm>> -> memref<13824xf32, #tpu.memory_space<hbm>>
    %dma_wait3A_273 = tpu.memref_slice %arg4[%add3A_252] : memref<12386304xf32, #tpu.memory_space<hbm>> -> memref<13824xf32, #tpu.memory_space<hbm>>
    tpu.wait_dma2 semaphore(%arg19 : memref<!tpu.dma_semaphore, #tpu.memory_space<semaphore_mem>>) src(%dma_wait3A_273 : memref<13824xf32, #tpu.memory_space<hbm>>) dst(%arg11 : memref<13824xf32, #tpu.memory_space<vmem>>)
    %parallel_loop3A_274 = arith.constant 0 : i32
    %parallel_loop3A_275 = arith.constant 13824 : i32
    %parallel_loop3A_276 = arith.constant 16 : i32
    scf.for %parallel_loop3A_516 = %parallel_loop3A_274 to %parallel_loop3A_275 step %parallel_loop3A_276  : i32 {
      %parallel_loop3A_517 = arith.index_cast %parallel_loop3A_516 : i32 to index
      %parallel_loop3A_518 = tpu.vector_load %arg11[%parallel_loop3A_517] {strides = array<i32>} : memref<13824xf32, #tpu.memory_space<vmem>>, vector<16xf32>,
      %parallel_loop3A_519 = vector.shape_cast %parallel_loop3A_518 : vector<16xf32> to vector<16xf32>
      %parallel_loop3A_520 = arith.constant 5.000000e-01 : f32
      %parallel_loop3A_521 = vector.broadcast %parallel_loop3A_520 : f32 to vector<16xf32>
      %parallel_loop3A_522 = arith.cmpf olt, %parallel_loop3A_519, %parallel_loop3A_521 : vector<16xf32>
      %parallel_loop3A_523 = arith.index_cast %parallel_loop3A_516 : i32 to index
      %parallel_loop3A_524 = tpu.vector_load %arg8[%parallel_loop3A_523] {strides = array<i32>} : memref<13824xf32, #tpu.memory_space<vmem>>, vector<16xf32>,
      %parallel_loop3A_525 = vector.shape_cast %parallel_loop3A_524 : vector<16xf32> to vector<16xf32>
      %parallel_loop3A_526 = arith.index_cast %parallel_loop3A_516 : i32 to index
      %parallel_loop3A_527 = tpu.vector_load %arg9[%parallel_loop3A_526] {strides = array<i32>} : memref<13824xf32, #tpu.memory_space<vmem>>, vector<16xf32>,
      %parallel_loop3A_528 = vector.shape_cast %parallel_loop3A_527 : vector<16xf32> to vector<16xf32>
      %parallel_loop3A_529 = arith.select %parallel_loop3A_522, %parallel_loop3A_525, %parallel_loop3A_528 : vector<16xi1>, vector<16xf32>
      %parallel_loop3A_530 = arith.index_cast %parallel_loop3A_516 : i32 to index
      %parallel_loop3A_531 = tpu.vector_load %arg8[%parallel_loop3A_530] {strides = array<i32>} : memref<13824xf32, #tpu.memory_space<vmem>>, vector<16xf32>,
      %parallel_loop3A_532 = vector.shape_cast %parallel_loop3A_531 : vector<16xf32> to vector<16xf32>
      %parallel_loop3A_533 = vector.shape_cast %parallel_loop3A_529 : vector<16xf32> to vector<16xf32>
      tpu.vector_store %arg8[%parallel_loop3A_530], %parallel_loop3A_533 {strides = array<i32>} : memref<13824xf32, #tpu.memory_space<vmem>>, vector<16xf32>,
    } {sc.loop_unroll_factor = 8 : i64, sc.parallel_access}
    %add3A_277 = arith.constant 6193152 : i32
    %add3A_278 = arith.addi %add3A_277, %mul3A_2 : i32
    %dma_start3A_279 = tpu.memref_slice %arg3[%add3A_278] : memref<12386304xf32, #tpu.memory_space<hbm>> -> memref<13824xf32, #tpu.memory_space<hbm>>
    %dma_start3A_280 = tpu.memref_slice %arg3[%add3A_278] : memref<12386304xf32, #tpu.memory_space<hbm>> -> memref<13824xf32, #tpu.memory_space<hbm>>
    tpu.enqueue_dma source(%dma_start3A_280 : memref<13824xf32, #tpu.memory_space<hbm>>) target(%arg9 : memref<13824xf32, #tpu.memory_space<vmem>>) target_semaphore(%arg19 : memref<!tpu.dma_semaphore, #tpu.memory_space<semaphore_mem>>)
    %add3A_281 = arith.constant 6193152 : i32
    %add3A_282 = arith.addi %add3A_281, %mul3A_2 : i32
    %dma_start3A_283 = tpu.memref_slice %arg4[%add3A_282] : memref<12386304xf32, #tpu.memory_space<hbm>> -> memref<13824xf32, #tpu.memory_space<hbm>>
    %dma_start3A_284 = tpu.memref_slice %arg4[%add3A_282] : memref<12386304xf32, #tpu.memory_space<hbm>> -> memref<13824xf32, #tpu.memory_space<hbm>>
    tpu.enqueue_dma source(%dma_start3A_284 : memref<13824xf32, #tpu.memory_space<hbm>>) target(%arg11 : memref<13824xf32, #tpu.memory_space<vmem>>) target_semaphore(%arg19 : memref<!tpu.dma_semaphore, #tpu.memory_space<semaphore_mem>>)
    %dma_wait3A_285 = tpu.memref_slice %arg3[%add3A_263] : memref<12386304xf32, #tpu.memory_space<hbm>> -> memref<13824xf32, #tpu.memory_space<hbm>>
    %dma_wait3A_286 = tpu.memref_slice %arg3[%add3A_263] : memref<12386304xf32, #tpu.memory_space<hbm>> -> memref<13824xf32, #tpu.memory_space<hbm>>
    tpu.wait_dma2 semaphore(%arg20 : memref<!tpu.dma_semaphore, #tpu.memory_space<semaphore_mem>>) src(%dma_wait3A_286 : memref<13824xf32, #tpu.memory_space<hbm>>) dst(%arg10 : memref<13824xf32, #tpu.memory_space<vmem>>)
    %dma_wait3A_287 = tpu.memref_slice %arg4[%add3A_267] : memref<12386304xf32, #tpu.memory_space<hbm>> -> memref<13824xf32, #tpu.memory_space<hbm>>
    %dma_wait3A_288 = tpu.memref_slice %arg4[%add3A_267] : memref<12386304xf32, #tpu.memory_space<hbm>> -> memref<13824xf32, #tpu.memory_space<hbm>>
    tpu.wait_dma2 semaphore(%arg20 : memref<!tpu.dma_semaphore, #tpu.memory_space<semaphore_mem>>) src(%dma_wait3A_288 : memref<13824xf32, #tpu.memory_space<hbm>>) dst(%arg12 : memref<13824xf32, #tpu.memory_space<vmem>>)
    %parallel_loop3A_289 = arith.constant 0 : i32
    %parallel_loop3A_290 = arith.constant 13824 : i32
    %parallel_loop3A_291 = arith.constant 16 : i32
    scf.for %parallel_loop3A_516 = %parallel_loop3A_289 to %parallel_loop3A_290 step %parallel_loop3A_291  : i32 {
      %parallel_loop3A_517 = arith.index_cast %parallel_loop3A_516 : i32 to index
      %parallel_loop3A_518 = tpu.vector_load %arg12[%parallel_loop3A_517] {strides = array<i32>} : memref<13824xf32, #tpu.memory_space<vmem>>, vector<16xf32>,
      %parallel_loop3A_519 = vector.shape_cast %parallel_loop3A_518 : vector<16xf32> to vector<16xf32>
      %parallel_loop3A_520 = arith.constant 5.000000e-01 : f32
      %parallel_loop3A_521 = vector.broadcast %parallel_loop3A_520 : f32 to vector<16xf32>
      %parallel_loop3A_522 = arith.cmpf olt, %parallel_loop3A_519, %parallel_loop3A_521 : vector<16xf32>
      %parallel_loop3A_523 = arith.index_cast %parallel_loop3A_516 : i32 to index
      %parallel_loop3A_524 = tpu.vector_load %arg8[%parallel_loop3A_523] {strides = array<i32>} : memref<13824xf32, #tpu.memory_space<vmem>>, vector<16xf32>,
      %parallel_loop3A_525 = vector.shape_cast %parallel_loop3A_524 : vector<16xf32> to vector<16xf32>
      %parallel_loop3A_526 = arith.index_cast %parallel_loop3A_516 : i32 to index
      %parallel_loop3A_527 = tpu.vector_load %arg10[%parallel_loop3A_526] {strides = array<i32>} : memref<13824xf32, #tpu.memory_space<vmem>>, vector<16xf32>,
      %parallel_loop3A_528 = vector.shape_cast %parallel_loop3A_527 : vector<16xf32> to vector<16xf32>
      %parallel_loop3A_529 = arith.select %parallel_loop3A_522, %parallel_loop3A_525, %parallel_loop3A_528 : vector<16xi1>, vector<16xf32>
      %parallel_loop3A_530 = arith.index_cast %parallel_loop3A_516 : i32 to index
      %parallel_loop3A_531 = tpu.vector_load %arg8[%parallel_loop3A_530] {strides = array<i32>} : memref<13824xf32, #tpu.memory_space<vmem>>, vector<16xf32>,
      %parallel_loop3A_532 = vector.shape_cast %parallel_loop3A_531 : vector<16xf32> to vector<16xf32>
      %parallel_loop3A_533 = vector.shape_cast %parallel_loop3A_529 : vector<16xf32> to vector<16xf32>
      tpu.vector_store %arg8[%parallel_loop3A_530], %parallel_loop3A_533 {strides = array<i32>} : memref<13824xf32, #tpu.memory_space<vmem>>, vector<16xf32>,
    } {sc.loop_unroll_factor = 8 : i64, sc.parallel_access}
    %add3A_292 = arith.constant 6635520 : i32
    %add3A_293 = arith.addi %add3A_292, %mul3A_2 : i32
    %dma_start3A_294 = tpu.memref_slice %arg3[%add3A_293] : memref<12386304xf32, #tpu.memory_space<hbm>> -> memref<13824xf32, #tpu.memory_space<hbm>>
    %dma_start3A_295 = tpu.memref_slice %arg3[%add3A_293] : memref<12386304xf32, #tpu.memory_space<hbm>> -> memref<13824xf32, #tpu.memory_space<hbm>>
    tpu.enqueue_dma source(%dma_start3A_295 : memref<13824xf32, #tpu.memory_space<hbm>>) target(%arg10 : memref<13824xf32, #tpu.memory_space<vmem>>) target_semaphore(%arg20 : memref<!tpu.dma_semaphore, #tpu.memory_space<semaphore_mem>>)
    %add3A_296 = arith.constant 6635520 : i32
    %add3A_297 = arith.addi %add3A_296, %mul3A_2 : i32
    %dma_start3A_298 = tpu.memref_slice %arg4[%add3A_297] : memref<12386304xf32, #tpu.memory_space<hbm>> -> memref<13824xf32, #tpu.memory_space<hbm>>
    %dma_start3A_299 = tpu.memref_slice %arg4[%add3A_297] : memref<12386304xf32, #tpu.memory_space<hbm>> -> memref<13824xf32, #tpu.memory_space<hbm>>
    tpu.enqueue_dma source(%dma_start3A_299 : memref<13824xf32, #tpu.memory_space<hbm>>) target(%arg12 : memref<13824xf32, #tpu.memory_space<vmem>>) target_semaphore(%arg20 : memref<!tpu.dma_semaphore, #tpu.memory_space<semaphore_mem>>)
    %dma_wait3A_300 = tpu.memref_slice %arg3[%add3A_278] : memref<12386304xf32, #tpu.memory_space<hbm>> -> memref<13824xf32, #tpu.memory_space<hbm>>
    %dma_wait3A_301 = tpu.memref_slice %arg3[%add3A_278] : memref<12386304xf32, #tpu.memory_space<hbm>> -> memref<13824xf32, #tpu.memory_space<hbm>>
    tpu.wait_dma2 semaphore(%arg19 : memref<!tpu.dma_semaphore, #tpu.memory_space<semaphore_mem>>) src(%dma_wait3A_301 : memref<13824xf32, #tpu.memory_space<hbm>>) dst(%arg9 : memref<13824xf32, #tpu.memory_space<vmem>>)
    %dma_wait3A_302 = tpu.memref_slice %arg4[%add3A_282] : memref<12386304xf32, #tpu.memory_space<hbm>> -> memref<13824xf32, #tpu.memory_space<hbm>>
    %dma_wait3A_303 = tpu.memref_slice %arg4[%add3A_282] : memref<12386304xf32, #tpu.memory_space<hbm>> -> memref<13824xf32, #tpu.memory_space<hbm>>
    tpu.wait_dma2 semaphore(%arg19 : memref<!tpu.dma_semaphore, #tpu.memory_space<semaphore_mem>>) src(%dma_wait3A_303 : memref<13824xf32, #tpu.memory_space<hbm>>) dst(%arg11 : memref<13824xf32, #tpu.memory_space<vmem>>)
    %parallel_loop3A_304 = arith.constant 0 : i32
    %parallel_loop3A_305 = arith.constant 13824 : i32
    %parallel_loop3A_306 = arith.constant 16 : i32
    scf.for %parallel_loop3A_516 = %parallel_loop3A_304 to %parallel_loop3A_305 step %parallel_loop3A_306  : i32 {
      %parallel_loop3A_517 = arith.index_cast %parallel_loop3A_516 : i32 to index
      %parallel_loop3A_518 = tpu.vector_load %arg11[%parallel_loop3A_517] {strides = array<i32>} : memref<13824xf32, #tpu.memory_space<vmem>>, vector<16xf32>,
      %parallel_loop3A_519 = vector.shape_cast %parallel_loop3A_518 : vector<16xf32> to vector<16xf32>
      %parallel_loop3A_520 = arith.constant 5.000000e-01 : f32
      %parallel_loop3A_521 = vector.broadcast %parallel_loop3A_520 : f32 to vector<16xf32>
      %parallel_loop3A_522 = arith.cmpf olt, %parallel_loop3A_519, %parallel_loop3A_521 : vector<16xf32>
      %parallel_loop3A_523 = arith.index_cast %parallel_loop3A_516 : i32 to index
      %parallel_loop3A_524 = tpu.vector_load %arg8[%parallel_loop3A_523] {strides = array<i32>} : memref<13824xf32, #tpu.memory_space<vmem>>, vector<16xf32>,
      %parallel_loop3A_525 = vector.shape_cast %parallel_loop3A_524 : vector<16xf32> to vector<16xf32>
      %parallel_loop3A_526 = arith.index_cast %parallel_loop3A_516 : i32 to index
      %parallel_loop3A_527 = tpu.vector_load %arg9[%parallel_loop3A_526] {strides = array<i32>} : memref<13824xf32, #tpu.memory_space<vmem>>, vector<16xf32>,
      %parallel_loop3A_528 = vector.shape_cast %parallel_loop3A_527 : vector<16xf32> to vector<16xf32>
      %parallel_loop3A_529 = arith.select %parallel_loop3A_522, %parallel_loop3A_525, %parallel_loop3A_528 : vector<16xi1>, vector<16xf32>
      %parallel_loop3A_530 = arith.index_cast %parallel_loop3A_516 : i32 to index
      %parallel_loop3A_531 = tpu.vector_load %arg8[%parallel_loop3A_530] {strides = array<i32>} : memref<13824xf32, #tpu.memory_space<vmem>>, vector<16xf32>,
      %parallel_loop3A_532 = vector.shape_cast %parallel_loop3A_531 : vector<16xf32> to vector<16xf32>
      %parallel_loop3A_533 = vector.shape_cast %parallel_loop3A_529 : vector<16xf32> to vector<16xf32>
      tpu.vector_store %arg8[%parallel_loop3A_530], %parallel_loop3A_533 {strides = array<i32>} : memref<13824xf32, #tpu.memory_space<vmem>>, vector<16xf32>,
    } {sc.loop_unroll_factor = 8 : i64, sc.parallel_access}
    %add3A_307 = arith.constant 7077888 : i32
    %add3A_308 = arith.addi %add3A_307, %mul3A_2 : i32
    %dma_start3A_309 = tpu.memref_slice %arg3[%add3A_308] : memref<12386304xf32, #tpu.memory_space<hbm>> -> memref<13824xf32, #tpu.memory_space<hbm>>
    %dma_start3A_310 = tpu.memref_slice %arg3[%add3A_308] : memref<12386304xf32, #tpu.memory_space<hbm>> -> memref<13824xf32, #tpu.memory_space<hbm>>
    tpu.enqueue_dma source(%dma_start3A_310 : memref<13824xf32, #tpu.memory_space<hbm>>) target(%arg9 : memref<13824xf32, #tpu.memory_space<vmem>>) target_semaphore(%arg19 : memref<!tpu.dma_semaphore, #tpu.memory_space<semaphore_mem>>)
    %add3A_311 = arith.constant 7077888 : i32
    %add3A_312 = arith.addi %add3A_311, %mul3A_2 : i32
    %dma_start3A_313 = tpu.memref_slice %arg4[%add3A_312] : memref<12386304xf32, #tpu.memory_space<hbm>> -> memref<13824xf32, #tpu.memory_space<hbm>>
    %dma_start3A_314 = tpu.memref_slice %arg4[%add3A_312] : memref<12386304xf32, #tpu.memory_space<hbm>> -> memref<13824xf32, #tpu.memory_space<hbm>>
    tpu.enqueue_dma source(%dma_start3A_314 : memref<13824xf32, #tpu.memory_space<hbm>>) target(%arg11 : memref<13824xf32, #tpu.memory_space<vmem>>) target_semaphore(%arg19 : memref<!tpu.dma_semaphore, #tpu.memory_space<semaphore_mem>>)
    %add3A_315 = arith.constant 2211840 : i32
    %add3A_316 = arith.addi %add3A_315, %mul3A_2 : i32
    %dma_start3A_317 = tpu.memref_slice %arg5[%add3A_316] : memref<3538944xf32, #tpu.memory_space<hbm>> -> memref<13824xf32, #tpu.memory_space<hbm>>
    %dma_start3A_318 = tpu.memref_slice %arg5[%add3A_316] : memref<3538944xf32, #tpu.memory_space<hbm>> -> memref<13824xf32, #tpu.memory_space<hbm>>
    tpu.enqueue_dma source(%arg8 : memref<13824xf32, #tpu.memory_space<vmem>>) target(%dma_start3A_318 : memref<13824xf32, #tpu.memory_space<hbm>>) target_semaphore(%arg18 : memref<!tpu.dma_semaphore, #tpu.memory_space<semaphore_mem>>)
    %dma_wait3A_319 = tpu.memref_slice %arg2[%add3A_163] : memref<3538944xf32, #tpu.memory_space<hbm>> -> memref<13824xf32, #tpu.memory_space<hbm>>
    %dma_wait3A_320 = tpu.memref_slice %arg2[%add3A_163] : memref<3538944xf32, #tpu.memory_space<hbm>> -> memref<13824xf32, #tpu.memory_space<hbm>>
    tpu.wait_dma2 semaphore(%arg13 : memref<!tpu.dma_semaphore, #tpu.memory_space<semaphore_mem>>) src(%dma_wait3A_320 : memref<13824xf32, #tpu.memory_space<hbm>>) dst(%arg6 : memref<13824xf32, #tpu.memory_space<vmem>>)
    %dma_wait3A_321 = tpu.memref_slice %arg3[%add3A_293] : memref<12386304xf32, #tpu.memory_space<hbm>> -> memref<13824xf32, #tpu.memory_space<hbm>>
    %dma_wait3A_322 = tpu.memref_slice %arg3[%add3A_293] : memref<12386304xf32, #tpu.memory_space<hbm>> -> memref<13824xf32, #tpu.memory_space<hbm>>
    tpu.wait_dma2 semaphore(%arg20 : memref<!tpu.dma_semaphore, #tpu.memory_space<semaphore_mem>>) src(%dma_wait3A_322 : memref<13824xf32, #tpu.memory_space<hbm>>) dst(%arg10 : memref<13824xf32, #tpu.memory_space<vmem>>)
    %dma_wait3A_323 = tpu.memref_slice %arg4[%add3A_297] : memref<12386304xf32, #tpu.memory_space<hbm>> -> memref<13824xf32, #tpu.memory_space<hbm>>
    %dma_wait3A_324 = tpu.memref_slice %arg4[%add3A_297] : memref<12386304xf32, #tpu.memory_space<hbm>> -> memref<13824xf32, #tpu.memory_space<hbm>>
    tpu.wait_dma2 semaphore(%arg20 : memref<!tpu.dma_semaphore, #tpu.memory_space<semaphore_mem>>) src(%dma_wait3A_324 : memref<13824xf32, #tpu.memory_space<hbm>>) dst(%arg12 : memref<13824xf32, #tpu.memory_space<vmem>>)
    %parallel_loop3A_325 = arith.constant 0 : i32
    %parallel_loop3A_326 = arith.constant 13824 : i32
    %parallel_loop3A_327 = arith.constant 16 : i32
    scf.for %parallel_loop3A_516 = %parallel_loop3A_325 to %parallel_loop3A_326 step %parallel_loop3A_327  : i32 {
      %parallel_loop3A_517 = arith.index_cast %parallel_loop3A_516 : i32 to index
      %parallel_loop3A_518 = tpu.vector_load %arg12[%parallel_loop3A_517] {strides = array<i32>} : memref<13824xf32, #tpu.memory_space<vmem>>, vector<16xf32>,
      %parallel_loop3A_519 = vector.shape_cast %parallel_loop3A_518 : vector<16xf32> to vector<16xf32>
      %parallel_loop3A_520 = arith.constant 5.000000e-01 : f32
      %parallel_loop3A_521 = vector.broadcast %parallel_loop3A_520 : f32 to vector<16xf32>
      %parallel_loop3A_522 = arith.cmpf olt, %parallel_loop3A_519, %parallel_loop3A_521 : vector<16xf32>
      %parallel_loop3A_523 = arith.index_cast %parallel_loop3A_516 : i32 to index
      %parallel_loop3A_524 = tpu.vector_load %arg6[%parallel_loop3A_523] {strides = array<i32>} : memref<13824xf32, #tpu.memory_space<vmem>>, vector<16xf32>,
      %parallel_loop3A_525 = vector.shape_cast %parallel_loop3A_524 : vector<16xf32> to vector<16xf32>
      %parallel_loop3A_526 = arith.index_cast %parallel_loop3A_516 : i32 to index
      %parallel_loop3A_527 = tpu.vector_load %arg10[%parallel_loop3A_526] {strides = array<i32>} : memref<13824xf32, #tpu.memory_space<vmem>>, vector<16xf32>,
      %parallel_loop3A_528 = vector.shape_cast %parallel_loop3A_527 : vector<16xf32> to vector<16xf32>
      %parallel_loop3A_529 = arith.select %parallel_loop3A_522, %parallel_loop3A_525, %parallel_loop3A_528 : vector<16xi1>, vector<16xf32>
      %parallel_loop3A_530 = arith.index_cast %parallel_loop3A_516 : i32 to index
      %parallel_loop3A_531 = tpu.vector_load %arg6[%parallel_loop3A_530] {strides = array<i32>} : memref<13824xf32, #tpu.memory_space<vmem>>, vector<16xf32>,
      %parallel_loop3A_532 = vector.shape_cast %parallel_loop3A_531 : vector<16xf32> to vector<16xf32>
      %parallel_loop3A_533 = vector.shape_cast %parallel_loop3A_529 : vector<16xf32> to vector<16xf32>
      tpu.vector_store %arg6[%parallel_loop3A_530], %parallel_loop3A_533 {strides = array<i32>} : memref<13824xf32, #tpu.memory_space<vmem>>, vector<16xf32>,
    } {sc.loop_unroll_factor = 8 : i64, sc.parallel_access}
    %add3A_328 = arith.constant 7520256 : i32
    %add3A_329 = arith.addi %add3A_328, %mul3A_2 : i32
    %dma_start3A_330 = tpu.memref_slice %arg3[%add3A_329] : memref<12386304xf32, #tpu.memory_space<hbm>> -> memref<13824xf32, #tpu.memory_space<hbm>>
    %dma_start3A_331 = tpu.memref_slice %arg3[%add3A_329] : memref<12386304xf32, #tpu.memory_space<hbm>> -> memref<13824xf32, #tpu.memory_space<hbm>>
    tpu.enqueue_dma source(%dma_start3A_331 : memref<13824xf32, #tpu.memory_space<hbm>>) target(%arg10 : memref<13824xf32, #tpu.memory_space<vmem>>) target_semaphore(%arg20 : memref<!tpu.dma_semaphore, #tpu.memory_space<semaphore_mem>>)
    %add3A_332 = arith.constant 7520256 : i32
    %add3A_333 = arith.addi %add3A_332, %mul3A_2 : i32
    %dma_start3A_334 = tpu.memref_slice %arg4[%add3A_333] : memref<12386304xf32, #tpu.memory_space<hbm>> -> memref<13824xf32, #tpu.memory_space<hbm>>
    %dma_start3A_335 = tpu.memref_slice %arg4[%add3A_333] : memref<12386304xf32, #tpu.memory_space<hbm>> -> memref<13824xf32, #tpu.memory_space<hbm>>
    tpu.enqueue_dma source(%dma_start3A_335 : memref<13824xf32, #tpu.memory_space<hbm>>) target(%arg12 : memref<13824xf32, #tpu.memory_space<vmem>>) target_semaphore(%arg20 : memref<!tpu.dma_semaphore, #tpu.memory_space<semaphore_mem>>)
    %dma_wait3A_336 = tpu.memref_slice %arg3[%add3A_308] : memref<12386304xf32, #tpu.memory_space<hbm>> -> memref<13824xf32, #tpu.memory_space<hbm>>
    %dma_wait3A_337 = tpu.memref_slice %arg3[%add3A_308] : memref<12386304xf32, #tpu.memory_space<hbm>> -> memref<13824xf32, #tpu.memory_space<hbm>>
    tpu.wait_dma2 semaphore(%arg19 : memref<!tpu.dma_semaphore, #tpu.memory_space<semaphore_mem>>) src(%dma_wait3A_337 : memref<13824xf32, #tpu.memory_space<hbm>>) dst(%arg9 : memref<13824xf32, #tpu.memory_space<vmem>>)
    %dma_wait3A_338 = tpu.memref_slice %arg4[%add3A_312] : memref<12386304xf32, #tpu.memory_space<hbm>> -> memref<13824xf32, #tpu.memory_space<hbm>>
    %dma_wait3A_339 = tpu.memref_slice %arg4[%add3A_312] : memref<12386304xf32, #tpu.memory_space<hbm>> -> memref<13824xf32, #tpu.memory_space<hbm>>
    tpu.wait_dma2 semaphore(%arg19 : memref<!tpu.dma_semaphore, #tpu.memory_space<semaphore_mem>>) src(%dma_wait3A_339 : memref<13824xf32, #tpu.memory_space<hbm>>) dst(%arg11 : memref<13824xf32, #tpu.memory_space<vmem>>)
    %parallel_loop3A_340 = arith.constant 0 : i32
    %parallel_loop3A_341 = arith.constant 13824 : i32
    %parallel_loop3A_342 = arith.constant 16 : i32
    scf.for %parallel_loop3A_516 = %parallel_loop3A_340 to %parallel_loop3A_341 step %parallel_loop3A_342  : i32 {
      %parallel_loop3A_517 = arith.index_cast %parallel_loop3A_516 : i32 to index
      %parallel_loop3A_518 = tpu.vector_load %arg11[%parallel_loop3A_517] {strides = array<i32>} : memref<13824xf32, #tpu.memory_space<vmem>>, vector<16xf32>,
      %parallel_loop3A_519 = vector.shape_cast %parallel_loop3A_518 : vector<16xf32> to vector<16xf32>
      %parallel_loop3A_520 = arith.constant 5.000000e-01 : f32
      %parallel_loop3A_521 = vector.broadcast %parallel_loop3A_520 : f32 to vector<16xf32>
      %parallel_loop3A_522 = arith.cmpf olt, %parallel_loop3A_519, %parallel_loop3A_521 : vector<16xf32>
      %parallel_loop3A_523 = arith.index_cast %parallel_loop3A_516 : i32 to index
      %parallel_loop3A_524 = tpu.vector_load %arg6[%parallel_loop3A_523] {strides = array<i32>} : memref<13824xf32, #tpu.memory_space<vmem>>, vector<16xf32>,
      %parallel_loop3A_525 = vector.shape_cast %parallel_loop3A_524 : vector<16xf32> to vector<16xf32>
      %parallel_loop3A_526 = arith.index_cast %parallel_loop3A_516 : i32 to index
      %parallel_loop3A_527 = tpu.vector_load %arg9[%parallel_loop3A_526] {strides = array<i32>} : memref<13824xf32, #tpu.memory_space<vmem>>, vector<16xf32>,
      %parallel_loop3A_528 = vector.shape_cast %parallel_loop3A_527 : vector<16xf32> to vector<16xf32>
      %parallel_loop3A_529 = arith.select %parallel_loop3A_522, %parallel_loop3A_525, %parallel_loop3A_528 : vector<16xi1>, vector<16xf32>
      %parallel_loop3A_530 = arith.index_cast %parallel_loop3A_516 : i32 to index
      %parallel_loop3A_531 = tpu.vector_load %arg6[%parallel_loop3A_530] {strides = array<i32>} : memref<13824xf32, #tpu.memory_space<vmem>>, vector<16xf32>,
      %parallel_loop3A_532 = vector.shape_cast %parallel_loop3A_531 : vector<16xf32> to vector<16xf32>
      %parallel_loop3A_533 = vector.shape_cast %parallel_loop3A_529 : vector<16xf32> to vector<16xf32>
      tpu.vector_store %arg6[%parallel_loop3A_530], %parallel_loop3A_533 {strides = array<i32>} : memref<13824xf32, #tpu.memory_space<vmem>>, vector<16xf32>,
    } {sc.loop_unroll_factor = 8 : i64, sc.parallel_access}
    %add3A_343 = arith.constant 7962624 : i32
    %add3A_344 = arith.addi %add3A_343, %mul3A_2 : i32
    %dma_start3A_345 = tpu.memref_slice %arg3[%add3A_344] : memref<12386304xf32, #tpu.memory_space<hbm>> -> memref<13824xf32, #tpu.memory_space<hbm>>
    %dma_start3A_346 = tpu.memref_slice %arg3[%add3A_344] : memref<12386304xf32, #tpu.memory_space<hbm>> -> memref<13824xf32, #tpu.memory_space<hbm>>
    tpu.enqueue_dma source(%dma_start3A_346 : memref<13824xf32, #tpu.memory_space<hbm>>) target(%arg9 : memref<13824xf32, #tpu.memory_space<vmem>>) target_semaphore(%arg19 : memref<!tpu.dma_semaphore, #tpu.memory_space<semaphore_mem>>)
    %add3A_347 = arith.constant 7962624 : i32
    %add3A_348 = arith.addi %add3A_347, %mul3A_2 : i32
    %dma_start3A_349 = tpu.memref_slice %arg4[%add3A_348] : memref<12386304xf32, #tpu.memory_space<hbm>> -> memref<13824xf32, #tpu.memory_space<hbm>>
    %dma_start3A_350 = tpu.memref_slice %arg4[%add3A_348] : memref<12386304xf32, #tpu.memory_space<hbm>> -> memref<13824xf32, #tpu.memory_space<hbm>>
    tpu.enqueue_dma source(%dma_start3A_350 : memref<13824xf32, #tpu.memory_space<hbm>>) target(%arg11 : memref<13824xf32, #tpu.memory_space<vmem>>) target_semaphore(%arg19 : memref<!tpu.dma_semaphore, #tpu.memory_space<semaphore_mem>>)
    %dma_wait3A_351 = tpu.memref_slice %arg3[%add3A_329] : memref<12386304xf32, #tpu.memory_space<hbm>> -> memref<13824xf32, #tpu.memory_space<hbm>>
    %dma_wait3A_352 = tpu.memref_slice %arg3[%add3A_329] : memref<12386304xf32, #tpu.memory_space<hbm>> -> memref<13824xf32, #tpu.memory_space<hbm>>
    tpu.wait_dma2 semaphore(%arg20 : memref<!tpu.dma_semaphore, #tpu.memory_space<semaphore_mem>>) src(%dma_wait3A_352 : memref<13824xf32, #tpu.memory_space<hbm>>) dst(%arg10 : memref<13824xf32, #tpu.memory_space<vmem>>)
    %dma_wait3A_353 = tpu.memref_slice %arg4[%add3A_333] : memref<12386304xf32, #tpu.memory_space<hbm>> -> memref<13824xf32, #tpu.memory_space<hbm>>
    %dma_wait3A_354 = tpu.memref_slice %arg4[%add3A_333] : memref<12386304xf32, #tpu.memory_space<hbm>> -> memref<13824xf32, #tpu.memory_space<hbm>>
    tpu.wait_dma2 semaphore(%arg20 : memref<!tpu.dma_semaphore, #tpu.memory_space<semaphore_mem>>) src(%dma_wait3A_354 : memref<13824xf32, #tpu.memory_space<hbm>>) dst(%arg12 : memref<13824xf32, #tpu.memory_space<vmem>>)
    %parallel_loop3A_355 = arith.constant 0 : i32
    %parallel_loop3A_356 = arith.constant 13824 : i32
    %parallel_loop3A_357 = arith.constant 16 : i32
    scf.for %parallel_loop3A_516 = %parallel_loop3A_355 to %parallel_loop3A_356 step %parallel_loop3A_357  : i32 {
      %parallel_loop3A_517 = arith.index_cast %parallel_loop3A_516 : i32 to index
      %parallel_loop3A_518 = tpu.vector_load %arg12[%parallel_loop3A_517] {strides = array<i32>} : memref<13824xf32, #tpu.memory_space<vmem>>, vector<16xf32>,
      %parallel_loop3A_519 = vector.shape_cast %parallel_loop3A_518 : vector<16xf32> to vector<16xf32>
      %parallel_loop3A_520 = arith.constant 5.000000e-01 : f32
      %parallel_loop3A_521 = vector.broadcast %parallel_loop3A_520 : f32 to vector<16xf32>
      %parallel_loop3A_522 = arith.cmpf olt, %parallel_loop3A_519, %parallel_loop3A_521 : vector<16xf32>
      %parallel_loop3A_523 = arith.index_cast %parallel_loop3A_516 : i32 to index
      %parallel_loop3A_524 = tpu.vector_load %arg6[%parallel_loop3A_523] {strides = array<i32>} : memref<13824xf32, #tpu.memory_space<vmem>>, vector<16xf32>,
      %parallel_loop3A_525 = vector.shape_cast %parallel_loop3A_524 : vector<16xf32> to vector<16xf32>
      %parallel_loop3A_526 = arith.index_cast %parallel_loop3A_516 : i32 to index
      %parallel_loop3A_527 = tpu.vector_load %arg10[%parallel_loop3A_526] {strides = array<i32>} : memref<13824xf32, #tpu.memory_space<vmem>>, vector<16xf32>,
      %parallel_loop3A_528 = vector.shape_cast %parallel_loop3A_527 : vector<16xf32> to vector<16xf32>
      %parallel_loop3A_529 = arith.select %parallel_loop3A_522, %parallel_loop3A_525, %parallel_loop3A_528 : vector<16xi1>, vector<16xf32>
      %parallel_loop3A_530 = arith.index_cast %parallel_loop3A_516 : i32 to index
      %parallel_loop3A_531 = tpu.vector_load %arg6[%parallel_loop3A_530] {strides = array<i32>} : memref<13824xf32, #tpu.memory_space<vmem>>, vector<16xf32>,
      %parallel_loop3A_532 = vector.shape_cast %parallel_loop3A_531 : vector<16xf32> to vector<16xf32>
      %parallel_loop3A_533 = vector.shape_cast %parallel_loop3A_529 : vector<16xf32> to vector<16xf32>
      tpu.vector_store %arg6[%parallel_loop3A_530], %parallel_loop3A_533 {strides = array<i32>} : memref<13824xf32, #tpu.memory_space<vmem>>, vector<16xf32>,
    } {sc.loop_unroll_factor = 8 : i64, sc.parallel_access}
    %add3A_358 = arith.constant 8404992 : i32
    %add3A_359 = arith.addi %add3A_358, %mul3A_2 : i32
    %dma_start3A_360 = tpu.memref_slice %arg3[%add3A_359] : memref<12386304xf32, #tpu.memory_space<hbm>> -> memref<13824xf32, #tpu.memory_space<hbm>>
    %dma_start3A_361 = tpu.memref_slice %arg3[%add3A_359] : memref<12386304xf32, #tpu.memory_space<hbm>> -> memref<13824xf32, #tpu.memory_space<hbm>>
    tpu.enqueue_dma source(%dma_start3A_361 : memref<13824xf32, #tpu.memory_space<hbm>>) target(%arg10 : memref<13824xf32, #tpu.memory_space<vmem>>) target_semaphore(%arg20 : memref<!tpu.dma_semaphore, #tpu.memory_space<semaphore_mem>>)
    %add3A_362 = arith.constant 8404992 : i32
    %add3A_363 = arith.addi %add3A_362, %mul3A_2 : i32
    %dma_start3A_364 = tpu.memref_slice %arg4[%add3A_363] : memref<12386304xf32, #tpu.memory_space<hbm>> -> memref<13824xf32, #tpu.memory_space<hbm>>
    %dma_start3A_365 = tpu.memref_slice %arg4[%add3A_363] : memref<12386304xf32, #tpu.memory_space<hbm>> -> memref<13824xf32, #tpu.memory_space<hbm>>
    tpu.enqueue_dma source(%dma_start3A_365 : memref<13824xf32, #tpu.memory_space<hbm>>) target(%arg12 : memref<13824xf32, #tpu.memory_space<vmem>>) target_semaphore(%arg20 : memref<!tpu.dma_semaphore, #tpu.memory_space<semaphore_mem>>)
    %dma_wait3A_366 = tpu.memref_slice %arg3[%add3A_344] : memref<12386304xf32, #tpu.memory_space<hbm>> -> memref<13824xf32, #tpu.memory_space<hbm>>
    %dma_wait3A_367 = tpu.memref_slice %arg3[%add3A_344] : memref<12386304xf32, #tpu.memory_space<hbm>> -> memref<13824xf32, #tpu.memory_space<hbm>>
    tpu.wait_dma2 semaphore(%arg19 : memref<!tpu.dma_semaphore, #tpu.memory_space<semaphore_mem>>) src(%dma_wait3A_367 : memref<13824xf32, #tpu.memory_space<hbm>>) dst(%arg9 : memref<13824xf32, #tpu.memory_space<vmem>>)
    %dma_wait3A_368 = tpu.memref_slice %arg4[%add3A_348] : memref<12386304xf32, #tpu.memory_space<hbm>> -> memref<13824xf32, #tpu.memory_space<hbm>>
    %dma_wait3A_369 = tpu.memref_slice %arg4[%add3A_348] : memref<12386304xf32, #tpu.memory_space<hbm>> -> memref<13824xf32, #tpu.memory_space<hbm>>
    tpu.wait_dma2 semaphore(%arg19 : memref<!tpu.dma_semaphore, #tpu.memory_space<semaphore_mem>>) src(%dma_wait3A_369 : memref<13824xf32, #tpu.memory_space<hbm>>) dst(%arg11 : memref<13824xf32, #tpu.memory_space<vmem>>)
    %parallel_loop3A_370 = arith.constant 0 : i32
    %parallel_loop3A_371 = arith.constant 13824 : i32
    %parallel_loop3A_372 = arith.constant 16 : i32
    scf.for %parallel_loop3A_516 = %parallel_loop3A_370 to %parallel_loop3A_371 step %parallel_loop3A_372  : i32 {
      %parallel_loop3A_517 = arith.index_cast %parallel_loop3A_516 : i32 to index
      %parallel_loop3A_518 = tpu.vector_load %arg11[%parallel_loop3A_517] {strides = array<i32>} : memref<13824xf32, #tpu.memory_space<vmem>>, vector<16xf32>,
      %parallel_loop3A_519 = vector.shape_cast %parallel_loop3A_518 : vector<16xf32> to vector<16xf32>
      %parallel_loop3A_520 = arith.constant 5.000000e-01 : f32
      %parallel_loop3A_521 = vector.broadcast %parallel_loop3A_520 : f32 to vector<16xf32>
      %parallel_loop3A_522 = arith.cmpf olt, %parallel_loop3A_519, %parallel_loop3A_521 : vector<16xf32>
      %parallel_loop3A_523 = arith.index_cast %parallel_loop3A_516 : i32 to index
      %parallel_loop3A_524 = tpu.vector_load %arg6[%parallel_loop3A_523] {strides = array<i32>} : memref<13824xf32, #tpu.memory_space<vmem>>, vector<16xf32>,
      %parallel_loop3A_525 = vector.shape_cast %parallel_loop3A_524 : vector<16xf32> to vector<16xf32>
      %parallel_loop3A_526 = arith.index_cast %parallel_loop3A_516 : i32 to index
      %parallel_loop3A_527 = tpu.vector_load %arg9[%parallel_loop3A_526] {strides = array<i32>} : memref<13824xf32, #tpu.memory_space<vmem>>, vector<16xf32>,
      %parallel_loop3A_528 = vector.shape_cast %parallel_loop3A_527 : vector<16xf32> to vector<16xf32>
      %parallel_loop3A_529 = arith.select %parallel_loop3A_522, %parallel_loop3A_525, %parallel_loop3A_528 : vector<16xi1>, vector<16xf32>
      %parallel_loop3A_530 = arith.index_cast %parallel_loop3A_516 : i32 to index
      %parallel_loop3A_531 = tpu.vector_load %arg6[%parallel_loop3A_530] {strides = array<i32>} : memref<13824xf32, #tpu.memory_space<vmem>>, vector<16xf32>,
      %parallel_loop3A_532 = vector.shape_cast %parallel_loop3A_531 : vector<16xf32> to vector<16xf32>
      %parallel_loop3A_533 = vector.shape_cast %parallel_loop3A_529 : vector<16xf32> to vector<16xf32>
      tpu.vector_store %arg6[%parallel_loop3A_530], %parallel_loop3A_533 {strides = array<i32>} : memref<13824xf32, #tpu.memory_space<vmem>>, vector<16xf32>,
    } {sc.loop_unroll_factor = 8 : i64, sc.parallel_access}
    %add3A_373 = arith.constant 8847360 : i32
    %add3A_374 = arith.addi %add3A_373, %mul3A_2 : i32
    %dma_start3A_375 = tpu.memref_slice %arg3[%add3A_374] : memref<12386304xf32, #tpu.memory_space<hbm>> -> memref<13824xf32, #tpu.memory_space<hbm>>
    %dma_start3A_376 = tpu.memref_slice %arg3[%add3A_374] : memref<12386304xf32, #tpu.memory_space<hbm>> -> memref<13824xf32, #tpu.memory_space<hbm>>
    tpu.enqueue_dma source(%dma_start3A_376 : memref<13824xf32, #tpu.memory_space<hbm>>) target(%arg9 : memref<13824xf32, #tpu.memory_space<vmem>>) target_semaphore(%arg19 : memref<!tpu.dma_semaphore, #tpu.memory_space<semaphore_mem>>)
    %add3A_377 = arith.constant 8847360 : i32
    %add3A_378 = arith.addi %add3A_377, %mul3A_2 : i32
    %dma_start3A_379 = tpu.memref_slice %arg4[%add3A_378] : memref<12386304xf32, #tpu.memory_space<hbm>> -> memref<13824xf32, #tpu.memory_space<hbm>>
    %dma_start3A_380 = tpu.memref_slice %arg4[%add3A_378] : memref<12386304xf32, #tpu.memory_space<hbm>> -> memref<13824xf32, #tpu.memory_space<hbm>>
    tpu.enqueue_dma source(%dma_start3A_380 : memref<13824xf32, #tpu.memory_space<hbm>>) target(%arg11 : memref<13824xf32, #tpu.memory_space<vmem>>) target_semaphore(%arg19 : memref<!tpu.dma_semaphore, #tpu.memory_space<semaphore_mem>>)
    %dma_wait3A_381 = tpu.memref_slice %arg3[%add3A_359] : memref<12386304xf32, #tpu.memory_space<hbm>> -> memref<13824xf32, #tpu.memory_space<hbm>>
    %dma_wait3A_382 = tpu.memref_slice %arg3[%add3A_359] : memref<12386304xf32, #tpu.memory_space<hbm>> -> memref<13824xf32, #tpu.memory_space<hbm>>
    tpu.wait_dma2 semaphore(%arg20 : memref<!tpu.dma_semaphore, #tpu.memory_space<semaphore_mem>>) src(%dma_wait3A_382 : memref<13824xf32, #tpu.memory_space<hbm>>) dst(%arg10 : memref<13824xf32, #tpu.memory_space<vmem>>)
    %dma_wait3A_383 = tpu.memref_slice %arg4[%add3A_363] : memref<12386304xf32, #tpu.memory_space<hbm>> -> memref<13824xf32, #tpu.memory_space<hbm>>
    %dma_wait3A_384 = tpu.memref_slice %arg4[%add3A_363] : memref<12386304xf32, #tpu.memory_space<hbm>> -> memref<13824xf32, #tpu.memory_space<hbm>>
    tpu.wait_dma2 semaphore(%arg20 : memref<!tpu.dma_semaphore, #tpu.memory_space<semaphore_mem>>) src(%dma_wait3A_384 : memref<13824xf32, #tpu.memory_space<hbm>>) dst(%arg12 : memref<13824xf32, #tpu.memory_space<vmem>>)
    %parallel_loop3A_385 = arith.constant 0 : i32
    %parallel_loop3A_386 = arith.constant 13824 : i32
    %parallel_loop3A_387 = arith.constant 16 : i32
    scf.for %parallel_loop3A_516 = %parallel_loop3A_385 to %parallel_loop3A_386 step %parallel_loop3A_387  : i32 {
      %parallel_loop3A_517 = arith.index_cast %parallel_loop3A_516 : i32 to index
      %parallel_loop3A_518 = tpu.vector_load %arg12[%parallel_loop3A_517] {strides = array<i32>} : memref<13824xf32, #tpu.memory_space<vmem>>, vector<16xf32>,
      %parallel_loop3A_519 = vector.shape_cast %parallel_loop3A_518 : vector<16xf32> to vector<16xf32>
      %parallel_loop3A_520 = arith.constant 5.000000e-01 : f32
      %parallel_loop3A_521 = vector.broadcast %parallel_loop3A_520 : f32 to vector<16xf32>
      %parallel_loop3A_522 = arith.cmpf olt, %parallel_loop3A_519, %parallel_loop3A_521 : vector<16xf32>
      %parallel_loop3A_523 = arith.index_cast %parallel_loop3A_516 : i32 to index
      %parallel_loop3A_524 = tpu.vector_load %arg6[%parallel_loop3A_523] {strides = array<i32>} : memref<13824xf32, #tpu.memory_space<vmem>>, vector<16xf32>,
      %parallel_loop3A_525 = vector.shape_cast %parallel_loop3A_524 : vector<16xf32> to vector<16xf32>
      %parallel_loop3A_526 = arith.index_cast %parallel_loop3A_516 : i32 to index
      %parallel_loop3A_527 = tpu.vector_load %arg10[%parallel_loop3A_526] {strides = array<i32>} : memref<13824xf32, #tpu.memory_space<vmem>>, vector<16xf32>,
      %parallel_loop3A_528 = vector.shape_cast %parallel_loop3A_527 : vector<16xf32> to vector<16xf32>
      %parallel_loop3A_529 = arith.select %parallel_loop3A_522, %parallel_loop3A_525, %parallel_loop3A_528 : vector<16xi1>, vector<16xf32>
      %parallel_loop3A_530 = arith.index_cast %parallel_loop3A_516 : i32 to index
      %parallel_loop3A_531 = tpu.vector_load %arg6[%parallel_loop3A_530] {strides = array<i32>} : memref<13824xf32, #tpu.memory_space<vmem>>, vector<16xf32>,
      %parallel_loop3A_532 = vector.shape_cast %parallel_loop3A_531 : vector<16xf32> to vector<16xf32>
      %parallel_loop3A_533 = vector.shape_cast %parallel_loop3A_529 : vector<16xf32> to vector<16xf32>
      tpu.vector_store %arg6[%parallel_loop3A_530], %parallel_loop3A_533 {strides = array<i32>} : memref<13824xf32, #tpu.memory_space<vmem>>, vector<16xf32>,
    } {sc.loop_unroll_factor = 8 : i64, sc.parallel_access}
    %add3A_388 = arith.constant 9289728 : i32
    %add3A_389 = arith.addi %add3A_388, %mul3A_2 : i32
    %dma_start3A_390 = tpu.memref_slice %arg3[%add3A_389] : memref<12386304xf32, #tpu.memory_space<hbm>> -> memref<13824xf32, #tpu.memory_space<hbm>>
    %dma_start3A_391 = tpu.memref_slice %arg3[%add3A_389] : memref<12386304xf32, #tpu.memory_space<hbm>> -> memref<13824xf32, #tpu.memory_space<hbm>>
    tpu.enqueue_dma source(%dma_start3A_391 : memref<13824xf32, #tpu.memory_space<hbm>>) target(%arg10 : memref<13824xf32, #tpu.memory_space<vmem>>) target_semaphore(%arg20 : memref<!tpu.dma_semaphore, #tpu.memory_space<semaphore_mem>>)
    %add3A_392 = arith.constant 9289728 : i32
    %add3A_393 = arith.addi %add3A_392, %mul3A_2 : i32
    %dma_start3A_394 = tpu.memref_slice %arg4[%add3A_393] : memref<12386304xf32, #tpu.memory_space<hbm>> -> memref<13824xf32, #tpu.memory_space<hbm>>
    %dma_start3A_395 = tpu.memref_slice %arg4[%add3A_393] : memref<12386304xf32, #tpu.memory_space<hbm>> -> memref<13824xf32, #tpu.memory_space<hbm>>
    tpu.enqueue_dma source(%dma_start3A_395 : memref<13824xf32, #tpu.memory_space<hbm>>) target(%arg12 : memref<13824xf32, #tpu.memory_space<vmem>>) target_semaphore(%arg20 : memref<!tpu.dma_semaphore, #tpu.memory_space<semaphore_mem>>)
    %dma_wait3A_396 = tpu.memref_slice %arg3[%add3A_374] : memref<12386304xf32, #tpu.memory_space<hbm>> -> memref<13824xf32, #tpu.memory_space<hbm>>
    %dma_wait3A_397 = tpu.memref_slice %arg3[%add3A_374] : memref<12386304xf32, #tpu.memory_space<hbm>> -> memref<13824xf32, #tpu.memory_space<hbm>>
    tpu.wait_dma2 semaphore(%arg19 : memref<!tpu.dma_semaphore, #tpu.memory_space<semaphore_mem>>) src(%dma_wait3A_397 : memref<13824xf32, #tpu.memory_space<hbm>>) dst(%arg9 : memref<13824xf32, #tpu.memory_space<vmem>>)
    %dma_wait3A_398 = tpu.memref_slice %arg4[%add3A_378] : memref<12386304xf32, #tpu.memory_space<hbm>> -> memref<13824xf32, #tpu.memory_space<hbm>>
    %dma_wait3A_399 = tpu.memref_slice %arg4[%add3A_378] : memref<12386304xf32, #tpu.memory_space<hbm>> -> memref<13824xf32, #tpu.memory_space<hbm>>
    tpu.wait_dma2 semaphore(%arg19 : memref<!tpu.dma_semaphore, #tpu.memory_space<semaphore_mem>>) src(%dma_wait3A_399 : memref<13824xf32, #tpu.memory_space<hbm>>) dst(%arg11 : memref<13824xf32, #tpu.memory_space<vmem>>)
    %parallel_loop3A_400 = arith.constant 0 : i32
    %parallel_loop3A_401 = arith.constant 13824 : i32
    %parallel_loop3A_402 = arith.constant 16 : i32
    scf.for %parallel_loop3A_516 = %parallel_loop3A_400 to %parallel_loop3A_401 step %parallel_loop3A_402  : i32 {
      %parallel_loop3A_517 = arith.index_cast %parallel_loop3A_516 : i32 to index
      %parallel_loop3A_518 = tpu.vector_load %arg11[%parallel_loop3A_517] {strides = array<i32>} : memref<13824xf32, #tpu.memory_space<vmem>>, vector<16xf32>,
      %parallel_loop3A_519 = vector.shape_cast %parallel_loop3A_518 : vector<16xf32> to vector<16xf32>
      %parallel_loop3A_520 = arith.constant 5.000000e-01 : f32
      %parallel_loop3A_521 = vector.broadcast %parallel_loop3A_520 : f32 to vector<16xf32>
      %parallel_loop3A_522 = arith.cmpf olt, %parallel_loop3A_519, %parallel_loop3A_521 : vector<16xf32>
      %parallel_loop3A_523 = arith.index_cast %parallel_loop3A_516 : i32 to index
      %parallel_loop3A_524 = tpu.vector_load %arg6[%parallel_loop3A_523] {strides = array<i32>} : memref<13824xf32, #tpu.memory_space<vmem>>, vector<16xf32>,
      %parallel_loop3A_525 = vector.shape_cast %parallel_loop3A_524 : vector<16xf32> to vector<16xf32>
      %parallel_loop3A_526 = arith.index_cast %parallel_loop3A_516 : i32 to index
      %parallel_loop3A_527 = tpu.vector_load %arg9[%parallel_loop3A_526] {strides = array<i32>} : memref<13824xf32, #tpu.memory_space<vmem>>, vector<16xf32>,
      %parallel_loop3A_528 = vector.shape_cast %parallel_loop3A_527 : vector<16xf32> to vector<16xf32>
      %parallel_loop3A_529 = arith.select %parallel_loop3A_522, %parallel_loop3A_525, %parallel_loop3A_528 : vector<16xi1>, vector<16xf32>
      %parallel_loop3A_530 = arith.index_cast %parallel_loop3A_516 : i32 to index
      %parallel_loop3A_531 = tpu.vector_load %arg6[%parallel_loop3A_530] {strides = array<i32>} : memref<13824xf32, #tpu.memory_space<vmem>>, vector<16xf32>,
      %parallel_loop3A_532 = vector.shape_cast %parallel_loop3A_531 : vector<16xf32> to vector<16xf32>
      %parallel_loop3A_533 = vector.shape_cast %parallel_loop3A_529 : vector<16xf32> to vector<16xf32>
      tpu.vector_store %arg6[%parallel_loop3A_530], %parallel_loop3A_533 {strides = array<i32>} : memref<13824xf32, #tpu.memory_space<vmem>>, vector<16xf32>,
    } {sc.loop_unroll_factor = 8 : i64, sc.parallel_access}
    %add3A_403 = arith.constant 9732096 : i32
    %add3A_404 = arith.addi %add3A_403, %mul3A_2 : i32
    %dma_start3A_405 = tpu.memref_slice %arg3[%add3A_404] : memref<12386304xf32, #tpu.memory_space<hbm>> -> memref<13824xf32, #tpu.memory_space<hbm>>
    %dma_start3A_406 = tpu.memref_slice %arg3[%add3A_404] : memref<12386304xf32, #tpu.memory_space<hbm>> -> memref<13824xf32, #tpu.memory_space<hbm>>
    tpu.enqueue_dma source(%dma_start3A_406 : memref<13824xf32, #tpu.memory_space<hbm>>) target(%arg9 : memref<13824xf32, #tpu.memory_space<vmem>>) target_semaphore(%arg19 : memref<!tpu.dma_semaphore, #tpu.memory_space<semaphore_mem>>)
    %add3A_407 = arith.constant 9732096 : i32
    %add3A_408 = arith.addi %add3A_407, %mul3A_2 : i32
    %dma_start3A_409 = tpu.memref_slice %arg4[%add3A_408] : memref<12386304xf32, #tpu.memory_space<hbm>> -> memref<13824xf32, #tpu.memory_space<hbm>>
    %dma_start3A_410 = tpu.memref_slice %arg4[%add3A_408] : memref<12386304xf32, #tpu.memory_space<hbm>> -> memref<13824xf32, #tpu.memory_space<hbm>>
    tpu.enqueue_dma source(%dma_start3A_410 : memref<13824xf32, #tpu.memory_space<hbm>>) target(%arg11 : memref<13824xf32, #tpu.memory_space<vmem>>) target_semaphore(%arg19 : memref<!tpu.dma_semaphore, #tpu.memory_space<semaphore_mem>>)
    %add3A_411 = arith.constant 2654208 : i32
    %add3A_412 = arith.addi %add3A_411, %mul3A_2 : i32
    %dma_start3A_413 = tpu.memref_slice %arg5[%add3A_412] : memref<3538944xf32, #tpu.memory_space<hbm>> -> memref<13824xf32, #tpu.memory_space<hbm>>
    %dma_start3A_414 = tpu.memref_slice %arg5[%add3A_412] : memref<3538944xf32, #tpu.memory_space<hbm>> -> memref<13824xf32, #tpu.memory_space<hbm>>
    tpu.enqueue_dma source(%arg6 : memref<13824xf32, #tpu.memory_space<vmem>>) target(%dma_start3A_414 : memref<13824xf32, #tpu.memory_space<hbm>>) target_semaphore(%arg16 : memref<!tpu.dma_semaphore, #tpu.memory_space<semaphore_mem>>)
    %dma_wait3A_415 = tpu.memref_slice %arg2[%add3A_235] : memref<3538944xf32, #tpu.memory_space<hbm>> -> memref<13824xf32, #tpu.memory_space<hbm>>
    %dma_wait3A_416 = tpu.memref_slice %arg2[%add3A_235] : memref<3538944xf32, #tpu.memory_space<hbm>> -> memref<13824xf32, #tpu.memory_space<hbm>>
    tpu.wait_dma2 semaphore(%arg14 : memref<!tpu.dma_semaphore, #tpu.memory_space<semaphore_mem>>) src(%dma_wait3A_416 : memref<13824xf32, #tpu.memory_space<hbm>>) dst(%arg7 : memref<13824xf32, #tpu.memory_space<vmem>>)
    %dma_wait3A_417 = tpu.memref_slice %arg3[%add3A_389] : memref<12386304xf32, #tpu.memory_space<hbm>> -> memref<13824xf32, #tpu.memory_space<hbm>>
    %dma_wait3A_418 = tpu.memref_slice %arg3[%add3A_389] : memref<12386304xf32, #tpu.memory_space<hbm>> -> memref<13824xf32, #tpu.memory_space<hbm>>
    tpu.wait_dma2 semaphore(%arg20 : memref<!tpu.dma_semaphore, #tpu.memory_space<semaphore_mem>>) src(%dma_wait3A_418 : memref<13824xf32, #tpu.memory_space<hbm>>) dst(%arg10 : memref<13824xf32, #tpu.memory_space<vmem>>)
    %dma_wait3A_419 = tpu.memref_slice %arg4[%add3A_393] : memref<12386304xf32, #tpu.memory_space<hbm>> -> memref<13824xf32, #tpu.memory_space<hbm>>
    %dma_wait3A_420 = tpu.memref_slice %arg4[%add3A_393] : memref<12386304xf32, #tpu.memory_space<hbm>> -> memref<13824xf32, #tpu.memory_space<hbm>>
    tpu.wait_dma2 semaphore(%arg20 : memref<!tpu.dma_semaphore, #tpu.memory_space<semaphore_mem>>) src(%dma_wait3A_420 : memref<13824xf32, #tpu.memory_space<hbm>>) dst(%arg12 : memref<13824xf32, #tpu.memory_space<vmem>>)
    %parallel_loop3A_421 = arith.constant 0 : i32
    %parallel_loop3A_422 = arith.constant 13824 : i32
    %parallel_loop3A_423 = arith.constant 16 : i32
    scf.for %parallel_loop3A_516 = %parallel_loop3A_421 to %parallel_loop3A_422 step %parallel_loop3A_423  : i32 {
      %parallel_loop3A_517 = arith.index_cast %parallel_loop3A_516 : i32 to index
      %parallel_loop3A_518 = tpu.vector_load %arg12[%parallel_loop3A_517] {strides = array<i32>} : memref<13824xf32, #tpu.memory_space<vmem>>, vector<16xf32>,
      %parallel_loop3A_519 = vector.shape_cast %parallel_loop3A_518 : vector<16xf32> to vector<16xf32>
      %parallel_loop3A_520 = arith.constant 5.000000e-01 : f32
      %parallel_loop3A_521 = vector.broadcast %parallel_loop3A_520 : f32 to vector<16xf32>
      %parallel_loop3A_522 = arith.cmpf olt, %parallel_loop3A_519, %parallel_loop3A_521 : vector<16xf32>
      %parallel_loop3A_523 = arith.index_cast %parallel_loop3A_516 : i32 to index
      %parallel_loop3A_524 = tpu.vector_load %arg7[%parallel_loop3A_523] {strides = array<i32>} : memref<13824xf32, #tpu.memory_space<vmem>>, vector<16xf32>,
      %parallel_loop3A_525 = vector.shape_cast %parallel_loop3A_524 : vector<16xf32> to vector<16xf32>
      %parallel_loop3A_526 = arith.index_cast %parallel_loop3A_516 : i32 to index
      %parallel_loop3A_527 = tpu.vector_load %arg10[%parallel_loop3A_526] {strides = array<i32>} : memref<13824xf32, #tpu.memory_space<vmem>>, vector<16xf32>,
      %parallel_loop3A_528 = vector.shape_cast %parallel_loop3A_527 : vector<16xf32> to vector<16xf32>
      %parallel_loop3A_529 = arith.select %parallel_loop3A_522, %parallel_loop3A_525, %parallel_loop3A_528 : vector<16xi1>, vector<16xf32>
      %parallel_loop3A_530 = arith.index_cast %parallel_loop3A_516 : i32 to index
      %parallel_loop3A_531 = tpu.vector_load %arg7[%parallel_loop3A_530] {strides = array<i32>} : memref<13824xf32, #tpu.memory_space<vmem>>, vector<16xf32>,
      %parallel_loop3A_532 = vector.shape_cast %parallel_loop3A_531 : vector<16xf32> to vector<16xf32>
      %parallel_loop3A_533 = vector.shape_cast %parallel_loop3A_529 : vector<16xf32> to vector<16xf32>
      tpu.vector_store %arg7[%parallel_loop3A_530], %parallel_loop3A_533 {strides = array<i32>} : memref<13824xf32, #tpu.memory_space<vmem>>, vector<16xf32>,
    } {sc.loop_unroll_factor = 8 : i64, sc.parallel_access}
    %add3A_424 = arith.constant 10174464 : i32
    %add3A_425 = arith.addi %add3A_424, %mul3A_2 : i32
    %dma_start3A_426 = tpu.memref_slice %arg3[%add3A_425] : memref<12386304xf32, #tpu.memory_space<hbm>> -> memref<13824xf32, #tpu.memory_space<hbm>>
    %dma_start3A_427 = tpu.memref_slice %arg3[%add3A_425] : memref<12386304xf32, #tpu.memory_space<hbm>> -> memref<13824xf32, #tpu.memory_space<hbm>>
    tpu.enqueue_dma source(%dma_start3A_427 : memref<13824xf32, #tpu.memory_space<hbm>>) target(%arg10 : memref<13824xf32, #tpu.memory_space<vmem>>) target_semaphore(%arg20 : memref<!tpu.dma_semaphore, #tpu.memory_space<semaphore_mem>>)
    %add3A_428 = arith.constant 10174464 : i32
    %add3A_429 = arith.addi %add3A_428, %mul3A_2 : i32
    %dma_start3A_430 = tpu.memref_slice %arg4[%add3A_429] : memref<12386304xf32, #tpu.memory_space<hbm>> -> memref<13824xf32, #tpu.memory_space<hbm>>
    %dma_start3A_431 = tpu.memref_slice %arg4[%add3A_429] : memref<12386304xf32, #tpu.memory_space<hbm>> -> memref<13824xf32, #tpu.memory_space<hbm>>
    tpu.enqueue_dma source(%dma_start3A_431 : memref<13824xf32, #tpu.memory_space<hbm>>) target(%arg12 : memref<13824xf32, #tpu.memory_space<vmem>>) target_semaphore(%arg20 : memref<!tpu.dma_semaphore, #tpu.memory_space<semaphore_mem>>)
    %dma_wait3A_432 = tpu.memref_slice %arg3[%add3A_404] : memref<12386304xf32, #tpu.memory_space<hbm>> -> memref<13824xf32, #tpu.memory_space<hbm>>
    %dma_wait3A_433 = tpu.memref_slice %arg3[%add3A_404] : memref<12386304xf32, #tpu.memory_space<hbm>> -> memref<13824xf32, #tpu.memory_space<hbm>>
    tpu.wait_dma2 semaphore(%arg19 : memref<!tpu.dma_semaphore, #tpu.memory_space<semaphore_mem>>) src(%dma_wait3A_433 : memref<13824xf32, #tpu.memory_space<hbm>>) dst(%arg9 : memref<13824xf32, #tpu.memory_space<vmem>>)
    %dma_wait3A_434 = tpu.memref_slice %arg4[%add3A_408] : memref<12386304xf32, #tpu.memory_space<hbm>> -> memref<13824xf32, #tpu.memory_space<hbm>>
    %dma_wait3A_435 = tpu.memref_slice %arg4[%add3A_408] : memref<12386304xf32, #tpu.memory_space<hbm>> -> memref<13824xf32, #tpu.memory_space<hbm>>
    tpu.wait_dma2 semaphore(%arg19 : memref<!tpu.dma_semaphore, #tpu.memory_space<semaphore_mem>>) src(%dma_wait3A_435 : memref<13824xf32, #tpu.memory_space<hbm>>) dst(%arg11 : memref<13824xf32, #tpu.memory_space<vmem>>)
    %parallel_loop3A_436 = arith.constant 0 : i32
    %parallel_loop3A_437 = arith.constant 13824 : i32
    %parallel_loop3A_438 = arith.constant 16 : i32
    scf.for %parallel_loop3A_516 = %parallel_loop3A_436 to %parallel_loop3A_437 step %parallel_loop3A_438  : i32 {
      %parallel_loop3A_517 = arith.index_cast %parallel_loop3A_516 : i32 to index
      %parallel_loop3A_518 = tpu.vector_load %arg11[%parallel_loop3A_517] {strides = array<i32>} : memref<13824xf32, #tpu.memory_space<vmem>>, vector<16xf32>,
      %parallel_loop3A_519 = vector.shape_cast %parallel_loop3A_518 : vector<16xf32> to vector<16xf32>
      %parallel_loop3A_520 = arith.constant 5.000000e-01 : f32
      %parallel_loop3A_521 = vector.broadcast %parallel_loop3A_520 : f32 to vector<16xf32>
      %parallel_loop3A_522 = arith.cmpf olt, %parallel_loop3A_519, %parallel_loop3A_521 : vector<16xf32>
      %parallel_loop3A_523 = arith.index_cast %parallel_loop3A_516 : i32 to index
      %parallel_loop3A_524 = tpu.vector_load %arg7[%parallel_loop3A_523] {strides = array<i32>} : memref<13824xf32, #tpu.memory_space<vmem>>, vector<16xf32>,
      %parallel_loop3A_525 = vector.shape_cast %parallel_loop3A_524 : vector<16xf32> to vector<16xf32>
      %parallel_loop3A_526 = arith.index_cast %parallel_loop3A_516 : i32 to index
      %parallel_loop3A_527 = tpu.vector_load %arg9[%parallel_loop3A_526] {strides = array<i32>} : memref<13824xf32, #tpu.memory_space<vmem>>, vector<16xf32>,
      %parallel_loop3A_528 = vector.shape_cast %parallel_loop3A_527 : vector<16xf32> to vector<16xf32>
      %parallel_loop3A_529 = arith.select %parallel_loop3A_522, %parallel_loop3A_525, %parallel_loop3A_528 : vector<16xi1>, vector<16xf32>
      %parallel_loop3A_530 = arith.index_cast %parallel_loop3A_516 : i32 to index
      %parallel_loop3A_531 = tpu.vector_load %arg7[%parallel_loop3A_530] {strides = array<i32>} : memref<13824xf32, #tpu.memory_space<vmem>>, vector<16xf32>,
      %parallel_loop3A_532 = vector.shape_cast %parallel_loop3A_531 : vector<16xf32> to vector<16xf32>
      %parallel_loop3A_533 = vector.shape_cast %parallel_loop3A_529 : vector<16xf32> to vector<16xf32>
      tpu.vector_store %arg7[%parallel_loop3A_530], %parallel_loop3A_533 {strides = array<i32>} : memref<13824xf32, #tpu.memory_space<vmem>>, vector<16xf32>,
    } {sc.loop_unroll_factor = 8 : i64, sc.parallel_access}
    %add3A_439 = arith.constant 10616832 : i32
    %add3A_440 = arith.addi %add3A_439, %mul3A_2 : i32
    %dma_start3A_441 = tpu.memref_slice %arg3[%add3A_440] : memref<12386304xf32, #tpu.memory_space<hbm>> -> memref<13824xf32, #tpu.memory_space<hbm>>
    %dma_start3A_442 = tpu.memref_slice %arg3[%add3A_440] : memref<12386304xf32, #tpu.memory_space<hbm>> -> memref<13824xf32, #tpu.memory_space<hbm>>
    tpu.enqueue_dma source(%dma_start3A_442 : memref<13824xf32, #tpu.memory_space<hbm>>) target(%arg9 : memref<13824xf32, #tpu.memory_space<vmem>>) target_semaphore(%arg19 : memref<!tpu.dma_semaphore, #tpu.memory_space<semaphore_mem>>)
    %add3A_443 = arith.constant 10616832 : i32
    %add3A_444 = arith.addi %add3A_443, %mul3A_2 : i32
    %dma_start3A_445 = tpu.memref_slice %arg4[%add3A_444] : memref<12386304xf32, #tpu.memory_space<hbm>> -> memref<13824xf32, #tpu.memory_space<hbm>>
    %dma_start3A_446 = tpu.memref_slice %arg4[%add3A_444] : memref<12386304xf32, #tpu.memory_space<hbm>> -> memref<13824xf32, #tpu.memory_space<hbm>>
    tpu.enqueue_dma source(%dma_start3A_446 : memref<13824xf32, #tpu.memory_space<hbm>>) target(%arg11 : memref<13824xf32, #tpu.memory_space<vmem>>) target_semaphore(%arg19 : memref<!tpu.dma_semaphore, #tpu.memory_space<semaphore_mem>>)
    %dma_wait3A_447 = tpu.memref_slice %arg3[%add3A_425] : memref<12386304xf32, #tpu.memory_space<hbm>> -> memref<13824xf32, #tpu.memory_space<hbm>>
    %dma_wait3A_448 = tpu.memref_slice %arg3[%add3A_425] : memref<12386304xf32, #tpu.memory_space<hbm>> -> memref<13824xf32, #tpu.memory_space<hbm>>
    tpu.wait_dma2 semaphore(%arg20 : memref<!tpu.dma_semaphore, #tpu.memory_space<semaphore_mem>>) src(%dma_wait3A_448 : memref<13824xf32, #tpu.memory_space<hbm>>) dst(%arg10 : memref<13824xf32, #tpu.memory_space<vmem>>)
    %dma_wait3A_449 = tpu.memref_slice %arg4[%add3A_429] : memref<12386304xf32, #tpu.memory_space<hbm>> -> memref<13824xf32, #tpu.memory_space<hbm>>
    %dma_wait3A_450 = tpu.memref_slice %arg4[%add3A_429] : memref<12386304xf32, #tpu.memory_space<hbm>> -> memref<13824xf32, #tpu.memory_space<hbm>>
    tpu.wait_dma2 semaphore(%arg20 : memref<!tpu.dma_semaphore, #tpu.memory_space<semaphore_mem>>) src(%dma_wait3A_450 : memref<13824xf32, #tpu.memory_space<hbm>>) dst(%arg12 : memref<13824xf32, #tpu.memory_space<vmem>>)
    %parallel_loop3A_451 = arith.constant 0 : i32
    %parallel_loop3A_452 = arith.constant 13824 : i32
    %parallel_loop3A_453 = arith.constant 16 : i32
    scf.for %parallel_loop3A_516 = %parallel_loop3A_451 to %parallel_loop3A_452 step %parallel_loop3A_453  : i32 {
      %parallel_loop3A_517 = arith.index_cast %parallel_loop3A_516 : i32 to index
      %parallel_loop3A_518 = tpu.vector_load %arg12[%parallel_loop3A_517] {strides = array<i32>} : memref<13824xf32, #tpu.memory_space<vmem>>, vector<16xf32>,
      %parallel_loop3A_519 = vector.shape_cast %parallel_loop3A_518 : vector<16xf32> to vector<16xf32>
      %parallel_loop3A_520 = arith.constant 5.000000e-01 : f32
      %parallel_loop3A_521 = vector.broadcast %parallel_loop3A_520 : f32 to vector<16xf32>
      %parallel_loop3A_522 = arith.cmpf olt, %parallel_loop3A_519, %parallel_loop3A_521 : vector<16xf32>
      %parallel_loop3A_523 = arith.index_cast %parallel_loop3A_516 : i32 to index
      %parallel_loop3A_524 = tpu.vector_load %arg7[%parallel_loop3A_523] {strides = array<i32>} : memref<13824xf32, #tpu.memory_space<vmem>>, vector<16xf32>,
      %parallel_loop3A_525 = vector.shape_cast %parallel_loop3A_524 : vector<16xf32> to vector<16xf32>
      %parallel_loop3A_526 = arith.index_cast %parallel_loop3A_516 : i32 to index
      %parallel_loop3A_527 = tpu.vector_load %arg10[%parallel_loop3A_526] {strides = array<i32>} : memref<13824xf32, #tpu.memory_space<vmem>>, vector<16xf32>,
      %parallel_loop3A_528 = vector.shape_cast %parallel_loop3A_527 : vector<16xf32> to vector<16xf32>
      %parallel_loop3A_529 = arith.select %parallel_loop3A_522, %parallel_loop3A_525, %parallel_loop3A_528 : vector<16xi1>, vector<16xf32>
      %parallel_loop3A_530 = arith.index_cast %parallel_loop3A_516 : i32 to index
      %parallel_loop3A_531 = tpu.vector_load %arg7[%parallel_loop3A_530] {strides = array<i32>} : memref<13824xf32, #tpu.memory_space<vmem>>, vector<16xf32>,
      %parallel_loop3A_532 = vector.shape_cast %parallel_loop3A_531 : vector<16xf32> to vector<16xf32>
      %parallel_loop3A_533 = vector.shape_cast %parallel_loop3A_529 : vector<16xf32> to vector<16xf32>
      tpu.vector_store %arg7[%parallel_loop3A_530], %parallel_loop3A_533 {strides = array<i32>} : memref<13824xf32, #tpu.memory_space<vmem>>, vector<16xf32>,
    } {sc.loop_unroll_factor = 8 : i64, sc.parallel_access}
    %add3A_454 = arith.constant 11059200 : i32
    %add3A_455 = arith.addi %add3A_454, %mul3A_2 : i32
    %dma_start3A_456 = tpu.memref_slice %arg3[%add3A_455] : memref<12386304xf32, #tpu.memory_space<hbm>> -> memref<13824xf32, #tpu.memory_space<hbm>>
    %dma_start3A_457 = tpu.memref_slice %arg3[%add3A_455] : memref<12386304xf32, #tpu.memory_space<hbm>> -> memref<13824xf32, #tpu.memory_space<hbm>>
    tpu.enqueue_dma source(%dma_start3A_457 : memref<13824xf32, #tpu.memory_space<hbm>>) target(%arg10 : memref<13824xf32, #tpu.memory_space<vmem>>) target_semaphore(%arg20 : memref<!tpu.dma_semaphore, #tpu.memory_space<semaphore_mem>>)
    %add3A_458 = arith.constant 11059200 : i32
    %add3A_459 = arith.addi %add3A_458, %mul3A_2 : i32
    %dma_start3A_460 = tpu.memref_slice %arg4[%add3A_459] : memref<12386304xf32, #tpu.memory_space<hbm>> -> memref<13824xf32, #tpu.memory_space<hbm>>
    %dma_start3A_461 = tpu.memref_slice %arg4[%add3A_459] : memref<12386304xf32, #tpu.memory_space<hbm>> -> memref<13824xf32, #tpu.memory_space<hbm>>
    tpu.enqueue_dma source(%dma_start3A_461 : memref<13824xf32, #tpu.memory_space<hbm>>) target(%arg12 : memref<13824xf32, #tpu.memory_space<vmem>>) target_semaphore(%arg20 : memref<!tpu.dma_semaphore, #tpu.memory_space<semaphore_mem>>)
    %dma_wait3A_462 = tpu.memref_slice %arg3[%add3A_440] : memref<12386304xf32, #tpu.memory_space<hbm>> -> memref<13824xf32, #tpu.memory_space<hbm>>
    %dma_wait3A_463 = tpu.memref_slice %arg3[%add3A_440] : memref<12386304xf32, #tpu.memory_space<hbm>> -> memref<13824xf32, #tpu.memory_space<hbm>>
    tpu.wait_dma2 semaphore(%arg19 : memref<!tpu.dma_semaphore, #tpu.memory_space<semaphore_mem>>) src(%dma_wait3A_463 : memref<13824xf32, #tpu.memory_space<hbm>>) dst(%arg9 : memref<13824xf32, #tpu.memory_space<vmem>>)
    %dma_wait3A_464 = tpu.memref_slice %arg4[%add3A_444] : memref<12386304xf32, #tpu.memory_space<hbm>> -> memref<13824xf32, #tpu.memory_space<hbm>>
    %dma_wait3A_465 = tpu.memref_slice %arg4[%add3A_444] : memref<12386304xf32, #tpu.memory_space<hbm>> -> memref<13824xf32, #tpu.memory_space<hbm>>
    tpu.wait_dma2 semaphore(%arg19 : memref<!tpu.dma_semaphore, #tpu.memory_space<semaphore_mem>>) src(%dma_wait3A_465 : memref<13824xf32, #tpu.memory_space<hbm>>) dst(%arg11 : memref<13824xf32, #tpu.memory_space<vmem>>)
    %parallel_loop3A_466 = arith.constant 0 : i32
    %parallel_loop3A_467 = arith.constant 13824 : i32
    %parallel_loop3A_468 = arith.constant 16 : i32
    scf.for %parallel_loop3A_516 = %parallel_loop3A_466 to %parallel_loop3A_467 step %parallel_loop3A_468  : i32 {
      %parallel_loop3A_517 = arith.index_cast %parallel_loop3A_516 : i32 to index
      %parallel_loop3A_518 = tpu.vector_load %arg11[%parallel_loop3A_517] {strides = array<i32>} : memref<13824xf32, #tpu.memory_space<vmem>>, vector<16xf32>,
      %parallel_loop3A_519 = vector.shape_cast %parallel_loop3A_518 : vector<16xf32> to vector<16xf32>
      %parallel_loop3A_520 = arith.constant 5.000000e-01 : f32
      %parallel_loop3A_521 = vector.broadcast %parallel_loop3A_520 : f32 to vector<16xf32>
      %parallel_loop3A_522 = arith.cmpf olt, %parallel_loop3A_519, %parallel_loop3A_521 : vector<16xf32>
      %parallel_loop3A_523 = arith.index_cast %parallel_loop3A_516 : i32 to index
      %parallel_loop3A_524 = tpu.vector_load %arg7[%parallel_loop3A_523] {strides = array<i32>} : memref<13824xf32, #tpu.memory_space<vmem>>, vector<16xf32>,
      %parallel_loop3A_525 = vector.shape_cast %parallel_loop3A_524 : vector<16xf32> to vector<16xf32>
      %parallel_loop3A_526 = arith.index_cast %parallel_loop3A_516 : i32 to index
      %parallel_loop3A_527 = tpu.vector_load %arg9[%parallel_loop3A_526] {strides = array<i32>} : memref<13824xf32, #tpu.memory_space<vmem>>, vector<16xf32>,
      %parallel_loop3A_528 = vector.shape_cast %parallel_loop3A_527 : vector<16xf32> to vector<16xf32>
      %parallel_loop3A_529 = arith.select %parallel_loop3A_522, %parallel_loop3A_525, %parallel_loop3A_528 : vector<16xi1>, vector<16xf32>
      %parallel_loop3A_530 = arith.index_cast %parallel_loop3A_516 : i32 to index
      %parallel_loop3A_531 = tpu.vector_load %arg7[%parallel_loop3A_530] {strides = array<i32>} : memref<13824xf32, #tpu.memory_space<vmem>>, vector<16xf32>,
      %parallel_loop3A_532 = vector.shape_cast %parallel_loop3A_531 : vector<16xf32> to vector<16xf32>
      %parallel_loop3A_533 = vector.shape_cast %parallel_loop3A_529 : vector<16xf32> to vector<16xf32>
      tpu.vector_store %arg7[%parallel_loop3A_530], %parallel_loop3A_533 {strides = array<i32>} : memref<13824xf32, #tpu.memory_space<vmem>>, vector<16xf32>,
    } {sc.loop_unroll_factor = 8 : i64, sc.parallel_access}
    %add3A_469 = arith.constant 11501568 : i32
    %add3A_470 = arith.addi %add3A_469, %mul3A_2 : i32
    %dma_start3A_471 = tpu.memref_slice %arg3[%add3A_470] : memref<12386304xf32, #tpu.memory_space<hbm>> -> memref<13824xf32, #tpu.memory_space<hbm>>
    %dma_start3A_472 = tpu.memref_slice %arg3[%add3A_470] : memref<12386304xf32, #tpu.memory_space<hbm>> -> memref<13824xf32, #tpu.memory_space<hbm>>
    tpu.enqueue_dma source(%dma_start3A_472 : memref<13824xf32, #tpu.memory_space<hbm>>) target(%arg9 : memref<13824xf32, #tpu.memory_space<vmem>>) target_semaphore(%arg19 : memref<!tpu.dma_semaphore, #tpu.memory_space<semaphore_mem>>)
    %add3A_473 = arith.constant 11501568 : i32
    %add3A_474 = arith.addi %add3A_473, %mul3A_2 : i32
    %dma_start3A_475 = tpu.memref_slice %arg4[%add3A_474] : memref<12386304xf32, #tpu.memory_space<hbm>> -> memref<13824xf32, #tpu.memory_space<hbm>>
    %dma_start3A_476 = tpu.memref_slice %arg4[%add3A_474] : memref<12386304xf32, #tpu.memory_space<hbm>> -> memref<13824xf32, #tpu.memory_space<hbm>>
    tpu.enqueue_dma source(%dma_start3A_476 : memref<13824xf32, #tpu.memory_space<hbm>>) target(%arg11 : memref<13824xf32, #tpu.memory_space<vmem>>) target_semaphore(%arg19 : memref<!tpu.dma_semaphore, #tpu.memory_space<semaphore_mem>>)
    %dma_wait3A_477 = tpu.memref_slice %arg3[%add3A_455] : memref<12386304xf32, #tpu.memory_space<hbm>> -> memref<13824xf32, #tpu.memory_space<hbm>>
    %dma_wait3A_478 = tpu.memref_slice %arg3[%add3A_455] : memref<12386304xf32, #tpu.memory_space<hbm>> -> memref<13824xf32, #tpu.memory_space<hbm>>
    tpu.wait_dma2 semaphore(%arg20 : memref<!tpu.dma_semaphore, #tpu.memory_space<semaphore_mem>>) src(%dma_wait3A_478 : memref<13824xf32, #tpu.memory_space<hbm>>) dst(%arg10 : memref<13824xf32, #tpu.memory_space<vmem>>)
    %dma_wait3A_479 = tpu.memref_slice %arg4[%add3A_459] : memref<12386304xf32, #tpu.memory_space<hbm>> -> memref<13824xf32, #tpu.memory_space<hbm>>
    %dma_wait3A_480 = tpu.memref_slice %arg4[%add3A_459] : memref<12386304xf32, #tpu.memory_space<hbm>> -> memref<13824xf32, #tpu.memory_space<hbm>>
    tpu.wait_dma2 semaphore(%arg20 : memref<!tpu.dma_semaphore, #tpu.memory_space<semaphore_mem>>) src(%dma_wait3A_480 : memref<13824xf32, #tpu.memory_space<hbm>>) dst(%arg12 : memref<13824xf32, #tpu.memory_space<vmem>>)
    %parallel_loop3A_481 = arith.constant 0 : i32
    %parallel_loop3A_482 = arith.constant 13824 : i32
    %parallel_loop3A_483 = arith.constant 16 : i32
    scf.for %parallel_loop3A_516 = %parallel_loop3A_481 to %parallel_loop3A_482 step %parallel_loop3A_483  : i32 {
      %parallel_loop3A_517 = arith.index_cast %parallel_loop3A_516 : i32 to index
      %parallel_loop3A_518 = tpu.vector_load %arg12[%parallel_loop3A_517] {strides = array<i32>} : memref<13824xf32, #tpu.memory_space<vmem>>, vector<16xf32>,
      %parallel_loop3A_519 = vector.shape_cast %parallel_loop3A_518 : vector<16xf32> to vector<16xf32>
      %parallel_loop3A_520 = arith.constant 5.000000e-01 : f32
      %parallel_loop3A_521 = vector.broadcast %parallel_loop3A_520 : f32 to vector<16xf32>
      %parallel_loop3A_522 = arith.cmpf olt, %parallel_loop3A_519, %parallel_loop3A_521 : vector<16xf32>
      %parallel_loop3A_523 = arith.index_cast %parallel_loop3A_516 : i32 to index
      %parallel_loop3A_524 = tpu.vector_load %arg7[%parallel_loop3A_523] {strides = array<i32>} : memref<13824xf32, #tpu.memory_space<vmem>>, vector<16xf32>,
      %parallel_loop3A_525 = vector.shape_cast %parallel_loop3A_524 : vector<16xf32> to vector<16xf32>
      %parallel_loop3A_526 = arith.index_cast %parallel_loop3A_516 : i32 to index
      %parallel_loop3A_527 = tpu.vector_load %arg10[%parallel_loop3A_526] {strides = array<i32>} : memref<13824xf32, #tpu.memory_space<vmem>>, vector<16xf32>,
      %parallel_loop3A_528 = vector.shape_cast %parallel_loop3A_527 : vector<16xf32> to vector<16xf32>
      %parallel_loop3A_529 = arith.select %parallel_loop3A_522, %parallel_loop3A_525, %parallel_loop3A_528 : vector<16xi1>, vector<16xf32>
      %parallel_loop3A_530 = arith.index_cast %parallel_loop3A_516 : i32 to index
      %parallel_loop3A_531 = tpu.vector_load %arg7[%parallel_loop3A_530] {strides = array<i32>} : memref<13824xf32, #tpu.memory_space<vmem>>, vector<16xf32>,
      %parallel_loop3A_532 = vector.shape_cast %parallel_loop3A_531 : vector<16xf32> to vector<16xf32>
      %parallel_loop3A_533 = vector.shape_cast %parallel_loop3A_529 : vector<16xf32> to vector<16xf32>
      tpu.vector_store %arg7[%parallel_loop3A_530], %parallel_loop3A_533 {strides = array<i32>} : memref<13824xf32, #tpu.memory_space<vmem>>, vector<16xf32>,
    } {sc.loop_unroll_factor = 8 : i64, sc.parallel_access}
    %add3A_484 = arith.constant 11943936 : i32
    %add3A_485 = arith.addi %add3A_484, %mul3A_2 : i32
    %dma_start3A_486 = tpu.memref_slice %arg3[%add3A_485] : memref<12386304xf32, #tpu.memory_space<hbm>> -> memref<13824xf32, #tpu.memory_space<hbm>>
    %dma_start3A_487 = tpu.memref_slice %arg3[%add3A_485] : memref<12386304xf32, #tpu.memory_space<hbm>> -> memref<13824xf32, #tpu.memory_space<hbm>>
    tpu.enqueue_dma source(%dma_start3A_487 : memref<13824xf32, #tpu.memory_space<hbm>>) target(%arg10 : memref<13824xf32, #tpu.memory_space<vmem>>) target_semaphore(%arg20 : memref<!tpu.dma_semaphore, #tpu.memory_space<semaphore_mem>>)
    %add3A_488 = arith.constant 11943936 : i32
    %add3A_489 = arith.addi %add3A_488, %mul3A_2 : i32
    %dma_start3A_490 = tpu.memref_slice %arg4[%add3A_489] : memref<12386304xf32, #tpu.memory_space<hbm>> -> memref<13824xf32, #tpu.memory_space<hbm>>
    %dma_start3A_491 = tpu.memref_slice %arg4[%add3A_489] : memref<12386304xf32, #tpu.memory_space<hbm>> -> memref<13824xf32, #tpu.memory_space<hbm>>
    tpu.enqueue_dma source(%dma_start3A_491 : memref<13824xf32, #tpu.memory_space<hbm>>) target(%arg12 : memref<13824xf32, #tpu.memory_space<vmem>>) target_semaphore(%arg20 : memref<!tpu.dma_semaphore, #tpu.memory_space<semaphore_mem>>)
    %dma_wait3A_492 = tpu.memref_slice %arg3[%add3A_470] : memref<12386304xf32, #tpu.memory_space<hbm>> -> memref<13824xf32, #tpu.memory_space<hbm>>
    %dma_wait3A_493 = tpu.memref_slice %arg3[%add3A_470] : memref<12386304xf32, #tpu.memory_space<hbm>> -> memref<13824xf32, #tpu.memory_space<hbm>>
    tpu.wait_dma2 semaphore(%arg19 : memref<!tpu.dma_semaphore, #tpu.memory_space<semaphore_mem>>) src(%dma_wait3A_493 : memref<13824xf32, #tpu.memory_space<hbm>>) dst(%arg9 : memref<13824xf32, #tpu.memory_space<vmem>>)
    %dma_wait3A_494 = tpu.memref_slice %arg4[%add3A_474] : memref<12386304xf32, #tpu.memory_space<hbm>> -> memref<13824xf32, #tpu.memory_space<hbm>>
    %dma_wait3A_495 = tpu.memref_slice %arg4[%add3A_474] : memref<12386304xf32, #tpu.memory_space<hbm>> -> memref<13824xf32, #tpu.memory_space<hbm>>
    tpu.wait_dma2 semaphore(%arg19 : memref<!tpu.dma_semaphore, #tpu.memory_space<semaphore_mem>>) src(%dma_wait3A_495 : memref<13824xf32, #tpu.memory_space<hbm>>) dst(%arg11 : memref<13824xf32, #tpu.memory_space<vmem>>)
    %parallel_loop3A_496 = arith.constant 0 : i32
    %parallel_loop3A_497 = arith.constant 13824 : i32
    %parallel_loop3A_498 = arith.constant 16 : i32
    scf.for %parallel_loop3A_516 = %parallel_loop3A_496 to %parallel_loop3A_497 step %parallel_loop3A_498  : i32 {
      %parallel_loop3A_517 = arith.index_cast %parallel_loop3A_516 : i32 to index
      %parallel_loop3A_518 = tpu.vector_load %arg11[%parallel_loop3A_517] {strides = array<i32>} : memref<13824xf32, #tpu.memory_space<vmem>>, vector<16xf32>,
      %parallel_loop3A_519 = vector.shape_cast %parallel_loop3A_518 : vector<16xf32> to vector<16xf32>
      %parallel_loop3A_520 = arith.constant 5.000000e-01 : f32
      %parallel_loop3A_521 = vector.broadcast %parallel_loop3A_520 : f32 to vector<16xf32>
      %parallel_loop3A_522 = arith.cmpf olt, %parallel_loop3A_519, %parallel_loop3A_521 : vector<16xf32>
      %parallel_loop3A_523 = arith.index_cast %parallel_loop3A_516 : i32 to index
      %parallel_loop3A_524 = tpu.vector_load %arg7[%parallel_loop3A_523] {strides = array<i32>} : memref<13824xf32, #tpu.memory_space<vmem>>, vector<16xf32>,
      %parallel_loop3A_525 = vector.shape_cast %parallel_loop3A_524 : vector<16xf32> to vector<16xf32>
      %parallel_loop3A_526 = arith.index_cast %parallel_loop3A_516 : i32 to index
      %parallel_loop3A_527 = tpu.vector_load %arg9[%parallel_loop3A_526] {strides = array<i32>} : memref<13824xf32, #tpu.memory_space<vmem>>, vector<16xf32>,
      %parallel_loop3A_528 = vector.shape_cast %parallel_loop3A_527 : vector<16xf32> to vector<16xf32>
      %parallel_loop3A_529 = arith.select %parallel_loop3A_522, %parallel_loop3A_525, %parallel_loop3A_528 : vector<16xi1>, vector<16xf32>
      %parallel_loop3A_530 = arith.index_cast %parallel_loop3A_516 : i32 to index
      %parallel_loop3A_531 = tpu.vector_load %arg7[%parallel_loop3A_530] {strides = array<i32>} : memref<13824xf32, #tpu.memory_space<vmem>>, vector<16xf32>,
      %parallel_loop3A_532 = vector.shape_cast %parallel_loop3A_531 : vector<16xf32> to vector<16xf32>
      %parallel_loop3A_533 = vector.shape_cast %parallel_loop3A_529 : vector<16xf32> to vector<16xf32>
      tpu.vector_store %arg7[%parallel_loop3A_530], %parallel_loop3A_533 {strides = array<i32>} : memref<13824xf32, #tpu.memory_space<vmem>>, vector<16xf32>,
    } {sc.loop_unroll_factor = 8 : i64, sc.parallel_access}
    %dma_wait3A_499 = tpu.memref_slice %arg3[%add3A_485] : memref<12386304xf32, #tpu.memory_space<hbm>> -> memref<13824xf32, #tpu.memory_space<hbm>>
    %dma_wait3A_500 = tpu.memref_slice %arg3[%add3A_485] : memref<12386304xf32, #tpu.memory_space<hbm>> -> memref<13824xf32, #tpu.memory_space<hbm>>
    tpu.wait_dma2 semaphore(%arg20 : memref<!tpu.dma_semaphore, #tpu.memory_space<semaphore_mem>>) src(%dma_wait3A_500 : memref<13824xf32, #tpu.memory_space<hbm>>) dst(%arg10 : memref<13824xf32, #tpu.memory_space<vmem>>)
    %dma_wait3A_501 = tpu.memref_slice %arg4[%add3A_489] : memref<12386304xf32, #tpu.memory_space<hbm>> -> memref<13824xf32, #tpu.memory_space<hbm>>
    %dma_wait3A_502 = tpu.memref_slice %arg4[%add3A_489] : memref<12386304xf32, #tpu.memory_space<hbm>> -> memref<13824xf32, #tpu.memory_space<hbm>>
    tpu.wait_dma2 semaphore(%arg20 : memref<!tpu.dma_semaphore, #tpu.memory_space<semaphore_mem>>) src(%dma_wait3A_502 : memref<13824xf32, #tpu.memory_space<hbm>>) dst(%arg12 : memref<13824xf32, #tpu.memory_space<vmem>>)
    %parallel_loop3A_503 = arith.constant 0 : i32
    %parallel_loop3A_504 = arith.constant 13824 : i32
    %parallel_loop3A_505 = arith.constant 16 : i32
    scf.for %parallel_loop3A_516 = %parallel_loop3A_503 to %parallel_loop3A_504 step %parallel_loop3A_505  : i32 {
      %parallel_loop3A_517 = arith.index_cast %parallel_loop3A_516 : i32 to index
      %parallel_loop3A_518 = tpu.vector_load %arg12[%parallel_loop3A_517] {strides = array<i32>} : memref<13824xf32, #tpu.memory_space<vmem>>, vector<16xf32>,
      %parallel_loop3A_519 = vector.shape_cast %parallel_loop3A_518 : vector<16xf32> to vector<16xf32>
      %parallel_loop3A_520 = arith.constant 5.000000e-01 : f32
      %parallel_loop3A_521 = vector.broadcast %parallel_loop3A_520 : f32 to vector<16xf32>
      %parallel_loop3A_522 = arith.cmpf olt, %parallel_loop3A_519, %parallel_loop3A_521 : vector<16xf32>
      %parallel_loop3A_523 = arith.index_cast %parallel_loop3A_516 : i32 to index
      %parallel_loop3A_524 = tpu.vector_load %arg7[%parallel_loop3A_523] {strides = array<i32>} : memref<13824xf32, #tpu.memory_space<vmem>>, vector<16xf32>,
      %parallel_loop3A_525 = vector.shape_cast %parallel_loop3A_524 : vector<16xf32> to vector<16xf32>
      %parallel_loop3A_526 = arith.index_cast %parallel_loop3A_516 : i32 to index
      %parallel_loop3A_527 = tpu.vector_load %arg10[%parallel_loop3A_526] {strides = array<i32>} : memref<13824xf32, #tpu.memory_space<vmem>>, vector<16xf32>,
      %parallel_loop3A_528 = vector.shape_cast %parallel_loop3A_527 : vector<16xf32> to vector<16xf32>
      %parallel_loop3A_529 = arith.select %parallel_loop3A_522, %parallel_loop3A_525, %parallel_loop3A_528 : vector<16xi1>, vector<16xf32>
      %parallel_loop3A_530 = arith.index_cast %parallel_loop3A_516 : i32 to index
      %parallel_loop3A_531 = tpu.vector_load %arg7[%parallel_loop3A_530] {strides = array<i32>} : memref<13824xf32, #tpu.memory_space<vmem>>, vector<16xf32>,
      %parallel_loop3A_532 = vector.shape_cast %parallel_loop3A_531 : vector<16xf32> to vector<16xf32>
      %parallel_loop3A_533 = vector.shape_cast %parallel_loop3A_529 : vector<16xf32> to vector<16xf32>
      tpu.vector_store %arg7[%parallel_loop3A_530], %parallel_loop3A_533 {strides = array<i32>} : memref<13824xf32, #tpu.memory_space<vmem>>, vector<16xf32>,
    } {sc.loop_unroll_factor = 8 : i64, sc.parallel_access}
    %add3A_506 = arith.constant 3096576 : i32
    %add3A_507 = arith.addi %add3A_506, %mul3A_2 : i32
    %dma_start3A_508 = tpu.memref_slice %arg5[%add3A_507] : memref<3538944xf32, #tpu.memory_space<hbm>> -> memref<13824xf32, #tpu.memory_space<hbm>>
    %dma_start3A_509 = tpu.memref_slice %arg5[%add3A_507] : memref<3538944xf32, #tpu.memory_space<hbm>> -> memref<13824xf32, #tpu.memory_space<hbm>>
    tpu.enqueue_dma source(%arg7 : memref<13824xf32, #tpu.memory_space<vmem>>) target(%dma_start3A_509 : memref<13824xf32, #tpu.memory_space<hbm>>) target_semaphore(%arg17 : memref<!tpu.dma_semaphore, #tpu.memory_space<semaphore_mem>>)
    %dma_wait3A_510 = tpu.memref_slice %arg5[%add3A_316] : memref<3538944xf32, #tpu.memory_space<hbm>> -> memref<13824xf32, #tpu.memory_space<hbm>>
    %dma_wait3A_511 = tpu.memref_slice %arg5[%add3A_316] : memref<3538944xf32, #tpu.memory_space<hbm>> -> memref<13824xf32, #tpu.memory_space<hbm>>
    tpu.wait_dma2 semaphore(%arg18 : memref<!tpu.dma_semaphore, #tpu.memory_space<semaphore_mem>>) src(%arg8 : memref<13824xf32, #tpu.memory_space<vmem>>) dst(%dma_wait3A_511 : memref<13824xf32, #tpu.memory_space<hbm>>)
    %dma_wait3A_512 = tpu.memref_slice %arg5[%add3A_412] : memref<3538944xf32, #tpu.memory_space<hbm>> -> memref<13824xf32, #tpu.memory_space<hbm>>
    %dma_wait3A_513 = tpu.memref_slice %arg5[%add3A_412] : memref<3538944xf32, #tpu.memory_space<hbm>> -> memref<13824xf32, #tpu.memory_space<hbm>>
    tpu.wait_dma2 semaphore(%arg16 : memref<!tpu.dma_semaphore, #tpu.memory_space<semaphore_mem>>) src(%arg6 : memref<13824xf32, #tpu.memory_space<vmem>>) dst(%dma_wait3A_513 : memref<13824xf32, #tpu.memory_space<hbm>>)
    %dma_wait3A_514 = tpu.memref_slice %arg5[%add3A_507] : memref<3538944xf32, #tpu.memory_space<hbm>> -> memref<13824xf32, #tpu.memory_space<hbm>>
    %dma_wait3A_515 = tpu.memref_slice %arg5[%add3A_507] : memref<3538944xf32, #tpu.memory_space<hbm>> -> memref<13824xf32, #tpu.memory_space<hbm>>
    tpu.wait_dma2 semaphore(%arg17 : memref<!tpu.dma_semaphore, #tpu.memory_space<semaphore_mem>>) src(%arg7 : memref<13824xf32, #tpu.memory_space<vmem>>) dst(%dma_wait3A_515 : memref<13824xf32, #tpu.memory_space<hbm>>)
    return
  }
}

</mosaic_0001>

<sc_bundles>
// kernel: _run.3.cloned.1.call-start
scs
__scs_entry_jumppad:
0x0: {  	(pc) =	sbr.rel $0x88, $3  }
0x1: {  	(tag) =	ssettag $0x0;
	lr =	simm.s32 $0x1  }
0x2: {  	[smem:$0x3F9E] =	sst lr;
	_ =	strace $0xD0000000  }
0x3: {  	_ = 	snop  }
0x4: {  	_ = 	snop  }
0x5: {  	_ = 	snop  }
0x6: {  	_ = 	snop  }
0x7: {  	_ = 	snop  }
__scs_overlays_trampoline_lowered:
0x8: {  	[smem:$0x3FAD] =	sst s0  }
0x9: {  	[smem:$0x3FAE] =	sst s1  }
0xa: {  	[smem:$0x3FAF] =	sst s2  }
0xb: {  	[smem:$0x3FB0] =	sst s3  }
0xc: {  	[smem:$0x3FB1] =	sst s4  }
0xd: {  	[smem:$0x3FB2] =	sst s5  }
0xe: {  	[smem:$0x3FB3] =	sst s6  }
0xf: {  	[smem:$0x3FB4] =	sst s7  }
0x10: {  	[smem:$0x3FB5] =	sst s8  }
0x11: {  	[smem:$0x3FB6] =	sst s9;
	s0 =	simm.s32 @!p0 $0x0  }
0x12: {  	s1 =	sld [smem:$0x3F9C];
	s0 =	simm.s32 @p0 $0x1  }
0x13: {  	[smem:$0x3FB7] =	sst s0;
	s0 =	simm.s32 @!p1 $0x0  }
0x14: {  	s2 =	sld [smem:$0x3F9B];
	s0 =	simm.s32 @p1 $0x1  }
0x15: {  	[smem:$0x3FB8] =	sst s0;
	s0 =	simm.s32 @!p2 $0x0  }
0x16: {  	s3 =	sld [smem:$0x3FDB];
	s0 =	simm.s32 @p2 $0x1  }
0x17: {  	s4 =	simm.s32 $0x1BF5;
	[smem:$0x3FBA] =	sst s0  }
0x18: {  	s0 =	sld [smem:$0x3F9D];
	_ =	swait.ge [sflag:s4], $0x0  }
0x19: {  	s7 =	sld [smem:$0x3F9E]  }
0x1a: {  	s8 =	sadd.s32 $0xFFFFE003, lr  }
0x1b: {  	s9 =	sadd.s32 $0xFFFFFEF7, lr;
	s5 =	simm.s32 $0xFFFFFFFF;
	p2 =	slt.u32 s8, $0xFFFFF086  }
0x1c: {  	p1 =	slt.u32 s9, $0xF7A;
	s5 =	simm.s32 @!p2 $0x0  }
0x1d: {  	s5 =	simm.s32 @p1 $0x1;
	p0 =	seq.s32 s7, s2  }
0x1e: {  	s7 =	smul.u32 @!p0 $0xF7A, s2;
	p2 =	seq.s32 @!p0 s5, $0x0  }
0x1f: {  	s9 =	smul.u32 $0xF7A, s1;
	s8 =	simm.s32 @!p0 $0x1BF5;
	p2 =	por !p2, p0  }
0x20: {  	[sflag:s8] =	ssyncset.s32 @!p0 $0xFFFFF086;
	s6 =	sadd.s32 @!p0 s3, s7;
	s7 =	simm.s32 @!p0 $0x108  }
0x21: {  	s3 =	sadd.s32 s3, s9;
	s6 =	sadd.s32 @!p0 $0x88, s6;
	s7 =	simm.s32 @p2 $0x1082  }
0x22: {  	[simem:s7], [sflag:s8] =	dma.local @!p0 [hbm:s6], $0xF7A  }
0x23: {  	s9 =	sor.u32 $0xD0000000, s2;
	s6 =	simm.s32 $0x108;
	_ =	swait.ge @!p0 [sflag:s8], $0x0  }
0x24: {  	s3 =	sadd.s32 $0x88, s3;
	s6 =	simm.s32 @!p1 $0x1082;
	[sflag:s4] =	ssyncset.s32 $0xFFFFF086  }
0x25: {  	[simem:s6], [sflag:s4] =	dma.local [hbm:s3], $0xF7A  }
0x26: {  	[smem:$0x3F9E] =	sst s1;
	(tag) =	ssettag s2;
	_ =	strace s9  }
0x27: {  	s1 =	sld [smem:$0x3FAE]  }
0x28: {  	s2 =	sld [smem:$0x3FAF]  }
0x29: {  	s4 =	sld [smem:$0x3FB1]  }
0x2a: {  	p0 =	seq.s32 s5, $0x0;
	s5 =	sld [smem:$0x3FB2]  }
0x2b: {  	s6 =	sld [smem:$0x3FB3]  }
0x2c: {  	s7 =	sld [smem:$0x3FB4]  }
0x2d: {  	s3 =	simm.s32 $0x108;
	s8 =	sld [smem:$0x3FB5]  }
0x2e: {  	s3 =	simm.s32 @!p0 $0x1082;
	s9 =	sld [smem:$0x3FB6]  }
0x2f: {  	lr =	sadd.s32 s0, s3;
	s0 =	sld [smem:$0x3FAD]  }
0x30: {  	s3 =	sld [smem:$0x3FB0]  }
0x31: {  	[smem:$0x3FB9] =	sst s10  }
0x32: {  	s10 =	sld [smem:$0x3FB7];
	_ =	sdelay $0x3  }
0x33: {  	p0 =	seq.s32 s10, $0x1;
	s10 =	sld [smem:$0x3FB9];
	_ =	sdelay $0x3  }
0x34: {  	[smem:$0x3FB9] =	sst s10  }
0x35: {  	s10 =	sld [smem:$0x3FB8];
	_ =	sdelay $0x3  }
0x36: {  	p1 =	seq.s32 s10, $0x1;
	s10 =	sld [smem:$0x3FB9];
	_ =	sdelay $0x3  }
0x37: {  	[smem:$0x3FB9] =	sst s10  }
0x38: {  	s10 =	sld [smem:$0x3FBA]  }
0x39: {  	_ = 	snop;
	(pc) =	sbr.ind lr, $3  }
0x3a: {  	_ = 	snop  }
0x3b: {  	_ = 	snop  }
0x3c: {  	p2 =	seq.s32 s10, $0x1;
	s10 =	sld [smem:$0x3FB9]  }
0x3d: {  	_ =	shalt  }
0x3e: {  	_ =	shalt  }
0x3f: {  	_ =	shalt  }
0x40: {  	_ =	shalt  }
0x41: {  	_ =	shalt  }
0x42: {  	_ =	shalt  }
0x43: {  	_ =	shalt  }
0x44: {  	_ =	shalt  }
0x45: {  	_ =	shalt  }
0x46: {  	_ =	shalt  }
0x47: {  	_ =	shalt  }
0x48: {  	_ =	shalt  }
0x49: {  	_ =	shalt  }
0x4a: {  	_ =	shalt  }
0x4b: {  	_ =	shalt  }
0x4c: {  	_ =	shalt  }
0x4d: {  	_ =	shalt  }
0x4e: {  	_ =	shalt  }
0x4f: {  	_ =	shalt  }
0x50: {  	_ =	shalt  }
0x51: {  	_ =	shalt  }
0x52: {  	_ =	shalt  }
0x53: {  	_ =	shalt  }
0x54: {  	_ =	shalt  }
0x55: {  	_ =	shalt  }
0x56: {  	_ =	shalt  }
0x57: {  	_ =	shalt  }
0x58: {  	_ =	shalt  }
0x59: {  	_ =	shalt  }
0x5a: {  	_ =	shalt  }
0x5b: {  	_ =	shalt  }
0x5c: {  	_ =	shalt  }
0x5d: {  	_ =	shalt  }
0x5e: {  	_ =	shalt  }
0x5f: {  	_ =	shalt  }
0x60: {  	_ =	shalt  }
0x61: {  	_ =	shalt  }
0x62: {  	_ =	shalt  }
0x63: {  	_ =	shalt  }
0x64: {  	_ =	shalt  }
0x65: {  	_ =	shalt  }
0x66: {  	_ =	shalt  }
0x67: {  	_ =	shalt  }
0x68: {  	_ =	shalt  }
0x69: {  	_ =	shalt  }
0x6a: {  	_ =	shalt  }
0x6b: {  	_ =	shalt  }
0x6c: {  	_ =	shalt  }
0x6d: {  	_ =	shalt  }
0x6e: {  	_ =	shalt  }
0x6f: {  	_ =	shalt  }
0x70: {  	_ =	shalt  }
0x71: {  	_ =	shalt  }
0x72: {  	_ =	shalt  }
0x73: {  	_ =	shalt  }
0x74: {  	_ =	shalt  }
0x75: {  	_ =	shalt  }
0x76: {  	_ =	shalt  }
0x77: {  	_ =	shalt  }
0x78: {  	_ =	shalt  }
0x79: {  	_ =	shalt  }
0x7a: {  	_ =	shalt  }
0x7b: {  	_ =	shalt  }
0x7c: {  	_ =	shalt  }
0x7d: {  	_ =	shalt  }
0x7e: {  	_ =	shalt  }
0x7f: {  	_ =	shalt  }
0x80: {  	_ =	shalt  }
0x81: {  	_ =	shalt  }
0x82: {  	_ =	shalt  }
0x83: {  	_ =	shalt  }
0x84: {  	_ =	shalt  }
0x85: {  	_ =	shalt  }
0x86: {  	_ =	shalt  }
0x87: {  	_ =	shalt  }
.Lfunc_end0:
.L_simem_size_0:
called_computation_lowered:
.L_overlay_start_0:
0x88: {  	s2 =	sld [smem:$0x3FD9]  }
0x89: {  	s3 =	sld [smem:$0x3FFE];
	_ =	sdelay $0x1  }
0x8a: {  	s1 =	srdreg.scid  }
0x8b: {  	s0 =	sand.u32 $0x1, s1  }
0x8c: {  	s18 =	sshll.u32 s0, $0xA;
	s2 =	sadd.s32 s3, s2  }
0x8d: {  	s2 =	sadd.s32 s2, s18  }
0x8e: {  	[smem:$0x3FC5] =	sst s2  }
0x8f: {  	_ = 	snop  }
0x90: {  	s2 =	sld [smem:$0x3FC9]  }
0x91: {  	s19 =	sld [smem:$0x3FC8]  }
0x92: {  	s4 =	sld [smem:$0x3FC7]  }
0x93: {  	s5 =	sld [smem:$0x3FD0];
	(tm) =	ssettm $0x1  }
0x94: {  	s6 =	sld [smem:$0x3FFB];
	_ =	sdelay $0x3  }
0x95: {  	_ =	strace s6  }
0x96: {  	s6 =	sld [smem:$0x3FFC];
	_ =	sdelay $0x3  }
0x97: {  	_ =	strace s6  }
0x98: {  	s6 =	sld [smem:$0x3FFD];
	_ =	sdelay $0x3  }
0x99: {  	_ =	strace s6  }
0x9a: {  	_ =	strace $0x8FFFFFFF  }
0x9b: {  	s20 =	sld [smem:$0x3FDB];
	_ =	sdelay $0x1  }
0x9c: {  	s7 =	simm.s32 $_scs_section_size  }
0x9d: {  	s8 =	simm.s32 $_size__tile_overlayer_lowered;
	s9 =	simm.s32 $_tile_overlayer_lowered  }
0x9e: {  	s23 =	simm.s32 $0x1BFF;
	s22 =	sshll.u32 s9, $0x1;
	s6 =	sadd.s32 s7, s20  }
0x9f: {  	s10 =	simm.s32 $0x0;
	s21 =	sshll.u32 s8, $0x1;
	s8 =	sadd.s32 s22, s6  }
0xa0: {  	[timem:s10], [sflag:s23] =	dma.local [hbm:s8], s21  }
0xa1: {  	_ =	swait.ge [sflag:s23], s21  }
0xa2: {  	s7 =	ssub.s32 $0x0, s21;
	[sflag:s23] =	ssyncset.done $0x0  }
0xa3: {  	[sflag:s23] =	ssyncadd.s32 s7;
	_ =	sdelay $0x1  }
0xa4: {  	s24 =	simm.s32 $0x1B8B  }
0xa5: {  	_ =	swait.ge [sflag:s24], $0x1  }
0xa6: {  	[sflag:s24] =	ssyncset.done $0x0  }
0xa7: {  	s25 =	simm.s32 $0x1B8E;
	[sflag:s24] =	ssyncadd.s32 $0xFFFFFFFF  }
0xa8: {  	s26 =	simm.s32 $execute0_lowered;
	[smem:$0x3FD2] =	sst s25  }
0xa9: {  	s7 =	sshll.u32 s26, $0x1;
	_ =	strace $0x80000046;
	[dreg:$0x1] =	wrdreg $0xFFFFFFFF  }
0xaa: {  	s28 =	simm.s32 $_size_execute0_lowered;
	s6 =	sadd.s32 s6, s7;
	[dreg:$0x0] =	wrdreg $0x0  }
0xab: {  	s7 =	sshll.u32 s28, $0x1;
	[dreg:$0x2] =	wrdreg s6  }
0xac: {  	[dreg:$0x3] =	wrdreg s7  }
0xad: {  	[dreg:$0x4] =	wrdreg $0xC0  }
0xae: {  	_ =	task [dreg:s10], $0x5FFFF  }
0xaf: {  	[dreg:$0x1] =	wrdreg $0xFFFFFFFF  }
0xb0: {  	[dreg:$0x0] =	wrdreg $0x60  }
0xb1: {  	[dreg:$0x2] =	wrdreg s2  }
0xb2: {  	[dreg:$0x3] =	wrdreg s19  }
0xb3: {  	[dreg:$0x4] =	wrdreg s4  }
0xb4: {  	[dreg:$0x5] =	wrdreg s5  }
0xb5: {  	[dreg:$0x6] =	wrdreg $0x9  }
0xb6: {  	_ =	task.clear_ibuf [dreg:s10], $0x7FFFF;
	_ =	strace $0x90000046  }
0xb7: {  	s29 =	simm.s32 $0x9;
	_ =	strace $0x80000048  }
0xb8: {  	_ =	swait.ge [sflag:s29], $0x1  }
0xb9: {  	[sflag:s29] =	ssyncadd.s32 $0xFFFFFFFF  }
0xba: {  	_ =	strace $0x90000048  }
0xbb: {  	_ =	sfence  }
0xbc: {  	s30 =	sld [smem:$0x0];
	_ =	sdelay $0x2  }
0xbd: {  	s31 =	sshll.u32 s1, $0xD;
	s1 =	sshrl.u32 s1, $0x2  }
0xbe: {  	s3 =	sand.u32 $0x4000, s31;
	s1 =	sadd.s32 s1, s30  }
0xbf: {  	s0 =	sor.u32 s3, s0;
	s1 =	sshll.u32 s1, $0x11  }
0xc0: {  	s0 =	sor.u32 s1, s0  }
0xc1: {  	s0 =	sadd.s32 $0x8F2B, s0  }
0xc2: {  	[sflag:s0] =	ssyncadd.remote.s32 $0x1  }
0xc3: {  	_ =	sfence.sel $0xFFFF  }
0xc4: {  	[dreg:$0x0] =	wrdreg $0xFFFFFFFF;
	(pc) =	sbr.abs _section_cstart, $3  }
0xc5: {  	[dreg:$0x1] =	wrdreg $0xFFFFFFFF  }
0xc6: {  	_ =	task.clear_ibuf [dreg:s10], $0x2FFFF;
	_ =	strace $0x9FFFFFFF  }
0xc7: {  	(tm) =	ssettm $0x7FFFFFFF  }
tec
execute0_lowered:
.L_overlay_start_1:
0x0: {  	(tag) =	ssettag $0x1  }
0x1: {  	s1 =	srdreg.scid;
	s2 =	stileid.u32  }
0x2: {  	s5 =	sand.u32 $0x1, s1;
	s10 =	sshll.u32 s2, $0x1  }
0x3: {  	s1 =	sor.u32 s5, s10  }
0x4: {  	s0 =	rddreg [dreg:$0x0];
	s6 =	smul.u32 $0x3600, s1  }
0x5: {  	s4 =	rddreg [dreg:$0x1]  }
0x6: {  	s3 =	rddreg [dreg:$0x2];
	s7 =	ssub.s32 $0x2, s5;
	s5 =	sshrl.u32 s6, $0x3  }
0x7: {  	s2 =	rddreg [dreg:$0x3];
	s1 =	simm.s32 $0x0;
	s8 =	sadd.s32 $0xD800, s5  }
0x8: {  	[smem:$0x7FF] =	sst s1;
	s13 =	sadd.s32 $0x1B000, s5;
	s12 =	sadd.s32 s0, s8  }
0x9: {  	s15 =	sadd.s32 s0, s13;
	[dreg:$0x5] =	wrdreg s12  }
0xa: {  	s16 =	sadd.s32 s4, s8;
	[dreg:$0x6] =	wrdreg s15  }
0xb: {  	s17 =	sadd.s32 s3, s8;
	[dreg:$0x7] =	wrdreg s16  }
0xc: {  	s18 =	sadd.s32 s4, s13;
	[dreg:$0x8] =	wrdreg s17  }
0xd: {  	s19 =	sadd.s32 s3, s13;
	[dreg:$0x9] =	wrdreg s18  }
0xe: {  	s8 =	sadd.s32 s2, s8;
	[dreg:$0xa] =	wrdreg s19  }
0xf: {  	s20 =	sadd.s32 $0x6C000, s5;
	s6 =	sadd.s32 s2, s13;
	[dreg:$0xb] =	wrdreg s8  }
0x10: {  	s11 =	sshrl.u32 s7, $0x1;
	s21 =	sadd.s32 s4, s20;
	[dreg:$0xc] =	wrdreg s6  }
0x11: {  	s23 =	sadd.s32 $0x79800, s5;
	s22 =	sadd.s32 s3, s20;
	[dreg:$0xd] =	wrdreg s21  }
0x12: {  	s24 =	sadd.s32 $0x87000, s5;
	s25 =	sadd.s32 s4, s23;
	[dreg:$0xe] =	wrdreg s22  }
0x13: {  	s14 =	ssub.s32 s7, s11;
	s26 =	sadd.s32 s4, s24;
	[dreg:$0xf] =	wrdreg s25  }
0x14: {  	s7 =	sadd.s32 $0x94800, s5;
	s31 =	sadd.s32 s3, s24;
	[dreg:$0x11] =	wrdreg s26  }
0x15: {  	s9 =	sadd.s32 $0xA2000, s5;
	s10 =	sadd.s32 s4, s7;
	[dreg:$0x12] =	wrdreg s31  }
0x16: {  	s11 =	sadd.s32 s4, s9;
	[dreg:$0x13] =	wrdreg s10  }
0x17: {  	s6 =	sadd.s32 s3, s23;
	[dreg:$0x15] =	wrdreg s11  }
0x18: {  	s13 =	sadd.s32 $0xAF800, s5;
	s12 =	sadd.s32 s3, s9;
	[dreg:$0x10] =	wrdreg s6  }
0x19: {  	s20 =	sadd.s32 $0xD8000, s5;
	s16 =	sadd.s32 s4, s13;
	[dreg:$0x16] =	wrdreg s12  }
0x1a: {  	s22 =	sadd.s32 s4, s20;
	[dreg:$0x17] =	wrdreg s16  }
0x1b: {  	s24 =	sadd.s32 $0xE5800, s5;
	s23 =	sadd.s32 s3, s20;
	[dreg:$0x1d] =	wrdreg s22  }
0x1c: {  	s26 =	sadd.s32 s4, s24;
	[dreg:$0x1e] =	wrdreg s23  }
0x1d: {  	s15 =	sadd.s32 $0xBD000, s5;
	s6 =	sadd.s32 s3, s7;
	[dreg:$0x1f] =	wrdreg s26  }
0x1e: {  	s17 =	sadd.s32 s4, s15;
	[dreg:$0x14] =	wrdreg s6  }
0x1f: {  	s19 =	sadd.s32 $0xCA800, s5;
	s18 =	sadd.s32 s3, s15;
	[dreg:$0x19] =	wrdreg s17  }
0x20: {  	s25 =	sadd.s32 $0xF3000, s5;
	s21 =	sadd.s32 s4, s19;
	[dreg:$0x1a] =	wrdreg s18  }
0x21: {  	s31 =	sadd.s32 s4, s25;
	[dreg:$0x1b] =	wrdreg s21  }
0x22: {  	s9 =	sadd.s32 $0x100800, s5;
	s8 =	sadd.s32 s3, s25;
	[smem:$0x7DB] =	sst s31  }
0x23: {  	s10 =	sadd.s32 $0x10E000, s5;
	s11 =	sadd.s32 s4, s9;
	[smem:$0x7DC] =	sst s8  }
0x24: {  	s20 =	sadd.s32 $0x136800, s5;
	s12 =	sadd.s32 s4, s10;
	[smem:$0x7DD] =	sst s11  }
0x25: {  	s22 =	sadd.s32 s4, s20;
	[smem:$0x7DF] =	sst s12  }
0x26: {  	s6 =	sadd.s32 s3, s13;
	[smem:$0x7E5] =	sst s22  }
0x27: {  	s15 =	sadd.s32 $0x11B800, s5;
	s13 =	sadd.s32 s3, s10;
	[dreg:$0x18] =	wrdreg s6  }
0x28: {  	s16 =	sadd.s32 $0x129000, s5;
	s17 =	sadd.s32 s4, s15;
	[smem:$0x7E0] =	sst s13  }
0x29: {  	s25 =	sadd.s32 $0x151800, s5;
	s18 =	sadd.s32 s4, s16;
	[smem:$0x7E1] =	sst s17  }
0x2a: {  	s26 =	sadd.s32 $0x15F000, s5;
	s31 =	sadd.s32 s4, s25;
	[smem:$0x7E3] =	sst s18  }
0x2b: {  	s28 =	simm.s32 $0x8;
	s8 =	sadd.s32 s4, s26;
	[smem:$0x7E9] =	sst s31  }
0x2c: {  	s29 =	simm.s32 $0x6;
	s10 =	sadd.s32 s0, s5;
	[smem:$0x7EB] =	sst s8  }
0x2d: {  	s30 =	simm.s32 $0x0;
	s11 =	sadd.s32 s4, s5;
	[smem:$0x7ED] =	sst s10  }
0x2e: {  	s14 =	smax.u32 s14, $0x1;
	s12 =	sadd.s32 s3, s5;
	[smem:$0x7EE] =	sst s11  }
0x2f: {  	s21 =	sadd.s32 $0x144000, s5;
	s6 =	sadd.s32 s3, s19;
	[smem:$0x7EF] =	sst s12  }
0x30: {  	s19 =	sadd.s32 s3, s16;
	s23 =	sadd.s32 s4, s21;
	[dreg:$0x1c] =	wrdreg s6  }
0x31: {  	s13 =	sadd.s32 s2, s5;
	s16 =	sadd.s32 $0x36000, s5;
	[smem:$0x7E4] =	sst s19  }
0x32: {  	s11 =	sadd.s32 $0x43800, s5;
	s12 =	sadd.s32 $0x51000, s5;
	[smem:$0x7E7] =	sst s23  }
0x33: {  	s6 =	sadd.s32 s3, s24;
	s24 =	sadd.s32 s3, s21;
	[smem:$0x7F0] =	sst s13  }
0x34: {  	s13 =	sadd.s32 $0x5E800, s5;
	s18 =	sadd.s32 s4, s16;
	[smem:$0x7DA] =	sst s6  }
0x35: {  	s19 =	sadd.s32 s4, s11;
	s7 =	sadd.s32 s2, s16;
	[smem:$0x7E8] =	sst s24  }
0x36: {  	s8 =	sadd.s32 s0, s11;
	s6 =	sadd.s32 s3, s9;
	[smem:$0x7F2] =	sst s18  }
0x37: {  	s9 =	sadd.s32 s3, s26;
	[smem:$0x7F3] =	sst s19;
	s21 =	sadd.s32 s4, s13  }
0x38: {  	s24 =	sadd.s32 s3, s16;
	s26 =	sadd.s32 s3, s12;
	[smem:$0x7DE] =	sst s6  }
0x39: {  	s10 =	sadd.s32 s0, s13;
	s18 =	simm.s32 $0x10E00;
	[smem:$0x7EC] =	sst s9  }
0x3a: {  	s19 =	simm.s32 $0xD800;
	s6 =	sadd.s32 s3, s15;
	[smem:$0x7F5] =	sst s21  }
0x3b: {  	s15 =	sadd.s32 $0x28800, s5;
	s5 =	sadd.s32 $0x16C800, s5;
	[smem:$0x7F9] =	sst s24  }
0x3c: {  	[smem:$0x7FB] =	sst s26;
	s9 =	sadd.s32 s0, s12;
	s21 =	simm.s32 $0x1  }
0x3d: {  	s24 =	simm.s32 $0x7;
	[smem:$0x7E2] =	sst s6;
	s6 =	sadd.s32 s3, s20  }
0x3e: {  	s26 =	simm.s32 $0x3;
	s17 =	sadd.s32 s4, s15;
	[smem:$0x7E6] =	sst s6  }
0x3f: {  	s20 =	sadd.s32 s4, s12;
	s4 =	sadd.s32 s4, s5;
	[smem:$0x7F1] =	sst s17  }
0x40: {  	s22 =	sadd.s32 s3, s5;
	s23 =	sadd.s32 s3, s15;
	[smem:$0x7F4] =	sst s20  }
0x41: {  	s31 =	sadd.s32 s0, s15;
	s5 =	sadd.s32 s2, s15;
	[smem:$0x7F6] =	sst s4  }
0x42: {  	s12 =	sadd.s32 s2, s12;
	s15 =	simm.s32 $0x3600;
	[smem:$0x7F7] =	sst s22  }
0x43: {  	s6 =	sadd.s32 s3, s25;
	[smem:$0x7F8] =	sst s23;
	s25 =	sadd.s32 s3, s11  }
0x44: {  	s3 =	sadd.s32 s3, s13;
	[smem:$0x7FD] =	sst s31;
	s11 =	sadd.s32 s2, s11  }
0x45: {  	s13 =	sadd.s32 s2, s13;
	s17 =	simm.s32 $0xA200;
	[smem:$0x7EA] =	sst s6  }
0x46: {  	s20 =	simm.s32 $0x14400;
	s22 =	simm.s32 $0x4;
	[smem:$0x7FA] =	sst s25  }
0x47: {  	s23 =	simm.s32 $0x2;
	[smem:$0x7FC] =	sst s3;
	s6 =	sadd.s32 s0, s16  }
0x48: {  	s16 =	simm.s32 $0x6C00;
	s25 =	simm.s32 $0x5;
	_ =	strace $0x80000047  }
.LBB2_1:
0x49: {  	s0 =	sld [smem:$0x7ED];
	_ =	sdelay $0x1  }
0x4a: {  	s3 =	rddreg [dreg:$0x5]  }
0x4b: {  	[tilespmem:s1], [sflag:$0x1] =	stream.linear.gather [hbm4b:s0+s1], $0x3600, $0x38;
	[tilespmem:$0x17A00] =	vst v63  }
0x4c: {  	s4 =	rddreg [dreg:$0x6]  }
0x4d: {  	[tilespmem:s15], [sflag:$0x2] =	stream.linear.gather [hbm4b:s3+s1], $0x3600, $0x38;
	[tilespmem:$0x17A00] =	vst v63  }
0x4e: {  	s2 =	sld [smem:$0x7EE]  }
0x4f: {  	[tilespmem:s16], [sflag:$0x3] =	stream.linear.gather [hbm4b:s4+s1], $0x3600, $0x38;
	[tilespmem:$0x17A00] =	vst v63  }
0x50: {  	s3 =	sld [smem:$0x7EF]  }
0x51: {  	[tilespmem:s17], [sflag:$0x7] =	stream.linear.gather [hbm4b:s2+s1], $0x3600, $0x38;
	[tilespmem:$0x17A00] =	vst v63  }
0x52: {  	_ = 	snop  }
0x53: {  	[tilespmem:s18], [sflag:$0x7] =	stream.linear.gather [hbm4b:s3+s1], $0x3600, $0x38;
	[tilespmem:$0x17A00] =	vst v63  }
0x54: {  	s4 =	rddreg [dreg:$0x7]  }
0x55: {  	[tilespmem:s19], [sflag:$0x8] =	stream.linear.gather [hbm4b:s4+s1], $0x3600, $0x38;
	[tilespmem:$0x17A00] =	vst v63  }
0x56: {  	s2 =	rddreg [dreg:$0x8]  }
0x57: {  	[tilespmem:s20], [sflag:$0x8] =	stream.linear.gather [hbm4b:s2+s1], $0x3600, $0x38;
	[tilespmem:$0x17A00] =	vst v63  }
0x58: {  	_ =	swait.ge [sflag:s21], $0x3600  }
0x59: {  	s3 =	sld [smem:$0x7F0]  }
0x5a: {  	[sflag:s21] =	ssyncset.done $0x0  }
0x5b: {  	[sflag:s21] =	ssyncadd.s32 $0xFFFFCA00  }
0x5c: {  	[hbm4b:s3+s1] =	stream.linear.scatter [tilespmem:s1], [sflag:$0x4], $0x3600, $0x38;
	[tilespmem:$0x17A00] =	vst v63  }
0x5d: {  	_ =	swait.ge [sflag:s22], $0x3600  }
0x5e: {  	s4 =	sld [smem:$0x7FD]  }
0x5f: {  	[sflag:s22] =	ssyncset.done $0x0  }
0x60: {  	[sflag:s22] =	ssyncadd.s32 $0xFFFFCA00  }
0x61: {  	[tilespmem:s1], [sflag:$0x1] =	stream.linear.gather [hbm4b:s4+s1], $0x3600, $0x38;
	[tilespmem:$0x17A00] =	vst v63  }
0x62: {  	_ =	swait.ge [sflag:s23], $0x3600  }
0x63: {  	[sflag:s23] =	ssyncset.done $0x0  }
0x64: {  	[sflag:s23] =	ssyncadd.s32 $0xFFFFCA00  }
0x65: {  	_ =	swait.ge [sflag:s24], $0x3600  }
0x66: {  	[sflag:s24] =	ssyncset.done $0x0  }
0x67: {  	[sflag:s24] =	ssyncadd.s32 $0xFFFFCA00  }
0x68: {  	_ =	swait.ge [sflag:s24], $0x3600  }
0x69: {  	[sflag:s24] =	ssyncset.done $0x0  }
0x6a: {  	s31 =	simm.s32 $0x3640;
	[sflag:s24] =	ssyncadd.s32 $0xFFFFCA00  }
0x6b: {  	s0 =	simm.s32 $0x10E40;
	v0 =	vld [tilespmem:s31+$0x30]  }
0x6c: {  	s2 =	simm.s32 $0xA240;
	v1 =	vld [tilespmem:s0+$0x30]  }
0x6d: {  	v2 =	vld [tilespmem:s2+$0x30]  }
0x6e: {  	v3 =	vld [tilespmem:s0+$0xFFFFFFD0]  }
0x6f: {  	v4 =	vld [tilespmem:s0+$0xFFFFFFE0]  }
0x70: {  	v5 =	vld [tilespmem:s0+$0xFFFFFFF0]  }
0x71: {  	v6 =	vld [tilespmem:s0+$0x0]  }
0x72: {  	v7 =	vld [tilespmem:s0+$0x10]  }
0x73: {  	v8 =	vld [tilespmem:s0+$0x20]  }
0x74: {  	v9 =	vld [tilespmem:s0+$0xFFFFFFC0]  }
0x75: {  	v10 =	vld [tilespmem:s31+$0xFFFFFFC0]  }
0x76: {  	v11 =	vld [tilespmem:s2+$0xFFFFFFC0]  }
0x77: {  	v12 =	vld [tilespmem:s31+$0xFFFFFFD0]  }
0x78: {  	v13 =	vld [tilespmem:s2+$0xFFFFFFD0]  }
0x79: {  	v14 =	vld [tilespmem:s31+$0xFFFFFFE0]  }
0x7a: {  	v15 =	vld [tilespmem:s2+$0xFFFFFFE0]  }
0x7b: {  	v16 =	vld [tilespmem:s31+$0xFFFFFFF0]  }
0x7c: {  	v17 =	vld [tilespmem:s2+$0xFFFFFFF0];
	vm0 =	vlt.f32 v1, $5.000000000e-01  }
0x7d: {  	v1 =	vsel vm0, v0, v2;
	vm0 =	vlt.f32 v9, $5.000000000e-01;
	v0 =	vld [tilespmem:s31+$0x0]  }
0x7e: {  	vm1 =	vlt.f32 v3, $5.000000000e-01;
	v2 =	vld [tilespmem:s2+$0x0];
	v3 =	vsel vm0, v10, v11;
	[tilespmem:s31+$0x30] =	vst v1  }
0x7f: {  	vm0 =	vlt.f32 v4, $5.000000000e-01;
	v4 =	vsel vm1, v12, v13;
	v1 =	vld [tilespmem:s31+$0x10];
	[tilespmem:s31+$0xFFFFFFC0] =	vst v3  }
0x80: {  	vm1 =	vlt.f32 v5, $5.000000000e-01;
	[tilespmem:s31+$0xFFFFFFD0] =	vst v4;
	v3 =	vsel vm0, v14, v15;
	v4 =	vld [tilespmem:s2+$0x10]  }
0x81: {  	v5 =	vsel vm1, v16, v17;
	[tilespmem:s31+$0xFFFFFFE0] =	vst v3;
	v3 =	vld [tilespmem:s31+$0x20]  }
0x82: {  	s3 =	simm.s32 $0x0;
	s4 =	simm.s32 $0x36C0;
	vm2 =	vlt.f32 v6, $5.000000000e-01;
	vm1 =	vlt.f32 v7, $5.000000000e-01;
	vm0 =	vlt.f32 v8, $5.000000000e-01;
	[tilespmem:s31+$0xFFFFFFF0] =	vst v5;
	v5 =	vld [tilespmem:s2+$0x20]  }
.LBB2_2:
0x83: {  	v6 =	vld [tilespmem:s4+$0x30];
	v0 =	vsel vm2, v0, v2;
	s0 =	sadd.s32 $0x80, s0  }
0x84: {  	s3 =	sadd.s32 $0x80, s3;
	s2 =	sadd.s32 $0x80, s2;
	v2 =	vld [tilespmem:s0+$0x30];
	[tilespmem:s31+$0x0] =	vst v0  }
0x85: {  	p0 =	slt.u32 s3, $0x3580;
	v0 =	vld [tilespmem:s2+$0x30];
	v1 =	vsel vm1, v1, v4  }
0x86: {  	v4 =	vld [tilespmem:s0+$0xFFFFFFD0];
	[tilespmem:s31+$0x10] =	vst v1  }
0x87: {  	v1 =	vld [tilespmem:s0+$0xFFFFFFE0];
	v3 =	vsel vm0, v3, v5  }
0x88: {  	v5 =	vld [tilespmem:s0+$0xFFFFFFF0];
	[tilespmem:s31+$0x20] =	vst v3;
	s31 =	smov.u32 s4  }
0x89: {  	v3 =	vld [tilespmem:s0+$0x0];
	vm0 =	vlt.f32 v2, $5.000000000e-01  }
0x8a: {  	v2 =	vld [tilespmem:s0+$0x10];
	v0 =	vsel vm0, v6, v0  }
0x8b: {  	vm4 =	vlt.f32 v4, $5.000000000e-01;
	v4 =	vld [tilespmem:s0+$0x20];
	[tilespmem:s4+$0x30] =	vst v0  }
0x8c: {  	v0 =	vld [tilespmem:s0+$0xFFFFFFC0];
	vm5 =	vlt.f32 v1, $5.000000000e-01  }
0x8d: {  	v1 =	vld [tilespmem:s4+$0xFFFFFFC0];
	vm3 =	vlt.f32 v5, $5.000000000e-01  }
0x8e: {  	v5 =	vld [tilespmem:s2+$0xFFFFFFC0];
	vm2 =	vlt.f32 v3, $5.000000000e-01  }
0x8f: {  	v3 =	vld [tilespmem:s4+$0xFFFFFFD0];
	vm1 =	vlt.f32 v2, $5.000000000e-01  }
0x90: {  	v2 =	vld [tilespmem:s2+$0xFFFFFFD0];
	vm0 =	vlt.f32 v4, $5.000000000e-01  }
0x91: {  	vm6 =	vlt.f32 v0, $5.000000000e-01;
	v4 =	vld [tilespmem:s4+$0xFFFFFFE0]  }
0x92: {  	v6 =	vld [tilespmem:s2+$0xFFFFFFE0]  }
0x93: {  	v0 =	vsel vm6, v1, v5;
	v5 =	vld [tilespmem:s4+$0xFFFFFFF0]  }
0x94: {  	[tilespmem:s4+$0xFFFFFFC0] =	vst v0;
	v7 =	vld [tilespmem:s2+$0xFFFFFFF0]  }
0x95: {  	v1 =	vsel vm4, v3, v2;
	v0 =	vld [tilespmem:s4+$0x0]  }
.Ltmp0:
0x96: {  	[tilespmem:s4+$0xFFFFFFD0] =	vst v1;
	v2 =	vld [tilespmem:s2+$0x0];
	(pc) =	sbr.rel @p0 .LBB2_2-.Ltmp0, $4  }
0x97: {  	v3 =	vsel vm5, v4, v6;
	v1 =	vld [tilespmem:s4+$0x10]  }
0x98: {  	[tilespmem:s4+$0xFFFFFFE0] =	vst v3;
	v4 =	vld [tilespmem:s2+$0x10]  }
0x99: {  	v5 =	vsel vm3, v5, v7;
	v3 =	vld [tilespmem:s4+$0x20]  }
0x9a: {  	s4 =	sadd.s32 $0x80, s4;
	[tilespmem:s31+$0xFFFFFFF0] =	vst v5;
	v5 =	vld [tilespmem:s2+$0x20]  }
0x9b: {  	_ =	sdelay $0x1  }
0x9c: {  	v0 =	vsel vm2, v0, v2  }
0x9d: {  	[tilespmem:s31+$0x0] =	vst v0;
	v0 =	vsel vm1, v1, v4  }
0x9e: {  	[tilespmem:s31+$0x10] =	vst v0;
	v0 =	vsel vm0, v3, v5  }
0x9f: {  	[tilespmem:s31+$0x20] =	vst v0  }
0xa0: {  	s0 =	rddreg [dreg:$0x9]  }
0xa1: {  	[tilespmem:s17], [sflag:$0x7] =	stream.linear.gather [hbm4b:s0+s1], $0x3600, $0x38;
	[tilespmem:$0x17A00] =	vst v63  }
0xa2: {  	s3 =	rddreg [dreg:$0xa]  }
0xa3: {  	[tilespmem:s18], [sflag:$0x7] =	stream.linear.gather [hbm4b:s3+s1], $0x3600, $0x38;
	[tilespmem:$0x17A00] =	vst v63  }
0xa4: {  	s4 =	rddreg [dreg:$0xb]  }
0xa5: {  	[hbm4b:s4+s1] =	stream.linear.scatter [tilespmem:s15], [sflag:$0x5], $0x3600, $0x38;
	[tilespmem:$0x17A00] =	vst v63  }
0xa6: {  	_ =	swait.ge [sflag:s25], $0x3600  }
0xa7: {  	[sflag:s25] =	ssyncset.done $0x0  }
0xa8: {  	[sflag:s25] =	ssyncadd.s32 $0xFFFFCA00  }
0xa9: {  	[tilespmem:s15], [sflag:$0x2] =	stream.linear.gather [hbm4b:s6+s1], $0x3600, $0x38;
	[tilespmem:$0x17A00] =	vst v63  }
0xaa: {  	_ =	swait.ge [sflag:s26], $0x3600  }
0xab: {  	[sflag:s26] =	ssyncset.done $0x0  }
0xac: {  	[sflag:s26] =	ssyncadd.s32 $0xFFFFCA00  }
0xad: {  	_ =	swait.ge [sflag:s28], $0x3600  }
0xae: {  	[sflag:s28] =	ssyncset.done $0x0  }
0xaf: {  	[sflag:s28] =	ssyncadd.s32 $0xFFFFCA00  }
0xb0: {  	_ =	swait.ge [sflag:s28], $0x3600  }
0xb1: {  	[sflag:s28] =	ssyncset.done $0x0  }
0xb2: {  	s31 =	simm.s32 $0x6C40;
	[sflag:s28] =	ssyncadd.s32 $0xFFFFCA00  }
0xb3: {  	s0 =	simm.s32 $0x14440;
	v0 =	vld [tilespmem:s31+$0x30]  }
0xb4: {  	s2 =	simm.s32 $0xD840;
	v1 =	vld [tilespmem:s0+$0x30]  }
0xb5: {  	v2 =	vld [tilespmem:s2+$0x30]  }
0xb6: {  	v3 =	vld [tilespmem:s0+$0xFFFFFFD0]  }
0xb7: {  	v4 =	vld [tilespmem:s0+$0xFFFFFFE0]  }
0xb8: {  	v5 =	vld [tilespmem:s0+$0xFFFFFFF0]  }
0xb9: {  	v6 =	vld [tilespmem:s0+$0x0]  }
0xba: {  	v7 =	vld [tilespmem:s0+$0x10]  }
0xbb: {  	v8 =	vld [tilespmem:s0+$0x20]  }
0xbc: {  	v9 =	vld [tilespmem:s0+$0xFFFFFFC0]  }
0xbd: {  	v10 =	vld [tilespmem:s31+$0xFFFFFFC0]  }
0xbe: {  	v11 =	vld [tilespmem:s2+$0xFFFFFFC0]  }
0xbf: {  	v12 =	vld [tilespmem:s31+$0xFFFFFFD0]  }
0xc0: {  	v13 =	vld [tilespmem:s2+$0xFFFFFFD0]  }
0xc1: {  	v14 =	vld [tilespmem:s31+$0xFFFFFFE0]  }
0xc2: {  	v15 =	vld [tilespmem:s2+$0xFFFFFFE0]  }
0xc3: {  	v16 =	vld [tilespmem:s31+$0xFFFFFFF0]  }
0xc4: {  	v17 =	vld [tilespmem:s2+$0xFFFFFFF0];
	vm0 =	vlt.f32 v1, $5.000000000e-01  }
0xc5: {  	v1 =	vsel vm0, v0, v2;
	vm0 =	vlt.f32 v9, $5.000000000e-01;
	v0 =	vld [tilespmem:s31+$0x0]  }
0xc6: {  	vm1 =	vlt.f32 v3, $5.000000000e-01;
	v2 =	vld [tilespmem:s2+$0x0];
	v3 =	vsel vm0, v10, v11;
	[tilespmem:s31+$0x30] =	vst v1  }
0xc7: {  	vm0 =	vlt.f32 v4, $5.000000000e-01;
	v4 =	vsel vm1, v12, v13;
	v1 =	vld [tilespmem:s31+$0x10];
	[tilespmem:s31+$0xFFFFFFC0] =	vst v3  }
0xc8: {  	vm1 =	vlt.f32 v5, $5.000000000e-01;
	[tilespmem:s31+$0xFFFFFFD0] =	vst v4;
	v3 =	vsel vm0, v14, v15;
	v4 =	vld [tilespmem:s2+$0x10]  }
0xc9: {  	v5 =	vsel vm1, v16, v17;
	[tilespmem:s31+$0xFFFFFFE0] =	vst v3;
	v3 =	vld [tilespmem:s31+$0x20]  }
0xca: {  	s3 =	simm.s32 $0x0;
	s4 =	simm.s32 $0x6CC0;
	vm2 =	vlt.f32 v6, $5.000000000e-01;
	vm1 =	vlt.f32 v7, $5.000000000e-01;
	vm0 =	vlt.f32 v8, $5.000000000e-01;
	[tilespmem:s31+$0xFFFFFFF0] =	vst v5;
	v5 =	vld [tilespmem:s2+$0x20]  }
.LBB2_4:
0xcb: {  	v6 =	vld [tilespmem:s4+$0x30];
	v0 =	vsel vm2, v0, v2;
	s0 =	sadd.s32 $0x80, s0  }
0xcc: {  	s3 =	sadd.s32 $0x80, s3;
	s2 =	sadd.s32 $0x80, s2;
	v2 =	vld [tilespmem:s0+$0x30];
	[tilespmem:s31+$0x0] =	vst v0  }
0xcd: {  	p0 =	slt.u32 s3, $0x3580;
	v0 =	vld [tilespmem:s2+$0x30];
	v1 =	vsel vm1, v1, v4  }
0xce: {  	v4 =	vld [tilespmem:s0+$0xFFFFFFD0];
	[tilespmem:s31+$0x10] =	vst v1  }
0xcf: {  	v1 =	vld [tilespmem:s0+$0xFFFFFFE0];
	v3 =	vsel vm0, v3, v5  }
0xd0: {  	v5 =	vld [tilespmem:s0+$0xFFFFFFF0];
	[tilespmem:s31+$0x20] =	vst v3;
	s31 =	smov.u32 s4  }
0xd1: {  	v3 =	vld [tilespmem:s0+$0x0];
	vm0 =	vlt.f32 v2, $5.000000000e-01  }
0xd2: {  	v2 =	vld [tilespmem:s0+$0x10];
	v0 =	vsel vm0, v6, v0  }
0xd3: {  	vm4 =	vlt.f32 v4, $5.000000000e-01;
	v4 =	vld [tilespmem:s0+$0x20];
	[tilespmem:s4+$0x30] =	vst v0  }
0xd4: {  	v0 =	vld [tilespmem:s0+$0xFFFFFFC0];
	vm5 =	vlt.f32 v1, $5.000000000e-01  }
0xd5: {  	v1 =	vld [tilespmem:s4+$0xFFFFFFC0];
	vm3 =	vlt.f32 v5, $5.000000000e-01  }
0xd6: {  	v5 =	vld [tilespmem:s2+$0xFFFFFFC0];
	vm2 =	vlt.f32 v3, $5.000000000e-01  }
0xd7: {  	v3 =	vld [tilespmem:s4+$0xFFFFFFD0];
	vm1 =	vlt.f32 v2, $5.000000000e-01  }
0xd8: {  	v2 =	vld [tilespmem:s2+$0xFFFFFFD0];
	vm0 =	vlt.f32 v4, $5.000000000e-01  }
0xd9: {  	vm6 =	vlt.f32 v0, $5.000000000e-01;
	v4 =	vld [tilespmem:s4+$0xFFFFFFE0]  }
0xda: {  	v6 =	vld [tilespmem:s2+$0xFFFFFFE0]  }
0xdb: {  	v0 =	vsel vm6, v1, v5;
	v5 =	vld [tilespmem:s4+$0xFFFFFFF0]  }
0xdc: {  	[tilespmem:s4+$0xFFFFFFC0] =	vst v0;
	v7 =	vld [tilespmem:s2+$0xFFFFFFF0]  }
0xdd: {  	v1 =	vsel vm4, v3, v2;
	v0 =	vld [tilespmem:s4+$0x0]  }
.Ltmp1:
0xde: {  	[tilespmem:s4+$0xFFFFFFD0] =	vst v1;
	v2 =	vld [tilespmem:s2+$0x0];
	(pc) =	sbr.rel @p0 .LBB2_4-.Ltmp1, $4  }
0xdf: {  	v3 =	vsel vm5, v4, v6;
	v1 =	vld [tilespmem:s4+$0x10]  }
0xe0: {  	[tilespmem:s4+$0xFFFFFFE0] =	vst v3;
	v4 =	vld [tilespmem:s2+$0x10]  }
0xe1: {  	v5 =	vsel vm3, v5, v7;
	v3 =	vld [tilespmem:s4+$0x20]  }
0xe2: {  	s4 =	sadd.s32 $0x80, s4;
	[tilespmem:s31+$0xFFFFFFF0] =	vst v5;
	v5 =	vld [tilespmem:s2+$0x20]  }
0xe3: {  	_ =	sdelay $0x1  }
0xe4: {  	v0 =	vsel vm2, v0, v2  }
0xe5: {  	[tilespmem:s31+$0x0] =	vst v0;
	v0 =	vsel vm1, v1, v4  }
0xe6: {  	[tilespmem:s31+$0x10] =	vst v0;
	v0 =	vsel vm0, v3, v5  }
0xe7: {  	[tilespmem:s31+$0x20] =	vst v0  }
0xe8: {  	s0 =	sld [smem:$0x7F1];
	_ =	sdelay $0x1  }
0xe9: {  	s4 =	sld [smem:$0x7F8]  }
0xea: {  	[tilespmem:s19], [sflag:$0x8] =	stream.linear.gather [hbm4b:s0+s1], $0x3600, $0x38;
	[tilespmem:$0x17A00] =	vst v63  }
0xeb: {  	_ = 	snop  }
0xec: {  	[tilespmem:s20], [sflag:$0x8] =	stream.linear.gather [hbm4b:s4+s1], $0x3600, $0x38;
	[tilespmem:$0x17A00] =	vst v63  }
0xed: {  	_ =	swait.ge [sflag:s24], $0x3600  }
0xee: {  	[sflag:s24] =	ssyncset.done $0x0  }
0xef: {  	[sflag:s24] =	ssyncadd.s32 $0xFFFFCA00  }
0xf0: {  	_ =	swait.ge [sflag:s24], $0x3600  }
0xf1: {  	[sflag:s24] =	ssyncset.done $0x0  }
0xf2: {  	s31 =	simm.s32 $0x6C40;
	[sflag:s24] =	ssyncadd.s32 $0xFFFFCA00  }
0xf3: {  	s0 =	simm.s32 $0x10E40;
	v0 =	vld [tilespmem:s31+$0x30]  }
0xf4: {  	s2 =	simm.s32 $0xA240;
	v1 =	vld [tilespmem:s0+$0x30]  }
0xf5: {  	v2 =	vld [tilespmem:s2+$0x30]  }
0xf6: {  	v3 =	vld [tilespmem:s0+$0xFFFFFFD0]  }
0xf7: {  	v4 =	vld [tilespmem:s0+$0xFFFFFFE0]  }
0xf8: {  	v5 =	vld [tilespmem:s0+$0xFFFFFFF0]  }
0xf9: {  	v6 =	vld [tilespmem:s0+$0x0]  }
0xfa: {  	v7 =	vld [tilespmem:s0+$0x10]  }
0xfb: {  	v8 =	vld [tilespmem:s0+$0x20]  }
0xfc: {  	v9 =	vld [tilespmem:s0+$0xFFFFFFC0]  }
0xfd: {  	v10 =	vld [tilespmem:s31+$0xFFFFFFC0]  }
0xfe: {  	v11 =	vld [tilespmem:s2+$0xFFFFFFC0]  }
0xff: {  	v12 =	vld [tilespmem:s31+$0xFFFFFFD0]  }
0x100: {  	v13 =	vld [tilespmem:s2+$0xFFFFFFD0]  }
0x101: {  	v14 =	vld [tilespmem:s31+$0xFFFFFFE0]  }
0x102: {  	v15 =	vld [tilespmem:s2+$0xFFFFFFE0]  }
0x103: {  	v16 =	vld [tilespmem:s31+$0xFFFFFFF0]  }
0x104: {  	v17 =	vld [tilespmem:s2+$0xFFFFFFF0];
	vm0 =	vlt.f32 v1, $5.000000000e-01  }
0x105: {  	v1 =	vsel vm0, v0, v2;
	vm0 =	vlt.f32 v9, $5.000000000e-01;
	v0 =	vld [tilespmem:s31+$0x0]  }
0x106: {  	vm1 =	vlt.f32 v3, $5.000000000e-01;
	v2 =	vld [tilespmem:s2+$0x0];
	v3 =	vsel vm0, v10, v11;
	[tilespmem:s31+$0x30] =	vst v1  }
0x107: {  	vm0 =	vlt.f32 v4, $5.000000000e-01;
	v4 =	vsel vm1, v12, v13;
	v1 =	vld [tilespmem:s31+$0x10];
	[tilespmem:s31+$0xFFFFFFC0] =	vst v3  }
0x108: {  	vm1 =	vlt.f32 v5, $5.000000000e-01;
	[tilespmem:s31+$0xFFFFFFD0] =	vst v4;
	v3 =	vsel vm0, v14, v15;
	v4 =	vld [tilespmem:s2+$0x10]  }
0x109: {  	v5 =	vsel vm1, v16, v17;
	[tilespmem:s31+$0xFFFFFFE0] =	vst v3;
	v3 =	vld [tilespmem:s31+$0x20]  }
0x10a: {  	s3 =	simm.s32 $0x0;
	s4 =	simm.s32 $0x6CC0;
	vm2 =	vlt.f32 v6, $5.000000000e-01;
	vm1 =	vlt.f32 v7, $5.000000000e-01;
	vm0 =	vlt.f32 v8, $5.000000000e-01;
	[tilespmem:s31+$0xFFFFFFF0] =	vst v5;
	v5 =	vld [tilespmem:s2+$0x20]  }
.LBB2_6:
0x10b: {  	v6 =	vld [tilespmem:s4+$0x30];
	v0 =	vsel vm2, v0, v2;
	s0 =	sadd.s32 $0x80, s0  }
0x10c: {  	s3 =	sadd.s32 $0x80, s3;
	s2 =	sadd.s32 $0x80, s2;
	v2 =	vld [tilespmem:s0+$0x30];
	[tilespmem:s31+$0x0] =	vst v0  }
0x10d: {  	p0 =	slt.u32 s3, $0x3580;
	v0 =	vld [tilespmem:s2+$0x30];
	v1 =	vsel vm1, v1, v4  }
0x10e: {  	v4 =	vld [tilespmem:s0+$0xFFFFFFD0];
	[tilespmem:s31+$0x10] =	vst v1  }
0x10f: {  	v1 =	vld [tilespmem:s0+$0xFFFFFFE0];
	v3 =	vsel vm0, v3, v5  }
0x110: {  	v5 =	vld [tilespmem:s0+$0xFFFFFFF0];
	[tilespmem:s31+$0x20] =	vst v3;
	s31 =	smov.u32 s4  }
0x111: {  	v3 =	vld [tilespmem:s0+$0x0];
	vm0 =	vlt.f32 v2, $5.000000000e-01  }
0x112: {  	v2 =	vld [tilespmem:s0+$0x10];
	v0 =	vsel vm0, v6, v0  }
0x113: {  	vm4 =	vlt.f32 v4, $5.000000000e-01;
	v4 =	vld [tilespmem:s0+$0x20];
	[tilespmem:s4+$0x30] =	vst v0  }
0x114: {  	v0 =	vld [tilespmem:s0+$0xFFFFFFC0];
	vm5 =	vlt.f32 v1, $5.000000000e-01  }
0x115: {  	v1 =	vld [tilespmem:s4+$0xFFFFFFC0];
	vm3 =	vlt.f32 v5, $5.000000000e-01  }
0x116: {  	v5 =	vld [tilespmem:s2+$0xFFFFFFC0];
	vm2 =	vlt.f32 v3, $5.000000000e-01  }
0x117: {  	v3 =	vld [tilespmem:s4+$0xFFFFFFD0];
	vm1 =	vlt.f32 v2, $5.000000000e-01  }
0x118: {  	v2 =	vld [tilespmem:s2+$0xFFFFFFD0];
	vm0 =	vlt.f32 v4, $5.000000000e-01  }
0x119: {  	vm6 =	vlt.f32 v0, $5.000000000e-01;
	v4 =	vld [tilespmem:s4+$0xFFFFFFE0]  }
0x11a: {  	v6 =	vld [tilespmem:s2+$0xFFFFFFE0]  }
0x11b: {  	v0 =	vsel vm6, v1, v5;
	v5 =	vld [tilespmem:s4+$0xFFFFFFF0]  }
0x11c: {  	[tilespmem:s4+$0xFFFFFFC0] =	vst v0;
	v7 =	vld [tilespmem:s2+$0xFFFFFFF0]  }
0x11d: {  	v1 =	vsel vm4, v3, v2;
	v0 =	vld [tilespmem:s4+$0x0]  }
.Ltmp2:
0x11e: {  	[tilespmem:s4+$0xFFFFFFD0] =	vst v1;
	v2 =	vld [tilespmem:s2+$0x0];
	(pc) =	sbr.rel @p0 .LBB2_6-.Ltmp2, $4  }
0x11f: {  	v3 =	vsel vm5, v4, v6;
	v1 =	vld [tilespmem:s4+$0x10]  }
0x120: {  	[tilespmem:s4+$0xFFFFFFE0] =	vst v3;
	v4 =	vld [tilespmem:s2+$0x10]  }
0x121: {  	v5 =	vsel vm3, v5, v7;
	v3 =	vld [tilespmem:s4+$0x20]  }
0x122: {  	s4 =	sadd.s32 $0x80, s4;
	[tilespmem:s31+$0xFFFFFFF0] =	vst v5;
	v5 =	vld [tilespmem:s2+$0x20]  }
0x123: {  	_ =	sdelay $0x1  }
0x124: {  	v0 =	vsel vm2, v0, v2  }
0x125: {  	[tilespmem:s31+$0x0] =	vst v0;
	v0 =	vsel vm1, v1, v4  }
0x126: {  	[tilespmem:s31+$0x10] =	vst v0;
	v0 =	vsel vm0, v3, v5  }
0x127: {  	[tilespmem:s31+$0x20] =	vst v0  }
0x128: {  	s0 =	sld [smem:$0x7F2];
	_ =	sdelay $0x1  }
0x129: {  	s3 =	sld [smem:$0x7F9]  }
0x12a: {  	[tilespmem:s17], [sflag:$0x7] =	stream.linear.gather [hbm4b:s0+s1], $0x3600, $0x38;
	[tilespmem:$0x17A00] =	vst v63  }
0x12b: {  	_ = 	snop  }
0x12c: {  	[tilespmem:s18], [sflag:$0x7] =	stream.linear.gather [hbm4b:s3+s1], $0x3600, $0x38;
	[tilespmem:$0x17A00] =	vst v63  }
0x12d: {  	s4 =	rddreg [dreg:$0xc]  }
0x12e: {  	[hbm4b:s4+s1] =	stream.linear.scatter [tilespmem:s16], [sflag:$0x6], $0x3600, $0x38;
	[tilespmem:$0x17A00] =	vst v63  }
0x12f: {  	_ =	swait.ge [sflag:s29], $0x3600  }
0x130: {  	[sflag:s29] =	ssyncset.done $0x0  }
0x131: {  	[sflag:s29] =	ssyncadd.s32 $0xFFFFCA00  }
0x132: {  	[tilespmem:s16], [sflag:$0x3] =	stream.linear.gather [hbm4b:s8+s1], $0x3600, $0x38;
	[tilespmem:$0x17A00] =	vst v63  }
0x133: {  	_ =	swait.ge [sflag:s21], $0x3600  }
0x134: {  	[sflag:s21] =	ssyncset.done $0x0  }
0x135: {  	[sflag:s21] =	ssyncadd.s32 $0xFFFFCA00  }
0x136: {  	_ =	swait.ge [sflag:s28], $0x3600  }
0x137: {  	[sflag:s28] =	ssyncset.done $0x0  }
0x138: {  	[sflag:s28] =	ssyncadd.s32 $0xFFFFCA00  }
0x139: {  	_ =	swait.ge [sflag:s28], $0x3600  }
0x13a: {  	[sflag:s28] =	ssyncset.done $0x0  }
0x13b: {  	s31 =	simm.s32 $0x40;
	[sflag:s28] =	ssyncadd.s32 $0xFFFFCA00  }
0x13c: {  	s0 =	simm.s32 $0x14440;
	v0 =	vld [tilespmem:s31+$0x30]  }
0x13d: {  	s2 =	simm.s32 $0xD840;
	v1 =	vld [tilespmem:s0+$0x30]  }
0x13e: {  	v2 =	vld [tilespmem:s2+$0x30]  }
0x13f: {  	v3 =	vld [tilespmem:s0+$0xFFFFFFD0]  }
0x140: {  	v4 =	vld [tilespmem:s0+$0xFFFFFFE0]  }
0x141: {  	v5 =	vld [tilespmem:s0+$0xFFFFFFF0]  }
0x142: {  	v6 =	vld [tilespmem:s0+$0x0]  }
0x143: {  	v7 =	vld [tilespmem:s0+$0x10]  }
0x144: {  	v8 =	vld [tilespmem:s0+$0x20]  }
0x145: {  	v9 =	vld [tilespmem:s0+$0xFFFFFFC0]  }
0x146: {  	v10 =	vld [tilespmem:s31+$0xFFFFFFC0]  }
0x147: {  	v11 =	vld [tilespmem:s2+$0xFFFFFFC0]  }
0x148: {  	v12 =	vld [tilespmem:s31+$0xFFFFFFD0]  }
0x149: {  	v13 =	vld [tilespmem:s2+$0xFFFFFFD0]  }
0x14a: {  	v14 =	vld [tilespmem:s31+$0xFFFFFFE0]  }
0x14b: {  	v15 =	vld [tilespmem:s2+$0xFFFFFFE0]  }
0x14c: {  	v16 =	vld [tilespmem:s31+$0xFFFFFFF0]  }
0x14d: {  	v17 =	vld [tilespmem:s2+$0xFFFFFFF0];
	vm0 =	vlt.f32 v1, $5.000000000e-01  }
0x14e: {  	v1 =	vsel vm0, v0, v2;
	vm0 =	vlt.f32 v9, $5.000000000e-01;
	v0 =	vld [tilespmem:s31+$0x0]  }
0x14f: {  	vm1 =	vlt.f32 v3, $5.000000000e-01;
	v2 =	vld [tilespmem:s2+$0x0];
	v3 =	vsel vm0, v10, v11;
	[tilespmem:s31+$0x30] =	vst v1  }
0x150: {  	vm0 =	vlt.f32 v4, $5.000000000e-01;
	v4 =	vsel vm1, v12, v13;
	v1 =	vld [tilespmem:s31+$0x10];
	[tilespmem:s31+$0xFFFFFFC0] =	vst v3  }
0x151: {  	vm1 =	vlt.f32 v5, $5.000000000e-01;
	[tilespmem:s31+$0xFFFFFFD0] =	vst v4;
	v3 =	vsel vm0, v14, v15;
	v4 =	vld [tilespmem:s2+$0x10]  }
0x152: {  	v5 =	vsel vm1, v16, v17;
	[tilespmem:s31+$0xFFFFFFE0] =	vst v3;
	v3 =	vld [tilespmem:s31+$0x20]  }
0x153: {  	s3 =	simm.s32 $0x0;
	s4 =	simm.s32 $0xC0;
	vm2 =	vlt.f32 v6, $5.000000000e-01;
	vm1 =	vlt.f32 v7, $5.000000000e-01;
	vm0 =	vlt.f32 v8, $5.000000000e-01;
	[tilespmem:s31+$0xFFFFFFF0] =	vst v5;
	v5 =	vld [tilespmem:s2+$0x20]  }
.LBB2_8:
0x154: {  	v6 =	vld [tilespmem:s4+$0x30];
	v0 =	vsel vm2, v0, v2;
	s0 =	sadd.s32 $0x80, s0  }
0x155: {  	s3 =	sadd.s32 $0x80, s3;
	s2 =	sadd.s32 $0x80, s2;
	v2 =	vld [tilespmem:s0+$0x30];
	[tilespmem:s31+$0x0] =	vst v0  }
0x156: {  	p0 =	slt.u32 s3, $0x3580;
	v0 =	vld [tilespmem:s2+$0x30];
	v1 =	vsel vm1, v1, v4  }
0x157: {  	v4 =	vld [tilespmem:s0+$0xFFFFFFD0];
	[tilespmem:s31+$0x10] =	vst v1  }
0x158: {  	v1 =	vld [tilespmem:s0+$0xFFFFFFE0];
	v3 =	vsel vm0, v3, v5  }
0x159: {  	v5 =	vld [tilespmem:s0+$0xFFFFFFF0];
	[tilespmem:s31+$0x20] =	vst v3;
	s31 =	smov.u32 s4  }
0x15a: {  	v3 =	vld [tilespmem:s0+$0x0];
	vm0 =	vlt.f32 v2, $5.000000000e-01  }
0x15b: {  	v2 =	vld [tilespmem:s0+$0x10];
	v0 =	vsel vm0, v6, v0  }
0x15c: {  	vm4 =	vlt.f32 v4, $5.000000000e-01;
	v4 =	vld [tilespmem:s0+$0x20];
	[tilespmem:s4+$0x30] =	vst v0  }
0x15d: {  	v0 =	vld [tilespmem:s0+$0xFFFFFFC0];
	vm5 =	vlt.f32 v1, $5.000000000e-01  }
0x15e: {  	v1 =	vld [tilespmem:s4+$0xFFFFFFC0];
	vm3 =	vlt.f32 v5, $5.000000000e-01  }
0x15f: {  	v5 =	vld [tilespmem:s2+$0xFFFFFFC0];
	vm2 =	vlt.f32 v3, $5.000000000e-01  }
0x160: {  	v3 =	vld [tilespmem:s4+$0xFFFFFFD0];
	vm1 =	vlt.f32 v2, $5.000000000e-01  }
0x161: {  	v2 =	vld [tilespmem:s2+$0xFFFFFFD0];
	vm0 =	vlt.f32 v4, $5.000000000e-01  }
0x162: {  	vm6 =	vlt.f32 v0, $5.000000000e-01;
	v4 =	vld [tilespmem:s4+$0xFFFFFFE0]  }
0x163: {  	v6 =	vld [tilespmem:s2+$0xFFFFFFE0]  }
0x164: {  	v0 =	vsel vm6, v1, v5;
	v5 =	vld [tilespmem:s4+$0xFFFFFFF0]  }
0x165: {  	[tilespmem:s4+$0xFFFFFFC0] =	vst v0;
	v7 =	vld [tilespmem:s2+$0xFFFFFFF0]  }
0x166: {  	v1 =	vsel vm4, v3, v2;
	v0 =	vld [tilespmem:s4+$0x0]  }
.Ltmp3:
0x167: {  	[tilespmem:s4+$0xFFFFFFD0] =	vst v1;
	v2 =	vld [tilespmem:s2+$0x0];
	(pc) =	sbr.rel @p0 .LBB2_8-.Ltmp3, $4  }
0x168: {  	v3 =	vsel vm5, v4, v6;
	v1 =	vld [tilespmem:s4+$0x10]  }
0x169: {  	[tilespmem:s4+$0xFFFFFFE0] =	vst v3;
	v4 =	vld [tilespmem:s2+$0x10]  }
0x16a: {  	v5 =	vsel vm3, v5, v7;
	v3 =	vld [tilespmem:s4+$0x20]  }
0x16b: {  	s4 =	sadd.s32 $0x80, s4;
	[tilespmem:s31+$0xFFFFFFF0] =	vst v5;
	v5 =	vld [tilespmem:s2+$0x20]  }
0x16c: {  	_ =	sdelay $0x1  }
0x16d: {  	v0 =	vsel vm2, v0, v2  }
0x16e: {  	[tilespmem:s31+$0x0] =	vst v0;
	v0 =	vsel vm1, v1, v4  }
0x16f: {  	[tilespmem:s31+$0x10] =	vst v0;
	v0 =	vsel vm0, v3, v5  }
0x170: {  	[tilespmem:s31+$0x20] =	vst v0  }
0x171: {  	s0 =	sld [smem:$0x7F3];
	_ =	sdelay $0x1  }
0x172: {  	s4 =	sld [smem:$0x7FA]  }
0x173: {  	[tilespmem:s19], [sflag:$0x8] =	stream.linear.gather [hbm4b:s0+s1], $0x3600, $0x38;
	[tilespmem:$0x17A00] =	vst v63  }
0x174: {  	_ = 	snop  }
0x175: {  	[tilespmem:s20], [sflag:$0x8] =	stream.linear.gather [hbm4b:s4+s1], $0x3600, $0x38;
	[tilespmem:$0x17A00] =	vst v63  }
0x176: {  	_ =	swait.ge [sflag:s24], $0x3600  }
0x177: {  	[sflag:s24] =	ssyncset.done $0x0  }
0x178: {  	[sflag:s24] =	ssyncadd.s32 $0xFFFFCA00  }
0x179: {  	_ =	swait.ge [sflag:s24], $0x3600  }
0x17a: {  	[sflag:s24] =	ssyncset.done $0x0  }
0x17b: {  	s31 =	simm.s32 $0x40;
	[sflag:s24] =	ssyncadd.s32 $0xFFFFCA00  }
0x17c: {  	s0 =	simm.s32 $0x10E40;
	v0 =	vld [tilespmem:s31+$0x30]  }
0x17d: {  	s2 =	simm.s32 $0xA240;
	v1 =	vld [tilespmem:s0+$0x30]  }
0x17e: {  	v2 =	vld [tilespmem:s2+$0x30]  }
0x17f: {  	v3 =	vld [tilespmem:s0+$0xFFFFFFD0]  }
0x180: {  	v4 =	vld [tilespmem:s0+$0xFFFFFFE0]  }
0x181: {  	v5 =	vld [tilespmem:s0+$0xFFFFFFF0]  }
0x182: {  	v6 =	vld [tilespmem:s0+$0x0]  }
0x183: {  	v7 =	vld [tilespmem:s0+$0x10]  }
0x184: {  	v8 =	vld [tilespmem:s0+$0x20]  }
0x185: {  	v9 =	vld [tilespmem:s0+$0xFFFFFFC0]  }
0x186: {  	v10 =	vld [tilespmem:s31+$0xFFFFFFC0]  }
0x187: {  	v11 =	vld [tilespmem:s2+$0xFFFFFFC0]  }
0x188: {  	v12 =	vld [tilespmem:s31+$0xFFFFFFD0]  }
0x189: {  	v13 =	vld [tilespmem:s2+$0xFFFFFFD0]  }
0x18a: {  	v14 =	vld [tilespmem:s31+$0xFFFFFFE0]  }
0x18b: {  	v15 =	vld [tilespmem:s2+$0xFFFFFFE0]  }
0x18c: {  	v16 =	vld [tilespmem:s31+$0xFFFFFFF0]  }
0x18d: {  	v17 =	vld [tilespmem:s2+$0xFFFFFFF0];
	vm0 =	vlt.f32 v1, $5.000000000e-01  }
0x18e: {  	v1 =	vsel vm0, v0, v2;
	vm0 =	vlt.f32 v9, $5.000000000e-01;
	v0 =	vld [tilespmem:s31+$0x0]  }
0x18f: {  	vm1 =	vlt.f32 v3, $5.000000000e-01;
	v2 =	vld [tilespmem:s2+$0x0];
	v3 =	vsel vm0, v10, v11;
	[tilespmem:s31+$0x30] =	vst v1  }
0x190: {  	vm0 =	vlt.f32 v4, $5.000000000e-01;
	v4 =	vsel vm1, v12, v13;
	v1 =	vld [tilespmem:s31+$0x10];
	[tilespmem:s31+$0xFFFFFFC0] =	vst v3  }
0x191: {  	vm1 =	vlt.f32 v5, $5.000000000e-01;
	[tilespmem:s31+$0xFFFFFFD0] =	vst v4;
	v3 =	vsel vm0, v14, v15;
	v4 =	vld [tilespmem:s2+$0x10]  }
0x192: {  	v5 =	vsel vm1, v16, v17;
	[tilespmem:s31+$0xFFFFFFE0] =	vst v3;
	v3 =	vld [tilespmem:s31+$0x20]  }
0x193: {  	s3 =	simm.s32 $0x0;
	s4 =	simm.s32 $0xC0;
	vm2 =	vlt.f32 v6, $5.000000000e-01;
	vm1 =	vlt.f32 v7, $5.000000000e-01;
	vm0 =	vlt.f32 v8, $5.000000000e-01;
	[tilespmem:s31+$0xFFFFFFF0] =	vst v5;
	v5 =	vld [tilespmem:s2+$0x20]  }
.LBB2_10:
0x194: {  	v6 =	vld [tilespmem:s4+$0x30];
	v0 =	vsel vm2, v0, v2;
	s0 =	sadd.s32 $0x80, s0  }
0x195: {  	s3 =	sadd.s32 $0x80, s3;
	s2 =	sadd.s32 $0x80, s2;
	v2 =	vld [tilespmem:s0+$0x30];
	[tilespmem:s31+$0x0] =	vst v0  }
0x196: {  	p0 =	slt.u32 s3, $0x3580;
	v0 =	vld [tilespmem:s2+$0x30];
	v1 =	vsel vm1, v1, v4  }
0x197: {  	v4 =	vld [tilespmem:s0+$0xFFFFFFD0];
	[tilespmem:s31+$0x10] =	vst v1  }
0x198: {  	v1 =	vld [tilespmem:s0+$0xFFFFFFE0];
	v3 =	vsel vm0, v3, v5  }
0x199: {  	v5 =	vld [tilespmem:s0+$0xFFFFFFF0];
	[tilespmem:s31+$0x20] =	vst v3;
	s31 =	smov.u32 s4  }
0x19a: {  	v3 =	vld [tilespmem:s0+$0x0];
	vm0 =	vlt.f32 v2, $5.000000000e-01  }
0x19b: {  	v2 =	vld [tilespmem:s0+$0x10];
	v0 =	vsel vm0, v6, v0  }
0x19c: {  	vm4 =	vlt.f32 v4, $5.000000000e-01;
	v4 =	vld [tilespmem:s0+$0x20];
	[tilespmem:s4+$0x30] =	vst v0  }
0x19d: {  	v0 =	vld [tilespmem:s0+$0xFFFFFFC0];
	vm5 =	vlt.f32 v1, $5.000000000e-01  }
0x19e: {  	v1 =	vld [tilespmem:s4+$0xFFFFFFC0];
	vm3 =	vlt.f32 v5, $5.000000000e-01  }
0x19f: {  	v5 =	vld [tilespmem:s2+$0xFFFFFFC0];
	vm2 =	vlt.f32 v3, $5.000000000e-01  }
0x1a0: {  	v3 =	vld [tilespmem:s4+$0xFFFFFFD0];
	vm1 =	vlt.f32 v2, $5.000000000e-01  }
0x1a1: {  	v2 =	vld [tilespmem:s2+$0xFFFFFFD0];
	vm0 =	vlt.f32 v4, $5.000000000e-01  }
0x1a2: {  	vm6 =	vlt.f32 v0, $5.000000000e-01;
	v4 =	vld [tilespmem:s4+$0xFFFFFFE0]  }
0x1a3: {  	v6 =	vld [tilespmem:s2+$0xFFFFFFE0]  }
0x1a4: {  	v0 =	vsel vm6, v1, v5;
	v5 =	vld [tilespmem:s4+$0xFFFFFFF0]  }
0x1a5: {  	[tilespmem:s4+$0xFFFFFFC0] =	vst v0;
	v7 =	vld [tilespmem:s2+$0xFFFFFFF0]  }
0x1a6: {  	v1 =	vsel vm4, v3, v2;
	v0 =	vld [tilespmem:s4+$0x0]  }
.Ltmp4:
0x1a7: {  	[tilespmem:s4+$0xFFFFFFD0] =	vst v1;
	v2 =	vld [tilespmem:s2+$0x0];
	(pc) =	sbr.rel @p0 .LBB2_10-.Ltmp4, $4  }
0x1a8: {  	v3 =	vsel vm5, v4, v6;
	v1 =	vld [tilespmem:s4+$0x10]  }
0x1a9: {  	[tilespmem:s4+$0xFFFFFFE0] =	vst v3;
	v4 =	vld [tilespmem:s2+$0x10]  }
0x1aa: {  	v5 =	vsel vm3, v5, v7;
	v3 =	vld [tilespmem:s4+$0x20]  }
0x1ab: {  	s4 =	sadd.s32 $0x80, s4;
	[tilespmem:s31+$0xFFFFFFF0] =	vst v5;
	v5 =	vld [tilespmem:s2+$0x20]  }
0x1ac: {  	_ =	sdelay $0x1  }
0x1ad: {  	v0 =	vsel vm2, v0, v2  }
0x1ae: {  	[tilespmem:s31+$0x0] =	vst v0;
	v0 =	vsel vm1, v1, v4  }
0x1af: {  	[tilespmem:s31+$0x10] =	vst v0;
	v0 =	vsel vm0, v3, v5  }
0x1b0: {  	[tilespmem:s31+$0x20] =	vst v0  }
0x1b1: {  	s0 =	sld [smem:$0x7F4];
	_ =	sdelay $0x1  }
0x1b2: {  	s4 =	sld [smem:$0x7FB]  }
0x1b3: {  	[tilespmem:s17], [sflag:$0x7] =	stream.linear.gather [hbm4b:s0+s1], $0x3600, $0x38;
	[tilespmem:$0x17A00] =	vst v63  }
0x1b4: {  	_ = 	snop  }
0x1b5: {  	[tilespmem:s18], [sflag:$0x7] =	stream.linear.gather [hbm4b:s4+s1], $0x3600, $0x38;
	[tilespmem:$0x17A00] =	vst v63  }
0x1b6: {  	_ =	swait.ge [sflag:s28], $0x3600  }
0x1b7: {  	[sflag:s28] =	ssyncset.done $0x0  }
0x1b8: {  	[sflag:s28] =	ssyncadd.s32 $0xFFFFCA00  }
0x1b9: {  	_ =	swait.ge [sflag:s28], $0x3600  }
0x1ba: {  	[sflag:s28] =	ssyncset.done $0x0  }
0x1bb: {  	s31 =	simm.s32 $0x40;
	[sflag:s28] =	ssyncadd.s32 $0xFFFFCA00  }
0x1bc: {  	s0 =	simm.s32 $0x14440;
	v0 =	vld [tilespmem:s31+$0x30]  }
0x1bd: {  	s2 =	simm.s32 $0xD840;
	v1 =	vld [tilespmem:s0+$0x30]  }
0x1be: {  	v2 =	vld [tilespmem:s2+$0x30]  }
0x1bf: {  	v3 =	vld [tilespmem:s0+$0xFFFFFFD0]  }
0x1c0: {  	v4 =	vld [tilespmem:s0+$0xFFFFFFE0]  }
0x1c1: {  	v5 =	vld [tilespmem:s0+$0xFFFFFFF0]  }
0x1c2: {  	v6 =	vld [tilespmem:s0+$0x0]  }
0x1c3: {  	v7 =	vld [tilespmem:s0+$0x10]  }
0x1c4: {  	v8 =	vld [tilespmem:s0+$0x20]  }
0x1c5: {  	v9 =	vld [tilespmem:s0+$0xFFFFFFC0]  }
0x1c6: {  	v10 =	vld [tilespmem:s31+$0xFFFFFFC0]  }
0x1c7: {  	v11 =	vld [tilespmem:s2+$0xFFFFFFC0]  }
0x1c8: {  	v12 =	vld [tilespmem:s31+$0xFFFFFFD0]  }
0x1c9: {  	v13 =	vld [tilespmem:s2+$0xFFFFFFD0]  }
0x1ca: {  	v14 =	vld [tilespmem:s31+$0xFFFFFFE0]  }
0x1cb: {  	v15 =	vld [tilespmem:s2+$0xFFFFFFE0]  }
0x1cc: {  	v16 =	vld [tilespmem:s31+$0xFFFFFFF0]  }
0x1cd: {  	v17 =	vld [tilespmem:s2+$0xFFFFFFF0];
	vm0 =	vlt.f32 v1, $5.000000000e-01  }
0x1ce: {  	v1 =	vsel vm0, v0, v2;
	vm0 =	vlt.f32 v9, $5.000000000e-01;
	v0 =	vld [tilespmem:s31+$0x0]  }
0x1cf: {  	vm1 =	vlt.f32 v3, $5.000000000e-01;
	v2 =	vld [tilespmem:s2+$0x0];
	v3 =	vsel vm0, v10, v11;
	[tilespmem:s31+$0x30] =	vst v1  }
0x1d0: {  	vm0 =	vlt.f32 v4, $5.000000000e-01;
	v4 =	vsel vm1, v12, v13;
	v1 =	vld [tilespmem:s31+$0x10];
	[tilespmem:s31+$0xFFFFFFC0] =	vst v3  }
0x1d1: {  	vm1 =	vlt.f32 v5, $5.000000000e-01;
	[tilespmem:s31+$0xFFFFFFD0] =	vst v4;
	v3 =	vsel vm0, v14, v15;
	v4 =	vld [tilespmem:s2+$0x10]  }
0x1d2: {  	v5 =	vsel vm1, v16, v17;
	[tilespmem:s31+$0xFFFFFFE0] =	vst v3;
	v3 =	vld [tilespmem:s31+$0x20]  }
0x1d3: {  	s3 =	simm.s32 $0x0;
	s4 =	simm.s32 $0xC0;
	vm2 =	vlt.f32 v6, $5.000000000e-01;
	vm1 =	vlt.f32 v7, $5.000000000e-01;
	vm0 =	vlt.f32 v8, $5.000000000e-01;
	[tilespmem:s31+$0xFFFFFFF0] =	vst v5;
	v5 =	vld [tilespmem:s2+$0x20]  }
.LBB2_12:
0x1d4: {  	v6 =	vld [tilespmem:s4+$0x30];
	v0 =	vsel vm2, v0, v2;
	s0 =	sadd.s32 $0x80, s0  }
0x1d5: {  	s3 =	sadd.s32 $0x80, s3;
	s2 =	sadd.s32 $0x80, s2;
	v2 =	vld [tilespmem:s0+$0x30];
	[tilespmem:s31+$0x0] =	vst v0  }
0x1d6: {  	p0 =	slt.u32 s3, $0x3580;
	v0 =	vld [tilespmem:s2+$0x30];
	v1 =	vsel vm1, v1, v4  }
0x1d7: {  	v4 =	vld [tilespmem:s0+$0xFFFFFFD0];
	[tilespmem:s31+$0x10] =	vst v1  }
0x1d8: {  	v1 =	vld [tilespmem:s0+$0xFFFFFFE0];
	v3 =	vsel vm0, v3, v5  }
0x1d9: {  	v5 =	vld [tilespmem:s0+$0xFFFFFFF0];
	[tilespmem:s31+$0x20] =	vst v3;
	s31 =	smov.u32 s4  }
0x1da: {  	v3 =	vld [tilespmem:s0+$0x0];
	vm0 =	vlt.f32 v2, $5.000000000e-01  }
0x1db: {  	v2 =	vld [tilespmem:s0+$0x10];
	v0 =	vsel vm0, v6, v0  }
0x1dc: {  	vm4 =	vlt.f32 v4, $5.000000000e-01;
	v4 =	vld [tilespmem:s0+$0x20];
	[tilespmem:s4+$0x30] =	vst v0  }
0x1dd: {  	v0 =	vld [tilespmem:s0+$0xFFFFFFC0];
	vm5 =	vlt.f32 v1, $5.000000000e-01  }
0x1de: {  	v1 =	vld [tilespmem:s4+$0xFFFFFFC0];
	vm3 =	vlt.f32 v5, $5.000000000e-01  }
0x1df: {  	v5 =	vld [tilespmem:s2+$0xFFFFFFC0];
	vm2 =	vlt.f32 v3, $5.000000000e-01  }
0x1e0: {  	v3 =	vld [tilespmem:s4+$0xFFFFFFD0];
	vm1 =	vlt.f32 v2, $5.000000000e-01  }
0x1e1: {  	v2 =	vld [tilespmem:s2+$0xFFFFFFD0];
	vm0 =	vlt.f32 v4, $5.000000000e-01  }
0x1e2: {  	vm6 =	vlt.f32 v0, $5.000000000e-01;
	v4 =	vld [tilespmem:s4+$0xFFFFFFE0]  }
0x1e3: {  	v6 =	vld [tilespmem:s2+$0xFFFFFFE0]  }
0x1e4: {  	v0 =	vsel vm6, v1, v5;
	v5 =	vld [tilespmem:s4+$0xFFFFFFF0]  }
0x1e5: {  	[tilespmem:s4+$0xFFFFFFC0] =	vst v0;
	v7 =	vld [tilespmem:s2+$0xFFFFFFF0]  }
0x1e6: {  	v1 =	vsel vm4, v3, v2;
	v0 =	vld [tilespmem:s4+$0x0]  }
.Ltmp5:
0x1e7: {  	[tilespmem:s4+$0xFFFFFFD0] =	vst v1;
	v2 =	vld [tilespmem:s2+$0x0];
	(pc) =	sbr.rel @p0 .LBB2_12-.Ltmp5, $4  }
0x1e8: {  	v3 =	vsel vm5, v4, v6;
	v1 =	vld [tilespmem:s4+$0x10]  }
0x1e9: {  	[tilespmem:s4+$0xFFFFFFE0] =	vst v3;
	v4 =	vld [tilespmem:s2+$0x10]  }
0x1ea: {  	v5 =	vsel vm3, v5, v7;
	v3 =	vld [tilespmem:s4+$0x20]  }
0x1eb: {  	s4 =	sadd.s32 $0x80, s4;
	[tilespmem:s31+$0xFFFFFFF0] =	vst v5;
	v5 =	vld [tilespmem:s2+$0x20]  }
0x1ec: {  	_ =	sdelay $0x1  }
0x1ed: {  	v0 =	vsel vm2, v0, v2  }
0x1ee: {  	[tilespmem:s31+$0x0] =	vst v0;
	v0 =	vsel vm1, v1, v4  }
0x1ef: {  	[tilespmem:s31+$0x10] =	vst v0;
	v0 =	vsel vm0, v3, v5  }
0x1f0: {  	[tilespmem:s31+$0x20] =	vst v0  }
0x1f1: {  	s0 =	sld [smem:$0x7F5];
	_ =	sdelay $0x1  }
0x1f2: {  	s4 =	sld [smem:$0x7FC]  }
0x1f3: {  	[tilespmem:s19], [sflag:$0x8] =	stream.linear.gather [hbm4b:s0+s1], $0x3600, $0x38;
	[tilespmem:$0x17A00] =	vst v63  }
0x1f4: {  	_ = 	snop  }
0x1f5: {  	[tilespmem:s20], [sflag:$0x8] =	stream.linear.gather [hbm4b:s4+s1], $0x3600, $0x38;
	[tilespmem:$0x17A00] =	vst v63  }
0x1f6: {  	_ = 	snop  }
0x1f7: {  	[hbm4b:s5+s1] =	stream.linear.scatter [tilespmem:s1], [sflag:$0x4], $0x3600, $0x38;
	[tilespmem:$0x17A00] =	vst v63  }
0x1f8: {  	_ =	swait.ge [sflag:s22], $0x3600  }
0x1f9: {  	[sflag:s22] =	ssyncset.done $0x0  }
0x1fa: {  	[sflag:s22] =	ssyncadd.s32 $0xFFFFCA00  }
0x1fb: {  	[tilespmem:s1], [sflag:$0x1] =	stream.linear.gather [hbm4b:s9+s1], $0x3600, $0x38;
	[tilespmem:$0x17A00] =	vst v63  }
0x1fc: {  	_ =	swait.ge [sflag:s23], $0x3600  }
0x1fd: {  	[sflag:s23] =	ssyncset.done $0x0  }
0x1fe: {  	[sflag:s23] =	ssyncadd.s32 $0xFFFFCA00  }
0x1ff: {  	_ =	swait.ge [sflag:s24], $0x3600  }
0x200: {  	[sflag:s24] =	ssyncset.done $0x0  }
0x201: {  	[sflag:s24] =	ssyncadd.s32 $0xFFFFCA00  }
0x202: {  	_ =	swait.ge [sflag:s24], $0x3600  }
0x203: {  	[sflag:s24] =	ssyncset.done $0x0  }
0x204: {  	s31 =	simm.s32 $0x3640;
	[sflag:s24] =	ssyncadd.s32 $0xFFFFCA00  }
0x205: {  	s0 =	simm.s32 $0x10E40;
	v0 =	vld [tilespmem:s31+$0x30]  }
0x206: {  	s2 =	simm.s32 $0xA240;
	v1 =	vld [tilespmem:s0+$0x30]  }
0x207: {  	v2 =	vld [tilespmem:s2+$0x30]  }
0x208: {  	v3 =	vld [tilespmem:s0+$0xFFFFFFD0]  }
0x209: {  	v4 =	vld [tilespmem:s0+$0xFFFFFFE0]  }
0x20a: {  	v5 =	vld [tilespmem:s0+$0xFFFFFFF0]  }
0x20b: {  	v6 =	vld [tilespmem:s0+$0x0]  }
0x20c: {  	v7 =	vld [tilespmem:s0+$0x10]  }
0x20d: {  	v8 =	vld [tilespmem:s0+$0x20]  }
0x20e: {  	v9 =	vld [tilespmem:s0+$0xFFFFFFC0]  }
0x20f: {  	v10 =	vld [tilespmem:s31+$0xFFFFFFC0]  }
0x210: {  	v11 =	vld [tilespmem:s2+$0xFFFFFFC0]  }
0x211: {  	v12 =	vld [tilespmem:s31+$0xFFFFFFD0]  }
0x212: {  	v13 =	vld [tilespmem:s2+$0xFFFFFFD0]  }
0x213: {  	v14 =	vld [tilespmem:s31+$0xFFFFFFE0]  }
0x214: {  	v15 =	vld [tilespmem:s2+$0xFFFFFFE0]  }
0x215: {  	v16 =	vld [tilespmem:s31+$0xFFFFFFF0]  }
0x216: {  	v17 =	vld [tilespmem:s2+$0xFFFFFFF0];
	vm0 =	vlt.f32 v1, $5.000000000e-01  }
0x217: {  	v1 =	vsel vm0, v0, v2;
	vm0 =	vlt.f32 v9, $5.000000000e-01;
	v0 =	vld [tilespmem:s31+$0x0]  }
0x218: {  	vm1 =	vlt.f32 v3, $5.000000000e-01;
	v2 =	vld [tilespmem:s2+$0x0];
	v3 =	vsel vm0, v10, v11;
	[tilespmem:s31+$0x30] =	vst v1  }
0x219: {  	vm0 =	vlt.f32 v4, $5.000000000e-01;
	v4 =	vsel vm1, v12, v13;
	v1 =	vld [tilespmem:s31+$0x10];
	[tilespmem:s31+$0xFFFFFFC0] =	vst v3  }
0x21a: {  	vm1 =	vlt.f32 v5, $5.000000000e-01;
	[tilespmem:s31+$0xFFFFFFD0] =	vst v4;
	v3 =	vsel vm0, v14, v15;
	v4 =	vld [tilespmem:s2+$0x10]  }
0x21b: {  	v5 =	vsel vm1, v16, v17;
	[tilespmem:s31+$0xFFFFFFE0] =	vst v3;
	v3 =	vld [tilespmem:s31+$0x20]  }
0x21c: {  	s3 =	simm.s32 $0x0;
	s4 =	simm.s32 $0x36C0;
	vm2 =	vlt.f32 v6, $5.000000000e-01;
	vm1 =	vlt.f32 v7, $5.000000000e-01;
	vm0 =	vlt.f32 v8, $5.000000000e-01;
	[tilespmem:s31+$0xFFFFFFF0] =	vst v5;
	v5 =	vld [tilespmem:s2+$0x20]  }
.LBB2_14:
0x21d: {  	v6 =	vld [tilespmem:s4+$0x30];
	v0 =	vsel vm2, v0, v2;
	s0 =	sadd.s32 $0x80, s0  }
0x21e: {  	s3 =	sadd.s32 $0x80, s3;
	s2 =	sadd.s32 $0x80, s2;
	v2 =	vld [tilespmem:s0+$0x30];
	[tilespmem:s31+$0x0] =	vst v0  }
0x21f: {  	p0 =	slt.u32 s3, $0x3580;
	v0 =	vld [tilespmem:s2+$0x30];
	v1 =	vsel vm1, v1, v4  }
0x220: {  	v4 =	vld [tilespmem:s0+$0xFFFFFFD0];
	[tilespmem:s31+$0x10] =	vst v1  }
0x221: {  	v1 =	vld [tilespmem:s0+$0xFFFFFFE0];
	v3 =	vsel vm0, v3, v5  }
0x222: {  	v5 =	vld [tilespmem:s0+$0xFFFFFFF0];
	[tilespmem:s31+$0x20] =	vst v3;
	s31 =	smov.u32 s4  }
0x223: {  	v3 =	vld [tilespmem:s0+$0x0];
	vm0 =	vlt.f32 v2, $5.000000000e-01  }
0x224: {  	v2 =	vld [tilespmem:s0+$0x10];
	v0 =	vsel vm0, v6, v0  }
0x225: {  	vm4 =	vlt.f32 v4, $5.000000000e-01;
	v4 =	vld [tilespmem:s0+$0x20];
	[tilespmem:s4+$0x30] =	vst v0  }
0x226: {  	v0 =	vld [tilespmem:s0+$0xFFFFFFC0];
	vm5 =	vlt.f32 v1, $5.000000000e-01  }
0x227: {  	v1 =	vld [tilespmem:s4+$0xFFFFFFC0];
	vm3 =	vlt.f32 v5, $5.000000000e-01  }
0x228: {  	v5 =	vld [tilespmem:s2+$0xFFFFFFC0];
	vm2 =	vlt.f32 v3, $5.000000000e-01  }
0x229: {  	v3 =	vld [tilespmem:s4+$0xFFFFFFD0];
	vm1 =	vlt.f32 v2, $5.000000000e-01  }
0x22a: {  	v2 =	vld [tilespmem:s2+$0xFFFFFFD0];
	vm0 =	vlt.f32 v4, $5.000000000e-01  }
0x22b: {  	vm6 =	vlt.f32 v0, $5.000000000e-01;
	v4 =	vld [tilespmem:s4+$0xFFFFFFE0]  }
0x22c: {  	v6 =	vld [tilespmem:s2+$0xFFFFFFE0]  }
0x22d: {  	v0 =	vsel vm6, v1, v5;
	v5 =	vld [tilespmem:s4+$0xFFFFFFF0]  }
0x22e: {  	[tilespmem:s4+$0xFFFFFFC0] =	vst v0;
	v7 =	vld [tilespmem:s2+$0xFFFFFFF0]  }
0x22f: {  	v1 =	vsel vm4, v3, v2;
	v0 =	vld [tilespmem:s4+$0x0]  }
.Ltmp6:
0x230: {  	[tilespmem:s4+$0xFFFFFFD0] =	vst v1;
	v2 =	vld [tilespmem:s2+$0x0];
	(pc) =	sbr.rel @p0 .LBB2_14-.Ltmp6, $4  }
0x231: {  	v3 =	vsel vm5, v4, v6;
	v1 =	vld [tilespmem:s4+$0x10]  }
0x232: {  	[tilespmem:s4+$0xFFFFFFE0] =	vst v3;
	v4 =	vld [tilespmem:s2+$0x10]  }
0x233: {  	v5 =	vsel vm3, v5, v7;
	v3 =	vld [tilespmem:s4+$0x20]  }
0x234: {  	s4 =	sadd.s32 $0x80, s4;
	[tilespmem:s31+$0xFFFFFFF0] =	vst v5;
	v5 =	vld [tilespmem:s2+$0x20]  }
0x235: {  	_ =	sdelay $0x1  }
0x236: {  	v0 =	vsel vm2, v0, v2  }
0x237: {  	[tilespmem:s31+$0x0] =	vst v0;
	v0 =	vsel vm1, v1, v4  }
0x238: {  	[tilespmem:s31+$0x10] =	vst v0;
	v0 =	vsel vm0, v3, v5  }
0x239: {  	[tilespmem:s31+$0x20] =	vst v0  }
0x23a: {  	s0 =	rddreg [dreg:$0xd]  }
0x23b: {  	[tilespmem:s17], [sflag:$0x7] =	stream.linear.gather [hbm4b:s0+s1], $0x3600, $0x38;
	[tilespmem:$0x17A00] =	vst v63  }
0x23c: {  	s4 =	rddreg [dreg:$0xe]  }
0x23d: {  	[tilespmem:s18], [sflag:$0x7] =	stream.linear.gather [hbm4b:s4+s1], $0x3600, $0x38;
	[tilespmem:$0x17A00] =	vst v63  }
0x23e: {  	_ =	swait.ge [sflag:s28], $0x3600  }
0x23f: {  	[sflag:s28] =	ssyncset.done $0x0  }
0x240: {  	[sflag:s28] =	ssyncadd.s32 $0xFFFFCA00  }
0x241: {  	_ =	swait.ge [sflag:s28], $0x3600  }
0x242: {  	[sflag:s28] =	ssyncset.done $0x0  }
0x243: {  	s31 =	simm.s32 $0x3640;
	[sflag:s28] =	ssyncadd.s32 $0xFFFFCA00  }
0x244: {  	s0 =	simm.s32 $0x14440;
	v0 =	vld [tilespmem:s31+$0x30]  }
0x245: {  	s2 =	simm.s32 $0xD840;
	v1 =	vld [tilespmem:s0+$0x30]  }
0x246: {  	v2 =	vld [tilespmem:s2+$0x30]  }
0x247: {  	v3 =	vld [tilespmem:s0+$0xFFFFFFD0]  }
0x248: {  	v4 =	vld [tilespmem:s0+$0xFFFFFFE0]  }
0x249: {  	v5 =	vld [tilespmem:s0+$0xFFFFFFF0]  }
0x24a: {  	v6 =	vld [tilespmem:s0+$0x0]  }
0x24b: {  	v7 =	vld [tilespmem:s0+$0x10]  }
0x24c: {  	v8 =	vld [tilespmem:s0+$0x20]  }
0x24d: {  	v9 =	vld [tilespmem:s0+$0xFFFFFFC0]  }
0x24e: {  	v10 =	vld [tilespmem:s31+$0xFFFFFFC0]  }
0x24f: {  	v11 =	vld [tilespmem:s2+$0xFFFFFFC0]  }
0x250: {  	v12 =	vld [tilespmem:s31+$0xFFFFFFD0]  }
0x251: {  	v13 =	vld [tilespmem:s2+$0xFFFFFFD0]  }
0x252: {  	v14 =	vld [tilespmem:s31+$0xFFFFFFE0]  }
0x253: {  	v15 =	vld [tilespmem:s2+$0xFFFFFFE0]  }
0x254: {  	v16 =	vld [tilespmem:s31+$0xFFFFFFF0]  }
0x255: {  	v17 =	vld [tilespmem:s2+$0xFFFFFFF0];
	vm0 =	vlt.f32 v1, $5.000000000e-01  }
0x256: {  	v1 =	vsel vm0, v0, v2;
	vm0 =	vlt.f32 v9, $5.000000000e-01;
	v0 =	vld [tilespmem:s31+$0x0]  }
0x257: {  	vm1 =	vlt.f32 v3, $5.000000000e-01;
	v2 =	vld [tilespmem:s2+$0x0];
	v3 =	vsel vm0, v10, v11;
	[tilespmem:s31+$0x30] =	vst v1  }
0x258: {  	vm0 =	vlt.f32 v4, $5.000000000e-01;
	v4 =	vsel vm1, v12, v13;
	v1 =	vld [tilespmem:s31+$0x10];
	[tilespmem:s31+$0xFFFFFFC0] =	vst v3  }
0x259: {  	vm1 =	vlt.f32 v5, $5.000000000e-01;
	[tilespmem:s31+$0xFFFFFFD0] =	vst v4;
	v3 =	vsel vm0, v14, v15;
	v4 =	vld [tilespmem:s2+$0x10]  }
0x25a: {  	v5 =	vsel vm1, v16, v17;
	[tilespmem:s31+$0xFFFFFFE0] =	vst v3;
	v3 =	vld [tilespmem:s31+$0x20]  }
0x25b: {  	s3 =	simm.s32 $0x0;
	s4 =	simm.s32 $0x36C0;
	vm2 =	vlt.f32 v6, $5.000000000e-01;
	vm1 =	vlt.f32 v7, $5.000000000e-01;
	vm0 =	vlt.f32 v8, $5.000000000e-01;
	[tilespmem:s31+$0xFFFFFFF0] =	vst v5;
	v5 =	vld [tilespmem:s2+$0x20]  }
.LBB2_16:
0x25c: {  	v6 =	vld [tilespmem:s4+$0x30];
	v0 =	vsel vm2, v0, v2;
	s0 =	sadd.s32 $0x80, s0  }
0x25d: {  	s3 =	sadd.s32 $0x80, s3;
	s2 =	sadd.s32 $0x80, s2;
	v2 =	vld [tilespmem:s0+$0x30];
	[tilespmem:s31+$0x0] =	vst v0  }
0x25e: {  	p0 =	slt.u32 s3, $0x3580;
	v0 =	vld [tilespmem:s2+$0x30];
	v1 =	vsel vm1, v1, v4  }
0x25f: {  	v4 =	vld [tilespmem:s0+$0xFFFFFFD0];
	[tilespmem:s31+$0x10] =	vst v1  }
0x260: {  	v1 =	vld [tilespmem:s0+$0xFFFFFFE0];
	v3 =	vsel vm0, v3, v5  }
0x261: {  	v5 =	vld [tilespmem:s0+$0xFFFFFFF0];
	[tilespmem:s31+$0x20] =	vst v3;
	s31 =	smov.u32 s4  }
0x262: {  	v3 =	vld [tilespmem:s0+$0x0];
	vm0 =	vlt.f32 v2, $5.000000000e-01  }
0x263: {  	v2 =	vld [tilespmem:s0+$0x10];
	v0 =	vsel vm0, v6, v0  }
0x264: {  	vm4 =	vlt.f32 v4, $5.000000000e-01;
	v4 =	vld [tilespmem:s0+$0x20];
	[tilespmem:s4+$0x30] =	vst v0  }
0x265: {  	v0 =	vld [tilespmem:s0+$0xFFFFFFC0];
	vm5 =	vlt.f32 v1, $5.000000000e-01  }
0x266: {  	v1 =	vld [tilespmem:s4+$0xFFFFFFC0];
	vm3 =	vlt.f32 v5, $5.000000000e-01  }
0x267: {  	v5 =	vld [tilespmem:s2+$0xFFFFFFC0];
	vm2 =	vlt.f32 v3, $5.000000000e-01  }
0x268: {  	v3 =	vld [tilespmem:s4+$0xFFFFFFD0];
	vm1 =	vlt.f32 v2, $5.000000000e-01  }
0x269: {  	v2 =	vld [tilespmem:s2+$0xFFFFFFD0];
	vm0 =	vlt.f32 v4, $5.000000000e-01  }
0x26a: {  	vm6 =	vlt.f32 v0, $5.000000000e-01;
	v4 =	vld [tilespmem:s4+$0xFFFFFFE0]  }
0x26b: {  	v6 =	vld [tilespmem:s2+$0xFFFFFFE0]  }
0x26c: {  	v0 =	vsel vm6, v1, v5;
	v5 =	vld [tilespmem:s4+$0xFFFFFFF0]  }
0x26d: {  	[tilespmem:s4+$0xFFFFFFC0] =	vst v0;
	v7 =	vld [tilespmem:s2+$0xFFFFFFF0]  }
0x26e: {  	v1 =	vsel vm4, v3, v2;
	v0 =	vld [tilespmem:s4+$0x0]  }
.Ltmp7:
0x26f: {  	[tilespmem:s4+$0xFFFFFFD0] =	vst v1;
	v2 =	vld [tilespmem:s2+$0x0];
	(pc) =	sbr.rel @p0 .LBB2_16-.Ltmp7, $4  }
0x270: {  	v3 =	vsel vm5, v4, v6;
	v1 =	vld [tilespmem:s4+$0x10]  }
0x271: {  	[tilespmem:s4+$0xFFFFFFE0] =	vst v3;
	v4 =	vld [tilespmem:s2+$0x10]  }
0x272: {  	v5 =	vsel vm3, v5, v7;
	v3 =	vld [tilespmem:s4+$0x20]  }
0x273: {  	s4 =	sadd.s32 $0x80, s4;
	[tilespmem:s31+$0xFFFFFFF0] =	vst v5;
	v5 =	vld [tilespmem:s2+$0x20]  }
0x274: {  	_ =	sdelay $0x1  }
0x275: {  	v0 =	vsel vm2, v0, v2  }
0x276: {  	[tilespmem:s31+$0x0] =	vst v0;
	v0 =	vsel vm1, v1, v4  }
0x277: {  	[tilespmem:s31+$0x10] =	vst v0;
	v0 =	vsel vm0, v3, v5  }
0x278: {  	[tilespmem:s31+$0x20] =	vst v0  }
0x279: {  	s0 =	rddreg [dreg:$0xf]  }
0x27a: {  	[tilespmem:s19], [sflag:$0x8] =	stream.linear.gather [hbm4b:s0+s1], $0x3600, $0x38;
	[tilespmem:$0x17A00] =	vst v63  }
0x27b: {  	s4 =	rddreg [dreg:$0x10]  }
0x27c: {  	[tilespmem:s20], [sflag:$0x8] =	stream.linear.gather [hbm4b:s4+s1], $0x3600, $0x38;
	[tilespmem:$0x17A00] =	vst v63  }
0x27d: {  	_ =	swait.ge [sflag:s24], $0x3600  }
0x27e: {  	[sflag:s24] =	ssyncset.done $0x0  }
0x27f: {  	[sflag:s24] =	ssyncadd.s32 $0xFFFFCA00  }
0x280: {  	_ =	swait.ge [sflag:s24], $0x3600  }
0x281: {  	[sflag:s24] =	ssyncset.done $0x0  }
0x282: {  	s31 =	simm.s32 $0x3640;
	[sflag:s24] =	ssyncadd.s32 $0xFFFFCA00  }
0x283: {  	s0 =	simm.s32 $0x10E40;
	v0 =	vld [tilespmem:s31+$0x30]  }
0x284: {  	s2 =	simm.s32 $0xA240;
	v1 =	vld [tilespmem:s0+$0x30]  }
0x285: {  	v2 =	vld [tilespmem:s2+$0x30]  }
0x286: {  	v3 =	vld [tilespmem:s0+$0xFFFFFFD0]  }
0x287: {  	v4 =	vld [tilespmem:s0+$0xFFFFFFE0]  }
0x288: {  	v5 =	vld [tilespmem:s0+$0xFFFFFFF0]  }
0x289: {  	v6 =	vld [tilespmem:s0+$0x0]  }
0x28a: {  	v7 =	vld [tilespmem:s0+$0x10]  }
0x28b: {  	v8 =	vld [tilespmem:s0+$0x20]  }
0x28c: {  	v9 =	vld [tilespmem:s0+$0xFFFFFFC0]  }
0x28d: {  	v10 =	vld [tilespmem:s31+$0xFFFFFFC0]  }
0x28e: {  	v11 =	vld [tilespmem:s2+$0xFFFFFFC0]  }
0x28f: {  	v12 =	vld [tilespmem:s31+$0xFFFFFFD0]  }
0x290: {  	v13 =	vld [tilespmem:s2+$0xFFFFFFD0]  }
0x291: {  	v14 =	vld [tilespmem:s31+$0xFFFFFFE0]  }
0x292: {  	v15 =	vld [tilespmem:s2+$0xFFFFFFE0]  }
0x293: {  	v16 =	vld [tilespmem:s31+$0xFFFFFFF0]  }
0x294: {  	v17 =	vld [tilespmem:s2+$0xFFFFFFF0];
	vm0 =	vlt.f32 v1, $5.000000000e-01  }
0x295: {  	v1 =	vsel vm0, v0, v2;
	vm0 =	vlt.f32 v9, $5.000000000e-01;
	v0 =	vld [tilespmem:s31+$0x0]  }
0x296: {  	vm1 =	vlt.f32 v3, $5.000000000e-01;
	v2 =	vld [tilespmem:s2+$0x0];
	v3 =	vsel vm0, v10, v11;
	[tilespmem:s31+$0x30] =	vst v1  }
0x297: {  	vm0 =	vlt.f32 v4, $5.000000000e-01;
	v4 =	vsel vm1, v12, v13;
	v1 =	vld [tilespmem:s31+$0x10];
	[tilespmem:s31+$0xFFFFFFC0] =	vst v3  }
0x298: {  	vm1 =	vlt.f32 v5, $5.000000000e-01;
	[tilespmem:s31+$0xFFFFFFD0] =	vst v4;
	v3 =	vsel vm0, v14, v15;
	v4 =	vld [tilespmem:s2+$0x10]  }
0x299: {  	v5 =	vsel vm1, v16, v17;
	[tilespmem:s31+$0xFFFFFFE0] =	vst v3;
	v3 =	vld [tilespmem:s31+$0x20]  }
0x29a: {  	s3 =	simm.s32 $0x0;
	s4 =	simm.s32 $0x36C0;
	vm2 =	vlt.f32 v6, $5.000000000e-01;
	vm1 =	vlt.f32 v7, $5.000000000e-01;
	vm0 =	vlt.f32 v8, $5.000000000e-01;
	[tilespmem:s31+$0xFFFFFFF0] =	vst v5;
	v5 =	vld [tilespmem:s2+$0x20]  }
.LBB2_18:
0x29b: {  	v6 =	vld [tilespmem:s4+$0x30];
	v0 =	vsel vm2, v0, v2;
	s0 =	sadd.s32 $0x80, s0  }
0x29c: {  	s3 =	sadd.s32 $0x80, s3;
	s2 =	sadd.s32 $0x80, s2;
	v2 =	vld [tilespmem:s0+$0x30];
	[tilespmem:s31+$0x0] =	vst v0  }
0x29d: {  	p0 =	slt.u32 s3, $0x3580;
	v0 =	vld [tilespmem:s2+$0x30];
	v1 =	vsel vm1, v1, v4  }
0x29e: {  	v4 =	vld [tilespmem:s0+$0xFFFFFFD0];
	[tilespmem:s31+$0x10] =	vst v1  }
0x29f: {  	v1 =	vld [tilespmem:s0+$0xFFFFFFE0];
	v3 =	vsel vm0, v3, v5  }
0x2a0: {  	v5 =	vld [tilespmem:s0+$0xFFFFFFF0];
	[tilespmem:s31+$0x20] =	vst v3;
	s31 =	smov.u32 s4  }
0x2a1: {  	v3 =	vld [tilespmem:s0+$0x0];
	vm0 =	vlt.f32 v2, $5.000000000e-01  }
0x2a2: {  	v2 =	vld [tilespmem:s0+$0x10];
	v0 =	vsel vm0, v6, v0  }
0x2a3: {  	vm4 =	vlt.f32 v4, $5.000000000e-01;
	v4 =	vld [tilespmem:s0+$0x20];
	[tilespmem:s4+$0x30] =	vst v0  }
0x2a4: {  	v0 =	vld [tilespmem:s0+$0xFFFFFFC0];
	vm5 =	vlt.f32 v1, $5.000000000e-01  }
0x2a5: {  	v1 =	vld [tilespmem:s4+$0xFFFFFFC0];
	vm3 =	vlt.f32 v5, $5.000000000e-01  }
0x2a6: {  	v5 =	vld [tilespmem:s2+$0xFFFFFFC0];
	vm2 =	vlt.f32 v3, $5.000000000e-01  }
0x2a7: {  	v3 =	vld [tilespmem:s4+$0xFFFFFFD0];
	vm1 =	vlt.f32 v2, $5.000000000e-01  }
0x2a8: {  	v2 =	vld [tilespmem:s2+$0xFFFFFFD0];
	vm0 =	vlt.f32 v4, $5.000000000e-01  }
0x2a9: {  	vm6 =	vlt.f32 v0, $5.000000000e-01;
	v4 =	vld [tilespmem:s4+$0xFFFFFFE0]  }
0x2aa: {  	v6 =	vld [tilespmem:s2+$0xFFFFFFE0]  }
0x2ab: {  	v0 =	vsel vm6, v1, v5;
	v5 =	vld [tilespmem:s4+$0xFFFFFFF0]  }
0x2ac: {  	[tilespmem:s4+$0xFFFFFFC0] =	vst v0;
	v7 =	vld [tilespmem:s2+$0xFFFFFFF0]  }
0x2ad: {  	v1 =	vsel vm4, v3, v2;
	v0 =	vld [tilespmem:s4+$0x0]  }
.Ltmp8:
0x2ae: {  	[tilespmem:s4+$0xFFFFFFD0] =	vst v1;
	v2 =	vld [tilespmem:s2+$0x0];
	(pc) =	sbr.rel @p0 .LBB2_18-.Ltmp8, $4  }
0x2af: {  	v3 =	vsel vm5, v4, v6;
	v1 =	vld [tilespmem:s4+$0x10]  }
0x2b0: {  	[tilespmem:s4+$0xFFFFFFE0] =	vst v3;
	v4 =	vld [tilespmem:s2+$0x10]  }
0x2b1: {  	v5 =	vsel vm3, v5, v7;
	v3 =	vld [tilespmem:s4+$0x20]  }
0x2b2: {  	s4 =	sadd.s32 $0x80, s4;
	[tilespmem:s31+$0xFFFFFFF0] =	vst v5;
	v5 =	vld [tilespmem:s2+$0x20]  }
0x2b3: {  	_ =	sdelay $0x1  }
0x2b4: {  	v0 =	vsel vm2, v0, v2  }
0x2b5: {  	[tilespmem:s31+$0x0] =	vst v0;
	v0 =	vsel vm1, v1, v4  }
0x2b6: {  	[tilespmem:s31+$0x10] =	vst v0;
	v0 =	vsel vm0, v3, v5  }
0x2b7: {  	[tilespmem:s31+$0x20] =	vst v0  }
0x2b8: {  	s0 =	rddreg [dreg:$0x11]  }
0x2b9: {  	[tilespmem:s17], [sflag:$0x7] =	stream.linear.gather [hbm4b:s0+s1], $0x3600, $0x38;
	[tilespmem:$0x17A00] =	vst v63  }
0x2ba: {  	s4 =	rddreg [dreg:$0x12]  }
0x2bb: {  	[tilespmem:s18], [sflag:$0x7] =	stream.linear.gather [hbm4b:s4+s1], $0x3600, $0x38;
	[tilespmem:$0x17A00] =	vst v63  }
0x2bc: {  	_ =	swait.ge [sflag:s28], $0x3600  }
0x2bd: {  	[sflag:s28] =	ssyncset.done $0x0  }
0x2be: {  	[sflag:s28] =	ssyncadd.s32 $0xFFFFCA00  }
0x2bf: {  	_ =	swait.ge [sflag:s28], $0x3600  }
0x2c0: {  	[sflag:s28] =	ssyncset.done $0x0  }
0x2c1: {  	s31 =	simm.s32 $0x3640;
	[sflag:s28] =	ssyncadd.s32 $0xFFFFCA00  }
0x2c2: {  	s0 =	simm.s32 $0x14440;
	v0 =	vld [tilespmem:s31+$0x30]  }
0x2c3: {  	s2 =	simm.s32 $0xD840;
	v1 =	vld [tilespmem:s0+$0x30]  }
0x2c4: {  	v2 =	vld [tilespmem:s2+$0x30]  }
0x2c5: {  	v3 =	vld [tilespmem:s0+$0xFFFFFFD0]  }
0x2c6: {  	v4 =	vld [tilespmem:s0+$0xFFFFFFE0]  }
0x2c7: {  	v5 =	vld [tilespmem:s0+$0xFFFFFFF0]  }
0x2c8: {  	v6 =	vld [tilespmem:s0+$0x0]  }
0x2c9: {  	v7 =	vld [tilespmem:s0+$0x10]  }
0x2ca: {  	v8 =	vld [tilespmem:s0+$0x20]  }
0x2cb: {  	v9 =	vld [tilespmem:s0+$0xFFFFFFC0]  }
0x2cc: {  	v10 =	vld [tilespmem:s31+$0xFFFFFFC0]  }
0x2cd: {  	v11 =	vld [tilespmem:s2+$0xFFFFFFC0]  }
0x2ce: {  	v12 =	vld [tilespmem:s31+$0xFFFFFFD0]  }
0x2cf: {  	v13 =	vld [tilespmem:s2+$0xFFFFFFD0]  }
0x2d0: {  	v14 =	vld [tilespmem:s31+$0xFFFFFFE0]  }
0x2d1: {  	v15 =	vld [tilespmem:s2+$0xFFFFFFE0]  }
0x2d2: {  	v16 =	vld [tilespmem:s31+$0xFFFFFFF0]  }
0x2d3: {  	v17 =	vld [tilespmem:s2+$0xFFFFFFF0];
	vm0 =	vlt.f32 v1, $5.000000000e-01  }
0x2d4: {  	v1 =	vsel vm0, v0, v2;
	vm0 =	vlt.f32 v9, $5.000000000e-01;
	v0 =	vld [tilespmem:s31+$0x0]  }
0x2d5: {  	vm1 =	vlt.f32 v3, $5.000000000e-01;
	v2 =	vld [tilespmem:s2+$0x0];
	v3 =	vsel vm0, v10, v11;
	[tilespmem:s31+$0x30] =	vst v1  }
0x2d6: {  	vm0 =	vlt.f32 v4, $5.000000000e-01;
	v4 =	vsel vm1, v12, v13;
	v1 =	vld [tilespmem:s31+$0x10];
	[tilespmem:s31+$0xFFFFFFC0] =	vst v3  }
0x2d7: {  	vm1 =	vlt.f32 v5, $5.000000000e-01;
	[tilespmem:s31+$0xFFFFFFD0] =	vst v4;
	v3 =	vsel vm0, v14, v15;
	v4 =	vld [tilespmem:s2+$0x10]  }
0x2d8: {  	v5 =	vsel vm1, v16, v17;
	[tilespmem:s31+$0xFFFFFFE0] =	vst v3;
	v3 =	vld [tilespmem:s31+$0x20]  }
0x2d9: {  	s3 =	simm.s32 $0x0;
	s4 =	simm.s32 $0x36C0;
	vm2 =	vlt.f32 v6, $5.000000000e-01;
	vm1 =	vlt.f32 v7, $5.000000000e-01;
	vm0 =	vlt.f32 v8, $5.000000000e-01;
	[tilespmem:s31+$0xFFFFFFF0] =	vst v5;
	v5 =	vld [tilespmem:s2+$0x20]  }
.LBB2_20:
0x2da: {  	v6 =	vld [tilespmem:s4+$0x30];
	v0 =	vsel vm2, v0, v2;
	s0 =	sadd.s32 $0x80, s0  }
0x2db: {  	s3 =	sadd.s32 $0x80, s3;
	s2 =	sadd.s32 $0x80, s2;
	v2 =	vld [tilespmem:s0+$0x30];
	[tilespmem:s31+$0x0] =	vst v0  }
0x2dc: {  	p0 =	slt.u32 s3, $0x3580;
	v0 =	vld [tilespmem:s2+$0x30];
	v1 =	vsel vm1, v1, v4  }
0x2dd: {  	v4 =	vld [tilespmem:s0+$0xFFFFFFD0];
	[tilespmem:s31+$0x10] =	vst v1  }
0x2de: {  	v1 =	vld [tilespmem:s0+$0xFFFFFFE0];
	v3 =	vsel vm0, v3, v5  }
0x2df: {  	v5 =	vld [tilespmem:s0+$0xFFFFFFF0];
	[tilespmem:s31+$0x20] =	vst v3;
	s31 =	smov.u32 s4  }
0x2e0: {  	v3 =	vld [tilespmem:s0+$0x0];
	vm0 =	vlt.f32 v2, $5.000000000e-01  }
0x2e1: {  	v2 =	vld [tilespmem:s0+$0x10];
	v0 =	vsel vm0, v6, v0  }
0x2e2: {  	vm4 =	vlt.f32 v4, $5.000000000e-01;
	v4 =	vld [tilespmem:s0+$0x20];
	[tilespmem:s4+$0x30] =	vst v0  }
0x2e3: {  	v0 =	vld [tilespmem:s0+$0xFFFFFFC0];
	vm5 =	vlt.f32 v1, $5.000000000e-01  }
0x2e4: {  	v1 =	vld [tilespmem:s4+$0xFFFFFFC0];
	vm3 =	vlt.f32 v5, $5.000000000e-01  }
0x2e5: {  	v5 =	vld [tilespmem:s2+$0xFFFFFFC0];
	vm2 =	vlt.f32 v3, $5.000000000e-01  }
0x2e6: {  	v3 =	vld [tilespmem:s4+$0xFFFFFFD0];
	vm1 =	vlt.f32 v2, $5.000000000e-01  }
0x2e7: {  	v2 =	vld [tilespmem:s2+$0xFFFFFFD0];
	vm0 =	vlt.f32 v4, $5.000000000e-01  }
0x2e8: {  	vm6 =	vlt.f32 v0, $5.000000000e-01;
	v4 =	vld [tilespmem:s4+$0xFFFFFFE0]  }
0x2e9: {  	v6 =	vld [tilespmem:s2+$0xFFFFFFE0]  }
0x2ea: {  	v0 =	vsel vm6, v1, v5;
	v5 =	vld [tilespmem:s4+$0xFFFFFFF0]  }
0x2eb: {  	[tilespmem:s4+$0xFFFFFFC0] =	vst v0;
	v7 =	vld [tilespmem:s2+$0xFFFFFFF0]  }
0x2ec: {  	v1 =	vsel vm4, v3, v2;
	v0 =	vld [tilespmem:s4+$0x0]  }
.Ltmp9:
0x2ed: {  	[tilespmem:s4+$0xFFFFFFD0] =	vst v1;
	v2 =	vld [tilespmem:s2+$0x0];
	(pc) =	sbr.rel @p0 .LBB2_20-.Ltmp9, $4  }
0x2ee: {  	v3 =	vsel vm5, v4, v6;
	v1 =	vld [tilespmem:s4+$0x10]  }
0x2ef: {  	[tilespmem:s4+$0xFFFFFFE0] =	vst v3;
	v4 =	vld [tilespmem:s2+$0x10]  }
0x2f0: {  	v5 =	vsel vm3, v5, v7;
	v3 =	vld [tilespmem:s4+$0x20]  }
0x2f1: {  	s4 =	sadd.s32 $0x80, s4;
	[tilespmem:s31+$0xFFFFFFF0] =	vst v5;
	v5 =	vld [tilespmem:s2+$0x20]  }
0x2f2: {  	_ =	sdelay $0x1  }
0x2f3: {  	v0 =	vsel vm2, v0, v2  }
0x2f4: {  	[tilespmem:s31+$0x0] =	vst v0;
	v0 =	vsel vm1, v1, v4  }
0x2f5: {  	[tilespmem:s31+$0x10] =	vst v0;
	v0 =	vsel vm0, v3, v5  }
0x2f6: {  	[tilespmem:s31+$0x20] =	vst v0  }
0x2f7: {  	s0 =	rddreg [dreg:$0x13]  }
0x2f8: {  	[tilespmem:s19], [sflag:$0x8] =	stream.linear.gather [hbm4b:s0+s1], $0x3600, $0x38;
	[tilespmem:$0x17A00] =	vst v63  }
0x2f9: {  	s4 =	rddreg [dreg:$0x14]  }
0x2fa: {  	[tilespmem:s20], [sflag:$0x8] =	stream.linear.gather [hbm4b:s4+s1], $0x3600, $0x38;
	[tilespmem:$0x17A00] =	vst v63  }
0x2fb: {  	_ = 	snop  }
0x2fc: {  	[hbm4b:s7+s1] =	stream.linear.scatter [tilespmem:s15], [sflag:$0x5], $0x3600, $0x38;
	[tilespmem:$0x17A00] =	vst v63  }
0x2fd: {  	_ =	swait.ge [sflag:s25], $0x3600  }
0x2fe: {  	[sflag:s25] =	ssyncset.done $0x0  }
0x2ff: {  	[sflag:s25] =	ssyncadd.s32 $0xFFFFCA00  }
0x300: {  	[tilespmem:s15], [sflag:$0x2] =	stream.linear.gather [hbm4b:s10+s1], $0x3600, $0x38;
	[tilespmem:$0x17A00] =	vst v63  }
0x301: {  	_ =	swait.ge [sflag:s26], $0x3600  }
0x302: {  	[sflag:s26] =	ssyncset.done $0x0  }
0x303: {  	[sflag:s26] =	ssyncadd.s32 $0xFFFFCA00  }
0x304: {  	_ =	swait.ge [sflag:s24], $0x3600  }
0x305: {  	[sflag:s24] =	ssyncset.done $0x0  }
0x306: {  	[sflag:s24] =	ssyncadd.s32 $0xFFFFCA00  }
0x307: {  	_ =	swait.ge [sflag:s24], $0x3600  }
0x308: {  	[sflag:s24] =	ssyncset.done $0x0  }
0x309: {  	s31 =	simm.s32 $0x6C40;
	[sflag:s24] =	ssyncadd.s32 $0xFFFFCA00  }
0x30a: {  	s0 =	simm.s32 $0x10E40;
	v0 =	vld [tilespmem:s31+$0x30]  }
0x30b: {  	s2 =	simm.s32 $0xA240;
	v1 =	vld [tilespmem:s0+$0x30]  }
0x30c: {  	v2 =	vld [tilespmem:s2+$0x30]  }
0x30d: {  	v3 =	vld [tilespmem:s0+$0xFFFFFFD0]  }
0x30e: {  	v4 =	vld [tilespmem:s0+$0xFFFFFFE0]  }
0x30f: {  	v5 =	vld [tilespmem:s0+$0xFFFFFFF0]  }
0x310: {  	v6 =	vld [tilespmem:s0+$0x0]  }
0x311: {  	v7 =	vld [tilespmem:s0+$0x10]  }
0x312: {  	v8 =	vld [tilespmem:s0+$0x20]  }
0x313: {  	v9 =	vld [tilespmem:s0+$0xFFFFFFC0]  }
0x314: {  	v10 =	vld [tilespmem:s31+$0xFFFFFFC0]  }
0x315: {  	v11 =	vld [tilespmem:s2+$0xFFFFFFC0]  }
0x316: {  	v12 =	vld [tilespmem:s31+$0xFFFFFFD0]  }
0x317: {  	v13 =	vld [tilespmem:s2+$0xFFFFFFD0]  }
0x318: {  	v14 =	vld [tilespmem:s31+$0xFFFFFFE0]  }
0x319: {  	v15 =	vld [tilespmem:s2+$0xFFFFFFE0]  }
0x31a: {  	v16 =	vld [tilespmem:s31+$0xFFFFFFF0]  }
0x31b: {  	v17 =	vld [tilespmem:s2+$0xFFFFFFF0];
	vm0 =	vlt.f32 v1, $5.000000000e-01  }
0x31c: {  	v1 =	vsel vm0, v0, v2;
	vm0 =	vlt.f32 v9, $5.000000000e-01;
	v0 =	vld [tilespmem:s31+$0x0]  }
0x31d: {  	vm1 =	vlt.f32 v3, $5.000000000e-01;
	v2 =	vld [tilespmem:s2+$0x0];
	v3 =	vsel vm0, v10, v11;
	[tilespmem:s31+$0x30] =	vst v1  }
0x31e: {  	vm0 =	vlt.f32 v4, $5.000000000e-01;
	v4 =	vsel vm1, v12, v13;
	v1 =	vld [tilespmem:s31+$0x10];
	[tilespmem:s31+$0xFFFFFFC0] =	vst v3  }
0x31f: {  	vm1 =	vlt.f32 v5, $5.000000000e-01;
	[tilespmem:s31+$0xFFFFFFD0] =	vst v4;
	v3 =	vsel vm0, v14, v15;
	v4 =	vld [tilespmem:s2+$0x10]  }
0x320: {  	v5 =	vsel vm1, v16, v17;
	[tilespmem:s31+$0xFFFFFFE0] =	vst v3;
	v3 =	vld [tilespmem:s31+$0x20]  }
0x321: {  	s3 =	simm.s32 $0x0;
	s4 =	simm.s32 $0x6CC0;
	vm2 =	vlt.f32 v6, $5.000000000e-01;
	vm1 =	vlt.f32 v7, $5.000000000e-01;
	vm0 =	vlt.f32 v8, $5.000000000e-01;
	[tilespmem:s31+$0xFFFFFFF0] =	vst v5;
	v5 =	vld [tilespmem:s2+$0x20]  }
.LBB2_22:
0x322: {  	v6 =	vld [tilespmem:s4+$0x30];
	v0 =	vsel vm2, v0, v2;
	s0 =	sadd.s32 $0x80, s0  }
0x323: {  	s3 =	sadd.s32 $0x80, s3;
	s2 =	sadd.s32 $0x80, s2;
	v2 =	vld [tilespmem:s0+$0x30];
	[tilespmem:s31+$0x0] =	vst v0  }
0x324: {  	p0 =	slt.u32 s3, $0x3580;
	v0 =	vld [tilespmem:s2+$0x30];
	v1 =	vsel vm1, v1, v4  }
0x325: {  	v4 =	vld [tilespmem:s0+$0xFFFFFFD0];
	[tilespmem:s31+$0x10] =	vst v1  }
0x326: {  	v1 =	vld [tilespmem:s0+$0xFFFFFFE0];
	v3 =	vsel vm0, v3, v5  }
0x327: {  	v5 =	vld [tilespmem:s0+$0xFFFFFFF0];
	[tilespmem:s31+$0x20] =	vst v3;
	s31 =	smov.u32 s4  }
0x328: {  	v3 =	vld [tilespmem:s0+$0x0];
	vm0 =	vlt.f32 v2, $5.000000000e-01  }
0x329: {  	v2 =	vld [tilespmem:s0+$0x10];
	v0 =	vsel vm0, v6, v0  }
0x32a: {  	vm4 =	vlt.f32 v4, $5.000000000e-01;
	v4 =	vld [tilespmem:s0+$0x20];
	[tilespmem:s4+$0x30] =	vst v0  }
0x32b: {  	v0 =	vld [tilespmem:s0+$0xFFFFFFC0];
	vm5 =	vlt.f32 v1, $5.000000000e-01  }
0x32c: {  	v1 =	vld [tilespmem:s4+$0xFFFFFFC0];
	vm3 =	vlt.f32 v5, $5.000000000e-01  }
0x32d: {  	v5 =	vld [tilespmem:s2+$0xFFFFFFC0];
	vm2 =	vlt.f32 v3, $5.000000000e-01  }
0x32e: {  	v3 =	vld [tilespmem:s4+$0xFFFFFFD0];
	vm1 =	vlt.f32 v2, $5.000000000e-01  }
0x32f: {  	v2 =	vld [tilespmem:s2+$0xFFFFFFD0];
	vm0 =	vlt.f32 v4, $5.000000000e-01  }
0x330: {  	vm6 =	vlt.f32 v0, $5.000000000e-01;
	v4 =	vld [tilespmem:s4+$0xFFFFFFE0]  }
0x331: {  	v6 =	vld [tilespmem:s2+$0xFFFFFFE0]  }
0x332: {  	v0 =	vsel vm6, v1, v5;
	v5 =	vld [tilespmem:s4+$0xFFFFFFF0]  }
0x333: {  	[tilespmem:s4+$0xFFFFFFC0] =	vst v0;
	v7 =	vld [tilespmem:s2+$0xFFFFFFF0]  }
0x334: {  	v1 =	vsel vm4, v3, v2;
	v0 =	vld [tilespmem:s4+$0x0]  }
.Ltmp10:
0x335: {  	[tilespmem:s4+$0xFFFFFFD0] =	vst v1;
	v2 =	vld [tilespmem:s2+$0x0];
	(pc) =	sbr.rel @p0 .LBB2_22-.Ltmp10, $4  }
0x336: {  	v3 =	vsel vm5, v4, v6;
	v1 =	vld [tilespmem:s4+$0x10]  }
0x337: {  	[tilespmem:s4+$0xFFFFFFE0] =	vst v3;
	v4 =	vld [tilespmem:s2+$0x10]  }
0x338: {  	v5 =	vsel vm3, v5, v7;
	v3 =	vld [tilespmem:s4+$0x20]  }
0x339: {  	s4 =	sadd.s32 $0x80, s4;
	[tilespmem:s31+$0xFFFFFFF0] =	vst v5;
	v5 =	vld [tilespmem:s2+$0x20]  }
0x33a: {  	_ =	sdelay $0x1  }
0x33b: {  	v0 =	vsel vm2, v0, v2  }
0x33c: {  	[tilespmem:s31+$0x0] =	vst v0;
	v0 =	vsel vm1, v1, v4  }
0x33d: {  	[tilespmem:s31+$0x10] =	vst v0;
	v0 =	vsel vm0, v3, v5  }
0x33e: {  	[tilespmem:s31+$0x20] =	vst v0  }
0x33f: {  	s0 =	rddreg [dreg:$0x15]  }
0x340: {  	[tilespmem:s17], [sflag:$0x7] =	stream.linear.gather [hbm4b:s0+s1], $0x3600, $0x38;
	[tilespmem:$0x17A00] =	vst v63  }
0x341: {  	s4 =	rddreg [dreg:$0x16]  }
0x342: {  	[tilespmem:s18], [sflag:$0x7] =	stream.linear.gather [hbm4b:s4+s1], $0x3600, $0x38;
	[tilespmem:$0x17A00] =	vst v63  }
0x343: {  	_ =	swait.ge [sflag:s28], $0x3600  }
0x344: {  	[sflag:s28] =	ssyncset.done $0x0  }
0x345: {  	[sflag:s28] =	ssyncadd.s32 $0xFFFFCA00  }
0x346: {  	_ =	swait.ge [sflag:s28], $0x3600  }
0x347: {  	[sflag:s28] =	ssyncset.done $0x0  }
0x348: {  	s31 =	simm.s32 $0x6C40;
	[sflag:s28] =	ssyncadd.s32 $0xFFFFCA00  }
0x349: {  	s0 =	simm.s32 $0x14440;
	v0 =	vld [tilespmem:s31+$0x30]  }
0x34a: {  	s2 =	simm.s32 $0xD840;
	v1 =	vld [tilespmem:s0+$0x30]  }
0x34b: {  	v2 =	vld [tilespmem:s2+$0x30]  }
0x34c: {  	v3 =	vld [tilespmem:s0+$0xFFFFFFD0]  }
0x34d: {  	v4 =	vld [tilespmem:s0+$0xFFFFFFE0]  }
0x34e: {  	v5 =	vld [tilespmem:s0+$0xFFFFFFF0]  }
0x34f: {  	v6 =	vld [tilespmem:s0+$0x0]  }
0x350: {  	v7 =	vld [tilespmem:s0+$0x10]  }
0x351: {  	v8 =	vld [tilespmem:s0+$0x20]  }
0x352: {  	v9 =	vld [tilespmem:s0+$0xFFFFFFC0]  }
0x353: {  	v10 =	vld [tilespmem:s31+$0xFFFFFFC0]  }
0x354: {  	v11 =	vld [tilespmem:s2+$0xFFFFFFC0]  }
0x355: {  	v12 =	vld [tilespmem:s31+$0xFFFFFFD0]  }
0x356: {  	v13 =	vld [tilespmem:s2+$0xFFFFFFD0]  }
0x357: {  	v14 =	vld [tilespmem:s31+$0xFFFFFFE0]  }
0x358: {  	v15 =	vld [tilespmem:s2+$0xFFFFFFE0]  }
0x359: {  	v16 =	vld [tilespmem:s31+$0xFFFFFFF0]  }
0x35a: {  	v17 =	vld [tilespmem:s2+$0xFFFFFFF0];
	vm0 =	vlt.f32 v1, $5.000000000e-01  }
0x35b: {  	v1 =	vsel vm0, v0, v2;
	vm0 =	vlt.f32 v9, $5.000000000e-01;
	v0 =	vld [tilespmem:s31+$0x0]  }
0x35c: {  	vm1 =	vlt.f32 v3, $5.000000000e-01;
	v2 =	vld [tilespmem:s2+$0x0];
	v3 =	vsel vm0, v10, v11;
	[tilespmem:s31+$0x30] =	vst v1  }
0x35d: {  	vm0 =	vlt.f32 v4, $5.000000000e-01;
	v4 =	vsel vm1, v12, v13;
	v1 =	vld [tilespmem:s31+$0x10];
	[tilespmem:s31+$0xFFFFFFC0] =	vst v3  }
0x35e: {  	vm1 =	vlt.f32 v5, $5.000000000e-01;
	[tilespmem:s31+$0xFFFFFFD0] =	vst v4;
	v3 =	vsel vm0, v14, v15;
	v4 =	vld [tilespmem:s2+$0x10]  }
0x35f: {  	v5 =	vsel vm1, v16, v17;
	[tilespmem:s31+$0xFFFFFFE0] =	vst v3;
	v3 =	vld [tilespmem:s31+$0x20]  }
0x360: {  	s3 =	simm.s32 $0x0;
	s4 =	simm.s32 $0x6CC0;
	vm2 =	vlt.f32 v6, $5.000000000e-01;
	vm1 =	vlt.f32 v7, $5.000000000e-01;
	vm0 =	vlt.f32 v8, $5.000000000e-01;
	[tilespmem:s31+$0xFFFFFFF0] =	vst v5;
	v5 =	vld [tilespmem:s2+$0x20]  }
.LBB2_24:
0x361: {  	v6 =	vld [tilespmem:s4+$0x30];
	v0 =	vsel vm2, v0, v2;
	s0 =	sadd.s32 $0x80, s0  }
0x362: {  	s3 =	sadd.s32 $0x80, s3;
	s2 =	sadd.s32 $0x80, s2;
	v2 =	vld [tilespmem:s0+$0x30];
	[tilespmem:s31+$0x0] =	vst v0  }
0x363: {  	p0 =	slt.u32 s3, $0x3580;
	v0 =	vld [tilespmem:s2+$0x30];
	v1 =	vsel vm1, v1, v4  }
0x364: {  	v4 =	vld [tilespmem:s0+$0xFFFFFFD0];
	[tilespmem:s31+$0x10] =	vst v1  }
0x365: {  	v1 =	vld [tilespmem:s0+$0xFFFFFFE0];
	v3 =	vsel vm0, v3, v5  }
0x366: {  	v5 =	vld [tilespmem:s0+$0xFFFFFFF0];
	[tilespmem:s31+$0x20] =	vst v3;
	s31 =	smov.u32 s4  }
0x367: {  	v3 =	vld [tilespmem:s0+$0x0];
	vm0 =	vlt.f32 v2, $5.000000000e-01  }
0x368: {  	v2 =	vld [tilespmem:s0+$0x10];
	v0 =	vsel vm0, v6, v0  }
0x369: {  	vm4 =	vlt.f32 v4, $5.000000000e-01;
	v4 =	vld [tilespmem:s0+$0x20];
	[tilespmem:s4+$0x30] =	vst v0  }
0x36a: {  	v0 =	vld [tilespmem:s0+$0xFFFFFFC0];
	vm5 =	vlt.f32 v1, $5.000000000e-01  }
0x36b: {  	v1 =	vld [tilespmem:s4+$0xFFFFFFC0];
	vm3 =	vlt.f32 v5, $5.000000000e-01  }
0x36c: {  	v5 =	vld [tilespmem:s2+$0xFFFFFFC0];
	vm2 =	vlt.f32 v3, $5.000000000e-01  }
0x36d: {  	v3 =	vld [tilespmem:s4+$0xFFFFFFD0];
	vm1 =	vlt.f32 v2, $5.000000000e-01  }
0x36e: {  	v2 =	vld [tilespmem:s2+$0xFFFFFFD0];
	vm0 =	vlt.f32 v4, $5.000000000e-01  }
0x36f: {  	vm6 =	vlt.f32 v0, $5.000000000e-01;
	v4 =	vld [tilespmem:s4+$0xFFFFFFE0]  }
0x370: {  	v6 =	vld [tilespmem:s2+$0xFFFFFFE0]  }
0x371: {  	v0 =	vsel vm6, v1, v5;
	v5 =	vld [tilespmem:s4+$0xFFFFFFF0]  }
0x372: {  	[tilespmem:s4+$0xFFFFFFC0] =	vst v0;
	v7 =	vld [tilespmem:s2+$0xFFFFFFF0]  }
0x373: {  	v1 =	vsel vm4, v3, v2;
	v0 =	vld [tilespmem:s4+$0x0]  }
.Ltmp11:
0x374: {  	[tilespmem:s4+$0xFFFFFFD0] =	vst v1;
	v2 =	vld [tilespmem:s2+$0x0];
	(pc) =	sbr.rel @p0 .LBB2_24-.Ltmp11, $4  }
0x375: {  	v3 =	vsel vm5, v4, v6;
	v1 =	vld [tilespmem:s4+$0x10]  }
0x376: {  	[tilespmem:s4+$0xFFFFFFE0] =	vst v3;
	v4 =	vld [tilespmem:s2+$0x10]  }
0x377: {  	v5 =	vsel vm3, v5, v7;
	v3 =	vld [tilespmem:s4+$0x20]  }
0x378: {  	s4 =	sadd.s32 $0x80, s4;
	[tilespmem:s31+$0xFFFFFFF0] =	vst v5;
	v5 =	vld [tilespmem:s2+$0x20]  }
0x379: {  	_ =	sdelay $0x1  }
0x37a: {  	v0 =	vsel vm2, v0, v2  }
0x37b: {  	[tilespmem:s31+$0x0] =	vst v0;
	v0 =	vsel vm1, v1, v4  }
0x37c: {  	[tilespmem:s31+$0x10] =	vst v0;
	v0 =	vsel vm0, v3, v5  }
0x37d: {  	[tilespmem:s31+$0x20] =	vst v0  }
0x37e: {  	s0 =	rddreg [dreg:$0x17]  }
0x37f: {  	[tilespmem:s19], [sflag:$0x8] =	stream.linear.gather [hbm4b:s0+s1], $0x3600, $0x38;
	[tilespmem:$0x17A00] =	vst v63  }
0x380: {  	s4 =	rddreg [dreg:$0x18]  }
0x381: {  	[tilespmem:s20], [sflag:$0x8] =	stream.linear.gather [hbm4b:s4+s1], $0x3600, $0x38;
	[tilespmem:$0x17A00] =	vst v63  }
0x382: {  	_ =	swait.ge [sflag:s24], $0x3600  }
0x383: {  	[sflag:s24] =	ssyncset.done $0x0  }
0x384: {  	[sflag:s24] =	ssyncadd.s32 $0xFFFFCA00  }
0x385: {  	_ =	swait.ge [sflag:s24], $0x3600  }
0x386: {  	[sflag:s24] =	ssyncset.done $0x0  }
0x387: {  	s31 =	simm.s32 $0x6C40;
	[sflag:s24] =	ssyncadd.s32 $0xFFFFCA00  }
0x388: {  	s0 =	simm.s32 $0x10E40;
	v0 =	vld [tilespmem:s31+$0x30]  }
0x389: {  	s2 =	simm.s32 $0xA240;
	v1 =	vld [tilespmem:s0+$0x30]  }
0x38a: {  	v2 =	vld [tilespmem:s2+$0x30]  }
0x38b: {  	v3 =	vld [tilespmem:s0+$0xFFFFFFD0]  }
0x38c: {  	v4 =	vld [tilespmem:s0+$0xFFFFFFE0]  }
0x38d: {  	v5 =	vld [tilespmem:s0+$0xFFFFFFF0]  }
0x38e: {  	v6 =	vld [tilespmem:s0+$0x0]  }
0x38f: {  	v7 =	vld [tilespmem:s0+$0x10]  }
0x390: {  	v8 =	vld [tilespmem:s0+$0x20]  }
0x391: {  	v9 =	vld [tilespmem:s0+$0xFFFFFFC0]  }
0x392: {  	v10 =	vld [tilespmem:s31+$0xFFFFFFC0]  }
0x393: {  	v11 =	vld [tilespmem:s2+$0xFFFFFFC0]  }
0x394: {  	v12 =	vld [tilespmem:s31+$0xFFFFFFD0]  }
0x395: {  	v13 =	vld [tilespmem:s2+$0xFFFFFFD0]  }
0x396: {  	v14 =	vld [tilespmem:s31+$0xFFFFFFE0]  }
0x397: {  	v15 =	vld [tilespmem:s2+$0xFFFFFFE0]  }
0x398: {  	v16 =	vld [tilespmem:s31+$0xFFFFFFF0]  }
0x399: {  	v17 =	vld [tilespmem:s2+$0xFFFFFFF0];
	vm0 =	vlt.f32 v1, $5.000000000e-01  }
0x39a: {  	v1 =	vsel vm0, v0, v2;
	vm0 =	vlt.f32 v9, $5.000000000e-01;
	v0 =	vld [tilespmem:s31+$0x0]  }
0x39b: {  	vm1 =	vlt.f32 v3, $5.000000000e-01;
	v2 =	vld [tilespmem:s2+$0x0];
	v3 =	vsel vm0, v10, v11;
	[tilespmem:s31+$0x30] =	vst v1  }
0x39c: {  	vm0 =	vlt.f32 v4, $5.000000000e-01;
	v4 =	vsel vm1, v12, v13;
	v1 =	vld [tilespmem:s31+$0x10];
	[tilespmem:s31+$0xFFFFFFC0] =	vst v3  }
0x39d: {  	vm1 =	vlt.f32 v5, $5.000000000e-01;
	[tilespmem:s31+$0xFFFFFFD0] =	vst v4;
	v3 =	vsel vm0, v14, v15;
	v4 =	vld [tilespmem:s2+$0x10]  }
0x39e: {  	v5 =	vsel vm1, v16, v17;
	[tilespmem:s31+$0xFFFFFFE0] =	vst v3;
	v3 =	vld [tilespmem:s31+$0x20]  }
0x39f: {  	s3 =	simm.s32 $0x0;
	s4 =	simm.s32 $0x6CC0;
	vm2 =	vlt.f32 v6, $5.000000000e-01;
	vm1 =	vlt.f32 v7, $5.000000000e-01;
	vm0 =	vlt.f32 v8, $5.000000000e-01;
	[tilespmem:s31+$0xFFFFFFF0] =	vst v5;
	v5 =	vld [tilespmem:s2+$0x20]  }
.LBB2_26:
0x3a0: {  	v6 =	vld [tilespmem:s4+$0x30];
	v0 =	vsel vm2, v0, v2;
	s0 =	sadd.s32 $0x80, s0  }
0x3a1: {  	s3 =	sadd.s32 $0x80, s3;
	s2 =	sadd.s32 $0x80, s2;
	v2 =	vld [tilespmem:s0+$0x30];
	[tilespmem:s31+$0x0] =	vst v0  }
0x3a2: {  	p0 =	slt.u32 s3, $0x3580;
	v0 =	vld [tilespmem:s2+$0x30];
	v1 =	vsel vm1, v1, v4  }
0x3a3: {  	v4 =	vld [tilespmem:s0+$0xFFFFFFD0];
	[tilespmem:s31+$0x10] =	vst v1  }
0x3a4: {  	v1 =	vld [tilespmem:s0+$0xFFFFFFE0];
	v3 =	vsel vm0, v3, v5  }
0x3a5: {  	v5 =	vld [tilespmem:s0+$0xFFFFFFF0];
	[tilespmem:s31+$0x20] =	vst v3;
	s31 =	smov.u32 s4  }
0x3a6: {  	v3 =	vld [tilespmem:s0+$0x0];
	vm0 =	vlt.f32 v2, $5.000000000e-01  }
0x3a7: {  	v2 =	vld [tilespmem:s0+$0x10];
	v0 =	vsel vm0, v6, v0  }
0x3a8: {  	vm4 =	vlt.f32 v4, $5.000000000e-01;
	v4 =	vld [tilespmem:s0+$0x20];
	[tilespmem:s4+$0x30] =	vst v0  }
0x3a9: {  	v0 =	vld [tilespmem:s0+$0xFFFFFFC0];
	vm5 =	vlt.f32 v1, $5.000000000e-01  }
0x3aa: {  	v1 =	vld [tilespmem:s4+$0xFFFFFFC0];
	vm3 =	vlt.f32 v5, $5.000000000e-01  }
0x3ab: {  	v5 =	vld [tilespmem:s2+$0xFFFFFFC0];
	vm2 =	vlt.f32 v3, $5.000000000e-01  }
0x3ac: {  	v3 =	vld [tilespmem:s4+$0xFFFFFFD0];
	vm1 =	vlt.f32 v2, $5.000000000e-01  }
0x3ad: {  	v2 =	vld [tilespmem:s2+$0xFFFFFFD0];
	vm0 =	vlt.f32 v4, $5.000000000e-01  }
0x3ae: {  	vm6 =	vlt.f32 v0, $5.000000000e-01;
	v4 =	vld [tilespmem:s4+$0xFFFFFFE0]  }
0x3af: {  	v6 =	vld [tilespmem:s2+$0xFFFFFFE0]  }
0x3b0: {  	v0 =	vsel vm6, v1, v5;
	v5 =	vld [tilespmem:s4+$0xFFFFFFF0]  }
0x3b1: {  	[tilespmem:s4+$0xFFFFFFC0] =	vst v0;
	v7 =	vld [tilespmem:s2+$0xFFFFFFF0]  }
0x3b2: {  	v1 =	vsel vm4, v3, v2;
	v0 =	vld [tilespmem:s4+$0x0]  }
.Ltmp12:
0x3b3: {  	[tilespmem:s4+$0xFFFFFFD0] =	vst v1;
	v2 =	vld [tilespmem:s2+$0x0];
	(pc) =	sbr.rel @p0 .LBB2_26-.Ltmp12, $4  }
0x3b4: {  	v3 =	vsel vm5, v4, v6;
	v1 =	vld [tilespmem:s4+$0x10]  }
0x3b5: {  	[tilespmem:s4+$0xFFFFFFE0] =	vst v3;
	v4 =	vld [tilespmem:s2+$0x10]  }
0x3b6: {  	v5 =	vsel vm3, v5, v7;
	v3 =	vld [tilespmem:s4+$0x20]  }
0x3b7: {  	s4 =	sadd.s32 $0x80, s4;
	[tilespmem:s31+$0xFFFFFFF0] =	vst v5;
	v5 =	vld [tilespmem:s2+$0x20]  }
0x3b8: {  	_ =	sdelay $0x1  }
0x3b9: {  	v0 =	vsel vm2, v0, v2  }
0x3ba: {  	[tilespmem:s31+$0x0] =	vst v0;
	v0 =	vsel vm1, v1, v4  }
0x3bb: {  	[tilespmem:s31+$0x10] =	vst v0;
	v0 =	vsel vm0, v3, v5  }
0x3bc: {  	[tilespmem:s31+$0x20] =	vst v0  }
0x3bd: {  	s0 =	rddreg [dreg:$0x19]  }
0x3be: {  	[tilespmem:s17], [sflag:$0x7] =	stream.linear.gather [hbm4b:s0+s1], $0x3600, $0x38;
	[tilespmem:$0x17A00] =	vst v63  }
0x3bf: {  	s4 =	rddreg [dreg:$0x1a]  }
0x3c0: {  	[tilespmem:s18], [sflag:$0x7] =	stream.linear.gather [hbm4b:s4+s1], $0x3600, $0x38;
	[tilespmem:$0x17A00] =	vst v63  }
0x3c1: {  	_ =	swait.ge [sflag:s28], $0x3600  }
0x3c2: {  	[sflag:s28] =	ssyncset.done $0x0  }
0x3c3: {  	[sflag:s28] =	ssyncadd.s32 $0xFFFFCA00  }
0x3c4: {  	_ =	swait.ge [sflag:s28], $0x3600  }
0x3c5: {  	[sflag:s28] =	ssyncset.done $0x0  }
0x3c6: {  	s31 =	simm.s32 $0x6C40;
	[sflag:s28] =	ssyncadd.s32 $0xFFFFCA00  }
0x3c7: {  	s0 =	simm.s32 $0x14440;
	v0 =	vld [tilespmem:s31+$0x30]  }
0x3c8: {  	s2 =	simm.s32 $0xD840;
	v1 =	vld [tilespmem:s0+$0x30]  }
0x3c9: {  	v2 =	vld [tilespmem:s2+$0x30]  }
0x3ca: {  	v3 =	vld [tilespmem:s0+$0xFFFFFFD0]  }
0x3cb: {  	v4 =	vld [tilespmem:s0+$0xFFFFFFE0]  }
0x3cc: {  	v5 =	vld [tilespmem:s0+$0xFFFFFFF0]  }
0x3cd: {  	v6 =	vld [tilespmem:s0+$0x0]  }
0x3ce: {  	v7 =	vld [tilespmem:s0+$0x10]  }
0x3cf: {  	v8 =	vld [tilespmem:s0+$0x20]  }
0x3d0: {  	v9 =	vld [tilespmem:s0+$0xFFFFFFC0]  }
0x3d1: {  	v10 =	vld [tilespmem:s31+$0xFFFFFFC0]  }
0x3d2: {  	v11 =	vld [tilespmem:s2+$0xFFFFFFC0]  }
0x3d3: {  	v12 =	vld [tilespmem:s31+$0xFFFFFFD0]  }
0x3d4: {  	v13 =	vld [tilespmem:s2+$0xFFFFFFD0]  }
0x3d5: {  	v14 =	vld [tilespmem:s31+$0xFFFFFFE0]  }
0x3d6: {  	v15 =	vld [tilespmem:s2+$0xFFFFFFE0]  }
0x3d7: {  	v16 =	vld [tilespmem:s31+$0xFFFFFFF0]  }
0x3d8: {  	v17 =	vld [tilespmem:s2+$0xFFFFFFF0];
	vm0 =	vlt.f32 v1, $5.000000000e-01  }
0x3d9: {  	v1 =	vsel vm0, v0, v2;
	vm0 =	vlt.f32 v9, $5.000000000e-01;
	v0 =	vld [tilespmem:s31+$0x0]  }
0x3da: {  	vm1 =	vlt.f32 v3, $5.000000000e-01;
	v2 =	vld [tilespmem:s2+$0x0];
	v3 =	vsel vm0, v10, v11;
	[tilespmem:s31+$0x30] =	vst v1  }
0x3db: {  	vm0 =	vlt.f32 v4, $5.000000000e-01;
	v4 =	vsel vm1, v12, v13;
	v1 =	vld [tilespmem:s31+$0x10];
	[tilespmem:s31+$0xFFFFFFC0] =	vst v3  }
0x3dc: {  	vm1 =	vlt.f32 v5, $5.000000000e-01;
	[tilespmem:s31+$0xFFFFFFD0] =	vst v4;
	v3 =	vsel vm0, v14, v15;
	v4 =	vld [tilespmem:s2+$0x10]  }
0x3dd: {  	v5 =	vsel vm1, v16, v17;
	[tilespmem:s31+$0xFFFFFFE0] =	vst v3;
	v3 =	vld [tilespmem:s31+$0x20]  }
0x3de: {  	s3 =	simm.s32 $0x0;
	s4 =	simm.s32 $0x6CC0;
	vm2 =	vlt.f32 v6, $5.000000000e-01;
	vm1 =	vlt.f32 v7, $5.000000000e-01;
	vm0 =	vlt.f32 v8, $5.000000000e-01;
	[tilespmem:s31+$0xFFFFFFF0] =	vst v5;
	v5 =	vld [tilespmem:s2+$0x20]  }
.LBB2_28:
0x3df: {  	v6 =	vld [tilespmem:s4+$0x30];
	v0 =	vsel vm2, v0, v2;
	s0 =	sadd.s32 $0x80, s0  }
0x3e0: {  	s3 =	sadd.s32 $0x80, s3;
	s2 =	sadd.s32 $0x80, s2;
	v2 =	vld [tilespmem:s0+$0x30];
	[tilespmem:s31+$0x0] =	vst v0  }
0x3e1: {  	p0 =	slt.u32 s3, $0x3580;
	v0 =	vld [tilespmem:s2+$0x30];
	v1 =	vsel vm1, v1, v4  }
0x3e2: {  	v4 =	vld [tilespmem:s0+$0xFFFFFFD0];
	[tilespmem:s31+$0x10] =	vst v1  }
0x3e3: {  	v1 =	vld [tilespmem:s0+$0xFFFFFFE0];
	v3 =	vsel vm0, v3, v5  }
0x3e4: {  	v5 =	vld [tilespmem:s0+$0xFFFFFFF0];
	[tilespmem:s31+$0x20] =	vst v3;
	s31 =	smov.u32 s4  }
0x3e5: {  	v3 =	vld [tilespmem:s0+$0x0];
	vm0 =	vlt.f32 v2, $5.000000000e-01  }
0x3e6: {  	v2 =	vld [tilespmem:s0+$0x10];
	v0 =	vsel vm0, v6, v0  }
0x3e7: {  	vm4 =	vlt.f32 v4, $5.000000000e-01;
	v4 =	vld [tilespmem:s0+$0x20];
	[tilespmem:s4+$0x30] =	vst v0  }
0x3e8: {  	v0 =	vld [tilespmem:s0+$0xFFFFFFC0];
	vm5 =	vlt.f32 v1, $5.000000000e-01  }
0x3e9: {  	v1 =	vld [tilespmem:s4+$0xFFFFFFC0];
	vm3 =	vlt.f32 v5, $5.000000000e-01  }
0x3ea: {  	v5 =	vld [tilespmem:s2+$0xFFFFFFC0];
	vm2 =	vlt.f32 v3, $5.000000000e-01  }
0x3eb: {  	v3 =	vld [tilespmem:s4+$0xFFFFFFD0];
	vm1 =	vlt.f32 v2, $5.000000000e-01  }
0x3ec: {  	v2 =	vld [tilespmem:s2+$0xFFFFFFD0];
	vm0 =	vlt.f32 v4, $5.000000000e-01  }
0x3ed: {  	vm6 =	vlt.f32 v0, $5.000000000e-01;
	v4 =	vld [tilespmem:s4+$0xFFFFFFE0]  }
0x3ee: {  	v6 =	vld [tilespmem:s2+$0xFFFFFFE0]  }
0x3ef: {  	v0 =	vsel vm6, v1, v5;
	v5 =	vld [tilespmem:s4+$0xFFFFFFF0]  }
0x3f0: {  	[tilespmem:s4+$0xFFFFFFC0] =	vst v0;
	v7 =	vld [tilespmem:s2+$0xFFFFFFF0]  }
0x3f1: {  	v1 =	vsel vm4, v3, v2;
	v0 =	vld [tilespmem:s4+$0x0]  }
.Ltmp13:
0x3f2: {  	[tilespmem:s4+$0xFFFFFFD0] =	vst v1;
	v2 =	vld [tilespmem:s2+$0x0];
	(pc) =	sbr.rel @p0 .LBB2_28-.Ltmp13, $4  }
0x3f3: {  	v3 =	vsel vm5, v4, v6;
	v1 =	vld [tilespmem:s4+$0x10]  }
0x3f4: {  	[tilespmem:s4+$0xFFFFFFE0] =	vst v3;
	v4 =	vld [tilespmem:s2+$0x10]  }
0x3f5: {  	v5 =	vsel vm3, v5, v7;
	v3 =	vld [tilespmem:s4+$0x20]  }
0x3f6: {  	s4 =	sadd.s32 $0x80, s4;
	[tilespmem:s31+$0xFFFFFFF0] =	vst v5;
	v5 =	vld [tilespmem:s2+$0x20]  }
0x3f7: {  	_ =	sdelay $0x1  }
0x3f8: {  	v0 =	vsel vm2, v0, v2  }
0x3f9: {  	[tilespmem:s31+$0x0] =	vst v0;
	v0 =	vsel vm1, v1, v4  }
0x3fa: {  	[tilespmem:s31+$0x10] =	vst v0;
	v0 =	vsel vm0, v3, v5  }
0x3fb: {  	[tilespmem:s31+$0x20] =	vst v0  }
0x3fc: {  	s0 =	rddreg [dreg:$0x1b]  }
0x3fd: {  	[tilespmem:s19], [sflag:$0x8] =	stream.linear.gather [hbm4b:s0+s1], $0x3600, $0x38;
	[tilespmem:$0x17A00] =	vst v63  }
0x3fe: {  	s4 =	rddreg [dreg:$0x1c]  }
0x3ff: {  	[tilespmem:s20], [sflag:$0x8] =	stream.linear.gather [hbm4b:s4+s1], $0x3600, $0x38;
	[tilespmem:$0x17A00] =	vst v63  }
0x400: {  	_ =	swait.ge [sflag:s24], $0x3600  }
0x401: {  	[sflag:s24] =	ssyncset.done $0x0  }
0x402: {  	[sflag:s24] =	ssyncadd.s32 $0xFFFFCA00  }
0x403: {  	_ =	swait.ge [sflag:s24], $0x3600  }
0x404: {  	[sflag:s24] =	ssyncset.done $0x0  }
0x405: {  	s31 =	simm.s32 $0x6C40;
	[sflag:s24] =	ssyncadd.s32 $0xFFFFCA00  }
0x406: {  	s0 =	simm.s32 $0x10E40;
	v0 =	vld [tilespmem:s31+$0x30]  }
0x407: {  	s2 =	simm.s32 $0xA240;
	v1 =	vld [tilespmem:s0+$0x30]  }
0x408: {  	v2 =	vld [tilespmem:s2+$0x30]  }
0x409: {  	v3 =	vld [tilespmem:s0+$0xFFFFFFD0]  }
0x40a: {  	v4 =	vld [tilespmem:s0+$0xFFFFFFE0]  }
0x40b: {  	v5 =	vld [tilespmem:s0+$0xFFFFFFF0]  }
0x40c: {  	v6 =	vld [tilespmem:s0+$0x0]  }
0x40d: {  	v7 =	vld [tilespmem:s0+$0x10]  }
0x40e: {  	v8 =	vld [tilespmem:s0+$0x20]  }
0x40f: {  	v9 =	vld [tilespmem:s0+$0xFFFFFFC0]  }
0x410: {  	v10 =	vld [tilespmem:s31+$0xFFFFFFC0]  }
0x411: {  	v11 =	vld [tilespmem:s2+$0xFFFFFFC0]  }
0x412: {  	v12 =	vld [tilespmem:s31+$0xFFFFFFD0]  }
0x413: {  	v13 =	vld [tilespmem:s2+$0xFFFFFFD0]  }
0x414: {  	v14 =	vld [tilespmem:s31+$0xFFFFFFE0]  }
0x415: {  	v15 =	vld [tilespmem:s2+$0xFFFFFFE0]  }
0x416: {  	v16 =	vld [tilespmem:s31+$0xFFFFFFF0]  }
0x417: {  	v17 =	vld [tilespmem:s2+$0xFFFFFFF0];
	vm0 =	vlt.f32 v1, $5.000000000e-01  }
0x418: {  	v1 =	vsel vm0, v0, v2;
	vm0 =	vlt.f32 v9, $5.000000000e-01;
	v0 =	vld [tilespmem:s31+$0x0]  }
0x419: {  	vm1 =	vlt.f32 v3, $5.000000000e-01;
	v2 =	vld [tilespmem:s2+$0x0];
	v3 =	vsel vm0, v10, v11;
	[tilespmem:s31+$0x30] =	vst v1  }
0x41a: {  	vm0 =	vlt.f32 v4, $5.000000000e-01;
	v4 =	vsel vm1, v12, v13;
	v1 =	vld [tilespmem:s31+$0x10];
	[tilespmem:s31+$0xFFFFFFC0] =	vst v3  }
0x41b: {  	vm1 =	vlt.f32 v5, $5.000000000e-01;
	[tilespmem:s31+$0xFFFFFFD0] =	vst v4;
	v3 =	vsel vm0, v14, v15;
	v4 =	vld [tilespmem:s2+$0x10]  }
0x41c: {  	v5 =	vsel vm1, v16, v17;
	[tilespmem:s31+$0xFFFFFFE0] =	vst v3;
	v3 =	vld [tilespmem:s31+$0x20]  }
0x41d: {  	s3 =	simm.s32 $0x0;
	s4 =	simm.s32 $0x6CC0;
	vm2 =	vlt.f32 v6, $5.000000000e-01;
	vm1 =	vlt.f32 v7, $5.000000000e-01;
	vm0 =	vlt.f32 v8, $5.000000000e-01;
	[tilespmem:s31+$0xFFFFFFF0] =	vst v5;
	v5 =	vld [tilespmem:s2+$0x20]  }
.LBB2_30:
0x41e: {  	v6 =	vld [tilespmem:s4+$0x30];
	v0 =	vsel vm2, v0, v2;
	s0 =	sadd.s32 $0x80, s0  }
0x41f: {  	s3 =	sadd.s32 $0x80, s3;
	s2 =	sadd.s32 $0x80, s2;
	v2 =	vld [tilespmem:s0+$0x30];
	[tilespmem:s31+$0x0] =	vst v0  }
0x420: {  	p0 =	slt.u32 s3, $0x3580;
	v0 =	vld [tilespmem:s2+$0x30];
	v1 =	vsel vm1, v1, v4  }
0x421: {  	v4 =	vld [tilespmem:s0+$0xFFFFFFD0];
	[tilespmem:s31+$0x10] =	vst v1  }
0x422: {  	v1 =	vld [tilespmem:s0+$0xFFFFFFE0];
	v3 =	vsel vm0, v3, v5  }
0x423: {  	v5 =	vld [tilespmem:s0+$0xFFFFFFF0];
	[tilespmem:s31+$0x20] =	vst v3;
	s31 =	smov.u32 s4  }
0x424: {  	v3 =	vld [tilespmem:s0+$0x0];
	vm0 =	vlt.f32 v2, $5.000000000e-01  }
0x425: {  	v2 =	vld [tilespmem:s0+$0x10];
	v0 =	vsel vm0, v6, v0  }
0x426: {  	vm4 =	vlt.f32 v4, $5.000000000e-01;
	v4 =	vld [tilespmem:s0+$0x20];
	[tilespmem:s4+$0x30] =	vst v0  }
0x427: {  	v0 =	vld [tilespmem:s0+$0xFFFFFFC0];
	vm5 =	vlt.f32 v1, $5.000000000e-01  }
0x428: {  	v1 =	vld [tilespmem:s4+$0xFFFFFFC0];
	vm3 =	vlt.f32 v5, $5.000000000e-01  }
0x429: {  	v5 =	vld [tilespmem:s2+$0xFFFFFFC0];
	vm2 =	vlt.f32 v3, $5.000000000e-01  }
0x42a: {  	v3 =	vld [tilespmem:s4+$0xFFFFFFD0];
	vm1 =	vlt.f32 v2, $5.000000000e-01  }
0x42b: {  	v2 =	vld [tilespmem:s2+$0xFFFFFFD0];
	vm0 =	vlt.f32 v4, $5.000000000e-01  }
0x42c: {  	vm6 =	vlt.f32 v0, $5.000000000e-01;
	v4 =	vld [tilespmem:s4+$0xFFFFFFE0]  }
0x42d: {  	v6 =	vld [tilespmem:s2+$0xFFFFFFE0]  }
0x42e: {  	v0 =	vsel vm6, v1, v5;
	v5 =	vld [tilespmem:s4+$0xFFFFFFF0]  }
0x42f: {  	[tilespmem:s4+$0xFFFFFFC0] =	vst v0;
	v7 =	vld [tilespmem:s2+$0xFFFFFFF0]  }
0x430: {  	v1 =	vsel vm4, v3, v2;
	v0 =	vld [tilespmem:s4+$0x0]  }
.Ltmp14:
0x431: {  	[tilespmem:s4+$0xFFFFFFD0] =	vst v1;
	v2 =	vld [tilespmem:s2+$0x0];
	(pc) =	sbr.rel @p0 .LBB2_30-.Ltmp14, $4  }
0x432: {  	v3 =	vsel vm5, v4, v6;
	v1 =	vld [tilespmem:s4+$0x10]  }
0x433: {  	[tilespmem:s4+$0xFFFFFFE0] =	vst v3;
	v4 =	vld [tilespmem:s2+$0x10]  }
0x434: {  	v5 =	vsel vm3, v5, v7;
	v3 =	vld [tilespmem:s4+$0x20]  }
0x435: {  	s4 =	sadd.s32 $0x80, s4;
	[tilespmem:s31+$0xFFFFFFF0] =	vst v5;
	v5 =	vld [tilespmem:s2+$0x20]  }
0x436: {  	_ =	sdelay $0x1  }
0x437: {  	v0 =	vsel vm2, v0, v2  }
0x438: {  	[tilespmem:s31+$0x0] =	vst v0;
	v0 =	vsel vm1, v1, v4  }
0x439: {  	[tilespmem:s31+$0x10] =	vst v0;
	v0 =	vsel vm0, v3, v5  }
0x43a: {  	[tilespmem:s31+$0x20] =	vst v0  }
0x43b: {  	s0 =	rddreg [dreg:$0x1d]  }
0x43c: {  	[tilespmem:s17], [sflag:$0x7] =	stream.linear.gather [hbm4b:s0+s1], $0x3600, $0x38;
	[tilespmem:$0x17A00] =	vst v63  }
0x43d: {  	s4 =	rddreg [dreg:$0x1e]  }
0x43e: {  	[tilespmem:s18], [sflag:$0x7] =	stream.linear.gather [hbm4b:s4+s1], $0x3600, $0x38;
	[tilespmem:$0x17A00] =	vst v63  }
0x43f: {  	_ = 	snop  }
0x440: {  	[hbm4b:s11+s1] =	stream.linear.scatter [tilespmem:s16], [sflag:$0x6], $0x3600, $0x38;
	[tilespmem:$0x17A00] =	vst v63  }
0x441: {  	_ =	swait.ge [sflag:s21], $0x3600  }
0x442: {  	[sflag:s21] =	ssyncset.done $0x0  }
0x443: {  	[sflag:s21] =	ssyncadd.s32 $0xFFFFCA00  }
0x444: {  	_ =	swait.ge [sflag:s28], $0x3600  }
0x445: {  	[sflag:s28] =	ssyncset.done $0x0  }
0x446: {  	[sflag:s28] =	ssyncadd.s32 $0xFFFFCA00  }
0x447: {  	_ =	swait.ge [sflag:s28], $0x3600  }
0x448: {  	[sflag:s28] =	ssyncset.done $0x0  }
0x449: {  	s31 =	simm.s32 $0x40;
	[sflag:s28] =	ssyncadd.s32 $0xFFFFCA00  }
0x44a: {  	s0 =	simm.s32 $0x14440;
	v0 =	vld [tilespmem:s31+$0x30]  }
0x44b: {  	s2 =	simm.s32 $0xD840;
	v1 =	vld [tilespmem:s0+$0x30]  }
0x44c: {  	v2 =	vld [tilespmem:s2+$0x30]  }
0x44d: {  	v3 =	vld [tilespmem:s0+$0xFFFFFFD0]  }
0x44e: {  	v4 =	vld [tilespmem:s0+$0xFFFFFFE0]  }
0x44f: {  	v5 =	vld [tilespmem:s0+$0xFFFFFFF0]  }
0x450: {  	v6 =	vld [tilespmem:s0+$0x0]  }
0x451: {  	v7 =	vld [tilespmem:s0+$0x10]  }
0x452: {  	v8 =	vld [tilespmem:s0+$0x20]  }
0x453: {  	v9 =	vld [tilespmem:s0+$0xFFFFFFC0]  }
0x454: {  	v10 =	vld [tilespmem:s31+$0xFFFFFFC0]  }
0x455: {  	v11 =	vld [tilespmem:s2+$0xFFFFFFC0]  }
0x456: {  	v12 =	vld [tilespmem:s31+$0xFFFFFFD0]  }
0x457: {  	v13 =	vld [tilespmem:s2+$0xFFFFFFD0]  }
0x458: {  	v14 =	vld [tilespmem:s31+$0xFFFFFFE0]  }
0x459: {  	v15 =	vld [tilespmem:s2+$0xFFFFFFE0]  }
0x45a: {  	v16 =	vld [tilespmem:s31+$0xFFFFFFF0]  }
0x45b: {  	v17 =	vld [tilespmem:s2+$0xFFFFFFF0];
	vm0 =	vlt.f32 v1, $5.000000000e-01  }
0x45c: {  	v1 =	vsel vm0, v0, v2;
	vm0 =	vlt.f32 v9, $5.000000000e-01;
	v0 =	vld [tilespmem:s31+$0x0]  }
0x45d: {  	vm1 =	vlt.f32 v3, $5.000000000e-01;
	v2 =	vld [tilespmem:s2+$0x0];
	v3 =	vsel vm0, v10, v11;
	[tilespmem:s31+$0x30] =	vst v1  }
0x45e: {  	vm0 =	vlt.f32 v4, $5.000000000e-01;
	v4 =	vsel vm1, v12, v13;
	v1 =	vld [tilespmem:s31+$0x10];
	[tilespmem:s31+$0xFFFFFFC0] =	vst v3  }
0x45f: {  	vm1 =	vlt.f32 v5, $5.000000000e-01;
	[tilespmem:s31+$0xFFFFFFD0] =	vst v4;
	v3 =	vsel vm0, v14, v15;
	v4 =	vld [tilespmem:s2+$0x10]  }
0x460: {  	v5 =	vsel vm1, v16, v17;
	[tilespmem:s31+$0xFFFFFFE0] =	vst v3;
	v3 =	vld [tilespmem:s31+$0x20]  }
0x461: {  	s3 =	simm.s32 $0x0;
	s4 =	simm.s32 $0xC0;
	vm2 =	vlt.f32 v6, $5.000000000e-01;
	vm1 =	vlt.f32 v7, $5.000000000e-01;
	vm0 =	vlt.f32 v8, $5.000000000e-01;
	[tilespmem:s31+$0xFFFFFFF0] =	vst v5;
	v5 =	vld [tilespmem:s2+$0x20]  }
.LBB2_32:
0x462: {  	v6 =	vld [tilespmem:s4+$0x30];
	v0 =	vsel vm2, v0, v2;
	s0 =	sadd.s32 $0x80, s0  }
0x463: {  	s3 =	sadd.s32 $0x80, s3;
	s2 =	sadd.s32 $0x80, s2;
	v2 =	vld [tilespmem:s0+$0x30];
	[tilespmem:s31+$0x0] =	vst v0  }
0x464: {  	p0 =	slt.u32 s3, $0x3580;
	v0 =	vld [tilespmem:s2+$0x30];
	v1 =	vsel vm1, v1, v4  }
0x465: {  	v4 =	vld [tilespmem:s0+$0xFFFFFFD0];
	[tilespmem:s31+$0x10] =	vst v1  }
0x466: {  	v1 =	vld [tilespmem:s0+$0xFFFFFFE0];
	v3 =	vsel vm0, v3, v5  }
0x467: {  	v5 =	vld [tilespmem:s0+$0xFFFFFFF0];
	[tilespmem:s31+$0x20] =	vst v3;
	s31 =	smov.u32 s4  }
0x468: {  	v3 =	vld [tilespmem:s0+$0x0];
	vm0 =	vlt.f32 v2, $5.000000000e-01  }
0x469: {  	v2 =	vld [tilespmem:s0+$0x10];
	v0 =	vsel vm0, v6, v0  }
0x46a: {  	vm4 =	vlt.f32 v4, $5.000000000e-01;
	v4 =	vld [tilespmem:s0+$0x20];
	[tilespmem:s4+$0x30] =	vst v0  }
0x46b: {  	v0 =	vld [tilespmem:s0+$0xFFFFFFC0];
	vm5 =	vlt.f32 v1, $5.000000000e-01  }
0x46c: {  	v1 =	vld [tilespmem:s4+$0xFFFFFFC0];
	vm3 =	vlt.f32 v5, $5.000000000e-01  }
0x46d: {  	v5 =	vld [tilespmem:s2+$0xFFFFFFC0];
	vm2 =	vlt.f32 v3, $5.000000000e-01  }
0x46e: {  	v3 =	vld [tilespmem:s4+$0xFFFFFFD0];
	vm1 =	vlt.f32 v2, $5.000000000e-01  }
0x46f: {  	v2 =	vld [tilespmem:s2+$0xFFFFFFD0];
	vm0 =	vlt.f32 v4, $5.000000000e-01  }
0x470: {  	vm6 =	vlt.f32 v0, $5.000000000e-01;
	v4 =	vld [tilespmem:s4+$0xFFFFFFE0]  }
0x471: {  	v6 =	vld [tilespmem:s2+$0xFFFFFFE0]  }
0x472: {  	v0 =	vsel vm6, v1, v5;
	v5 =	vld [tilespmem:s4+$0xFFFFFFF0]  }
0x473: {  	[tilespmem:s4+$0xFFFFFFC0] =	vst v0;
	v7 =	vld [tilespmem:s2+$0xFFFFFFF0]  }
0x474: {  	v1 =	vsel vm4, v3, v2;
	v0 =	vld [tilespmem:s4+$0x0]  }
.Ltmp15:
0x475: {  	[tilespmem:s4+$0xFFFFFFD0] =	vst v1;
	v2 =	vld [tilespmem:s2+$0x0];
	(pc) =	sbr.rel @p0 .LBB2_32-.Ltmp15, $4  }
0x476: {  	v3 =	vsel vm5, v4, v6;
	v1 =	vld [tilespmem:s4+$0x10]  }
0x477: {  	[tilespmem:s4+$0xFFFFFFE0] =	vst v3;
	v4 =	vld [tilespmem:s2+$0x10]  }
0x478: {  	v5 =	vsel vm3, v5, v7;
	v3 =	vld [tilespmem:s4+$0x20]  }
0x479: {  	s4 =	sadd.s32 $0x80, s4;
	[tilespmem:s31+$0xFFFFFFF0] =	vst v5;
	v5 =	vld [tilespmem:s2+$0x20]  }
0x47a: {  	_ =	sdelay $0x1  }
0x47b: {  	v0 =	vsel vm2, v0, v2  }
0x47c: {  	[tilespmem:s31+$0x0] =	vst v0;
	v0 =	vsel vm1, v1, v4  }
0x47d: {  	[tilespmem:s31+$0x10] =	vst v0;
	v0 =	vsel vm0, v3, v5  }
0x47e: {  	[tilespmem:s31+$0x20] =	vst v0  }
0x47f: {  	s0 =	rddreg [dreg:$0x1f]  }
0x480: {  	s4 =	sld [smem:$0x7DA]  }
0x481: {  	[tilespmem:s19], [sflag:$0x8] =	stream.linear.gather [hbm4b:s0+s1], $0x3600, $0x38;
	[tilespmem:$0x17A00] =	vst v63  }
0x482: {  	_ = 	snop  }
0x483: {  	[tilespmem:s20], [sflag:$0x8] =	stream.linear.gather [hbm4b:s4+s1], $0x3600, $0x38;
	[tilespmem:$0x17A00] =	vst v63  }
0x484: {  	_ =	swait.ge [sflag:s24], $0x3600  }
0x485: {  	[sflag:s24] =	ssyncset.done $0x0  }
0x486: {  	[sflag:s24] =	ssyncadd.s32 $0xFFFFCA00  }
0x487: {  	_ =	swait.ge [sflag:s24], $0x3600  }
0x488: {  	[sflag:s24] =	ssyncset.done $0x0  }
0x489: {  	s31 =	simm.s32 $0x40;
	[sflag:s24] =	ssyncadd.s32 $0xFFFFCA00  }
0x48a: {  	s0 =	simm.s32 $0x10E40;
	v0 =	vld [tilespmem:s31+$0x30]  }
0x48b: {  	s2 =	simm.s32 $0xA240;
	v1 =	vld [tilespmem:s0+$0x30]  }
0x48c: {  	v2 =	vld [tilespmem:s2+$0x30]  }
0x48d: {  	v3 =	vld [tilespmem:s0+$0xFFFFFFD0]  }
0x48e: {  	v4 =	vld [tilespmem:s0+$0xFFFFFFE0]  }
0x48f: {  	v5 =	vld [tilespmem:s0+$0xFFFFFFF0]  }
0x490: {  	v6 =	vld [tilespmem:s0+$0x0]  }
0x491: {  	v7 =	vld [tilespmem:s0+$0x10]  }
0x492: {  	v8 =	vld [tilespmem:s0+$0x20]  }
0x493: {  	v9 =	vld [tilespmem:s0+$0xFFFFFFC0]  }
0x494: {  	v10 =	vld [tilespmem:s31+$0xFFFFFFC0]  }
0x495: {  	v11 =	vld [tilespmem:s2+$0xFFFFFFC0]  }
0x496: {  	v12 =	vld [tilespmem:s31+$0xFFFFFFD0]  }
0x497: {  	v13 =	vld [tilespmem:s2+$0xFFFFFFD0]  }
0x498: {  	v14 =	vld [tilespmem:s31+$0xFFFFFFE0]  }
0x499: {  	v15 =	vld [tilespmem:s2+$0xFFFFFFE0]  }
0x49a: {  	v16 =	vld [tilespmem:s31+$0xFFFFFFF0]  }
0x49b: {  	v17 =	vld [tilespmem:s2+$0xFFFFFFF0];
	vm0 =	vlt.f32 v1, $5.000000000e-01  }
0x49c: {  	v1 =	vsel vm0, v0, v2;
	vm0 =	vlt.f32 v9, $5.000000000e-01;
	v0 =	vld [tilespmem:s31+$0x0]  }
0x49d: {  	vm1 =	vlt.f32 v3, $5.000000000e-01;
	v2 =	vld [tilespmem:s2+$0x0];
	v3 =	vsel vm0, v10, v11;
	[tilespmem:s31+$0x30] =	vst v1  }
0x49e: {  	vm0 =	vlt.f32 v4, $5.000000000e-01;
	v4 =	vsel vm1, v12, v13;
	v1 =	vld [tilespmem:s31+$0x10];
	[tilespmem:s31+$0xFFFFFFC0] =	vst v3  }
0x49f: {  	vm1 =	vlt.f32 v5, $5.000000000e-01;
	[tilespmem:s31+$0xFFFFFFD0] =	vst v4;
	v3 =	vsel vm0, v14, v15;
	v4 =	vld [tilespmem:s2+$0x10]  }
0x4a0: {  	v5 =	vsel vm1, v16, v17;
	[tilespmem:s31+$0xFFFFFFE0] =	vst v3;
	v3 =	vld [tilespmem:s31+$0x20]  }
0x4a1: {  	s3 =	simm.s32 $0x0;
	s4 =	simm.s32 $0xC0;
	vm2 =	vlt.f32 v6, $5.000000000e-01;
	vm1 =	vlt.f32 v7, $5.000000000e-01;
	vm0 =	vlt.f32 v8, $5.000000000e-01;
	[tilespmem:s31+$0xFFFFFFF0] =	vst v5;
	v5 =	vld [tilespmem:s2+$0x20]  }
.LBB2_34:
0x4a2: {  	v6 =	vld [tilespmem:s4+$0x30];
	v0 =	vsel vm2, v0, v2;
	s0 =	sadd.s32 $0x80, s0  }
0x4a3: {  	s3 =	sadd.s32 $0x80, s3;
	s2 =	sadd.s32 $0x80, s2;
	v2 =	vld [tilespmem:s0+$0x30];
	[tilespmem:s31+$0x0] =	vst v0  }
0x4a4: {  	p0 =	slt.u32 s3, $0x3580;
	v0 =	vld [tilespmem:s2+$0x30];
	v1 =	vsel vm1, v1, v4  }
0x4a5: {  	v4 =	vld [tilespmem:s0+$0xFFFFFFD0];
	[tilespmem:s31+$0x10] =	vst v1  }
0x4a6: {  	v1 =	vld [tilespmem:s0+$0xFFFFFFE0];
	v3 =	vsel vm0, v3, v5  }
0x4a7: {  	v5 =	vld [tilespmem:s0+$0xFFFFFFF0];
	[tilespmem:s31+$0x20] =	vst v3;
	s31 =	smov.u32 s4  }
0x4a8: {  	v3 =	vld [tilespmem:s0+$0x0];
	vm0 =	vlt.f32 v2, $5.000000000e-01  }
0x4a9: {  	v2 =	vld [tilespmem:s0+$0x10];
	v0 =	vsel vm0, v6, v0  }
0x4aa: {  	vm4 =	vlt.f32 v4, $5.000000000e-01;
	v4 =	vld [tilespmem:s0+$0x20];
	[tilespmem:s4+$0x30] =	vst v0  }
0x4ab: {  	v0 =	vld [tilespmem:s0+$0xFFFFFFC0];
	vm5 =	vlt.f32 v1, $5.000000000e-01  }
0x4ac: {  	v1 =	vld [tilespmem:s4+$0xFFFFFFC0];
	vm3 =	vlt.f32 v5, $5.000000000e-01  }
0x4ad: {  	v5 =	vld [tilespmem:s2+$0xFFFFFFC0];
	vm2 =	vlt.f32 v3, $5.000000000e-01  }
0x4ae: {  	v3 =	vld [tilespmem:s4+$0xFFFFFFD0];
	vm1 =	vlt.f32 v2, $5.000000000e-01  }
0x4af: {  	v2 =	vld [tilespmem:s2+$0xFFFFFFD0];
	vm0 =	vlt.f32 v4, $5.000000000e-01  }
0x4b0: {  	vm6 =	vlt.f32 v0, $5.000000000e-01;
	v4 =	vld [tilespmem:s4+$0xFFFFFFE0]  }
0x4b1: {  	v6 =	vld [tilespmem:s2+$0xFFFFFFE0]  }
0x4b2: {  	v0 =	vsel vm6, v1, v5;
	v5 =	vld [tilespmem:s4+$0xFFFFFFF0]  }
0x4b3: {  	[tilespmem:s4+$0xFFFFFFC0] =	vst v0;
	v7 =	vld [tilespmem:s2+$0xFFFFFFF0]  }
0x4b4: {  	v1 =	vsel vm4, v3, v2;
	v0 =	vld [tilespmem:s4+$0x0]  }
.Ltmp16:
0x4b5: {  	[tilespmem:s4+$0xFFFFFFD0] =	vst v1;
	v2 =	vld [tilespmem:s2+$0x0];
	(pc) =	sbr.rel @p0 .LBB2_34-.Ltmp16, $4  }
0x4b6: {  	v3 =	vsel vm5, v4, v6;
	v1 =	vld [tilespmem:s4+$0x10]  }
0x4b7: {  	[tilespmem:s4+$0xFFFFFFE0] =	vst v3;
	v4 =	vld [tilespmem:s2+$0x10]  }
0x4b8: {  	v5 =	vsel vm3, v5, v7;
	v3 =	vld [tilespmem:s4+$0x20]  }
0x4b9: {  	s4 =	sadd.s32 $0x80, s4;
	[tilespmem:s31+$0xFFFFFFF0] =	vst v5;
	v5 =	vld [tilespmem:s2+$0x20]  }
0x4ba: {  	_ =	sdelay $0x1  }
0x4bb: {  	v0 =	vsel vm2, v0, v2  }
0x4bc: {  	[tilespmem:s31+$0x0] =	vst v0;
	v0 =	vsel vm1, v1, v4  }
0x4bd: {  	[tilespmem:s31+$0x10] =	vst v0;
	v0 =	vsel vm0, v3, v5  }
0x4be: {  	[tilespmem:s31+$0x20] =	vst v0  }
0x4bf: {  	s0 =	sld [smem:$0x7DB];
	_ =	sdelay $0x1  }
0x4c0: {  	s4 =	sld [smem:$0x7DC]  }
0x4c1: {  	[tilespmem:s17], [sflag:$0x7] =	stream.linear.gather [hbm4b:s0+s1], $0x3600, $0x38;
	[tilespmem:$0x17A00] =	vst v63  }
0x4c2: {  	_ = 	snop  }
0x4c3: {  	[tilespmem:s18], [sflag:$0x7] =	stream.linear.gather [hbm4b:s4+s1], $0x3600, $0x38;
	[tilespmem:$0x17A00] =	vst v63  }
0x4c4: {  	_ =	swait.ge [sflag:s28], $0x3600  }
0x4c5: {  	[sflag:s28] =	ssyncset.done $0x0  }
0x4c6: {  	[sflag:s28] =	ssyncadd.s32 $0xFFFFCA00  }
0x4c7: {  	_ =	swait.ge [sflag:s28], $0x3600  }
0x4c8: {  	[sflag:s28] =	ssyncset.done $0x0  }
0x4c9: {  	s31 =	simm.s32 $0x40;
	[sflag:s28] =	ssyncadd.s32 $0xFFFFCA00  }
0x4ca: {  	s0 =	simm.s32 $0x14440;
	v0 =	vld [tilespmem:s31+$0x30]  }
0x4cb: {  	s2 =	simm.s32 $0xD840;
	v1 =	vld [tilespmem:s0+$0x30]  }
0x4cc: {  	v2 =	vld [tilespmem:s2+$0x30]  }
0x4cd: {  	v3 =	vld [tilespmem:s0+$0xFFFFFFD0]  }
0x4ce: {  	v4 =	vld [tilespmem:s0+$0xFFFFFFE0]  }
0x4cf: {  	v5 =	vld [tilespmem:s0+$0xFFFFFFF0]  }
0x4d0: {  	v6 =	vld [tilespmem:s0+$0x0]  }
0x4d1: {  	v7 =	vld [tilespmem:s0+$0x10]  }
0x4d2: {  	v8 =	vld [tilespmem:s0+$0x20]  }
0x4d3: {  	v9 =	vld [tilespmem:s0+$0xFFFFFFC0]  }
0x4d4: {  	v10 =	vld [tilespmem:s31+$0xFFFFFFC0]  }
0x4d5: {  	v11 =	vld [tilespmem:s2+$0xFFFFFFC0]  }
0x4d6: {  	v12 =	vld [tilespmem:s31+$0xFFFFFFD0]  }
0x4d7: {  	v13 =	vld [tilespmem:s2+$0xFFFFFFD0]  }
0x4d8: {  	v14 =	vld [tilespmem:s31+$0xFFFFFFE0]  }
0x4d9: {  	v15 =	vld [tilespmem:s2+$0xFFFFFFE0]  }
0x4da: {  	v16 =	vld [tilespmem:s31+$0xFFFFFFF0]  }
0x4db: {  	v17 =	vld [tilespmem:s2+$0xFFFFFFF0];
	vm0 =	vlt.f32 v1, $5.000000000e-01  }
0x4dc: {  	v1 =	vsel vm0, v0, v2;
	vm0 =	vlt.f32 v9, $5.000000000e-01;
	v0 =	vld [tilespmem:s31+$0x0]  }
0x4dd: {  	vm1 =	vlt.f32 v3, $5.000000000e-01;
	v2 =	vld [tilespmem:s2+$0x0];
	v3 =	vsel vm0, v10, v11;
	[tilespmem:s31+$0x30] =	vst v1  }
0x4de: {  	vm0 =	vlt.f32 v4, $5.000000000e-01;
	v4 =	vsel vm1, v12, v13;
	v1 =	vld [tilespmem:s31+$0x10];
	[tilespmem:s31+$0xFFFFFFC0] =	vst v3  }
0x4df: {  	vm1 =	vlt.f32 v5, $5.000000000e-01;
	[tilespmem:s31+$0xFFFFFFD0] =	vst v4;
	v3 =	vsel vm0, v14, v15;
	v4 =	vld [tilespmem:s2+$0x10]  }
0x4e0: {  	v5 =	vsel vm1, v16, v17;
	[tilespmem:s31+$0xFFFFFFE0] =	vst v3;
	v3 =	vld [tilespmem:s31+$0x20]  }
0x4e1: {  	s3 =	simm.s32 $0x0;
	s4 =	simm.s32 $0xC0;
	vm2 =	vlt.f32 v6, $5.000000000e-01;
	vm1 =	vlt.f32 v7, $5.000000000e-01;
	vm0 =	vlt.f32 v8, $5.000000000e-01;
	[tilespmem:s31+$0xFFFFFFF0] =	vst v5;
	v5 =	vld [tilespmem:s2+$0x20]  }
.LBB2_36:
0x4e2: {  	v6 =	vld [tilespmem:s4+$0x30];
	v0 =	vsel vm2, v0, v2;
	s0 =	sadd.s32 $0x80, s0  }
0x4e3: {  	s3 =	sadd.s32 $0x80, s3;
	s2 =	sadd.s32 $0x80, s2;
	v2 =	vld [tilespmem:s0+$0x30];
	[tilespmem:s31+$0x0] =	vst v0  }
0x4e4: {  	p0 =	slt.u32 s3, $0x3580;
	v0 =	vld [tilespmem:s2+$0x30];
	v1 =	vsel vm1, v1, v4  }
0x4e5: {  	v4 =	vld [tilespmem:s0+$0xFFFFFFD0];
	[tilespmem:s31+$0x10] =	vst v1  }
0x4e6: {  	v1 =	vld [tilespmem:s0+$0xFFFFFFE0];
	v3 =	vsel vm0, v3, v5  }
0x4e7: {  	v5 =	vld [tilespmem:s0+$0xFFFFFFF0];
	[tilespmem:s31+$0x20] =	vst v3;
	s31 =	smov.u32 s4  }
0x4e8: {  	v3 =	vld [tilespmem:s0+$0x0];
	vm0 =	vlt.f32 v2, $5.000000000e-01  }
0x4e9: {  	v2 =	vld [tilespmem:s0+$0x10];
	v0 =	vsel vm0, v6, v0  }
0x4ea: {  	vm4 =	vlt.f32 v4, $5.000000000e-01;
	v4 =	vld [tilespmem:s0+$0x20];
	[tilespmem:s4+$0x30] =	vst v0  }
0x4eb: {  	v0 =	vld [tilespmem:s0+$0xFFFFFFC0];
	vm5 =	vlt.f32 v1, $5.000000000e-01  }
0x4ec: {  	v1 =	vld [tilespmem:s4+$0xFFFFFFC0];
	vm3 =	vlt.f32 v5, $5.000000000e-01  }
0x4ed: {  	v5 =	vld [tilespmem:s2+$0xFFFFFFC0];
	vm2 =	vlt.f32 v3, $5.000000000e-01  }
0x4ee: {  	v3 =	vld [tilespmem:s4+$0xFFFFFFD0];
	vm1 =	vlt.f32 v2, $5.000000000e-01  }
0x4ef: {  	v2 =	vld [tilespmem:s2+$0xFFFFFFD0];
	vm0 =	vlt.f32 v4, $5.000000000e-01  }
0x4f0: {  	vm6 =	vlt.f32 v0, $5.000000000e-01;
	v4 =	vld [tilespmem:s4+$0xFFFFFFE0]  }
0x4f1: {  	v6 =	vld [tilespmem:s2+$0xFFFFFFE0]  }
0x4f2: {  	v0 =	vsel vm6, v1, v5;
	v5 =	vld [tilespmem:s4+$0xFFFFFFF0]  }
0x4f3: {  	[tilespmem:s4+$0xFFFFFFC0] =	vst v0;
	v7 =	vld [tilespmem:s2+$0xFFFFFFF0]  }
0x4f4: {  	v1 =	vsel vm4, v3, v2;
	v0 =	vld [tilespmem:s4+$0x0]  }
.Ltmp17:
0x4f5: {  	[tilespmem:s4+$0xFFFFFFD0] =	vst v1;
	v2 =	vld [tilespmem:s2+$0x0];
	(pc) =	sbr.rel @p0 .LBB2_36-.Ltmp17, $4  }
0x4f6: {  	v3 =	vsel vm5, v4, v6;
	v1 =	vld [tilespmem:s4+$0x10]  }
0x4f7: {  	[tilespmem:s4+$0xFFFFFFE0] =	vst v3;
	v4 =	vld [tilespmem:s2+$0x10]  }
0x4f8: {  	v5 =	vsel vm3, v5, v7;
	v3 =	vld [tilespmem:s4+$0x20]  }
0x4f9: {  	s4 =	sadd.s32 $0x80, s4;
	[tilespmem:s31+$0xFFFFFFF0] =	vst v5;
	v5 =	vld [tilespmem:s2+$0x20]  }
0x4fa: {  	_ =	sdelay $0x1  }
0x4fb: {  	v0 =	vsel vm2, v0, v2  }
0x4fc: {  	[tilespmem:s31+$0x0] =	vst v0;
	v0 =	vsel vm1, v1, v4  }
0x4fd: {  	[tilespmem:s31+$0x10] =	vst v0;
	v0 =	vsel vm0, v3, v5  }
0x4fe: {  	[tilespmem:s31+$0x20] =	vst v0  }
0x4ff: {  	s0 =	sld [smem:$0x7DD];
	_ =	sdelay $0x1  }
0x500: {  	s4 =	sld [smem:$0x7DE]  }
0x501: {  	[tilespmem:s19], [sflag:$0x8] =	stream.linear.gather [hbm4b:s0+s1], $0x3600, $0x38;
	[tilespmem:$0x17A00] =	vst v63  }
0x502: {  	_ = 	snop  }
0x503: {  	[tilespmem:s20], [sflag:$0x8] =	stream.linear.gather [hbm4b:s4+s1], $0x3600, $0x38;
	[tilespmem:$0x17A00] =	vst v63  }
0x504: {  	_ =	swait.ge [sflag:s24], $0x3600  }
0x505: {  	[sflag:s24] =	ssyncset.done $0x0  }
0x506: {  	[sflag:s24] =	ssyncadd.s32 $0xFFFFCA00  }
0x507: {  	_ =	swait.ge [sflag:s24], $0x3600  }
0x508: {  	[sflag:s24] =	ssyncset.done $0x0  }
0x509: {  	s31 =	simm.s32 $0x40;
	[sflag:s24] =	ssyncadd.s32 $0xFFFFCA00  }
0x50a: {  	s0 =	simm.s32 $0x10E40;
	v0 =	vld [tilespmem:s31+$0x30]  }
0x50b: {  	s2 =	simm.s32 $0xA240;
	v1 =	vld [tilespmem:s0+$0x30]  }
0x50c: {  	v2 =	vld [tilespmem:s2+$0x30]  }
0x50d: {  	v3 =	vld [tilespmem:s0+$0xFFFFFFD0]  }
0x50e: {  	v4 =	vld [tilespmem:s0+$0xFFFFFFE0]  }
0x50f: {  	v5 =	vld [tilespmem:s0+$0xFFFFFFF0]  }
0x510: {  	v6 =	vld [tilespmem:s0+$0x0]  }
0x511: {  	v7 =	vld [tilespmem:s0+$0x10]  }
0x512: {  	v8 =	vld [tilespmem:s0+$0x20]  }
0x513: {  	v9 =	vld [tilespmem:s0+$0xFFFFFFC0]  }
0x514: {  	v10 =	vld [tilespmem:s31+$0xFFFFFFC0]  }
0x515: {  	v11 =	vld [tilespmem:s2+$0xFFFFFFC0]  }
0x516: {  	v12 =	vld [tilespmem:s31+$0xFFFFFFD0]  }
0x517: {  	v13 =	vld [tilespmem:s2+$0xFFFFFFD0]  }
0x518: {  	v14 =	vld [tilespmem:s31+$0xFFFFFFE0]  }
0x519: {  	v15 =	vld [tilespmem:s2+$0xFFFFFFE0]  }
0x51a: {  	v16 =	vld [tilespmem:s31+$0xFFFFFFF0]  }
0x51b: {  	v17 =	vld [tilespmem:s2+$0xFFFFFFF0];
	vm0 =	vlt.f32 v1, $5.000000000e-01  }
0x51c: {  	v1 =	vsel vm0, v0, v2;
	vm0 =	vlt.f32 v9, $5.000000000e-01;
	v0 =	vld [tilespmem:s31+$0x0]  }
0x51d: {  	vm1 =	vlt.f32 v3, $5.000000000e-01;
	v2 =	vld [tilespmem:s2+$0x0];
	v3 =	vsel vm0, v10, v11;
	[tilespmem:s31+$0x30] =	vst v1  }
0x51e: {  	vm0 =	vlt.f32 v4, $5.000000000e-01;
	v4 =	vsel vm1, v12, v13;
	v1 =	vld [tilespmem:s31+$0x10];
	[tilespmem:s31+$0xFFFFFFC0] =	vst v3  }
0x51f: {  	vm1 =	vlt.f32 v5, $5.000000000e-01;
	[tilespmem:s31+$0xFFFFFFD0] =	vst v4;
	v3 =	vsel vm0, v14, v15;
	v4 =	vld [tilespmem:s2+$0x10]  }
0x520: {  	v5 =	vsel vm1, v16, v17;
	[tilespmem:s31+$0xFFFFFFE0] =	vst v3;
	v3 =	vld [tilespmem:s31+$0x20]  }
0x521: {  	s3 =	simm.s32 $0x0;
	s4 =	simm.s32 $0xC0;
	vm2 =	vlt.f32 v6, $5.000000000e-01;
	vm1 =	vlt.f32 v7, $5.000000000e-01;
	vm0 =	vlt.f32 v8, $5.000000000e-01;
	[tilespmem:s31+$0xFFFFFFF0] =	vst v5;
	v5 =	vld [tilespmem:s2+$0x20]  }
.LBB2_38:
0x522: {  	v6 =	vld [tilespmem:s4+$0x30];
	v0 =	vsel vm2, v0, v2;
	s0 =	sadd.s32 $0x80, s0  }
0x523: {  	s3 =	sadd.s32 $0x80, s3;
	s2 =	sadd.s32 $0x80, s2;
	v2 =	vld [tilespmem:s0+$0x30];
	[tilespmem:s31+$0x0] =	vst v0  }
0x524: {  	p0 =	slt.u32 s3, $0x3580;
	v0 =	vld [tilespmem:s2+$0x30];
	v1 =	vsel vm1, v1, v4  }
0x525: {  	v4 =	vld [tilespmem:s0+$0xFFFFFFD0];
	[tilespmem:s31+$0x10] =	vst v1  }
0x526: {  	v1 =	vld [tilespmem:s0+$0xFFFFFFE0];
	v3 =	vsel vm0, v3, v5  }
0x527: {  	v5 =	vld [tilespmem:s0+$0xFFFFFFF0];
	[tilespmem:s31+$0x20] =	vst v3;
	s31 =	smov.u32 s4  }
0x528: {  	v3 =	vld [tilespmem:s0+$0x0];
	vm0 =	vlt.f32 v2, $5.000000000e-01  }
0x529: {  	v2 =	vld [tilespmem:s0+$0x10];
	v0 =	vsel vm0, v6, v0  }
0x52a: {  	vm4 =	vlt.f32 v4, $5.000000000e-01;
	v4 =	vld [tilespmem:s0+$0x20];
	[tilespmem:s4+$0x30] =	vst v0  }
0x52b: {  	v0 =	vld [tilespmem:s0+$0xFFFFFFC0];
	vm5 =	vlt.f32 v1, $5.000000000e-01  }
0x52c: {  	v1 =	vld [tilespmem:s4+$0xFFFFFFC0];
	vm3 =	vlt.f32 v5, $5.000000000e-01  }
0x52d: {  	v5 =	vld [tilespmem:s2+$0xFFFFFFC0];
	vm2 =	vlt.f32 v3, $5.000000000e-01  }
0x52e: {  	v3 =	vld [tilespmem:s4+$0xFFFFFFD0];
	vm1 =	vlt.f32 v2, $5.000000000e-01  }
0x52f: {  	v2 =	vld [tilespmem:s2+$0xFFFFFFD0];
	vm0 =	vlt.f32 v4, $5.000000000e-01  }
0x530: {  	vm6 =	vlt.f32 v0, $5.000000000e-01;
	v4 =	vld [tilespmem:s4+$0xFFFFFFE0]  }
0x531: {  	v6 =	vld [tilespmem:s2+$0xFFFFFFE0]  }
0x532: {  	v0 =	vsel vm6, v1, v5;
	v5 =	vld [tilespmem:s4+$0xFFFFFFF0]  }
0x533: {  	[tilespmem:s4+$0xFFFFFFC0] =	vst v0;
	v7 =	vld [tilespmem:s2+$0xFFFFFFF0]  }
0x534: {  	v1 =	vsel vm4, v3, v2;
	v0 =	vld [tilespmem:s4+$0x0]  }
.Ltmp18:
0x535: {  	[tilespmem:s4+$0xFFFFFFD0] =	vst v1;
	v2 =	vld [tilespmem:s2+$0x0];
	(pc) =	sbr.rel @p0 .LBB2_38-.Ltmp18, $4  }
0x536: {  	v3 =	vsel vm5, v4, v6;
	v1 =	vld [tilespmem:s4+$0x10]  }
0x537: {  	[tilespmem:s4+$0xFFFFFFE0] =	vst v3;
	v4 =	vld [tilespmem:s2+$0x10]  }
0x538: {  	v5 =	vsel vm3, v5, v7;
	v3 =	vld [tilespmem:s4+$0x20]  }
0x539: {  	s4 =	sadd.s32 $0x80, s4;
	[tilespmem:s31+$0xFFFFFFF0] =	vst v5;
	v5 =	vld [tilespmem:s2+$0x20]  }
0x53a: {  	_ =	sdelay $0x1  }
0x53b: {  	v0 =	vsel vm2, v0, v2  }
0x53c: {  	[tilespmem:s31+$0x0] =	vst v0;
	v0 =	vsel vm1, v1, v4  }
0x53d: {  	[tilespmem:s31+$0x10] =	vst v0;
	v0 =	vsel vm0, v3, v5  }
0x53e: {  	[tilespmem:s31+$0x20] =	vst v0  }
0x53f: {  	s0 =	sld [smem:$0x7DF];
	_ =	sdelay $0x1  }
0x540: {  	s4 =	sld [smem:$0x7E0]  }
0x541: {  	[tilespmem:s17], [sflag:$0x7] =	stream.linear.gather [hbm4b:s0+s1], $0x3600, $0x38;
	[tilespmem:$0x17A00] =	vst v63  }
0x542: {  	_ = 	snop  }
0x543: {  	[tilespmem:s18], [sflag:$0x7] =	stream.linear.gather [hbm4b:s4+s1], $0x3600, $0x38;
	[tilespmem:$0x17A00] =	vst v63  }
0x544: {  	_ =	swait.ge [sflag:s28], $0x3600  }
0x545: {  	[sflag:s28] =	ssyncset.done $0x0  }
0x546: {  	[sflag:s28] =	ssyncadd.s32 $0xFFFFCA00  }
0x547: {  	_ =	swait.ge [sflag:s28], $0x3600  }
0x548: {  	[sflag:s28] =	ssyncset.done $0x0  }
0x549: {  	s31 =	simm.s32 $0x40;
	[sflag:s28] =	ssyncadd.s32 $0xFFFFCA00  }
0x54a: {  	s0 =	simm.s32 $0x14440;
	v0 =	vld [tilespmem:s31+$0x30]  }
0x54b: {  	s2 =	simm.s32 $0xD840;
	v1 =	vld [tilespmem:s0+$0x30]  }
0x54c: {  	v2 =	vld [tilespmem:s2+$0x30]  }
0x54d: {  	v3 =	vld [tilespmem:s0+$0xFFFFFFD0]  }
0x54e: {  	v4 =	vld [tilespmem:s0+$0xFFFFFFE0]  }
0x54f: {  	v5 =	vld [tilespmem:s0+$0xFFFFFFF0]  }
0x550: {  	v6 =	vld [tilespmem:s0+$0x0]  }
0x551: {  	v7 =	vld [tilespmem:s0+$0x10]  }
0x552: {  	v8 =	vld [tilespmem:s0+$0x20]  }
0x553: {  	v9 =	vld [tilespmem:s0+$0xFFFFFFC0]  }
0x554: {  	v10 =	vld [tilespmem:s31+$0xFFFFFFC0]  }
0x555: {  	v11 =	vld [tilespmem:s2+$0xFFFFFFC0]  }
0x556: {  	v12 =	vld [tilespmem:s31+$0xFFFFFFD0]  }
0x557: {  	v13 =	vld [tilespmem:s2+$0xFFFFFFD0]  }
0x558: {  	v14 =	vld [tilespmem:s31+$0xFFFFFFE0]  }
0x559: {  	v15 =	vld [tilespmem:s2+$0xFFFFFFE0]  }
0x55a: {  	v16 =	vld [tilespmem:s31+$0xFFFFFFF0]  }
0x55b: {  	v17 =	vld [tilespmem:s2+$0xFFFFFFF0];
	vm0 =	vlt.f32 v1, $5.000000000e-01  }
0x55c: {  	v1 =	vsel vm0, v0, v2;
	vm0 =	vlt.f32 v9, $5.000000000e-01;
	v0 =	vld [tilespmem:s31+$0x0]  }
0x55d: {  	vm1 =	vlt.f32 v3, $5.000000000e-01;
	v2 =	vld [tilespmem:s2+$0x0];
	v3 =	vsel vm0, v10, v11;
	[tilespmem:s31+$0x30] =	vst v1  }
0x55e: {  	vm0 =	vlt.f32 v4, $5.000000000e-01;
	v4 =	vsel vm1, v12, v13;
	v1 =	vld [tilespmem:s31+$0x10];
	[tilespmem:s31+$0xFFFFFFC0] =	vst v3  }
0x55f: {  	vm1 =	vlt.f32 v5, $5.000000000e-01;
	[tilespmem:s31+$0xFFFFFFD0] =	vst v4;
	v3 =	vsel vm0, v14, v15;
	v4 =	vld [tilespmem:s2+$0x10]  }
0x560: {  	v5 =	vsel vm1, v16, v17;
	[tilespmem:s31+$0xFFFFFFE0] =	vst v3;
	v3 =	vld [tilespmem:s31+$0x20]  }
0x561: {  	s3 =	simm.s32 $0x0;
	s4 =	simm.s32 $0xC0;
	vm2 =	vlt.f32 v6, $5.000000000e-01;
	vm1 =	vlt.f32 v7, $5.000000000e-01;
	vm0 =	vlt.f32 v8, $5.000000000e-01;
	[tilespmem:s31+$0xFFFFFFF0] =	vst v5;
	v5 =	vld [tilespmem:s2+$0x20]  }
.LBB2_40:
0x562: {  	v6 =	vld [tilespmem:s4+$0x30];
	v0 =	vsel vm2, v0, v2;
	s0 =	sadd.s32 $0x80, s0  }
0x563: {  	s3 =	sadd.s32 $0x80, s3;
	s2 =	sadd.s32 $0x80, s2;
	v2 =	vld [tilespmem:s0+$0x30];
	[tilespmem:s31+$0x0] =	vst v0  }
0x564: {  	p0 =	slt.u32 s3, $0x3580;
	v0 =	vld [tilespmem:s2+$0x30];
	v1 =	vsel vm1, v1, v4  }
0x565: {  	v4 =	vld [tilespmem:s0+$0xFFFFFFD0];
	[tilespmem:s31+$0x10] =	vst v1  }
0x566: {  	v1 =	vld [tilespmem:s0+$0xFFFFFFE0];
	v3 =	vsel vm0, v3, v5  }
0x567: {  	v5 =	vld [tilespmem:s0+$0xFFFFFFF0];
	[tilespmem:s31+$0x20] =	vst v3;
	s31 =	smov.u32 s4  }
0x568: {  	v3 =	vld [tilespmem:s0+$0x0];
	vm0 =	vlt.f32 v2, $5.000000000e-01  }
0x569: {  	v2 =	vld [tilespmem:s0+$0x10];
	v0 =	vsel vm0, v6, v0  }
0x56a: {  	vm4 =	vlt.f32 v4, $5.000000000e-01;
	v4 =	vld [tilespmem:s0+$0x20];
	[tilespmem:s4+$0x30] =	vst v0  }
0x56b: {  	v0 =	vld [tilespmem:s0+$0xFFFFFFC0];
	vm5 =	vlt.f32 v1, $5.000000000e-01  }
0x56c: {  	v1 =	vld [tilespmem:s4+$0xFFFFFFC0];
	vm3 =	vlt.f32 v5, $5.000000000e-01  }
0x56d: {  	v5 =	vld [tilespmem:s2+$0xFFFFFFC0];
	vm2 =	vlt.f32 v3, $5.000000000e-01  }
0x56e: {  	v3 =	vld [tilespmem:s4+$0xFFFFFFD0];
	vm1 =	vlt.f32 v2, $5.000000000e-01  }
0x56f: {  	v2 =	vld [tilespmem:s2+$0xFFFFFFD0];
	vm0 =	vlt.f32 v4, $5.000000000e-01  }
0x570: {  	vm6 =	vlt.f32 v0, $5.000000000e-01;
	v4 =	vld [tilespmem:s4+$0xFFFFFFE0]  }
0x571: {  	v6 =	vld [tilespmem:s2+$0xFFFFFFE0]  }
0x572: {  	v0 =	vsel vm6, v1, v5;
	v5 =	vld [tilespmem:s4+$0xFFFFFFF0]  }
0x573: {  	[tilespmem:s4+$0xFFFFFFC0] =	vst v0;
	v7 =	vld [tilespmem:s2+$0xFFFFFFF0]  }
0x574: {  	v1 =	vsel vm4, v3, v2;
	v0 =	vld [tilespmem:s4+$0x0]  }
.Ltmp19:
0x575: {  	[tilespmem:s4+$0xFFFFFFD0] =	vst v1;
	v2 =	vld [tilespmem:s2+$0x0];
	(pc) =	sbr.rel @p0 .LBB2_40-.Ltmp19, $4  }
0x576: {  	v3 =	vsel vm5, v4, v6;
	v1 =	vld [tilespmem:s4+$0x10]  }
0x577: {  	[tilespmem:s4+$0xFFFFFFE0] =	vst v3;
	v4 =	vld [tilespmem:s2+$0x10]  }
0x578: {  	v5 =	vsel vm3, v5, v7;
	v3 =	vld [tilespmem:s4+$0x20]  }
0x579: {  	s4 =	sadd.s32 $0x80, s4;
	[tilespmem:s31+$0xFFFFFFF0] =	vst v5;
	v5 =	vld [tilespmem:s2+$0x20]  }
0x57a: {  	_ =	sdelay $0x1  }
0x57b: {  	v0 =	vsel vm2, v0, v2  }
0x57c: {  	[tilespmem:s31+$0x0] =	vst v0;
	v0 =	vsel vm1, v1, v4  }
0x57d: {  	[tilespmem:s31+$0x10] =	vst v0;
	v0 =	vsel vm0, v3, v5  }
0x57e: {  	[tilespmem:s31+$0x20] =	vst v0  }
0x57f: {  	s0 =	sld [smem:$0x7E1];
	_ =	sdelay $0x1  }
0x580: {  	s4 =	sld [smem:$0x7E2]  }
0x581: {  	[tilespmem:s19], [sflag:$0x8] =	stream.linear.gather [hbm4b:s0+s1], $0x3600, $0x38;
	[tilespmem:$0x17A00] =	vst v63  }
0x582: {  	_ = 	snop  }
0x583: {  	[tilespmem:s20], [sflag:$0x8] =	stream.linear.gather [hbm4b:s4+s1], $0x3600, $0x38;
	[tilespmem:$0x17A00] =	vst v63  }
0x584: {  	_ =	swait.ge [sflag:s24], $0x3600  }
0x585: {  	[sflag:s24] =	ssyncset.done $0x0  }
0x586: {  	[sflag:s24] =	ssyncadd.s32 $0xFFFFCA00  }
0x587: {  	_ =	swait.ge [sflag:s24], $0x3600  }
0x588: {  	[sflag:s24] =	ssyncset.done $0x0  }
0x589: {  	s31 =	simm.s32 $0x40;
	[sflag:s24] =	ssyncadd.s32 $0xFFFFCA00  }
0x58a: {  	s0 =	simm.s32 $0x10E40;
	v0 =	vld [tilespmem:s31+$0x30]  }
0x58b: {  	s2 =	simm.s32 $0xA240;
	v1 =	vld [tilespmem:s0+$0x30]  }
0x58c: {  	v2 =	vld [tilespmem:s2+$0x30]  }
0x58d: {  	v3 =	vld [tilespmem:s0+$0xFFFFFFD0]  }
0x58e: {  	v4 =	vld [tilespmem:s0+$0xFFFFFFE0]  }
0x58f: {  	v5 =	vld [tilespmem:s0+$0xFFFFFFF0]  }
0x590: {  	v6 =	vld [tilespmem:s0+$0x0]  }
0x591: {  	v7 =	vld [tilespmem:s0+$0x10]  }
0x592: {  	v8 =	vld [tilespmem:s0+$0x20]  }
0x593: {  	v9 =	vld [tilespmem:s0+$0xFFFFFFC0]  }
0x594: {  	v10 =	vld [tilespmem:s31+$0xFFFFFFC0]  }
0x595: {  	v11 =	vld [tilespmem:s2+$0xFFFFFFC0]  }
0x596: {  	v12 =	vld [tilespmem:s31+$0xFFFFFFD0]  }
0x597: {  	v13 =	vld [tilespmem:s2+$0xFFFFFFD0]  }
0x598: {  	v14 =	vld [tilespmem:s31+$0xFFFFFFE0]  }
0x599: {  	v15 =	vld [tilespmem:s2+$0xFFFFFFE0]  }
0x59a: {  	v16 =	vld [tilespmem:s31+$0xFFFFFFF0]  }
0x59b: {  	v17 =	vld [tilespmem:s2+$0xFFFFFFF0];
	vm0 =	vlt.f32 v1, $5.000000000e-01  }
0x59c: {  	v1 =	vsel vm0, v0, v2;
	vm0 =	vlt.f32 v9, $5.000000000e-01;
	v0 =	vld [tilespmem:s31+$0x0]  }
0x59d: {  	vm1 =	vlt.f32 v3, $5.000000000e-01;
	v2 =	vld [tilespmem:s2+$0x0];
	v3 =	vsel vm0, v10, v11;
	[tilespmem:s31+$0x30] =	vst v1  }
0x59e: {  	vm0 =	vlt.f32 v4, $5.000000000e-01;
	v4 =	vsel vm1, v12, v13;
	v1 =	vld [tilespmem:s31+$0x10];
	[tilespmem:s31+$0xFFFFFFC0] =	vst v3  }
0x59f: {  	vm1 =	vlt.f32 v5, $5.000000000e-01;
	[tilespmem:s31+$0xFFFFFFD0] =	vst v4;
	v3 =	vsel vm0, v14, v15;
	v4 =	vld [tilespmem:s2+$0x10]  }
0x5a0: {  	v5 =	vsel vm1, v16, v17;
	[tilespmem:s31+$0xFFFFFFE0] =	vst v3;
	v3 =	vld [tilespmem:s31+$0x20]  }
0x5a1: {  	s3 =	simm.s32 $0x0;
	s4 =	simm.s32 $0xC0;
	vm2 =	vlt.f32 v6, $5.000000000e-01;
	vm1 =	vlt.f32 v7, $5.000000000e-01;
	vm0 =	vlt.f32 v8, $5.000000000e-01;
	[tilespmem:s31+$0xFFFFFFF0] =	vst v5;
	v5 =	vld [tilespmem:s2+$0x20]  }
.LBB2_42:
0x5a2: {  	v6 =	vld [tilespmem:s4+$0x30];
	v0 =	vsel vm2, v0, v2;
	s0 =	sadd.s32 $0x80, s0  }
0x5a3: {  	s3 =	sadd.s32 $0x80, s3;
	s2 =	sadd.s32 $0x80, s2;
	v2 =	vld [tilespmem:s0+$0x30];
	[tilespmem:s31+$0x0] =	vst v0  }
0x5a4: {  	p0 =	slt.u32 s3, $0x3580;
	v0 =	vld [tilespmem:s2+$0x30];
	v1 =	vsel vm1, v1, v4  }
0x5a5: {  	v4 =	vld [tilespmem:s0+$0xFFFFFFD0];
	[tilespmem:s31+$0x10] =	vst v1  }
0x5a6: {  	v1 =	vld [tilespmem:s0+$0xFFFFFFE0];
	v3 =	vsel vm0, v3, v5  }
0x5a7: {  	v5 =	vld [tilespmem:s0+$0xFFFFFFF0];
	[tilespmem:s31+$0x20] =	vst v3;
	s31 =	smov.u32 s4  }
0x5a8: {  	v3 =	vld [tilespmem:s0+$0x0];
	vm0 =	vlt.f32 v2, $5.000000000e-01  }
0x5a9: {  	v2 =	vld [tilespmem:s0+$0x10];
	v0 =	vsel vm0, v6, v0  }
0x5aa: {  	vm4 =	vlt.f32 v4, $5.000000000e-01;
	v4 =	vld [tilespmem:s0+$0x20];
	[tilespmem:s4+$0x30] =	vst v0  }
0x5ab: {  	v0 =	vld [tilespmem:s0+$0xFFFFFFC0];
	vm5 =	vlt.f32 v1, $5.000000000e-01  }
0x5ac: {  	v1 =	vld [tilespmem:s4+$0xFFFFFFC0];
	vm3 =	vlt.f32 v5, $5.000000000e-01  }
0x5ad: {  	v5 =	vld [tilespmem:s2+$0xFFFFFFC0];
	vm2 =	vlt.f32 v3, $5.000000000e-01  }
0x5ae: {  	v3 =	vld [tilespmem:s4+$0xFFFFFFD0];
	vm1 =	vlt.f32 v2, $5.000000000e-01  }
0x5af: {  	v2 =	vld [tilespmem:s2+$0xFFFFFFD0];
	vm0 =	vlt.f32 v4, $5.000000000e-01  }
0x5b0: {  	vm6 =	vlt.f32 v0, $5.000000000e-01;
	v4 =	vld [tilespmem:s4+$0xFFFFFFE0]  }
0x5b1: {  	v6 =	vld [tilespmem:s2+$0xFFFFFFE0]  }
0x5b2: {  	v0 =	vsel vm6, v1, v5;
	v5 =	vld [tilespmem:s4+$0xFFFFFFF0]  }
0x5b3: {  	[tilespmem:s4+$0xFFFFFFC0] =	vst v0;
	v7 =	vld [tilespmem:s2+$0xFFFFFFF0]  }
0x5b4: {  	v1 =	vsel vm4, v3, v2;
	v0 =	vld [tilespmem:s4+$0x0]  }
.Ltmp20:
0x5b5: {  	[tilespmem:s4+$0xFFFFFFD0] =	vst v1;
	v2 =	vld [tilespmem:s2+$0x0];
	(pc) =	sbr.rel @p0 .LBB2_42-.Ltmp20, $4  }
0x5b6: {  	v3 =	vsel vm5, v4, v6;
	v1 =	vld [tilespmem:s4+$0x10]  }
0x5b7: {  	[tilespmem:s4+$0xFFFFFFE0] =	vst v3;
	v4 =	vld [tilespmem:s2+$0x10]  }
0x5b8: {  	v5 =	vsel vm3, v5, v7;
	v3 =	vld [tilespmem:s4+$0x20]  }
0x5b9: {  	s4 =	sadd.s32 $0x80, s4;
	[tilespmem:s31+$0xFFFFFFF0] =	vst v5;
	v5 =	vld [tilespmem:s2+$0x20]  }
0x5ba: {  	_ =	sdelay $0x1  }
0x5bb: {  	v0 =	vsel vm2, v0, v2  }
0x5bc: {  	[tilespmem:s31+$0x0] =	vst v0;
	v0 =	vsel vm1, v1, v4  }
0x5bd: {  	[tilespmem:s31+$0x10] =	vst v0;
	v0 =	vsel vm0, v3, v5  }
0x5be: {  	[tilespmem:s31+$0x20] =	vst v0  }
0x5bf: {  	s0 =	sld [smem:$0x7E3];
	_ =	sdelay $0x1  }
0x5c0: {  	s4 =	sld [smem:$0x7E4]  }
0x5c1: {  	[tilespmem:s17], [sflag:$0x7] =	stream.linear.gather [hbm4b:s0+s1], $0x3600, $0x38;
	[tilespmem:$0x17A00] =	vst v63  }
0x5c2: {  	_ = 	snop  }
0x5c3: {  	[tilespmem:s18], [sflag:$0x7] =	stream.linear.gather [hbm4b:s4+s1], $0x3600, $0x38;
	[tilespmem:$0x17A00] =	vst v63  }
0x5c4: {  	_ = 	snop  }
0x5c5: {  	[hbm4b:s12+s1] =	stream.linear.scatter [tilespmem:s1], [sflag:$0x4], $0x3600, $0x38;
	[tilespmem:$0x17A00] =	vst v63  }
0x5c6: {  	_ =	swait.ge [sflag:s23], $0x3600  }
0x5c7: {  	[sflag:s23] =	ssyncset.done $0x0  }
0x5c8: {  	[sflag:s23] =	ssyncadd.s32 $0xFFFFCA00  }
0x5c9: {  	_ =	swait.ge [sflag:s28], $0x3600  }
0x5ca: {  	[sflag:s28] =	ssyncset.done $0x0  }
0x5cb: {  	[sflag:s28] =	ssyncadd.s32 $0xFFFFCA00  }
0x5cc: {  	_ =	swait.ge [sflag:s28], $0x3600  }
0x5cd: {  	[sflag:s28] =	ssyncset.done $0x0  }
0x5ce: {  	s31 =	simm.s32 $0x3640;
	[sflag:s28] =	ssyncadd.s32 $0xFFFFCA00  }
0x5cf: {  	s0 =	simm.s32 $0x14440;
	v0 =	vld [tilespmem:s31+$0x30]  }
0x5d0: {  	s2 =	simm.s32 $0xD840;
	v1 =	vld [tilespmem:s0+$0x30]  }
0x5d1: {  	v2 =	vld [tilespmem:s2+$0x30]  }
0x5d2: {  	v3 =	vld [tilespmem:s0+$0xFFFFFFD0]  }
0x5d3: {  	v4 =	vld [tilespmem:s0+$0xFFFFFFE0]  }
0x5d4: {  	v5 =	vld [tilespmem:s0+$0xFFFFFFF0]  }
0x5d5: {  	v6 =	vld [tilespmem:s0+$0x0]  }
0x5d6: {  	v7 =	vld [tilespmem:s0+$0x10]  }
0x5d7: {  	v8 =	vld [tilespmem:s0+$0x20]  }
0x5d8: {  	v9 =	vld [tilespmem:s0+$0xFFFFFFC0]  }
0x5d9: {  	v10 =	vld [tilespmem:s31+$0xFFFFFFC0]  }
0x5da: {  	v11 =	vld [tilespmem:s2+$0xFFFFFFC0]  }
0x5db: {  	v12 =	vld [tilespmem:s31+$0xFFFFFFD0]  }
0x5dc: {  	v13 =	vld [tilespmem:s2+$0xFFFFFFD0]  }
0x5dd: {  	v14 =	vld [tilespmem:s31+$0xFFFFFFE0]  }
0x5de: {  	v15 =	vld [tilespmem:s2+$0xFFFFFFE0]  }
0x5df: {  	v16 =	vld [tilespmem:s31+$0xFFFFFFF0]  }
0x5e0: {  	v17 =	vld [tilespmem:s2+$0xFFFFFFF0];
	vm0 =	vlt.f32 v1, $5.000000000e-01  }
0x5e1: {  	v1 =	vsel vm0, v0, v2;
	vm0 =	vlt.f32 v9, $5.000000000e-01;
	v0 =	vld [tilespmem:s31+$0x0]  }
0x5e2: {  	vm1 =	vlt.f32 v3, $5.000000000e-01;
	v2 =	vld [tilespmem:s2+$0x0];
	v3 =	vsel vm0, v10, v11;
	[tilespmem:s31+$0x30] =	vst v1  }
0x5e3: {  	vm0 =	vlt.f32 v4, $5.000000000e-01;
	v4 =	vsel vm1, v12, v13;
	v1 =	vld [tilespmem:s31+$0x10];
	[tilespmem:s31+$0xFFFFFFC0] =	vst v3  }
0x5e4: {  	vm1 =	vlt.f32 v5, $5.000000000e-01;
	[tilespmem:s31+$0xFFFFFFD0] =	vst v4;
	v3 =	vsel vm0, v14, v15;
	v4 =	vld [tilespmem:s2+$0x10]  }
0x5e5: {  	v5 =	vsel vm1, v16, v17;
	[tilespmem:s31+$0xFFFFFFE0] =	vst v3;
	v3 =	vld [tilespmem:s31+$0x20]  }
0x5e6: {  	s3 =	simm.s32 $0x0;
	s4 =	simm.s32 $0x36C0;
	vm2 =	vlt.f32 v6, $5.000000000e-01;
	vm1 =	vlt.f32 v7, $5.000000000e-01;
	vm0 =	vlt.f32 v8, $5.000000000e-01;
	[tilespmem:s31+$0xFFFFFFF0] =	vst v5;
	v5 =	vld [tilespmem:s2+$0x20]  }
.LBB2_44:
0x5e7: {  	v6 =	vld [tilespmem:s4+$0x30];
	v0 =	vsel vm2, v0, v2;
	s0 =	sadd.s32 $0x80, s0  }
0x5e8: {  	s3 =	sadd.s32 $0x80, s3;
	s2 =	sadd.s32 $0x80, s2;
	v2 =	vld [tilespmem:s0+$0x30];
	[tilespmem:s31+$0x0] =	vst v0  }
0x5e9: {  	p0 =	slt.u32 s3, $0x3580;
	v0 =	vld [tilespmem:s2+$0x30];
	v1 =	vsel vm1, v1, v4  }
0x5ea: {  	v4 =	vld [tilespmem:s0+$0xFFFFFFD0];
	[tilespmem:s31+$0x10] =	vst v1  }
0x5eb: {  	v1 =	vld [tilespmem:s0+$0xFFFFFFE0];
	v3 =	vsel vm0, v3, v5  }
0x5ec: {  	v5 =	vld [tilespmem:s0+$0xFFFFFFF0];
	[tilespmem:s31+$0x20] =	vst v3;
	s31 =	smov.u32 s4  }
0x5ed: {  	v3 =	vld [tilespmem:s0+$0x0];
	vm0 =	vlt.f32 v2, $5.000000000e-01  }
0x5ee: {  	v2 =	vld [tilespmem:s0+$0x10];
	v0 =	vsel vm0, v6, v0  }
0x5ef: {  	vm4 =	vlt.f32 v4, $5.000000000e-01;
	v4 =	vld [tilespmem:s0+$0x20];
	[tilespmem:s4+$0x30] =	vst v0  }
0x5f0: {  	v0 =	vld [tilespmem:s0+$0xFFFFFFC0];
	vm5 =	vlt.f32 v1, $5.000000000e-01  }
0x5f1: {  	v1 =	vld [tilespmem:s4+$0xFFFFFFC0];
	vm3 =	vlt.f32 v5, $5.000000000e-01  }
0x5f2: {  	v5 =	vld [tilespmem:s2+$0xFFFFFFC0];
	vm2 =	vlt.f32 v3, $5.000000000e-01  }
0x5f3: {  	v3 =	vld [tilespmem:s4+$0xFFFFFFD0];
	vm1 =	vlt.f32 v2, $5.000000000e-01  }
0x5f4: {  	v2 =	vld [tilespmem:s2+$0xFFFFFFD0];
	vm0 =	vlt.f32 v4, $5.000000000e-01  }
0x5f5: {  	vm6 =	vlt.f32 v0, $5.000000000e-01;
	v4 =	vld [tilespmem:s4+$0xFFFFFFE0]  }
0x5f6: {  	v6 =	vld [tilespmem:s2+$0xFFFFFFE0]  }
0x5f7: {  	v0 =	vsel vm6, v1, v5;
	v5 =	vld [tilespmem:s4+$0xFFFFFFF0]  }
0x5f8: {  	[tilespmem:s4+$0xFFFFFFC0] =	vst v0;
	v7 =	vld [tilespmem:s2+$0xFFFFFFF0]  }
0x5f9: {  	v1 =	vsel vm4, v3, v2;
	v0 =	vld [tilespmem:s4+$0x0]  }
.Ltmp21:
0x5fa: {  	[tilespmem:s4+$0xFFFFFFD0] =	vst v1;
	v2 =	vld [tilespmem:s2+$0x0];
	(pc) =	sbr.rel @p0 .LBB2_44-.Ltmp21, $4  }
0x5fb: {  	v3 =	vsel vm5, v4, v6;
	v1 =	vld [tilespmem:s4+$0x10]  }
0x5fc: {  	[tilespmem:s4+$0xFFFFFFE0] =	vst v3;
	v4 =	vld [tilespmem:s2+$0x10]  }
0x5fd: {  	v5 =	vsel vm3, v5, v7;
	v3 =	vld [tilespmem:s4+$0x20]  }
0x5fe: {  	s4 =	sadd.s32 $0x80, s4;
	[tilespmem:s31+$0xFFFFFFF0] =	vst v5;
	v5 =	vld [tilespmem:s2+$0x20]  }
0x5ff: {  	_ =	sdelay $0x1  }
0x600: {  	v0 =	vsel vm2, v0, v2  }
0x601: {  	[tilespmem:s31+$0x0] =	vst v0;
	v0 =	vsel vm1, v1, v4  }
0x602: {  	[tilespmem:s31+$0x10] =	vst v0;
	v0 =	vsel vm0, v3, v5  }
0x603: {  	[tilespmem:s31+$0x20] =	vst v0  }
0x604: {  	s0 =	sld [smem:$0x7E5];
	_ =	sdelay $0x1  }
0x605: {  	s4 =	sld [smem:$0x7E6]  }
0x606: {  	[tilespmem:s19], [sflag:$0x8] =	stream.linear.gather [hbm4b:s0+s1], $0x3600, $0x38;
	[tilespmem:$0x17A00] =	vst v63  }
0x607: {  	_ = 	snop  }
0x608: {  	[tilespmem:s20], [sflag:$0x8] =	stream.linear.gather [hbm4b:s4+s1], $0x3600, $0x38;
	[tilespmem:$0x17A00] =	vst v63  }
0x609: {  	_ =	swait.ge [sflag:s24], $0x3600  }
0x60a: {  	[sflag:s24] =	ssyncset.done $0x0  }
0x60b: {  	[sflag:s24] =	ssyncadd.s32 $0xFFFFCA00  }
0x60c: {  	_ =	swait.ge [sflag:s24], $0x3600  }
0x60d: {  	[sflag:s24] =	ssyncset.done $0x0  }
0x60e: {  	s31 =	simm.s32 $0x3640;
	[sflag:s24] =	ssyncadd.s32 $0xFFFFCA00  }
0x60f: {  	s0 =	simm.s32 $0x10E40;
	v0 =	vld [tilespmem:s31+$0x30]  }
0x610: {  	s2 =	simm.s32 $0xA240;
	v1 =	vld [tilespmem:s0+$0x30]  }
0x611: {  	v2 =	vld [tilespmem:s2+$0x30]  }
0x612: {  	v3 =	vld [tilespmem:s0+$0xFFFFFFD0]  }
0x613: {  	v4 =	vld [tilespmem:s0+$0xFFFFFFE0]  }
0x614: {  	v5 =	vld [tilespmem:s0+$0xFFFFFFF0]  }
0x615: {  	v6 =	vld [tilespmem:s0+$0x0]  }
0x616: {  	v7 =	vld [tilespmem:s0+$0x10]  }
0x617: {  	v8 =	vld [tilespmem:s0+$0x20]  }
0x618: {  	v9 =	vld [tilespmem:s0+$0xFFFFFFC0]  }
0x619: {  	v10 =	vld [tilespmem:s31+$0xFFFFFFC0]  }
0x61a: {  	v11 =	vld [tilespmem:s2+$0xFFFFFFC0]  }
0x61b: {  	v12 =	vld [tilespmem:s31+$0xFFFFFFD0]  }
0x61c: {  	v13 =	vld [tilespmem:s2+$0xFFFFFFD0]  }
0x61d: {  	v14 =	vld [tilespmem:s31+$0xFFFFFFE0]  }
0x61e: {  	v15 =	vld [tilespmem:s2+$0xFFFFFFE0]  }
0x61f: {  	v16 =	vld [tilespmem:s31+$0xFFFFFFF0]  }
0x620: {  	v17 =	vld [tilespmem:s2+$0xFFFFFFF0];
	vm0 =	vlt.f32 v1, $5.000000000e-01  }
0x621: {  	v1 =	vsel vm0, v0, v2;
	vm0 =	vlt.f32 v9, $5.000000000e-01;
	v0 =	vld [tilespmem:s31+$0x0]  }
0x622: {  	vm1 =	vlt.f32 v3, $5.000000000e-01;
	v2 =	vld [tilespmem:s2+$0x0];
	v3 =	vsel vm0, v10, v11;
	[tilespmem:s31+$0x30] =	vst v1  }
0x623: {  	vm0 =	vlt.f32 v4, $5.000000000e-01;
	v4 =	vsel vm1, v12, v13;
	v1 =	vld [tilespmem:s31+$0x10];
	[tilespmem:s31+$0xFFFFFFC0] =	vst v3  }
0x624: {  	vm1 =	vlt.f32 v5, $5.000000000e-01;
	[tilespmem:s31+$0xFFFFFFD0] =	vst v4;
	v3 =	vsel vm0, v14, v15;
	v4 =	vld [tilespmem:s2+$0x10]  }
0x625: {  	v5 =	vsel vm1, v16, v17;
	[tilespmem:s31+$0xFFFFFFE0] =	vst v3;
	v3 =	vld [tilespmem:s31+$0x20]  }
0x626: {  	s3 =	simm.s32 $0x0;
	s4 =	simm.s32 $0x36C0;
	vm2 =	vlt.f32 v6, $5.000000000e-01;
	vm1 =	vlt.f32 v7, $5.000000000e-01;
	vm0 =	vlt.f32 v8, $5.000000000e-01;
	[tilespmem:s31+$0xFFFFFFF0] =	vst v5;
	v5 =	vld [tilespmem:s2+$0x20]  }
.LBB2_46:
0x627: {  	v6 =	vld [tilespmem:s4+$0x30];
	v0 =	vsel vm2, v0, v2;
	s0 =	sadd.s32 $0x80, s0  }
0x628: {  	s3 =	sadd.s32 $0x80, s3;
	s2 =	sadd.s32 $0x80, s2;
	v2 =	vld [tilespmem:s0+$0x30];
	[tilespmem:s31+$0x0] =	vst v0  }
0x629: {  	p0 =	slt.u32 s3, $0x3580;
	v0 =	vld [tilespmem:s2+$0x30];
	v1 =	vsel vm1, v1, v4  }
0x62a: {  	v4 =	vld [tilespmem:s0+$0xFFFFFFD0];
	[tilespmem:s31+$0x10] =	vst v1  }
0x62b: {  	v1 =	vld [tilespmem:s0+$0xFFFFFFE0];
	v3 =	vsel vm0, v3, v5  }
0x62c: {  	v5 =	vld [tilespmem:s0+$0xFFFFFFF0];
	[tilespmem:s31+$0x20] =	vst v3;
	s31 =	smov.u32 s4  }
0x62d: {  	v3 =	vld [tilespmem:s0+$0x0];
	vm0 =	vlt.f32 v2, $5.000000000e-01  }
0x62e: {  	v2 =	vld [tilespmem:s0+$0x10];
	v0 =	vsel vm0, v6, v0  }
0x62f: {  	vm4 =	vlt.f32 v4, $5.000000000e-01;
	v4 =	vld [tilespmem:s0+$0x20];
	[tilespmem:s4+$0x30] =	vst v0  }
0x630: {  	v0 =	vld [tilespmem:s0+$0xFFFFFFC0];
	vm5 =	vlt.f32 v1, $5.000000000e-01  }
0x631: {  	v1 =	vld [tilespmem:s4+$0xFFFFFFC0];
	vm3 =	vlt.f32 v5, $5.000000000e-01  }
0x632: {  	v5 =	vld [tilespmem:s2+$0xFFFFFFC0];
	vm2 =	vlt.f32 v3, $5.000000000e-01  }
0x633: {  	v3 =	vld [tilespmem:s4+$0xFFFFFFD0];
	vm1 =	vlt.f32 v2, $5.000000000e-01  }
0x634: {  	v2 =	vld [tilespmem:s2+$0xFFFFFFD0];
	vm0 =	vlt.f32 v4, $5.000000000e-01  }
0x635: {  	vm6 =	vlt.f32 v0, $5.000000000e-01;
	v4 =	vld [tilespmem:s4+$0xFFFFFFE0]  }
0x636: {  	v6 =	vld [tilespmem:s2+$0xFFFFFFE0]  }
0x637: {  	v0 =	vsel vm6, v1, v5;
	v5 =	vld [tilespmem:s4+$0xFFFFFFF0]  }
0x638: {  	[tilespmem:s4+$0xFFFFFFC0] =	vst v0;
	v7 =	vld [tilespmem:s2+$0xFFFFFFF0]  }
0x639: {  	v1 =	vsel vm4, v3, v2;
	v0 =	vld [tilespmem:s4+$0x0]  }
.Ltmp22:
0x63a: {  	[tilespmem:s4+$0xFFFFFFD0] =	vst v1;
	v2 =	vld [tilespmem:s2+$0x0];
	(pc) =	sbr.rel @p0 .LBB2_46-.Ltmp22, $4  }
0x63b: {  	v3 =	vsel vm5, v4, v6;
	v1 =	vld [tilespmem:s4+$0x10]  }
0x63c: {  	[tilespmem:s4+$0xFFFFFFE0] =	vst v3;
	v4 =	vld [tilespmem:s2+$0x10]  }
0x63d: {  	v5 =	vsel vm3, v5, v7;
	v3 =	vld [tilespmem:s4+$0x20]  }
0x63e: {  	s4 =	sadd.s32 $0x80, s4;
	[tilespmem:s31+$0xFFFFFFF0] =	vst v5;
	v5 =	vld [tilespmem:s2+$0x20]  }
0x63f: {  	_ =	sdelay $0x1  }
0x640: {  	v0 =	vsel vm2, v0, v2  }
0x641: {  	[tilespmem:s31+$0x0] =	vst v0;
	v0 =	vsel vm1, v1, v4  }
0x642: {  	[tilespmem:s31+$0x10] =	vst v0;
	v0 =	vsel vm0, v3, v5  }
0x643: {  	[tilespmem:s31+$0x20] =	vst v0  }
0x644: {  	s0 =	sld [smem:$0x7E7];
	_ =	sdelay $0x1  }
0x645: {  	s4 =	sld [smem:$0x7E8]  }
0x646: {  	[tilespmem:s17], [sflag:$0x7] =	stream.linear.gather [hbm4b:s0+s1], $0x3600, $0x38;
	[tilespmem:$0x17A00] =	vst v63  }
0x647: {  	_ = 	snop  }
0x648: {  	[tilespmem:s18], [sflag:$0x7] =	stream.linear.gather [hbm4b:s4+s1], $0x3600, $0x38;
	[tilespmem:$0x17A00] =	vst v63  }
0x649: {  	_ =	swait.ge [sflag:s28], $0x3600  }
0x64a: {  	[sflag:s28] =	ssyncset.done $0x0  }
0x64b: {  	[sflag:s28] =	ssyncadd.s32 $0xFFFFCA00  }
0x64c: {  	_ =	swait.ge [sflag:s28], $0x3600  }
0x64d: {  	[sflag:s28] =	ssyncset.done $0x0  }
0x64e: {  	s31 =	simm.s32 $0x3640;
	[sflag:s28] =	ssyncadd.s32 $0xFFFFCA00  }
0x64f: {  	s0 =	simm.s32 $0x14440;
	v0 =	vld [tilespmem:s31+$0x30]  }
0x650: {  	s2 =	simm.s32 $0xD840;
	v1 =	vld [tilespmem:s0+$0x30]  }
0x651: {  	v2 =	vld [tilespmem:s2+$0x30]  }
0x652: {  	v3 =	vld [tilespmem:s0+$0xFFFFFFD0]  }
0x653: {  	v4 =	vld [tilespmem:s0+$0xFFFFFFE0]  }
0x654: {  	v5 =	vld [tilespmem:s0+$0xFFFFFFF0]  }
0x655: {  	v6 =	vld [tilespmem:s0+$0x0]  }
0x656: {  	v7 =	vld [tilespmem:s0+$0x10]  }
0x657: {  	v8 =	vld [tilespmem:s0+$0x20]  }
0x658: {  	v9 =	vld [tilespmem:s0+$0xFFFFFFC0]  }
0x659: {  	v10 =	vld [tilespmem:s31+$0xFFFFFFC0]  }
0x65a: {  	v11 =	vld [tilespmem:s2+$0xFFFFFFC0]  }
0x65b: {  	v12 =	vld [tilespmem:s31+$0xFFFFFFD0]  }
0x65c: {  	v13 =	vld [tilespmem:s2+$0xFFFFFFD0]  }
0x65d: {  	v14 =	vld [tilespmem:s31+$0xFFFFFFE0]  }
0x65e: {  	v15 =	vld [tilespmem:s2+$0xFFFFFFE0]  }
0x65f: {  	v16 =	vld [tilespmem:s31+$0xFFFFFFF0]  }
0x660: {  	v17 =	vld [tilespmem:s2+$0xFFFFFFF0];
	vm0 =	vlt.f32 v1, $5.000000000e-01  }
0x661: {  	v1 =	vsel vm0, v0, v2;
	vm0 =	vlt.f32 v9, $5.000000000e-01;
	v0 =	vld [tilespmem:s31+$0x0]  }
0x662: {  	vm1 =	vlt.f32 v3, $5.000000000e-01;
	v2 =	vld [tilespmem:s2+$0x0];
	v3 =	vsel vm0, v10, v11;
	[tilespmem:s31+$0x30] =	vst v1  }
0x663: {  	vm0 =	vlt.f32 v4, $5.000000000e-01;
	v4 =	vsel vm1, v12, v13;
	v1 =	vld [tilespmem:s31+$0x10];
	[tilespmem:s31+$0xFFFFFFC0] =	vst v3  }
0x664: {  	vm1 =	vlt.f32 v5, $5.000000000e-01;
	[tilespmem:s31+$0xFFFFFFD0] =	vst v4;
	v3 =	vsel vm0, v14, v15;
	v4 =	vld [tilespmem:s2+$0x10]  }
0x665: {  	v5 =	vsel vm1, v16, v17;
	[tilespmem:s31+$0xFFFFFFE0] =	vst v3;
	v3 =	vld [tilespmem:s31+$0x20]  }
0x666: {  	s3 =	simm.s32 $0x0;
	s4 =	simm.s32 $0x36C0;
	vm2 =	vlt.f32 v6, $5.000000000e-01;
	vm1 =	vlt.f32 v7, $5.000000000e-01;
	vm0 =	vlt.f32 v8, $5.000000000e-01;
	[tilespmem:s31+$0xFFFFFFF0] =	vst v5;
	v5 =	vld [tilespmem:s2+$0x20]  }
.LBB2_48:
0x667: {  	v6 =	vld [tilespmem:s4+$0x30];
	v0 =	vsel vm2, v0, v2;
	s0 =	sadd.s32 $0x80, s0  }
0x668: {  	s3 =	sadd.s32 $0x80, s3;
	s2 =	sadd.s32 $0x80, s2;
	v2 =	vld [tilespmem:s0+$0x30];
	[tilespmem:s31+$0x0] =	vst v0  }
0x669: {  	p0 =	slt.u32 s3, $0x3580;
	v0 =	vld [tilespmem:s2+$0x30];
	v1 =	vsel vm1, v1, v4  }
0x66a: {  	v4 =	vld [tilespmem:s0+$0xFFFFFFD0];
	[tilespmem:s31+$0x10] =	vst v1  }
0x66b: {  	v1 =	vld [tilespmem:s0+$0xFFFFFFE0];
	v3 =	vsel vm0, v3, v5  }
0x66c: {  	v5 =	vld [tilespmem:s0+$0xFFFFFFF0];
	[tilespmem:s31+$0x20] =	vst v3;
	s31 =	smov.u32 s4  }
0x66d: {  	v3 =	vld [tilespmem:s0+$0x0];
	vm0 =	vlt.f32 v2, $5.000000000e-01  }
0x66e: {  	v2 =	vld [tilespmem:s0+$0x10];
	v0 =	vsel vm0, v6, v0  }
0x66f: {  	vm4 =	vlt.f32 v4, $5.000000000e-01;
	v4 =	vld [tilespmem:s0+$0x20];
	[tilespmem:s4+$0x30] =	vst v0  }
0x670: {  	v0 =	vld [tilespmem:s0+$0xFFFFFFC0];
	vm5 =	vlt.f32 v1, $5.000000000e-01  }
0x671: {  	v1 =	vld [tilespmem:s4+$0xFFFFFFC0];
	vm3 =	vlt.f32 v5, $5.000000000e-01  }
0x672: {  	v5 =	vld [tilespmem:s2+$0xFFFFFFC0];
	vm2 =	vlt.f32 v3, $5.000000000e-01  }
0x673: {  	v3 =	vld [tilespmem:s4+$0xFFFFFFD0];
	vm1 =	vlt.f32 v2, $5.000000000e-01  }
0x674: {  	v2 =	vld [tilespmem:s2+$0xFFFFFFD0];
	vm0 =	vlt.f32 v4, $5.000000000e-01  }
0x675: {  	vm6 =	vlt.f32 v0, $5.000000000e-01;
	v4 =	vld [tilespmem:s4+$0xFFFFFFE0]  }
0x676: {  	v6 =	vld [tilespmem:s2+$0xFFFFFFE0]  }
0x677: {  	v0 =	vsel vm6, v1, v5;
	v5 =	vld [tilespmem:s4+$0xFFFFFFF0]  }
0x678: {  	[tilespmem:s4+$0xFFFFFFC0] =	vst v0;
	v7 =	vld [tilespmem:s2+$0xFFFFFFF0]  }
0x679: {  	v1 =	vsel vm4, v3, v2;
	v0 =	vld [tilespmem:s4+$0x0]  }
.Ltmp23:
0x67a: {  	[tilespmem:s4+$0xFFFFFFD0] =	vst v1;
	v2 =	vld [tilespmem:s2+$0x0];
	(pc) =	sbr.rel @p0 .LBB2_48-.Ltmp23, $4  }
0x67b: {  	v3 =	vsel vm5, v4, v6;
	v1 =	vld [tilespmem:s4+$0x10]  }
0x67c: {  	[tilespmem:s4+$0xFFFFFFE0] =	vst v3;
	v4 =	vld [tilespmem:s2+$0x10]  }
0x67d: {  	v5 =	vsel vm3, v5, v7;
	v3 =	vld [tilespmem:s4+$0x20]  }
0x67e: {  	s4 =	sadd.s32 $0x80, s4;
	[tilespmem:s31+$0xFFFFFFF0] =	vst v5;
	v5 =	vld [tilespmem:s2+$0x20]  }
0x67f: {  	_ =	sdelay $0x1  }
0x680: {  	v0 =	vsel vm2, v0, v2  }
0x681: {  	[tilespmem:s31+$0x0] =	vst v0;
	v0 =	vsel vm1, v1, v4  }
0x682: {  	[tilespmem:s31+$0x10] =	vst v0;
	v0 =	vsel vm0, v3, v5  }
0x683: {  	[tilespmem:s31+$0x20] =	vst v0  }
0x684: {  	s0 =	sld [smem:$0x7E9];
	_ =	sdelay $0x1  }
0x685: {  	s4 =	sld [smem:$0x7EA]  }
0x686: {  	[tilespmem:s19], [sflag:$0x8] =	stream.linear.gather [hbm4b:s0+s1], $0x3600, $0x38;
	[tilespmem:$0x17A00] =	vst v63  }
0x687: {  	_ = 	snop  }
0x688: {  	[tilespmem:s20], [sflag:$0x8] =	stream.linear.gather [hbm4b:s4+s1], $0x3600, $0x38;
	[tilespmem:$0x17A00] =	vst v63  }
0x689: {  	_ =	swait.ge [sflag:s24], $0x3600  }
0x68a: {  	[sflag:s24] =	ssyncset.done $0x0  }
0x68b: {  	[sflag:s24] =	ssyncadd.s32 $0xFFFFCA00  }
0x68c: {  	_ =	swait.ge [sflag:s24], $0x3600  }
0x68d: {  	[sflag:s24] =	ssyncset.done $0x0  }
0x68e: {  	s31 =	simm.s32 $0x3640;
	[sflag:s24] =	ssyncadd.s32 $0xFFFFCA00  }
0x68f: {  	s0 =	simm.s32 $0x10E40;
	v0 =	vld [tilespmem:s31+$0x30]  }
0x690: {  	s2 =	simm.s32 $0xA240;
	v1 =	vld [tilespmem:s0+$0x30]  }
0x691: {  	v2 =	vld [tilespmem:s2+$0x30]  }
0x692: {  	v3 =	vld [tilespmem:s0+$0xFFFFFFD0]  }
0x693: {  	v4 =	vld [tilespmem:s0+$0xFFFFFFE0]  }
0x694: {  	v5 =	vld [tilespmem:s0+$0xFFFFFFF0]  }
0x695: {  	v6 =	vld [tilespmem:s0+$0x0]  }
0x696: {  	v7 =	vld [tilespmem:s0+$0x10]  }
0x697: {  	v8 =	vld [tilespmem:s0+$0x20]  }
0x698: {  	v9 =	vld [tilespmem:s0+$0xFFFFFFC0]  }
0x699: {  	v10 =	vld [tilespmem:s31+$0xFFFFFFC0]  }
0x69a: {  	v11 =	vld [tilespmem:s2+$0xFFFFFFC0]  }
0x69b: {  	v12 =	vld [tilespmem:s31+$0xFFFFFFD0]  }
0x69c: {  	v13 =	vld [tilespmem:s2+$0xFFFFFFD0]  }
0x69d: {  	v14 =	vld [tilespmem:s31+$0xFFFFFFE0]  }
0x69e: {  	v15 =	vld [tilespmem:s2+$0xFFFFFFE0]  }
0x69f: {  	v16 =	vld [tilespmem:s31+$0xFFFFFFF0]  }
0x6a0: {  	v17 =	vld [tilespmem:s2+$0xFFFFFFF0];
	vm0 =	vlt.f32 v1, $5.000000000e-01  }
0x6a1: {  	v1 =	vsel vm0, v0, v2;
	vm0 =	vlt.f32 v9, $5.000000000e-01;
	v0 =	vld [tilespmem:s31+$0x0]  }
0x6a2: {  	vm1 =	vlt.f32 v3, $5.000000000e-01;
	v2 =	vld [tilespmem:s2+$0x0];
	v3 =	vsel vm0, v10, v11;
	[tilespmem:s31+$0x30] =	vst v1  }
0x6a3: {  	vm0 =	vlt.f32 v4, $5.000000000e-01;
	v4 =	vsel vm1, v12, v13;
	v1 =	vld [tilespmem:s31+$0x10];
	[tilespmem:s31+$0xFFFFFFC0] =	vst v3  }
0x6a4: {  	vm1 =	vlt.f32 v5, $5.000000000e-01;
	[tilespmem:s31+$0xFFFFFFD0] =	vst v4;
	v3 =	vsel vm0, v14, v15;
	v4 =	vld [tilespmem:s2+$0x10]  }
0x6a5: {  	v5 =	vsel vm1, v16, v17;
	[tilespmem:s31+$0xFFFFFFE0] =	vst v3;
	v3 =	vld [tilespmem:s31+$0x20]  }
0x6a6: {  	s3 =	simm.s32 $0x0;
	s4 =	simm.s32 $0x36C0;
	vm2 =	vlt.f32 v6, $5.000000000e-01;
	vm1 =	vlt.f32 v7, $5.000000000e-01;
	vm0 =	vlt.f32 v8, $5.000000000e-01;
	[tilespmem:s31+$0xFFFFFFF0] =	vst v5;
	v5 =	vld [tilespmem:s2+$0x20]  }
.LBB2_50:
0x6a7: {  	v6 =	vld [tilespmem:s4+$0x30];
	v0 =	vsel vm2, v0, v2;
	s0 =	sadd.s32 $0x80, s0  }
0x6a8: {  	s3 =	sadd.s32 $0x80, s3;
	s2 =	sadd.s32 $0x80, s2;
	v2 =	vld [tilespmem:s0+$0x30];
	[tilespmem:s31+$0x0] =	vst v0  }
0x6a9: {  	p0 =	slt.u32 s3, $0x3580;
	v0 =	vld [tilespmem:s2+$0x30];
	v1 =	vsel vm1, v1, v4  }
0x6aa: {  	v4 =	vld [tilespmem:s0+$0xFFFFFFD0];
	[tilespmem:s31+$0x10] =	vst v1  }
0x6ab: {  	v1 =	vld [tilespmem:s0+$0xFFFFFFE0];
	v3 =	vsel vm0, v3, v5  }
0x6ac: {  	v5 =	vld [tilespmem:s0+$0xFFFFFFF0];
	[tilespmem:s31+$0x20] =	vst v3;
	s31 =	smov.u32 s4  }
0x6ad: {  	v3 =	vld [tilespmem:s0+$0x0];
	vm0 =	vlt.f32 v2, $5.000000000e-01  }
0x6ae: {  	v2 =	vld [tilespmem:s0+$0x10];
	v0 =	vsel vm0, v6, v0  }
0x6af: {  	vm4 =	vlt.f32 v4, $5.000000000e-01;
	v4 =	vld [tilespmem:s0+$0x20];
	[tilespmem:s4+$0x30] =	vst v0  }
0x6b0: {  	v0 =	vld [tilespmem:s0+$0xFFFFFFC0];
	vm5 =	vlt.f32 v1, $5.000000000e-01  }
0x6b1: {  	v1 =	vld [tilespmem:s4+$0xFFFFFFC0];
	vm3 =	vlt.f32 v5, $5.000000000e-01  }
0x6b2: {  	v5 =	vld [tilespmem:s2+$0xFFFFFFC0];
	vm2 =	vlt.f32 v3, $5.000000000e-01  }
0x6b3: {  	v3 =	vld [tilespmem:s4+$0xFFFFFFD0];
	vm1 =	vlt.f32 v2, $5.000000000e-01  }
0x6b4: {  	v2 =	vld [tilespmem:s2+$0xFFFFFFD0];
	vm0 =	vlt.f32 v4, $5.000000000e-01  }
0x6b5: {  	vm6 =	vlt.f32 v0, $5.000000000e-01;
	v4 =	vld [tilespmem:s4+$0xFFFFFFE0]  }
0x6b6: {  	v6 =	vld [tilespmem:s2+$0xFFFFFFE0]  }
0x6b7: {  	v0 =	vsel vm6, v1, v5;
	v5 =	vld [tilespmem:s4+$0xFFFFFFF0]  }
0x6b8: {  	[tilespmem:s4+$0xFFFFFFC0] =	vst v0;
	v7 =	vld [tilespmem:s2+$0xFFFFFFF0]  }
0x6b9: {  	v1 =	vsel vm4, v3, v2;
	v0 =	vld [tilespmem:s4+$0x0]  }
.Ltmp24:
0x6ba: {  	[tilespmem:s4+$0xFFFFFFD0] =	vst v1;
	v2 =	vld [tilespmem:s2+$0x0];
	(pc) =	sbr.rel @p0 .LBB2_50-.Ltmp24, $4  }
0x6bb: {  	v3 =	vsel vm5, v4, v6;
	v1 =	vld [tilespmem:s4+$0x10]  }
0x6bc: {  	[tilespmem:s4+$0xFFFFFFE0] =	vst v3;
	v4 =	vld [tilespmem:s2+$0x10]  }
0x6bd: {  	v5 =	vsel vm3, v5, v7;
	v3 =	vld [tilespmem:s4+$0x20]  }
0x6be: {  	s4 =	sadd.s32 $0x80, s4;
	[tilespmem:s31+$0xFFFFFFF0] =	vst v5;
	v5 =	vld [tilespmem:s2+$0x20]  }
0x6bf: {  	_ =	sdelay $0x1  }
0x6c0: {  	v0 =	vsel vm2, v0, v2  }
0x6c1: {  	[tilespmem:s31+$0x0] =	vst v0;
	v0 =	vsel vm1, v1, v4  }
0x6c2: {  	[tilespmem:s31+$0x10] =	vst v0;
	v0 =	vsel vm0, v3, v5  }
0x6c3: {  	[tilespmem:s31+$0x20] =	vst v0  }
0x6c4: {  	s0 =	sld [smem:$0x7EB];
	_ =	sdelay $0x1  }
0x6c5: {  	s4 =	sld [smem:$0x7EC]  }
0x6c6: {  	[tilespmem:s17], [sflag:$0x7] =	stream.linear.gather [hbm4b:s0+s1], $0x3600, $0x38;
	[tilespmem:$0x17A00] =	vst v63  }
0x6c7: {  	_ = 	snop  }
0x6c8: {  	[tilespmem:s18], [sflag:$0x7] =	stream.linear.gather [hbm4b:s4+s1], $0x3600, $0x38;
	[tilespmem:$0x17A00] =	vst v63  }
0x6c9: {  	_ =	swait.ge [sflag:s28], $0x3600  }
0x6ca: {  	[sflag:s28] =	ssyncset.done $0x0  }
0x6cb: {  	[sflag:s28] =	ssyncadd.s32 $0xFFFFCA00  }
0x6cc: {  	_ =	swait.ge [sflag:s28], $0x3600  }
0x6cd: {  	[sflag:s28] =	ssyncset.done $0x0  }
0x6ce: {  	s31 =	simm.s32 $0x3640;
	[sflag:s28] =	ssyncadd.s32 $0xFFFFCA00  }
0x6cf: {  	s0 =	simm.s32 $0x14440;
	v0 =	vld [tilespmem:s31+$0x30]  }
0x6d0: {  	s2 =	simm.s32 $0xD840;
	v1 =	vld [tilespmem:s0+$0x30]  }
0x6d1: {  	v2 =	vld [tilespmem:s2+$0x30]  }
0x6d2: {  	v3 =	vld [tilespmem:s0+$0xFFFFFFD0]  }
0x6d3: {  	v4 =	vld [tilespmem:s0+$0xFFFFFFE0]  }
0x6d4: {  	v5 =	vld [tilespmem:s0+$0xFFFFFFF0]  }
0x6d5: {  	v6 =	vld [tilespmem:s0+$0x0]  }
0x6d6: {  	v7 =	vld [tilespmem:s0+$0x10]  }
0x6d7: {  	v8 =	vld [tilespmem:s0+$0x20]  }
0x6d8: {  	v9 =	vld [tilespmem:s0+$0xFFFFFFC0]  }
0x6d9: {  	v10 =	vld [tilespmem:s31+$0xFFFFFFC0]  }
0x6da: {  	v11 =	vld [tilespmem:s2+$0xFFFFFFC0]  }
0x6db: {  	v12 =	vld [tilespmem:s31+$0xFFFFFFD0]  }
0x6dc: {  	v13 =	vld [tilespmem:s2+$0xFFFFFFD0]  }
0x6dd: {  	v14 =	vld [tilespmem:s31+$0xFFFFFFE0]  }
0x6de: {  	v15 =	vld [tilespmem:s2+$0xFFFFFFE0]  }
0x6df: {  	v16 =	vld [tilespmem:s31+$0xFFFFFFF0]  }
0x6e0: {  	v17 =	vld [tilespmem:s2+$0xFFFFFFF0];
	vm0 =	vlt.f32 v1, $5.000000000e-01  }
0x6e1: {  	v1 =	vsel vm0, v0, v2;
	vm0 =	vlt.f32 v9, $5.000000000e-01;
	v0 =	vld [tilespmem:s31+$0x0]  }
0x6e2: {  	vm1 =	vlt.f32 v3, $5.000000000e-01;
	v2 =	vld [tilespmem:s2+$0x0];
	v3 =	vsel vm0, v10, v11;
	[tilespmem:s31+$0x30] =	vst v1  }
0x6e3: {  	vm0 =	vlt.f32 v4, $5.000000000e-01;
	v4 =	vsel vm1, v12, v13;
	v1 =	vld [tilespmem:s31+$0x10];
	[tilespmem:s31+$0xFFFFFFC0] =	vst v3  }
0x6e4: {  	vm1 =	vlt.f32 v5, $5.000000000e-01;
	[tilespmem:s31+$0xFFFFFFD0] =	vst v4;
	v3 =	vsel vm0, v14, v15;
	v4 =	vld [tilespmem:s2+$0x10]  }
0x6e5: {  	v5 =	vsel vm1, v16, v17;
	[tilespmem:s31+$0xFFFFFFE0] =	vst v3;
	v3 =	vld [tilespmem:s31+$0x20]  }
0x6e6: {  	s3 =	simm.s32 $0x0;
	s4 =	simm.s32 $0x36C0;
	vm2 =	vlt.f32 v6, $5.000000000e-01;
	vm1 =	vlt.f32 v7, $5.000000000e-01;
	vm0 =	vlt.f32 v8, $5.000000000e-01;
	[tilespmem:s31+$0xFFFFFFF0] =	vst v5;
	v5 =	vld [tilespmem:s2+$0x20]  }
.LBB2_52:
0x6e7: {  	v6 =	vld [tilespmem:s4+$0x30];
	v0 =	vsel vm2, v0, v2;
	s0 =	sadd.s32 $0x80, s0  }
0x6e8: {  	s3 =	sadd.s32 $0x80, s3;
	s2 =	sadd.s32 $0x80, s2;
	v2 =	vld [tilespmem:s0+$0x30];
	[tilespmem:s31+$0x0] =	vst v0  }
0x6e9: {  	p0 =	slt.u32 s3, $0x3580;
	v0 =	vld [tilespmem:s2+$0x30];
	v1 =	vsel vm1, v1, v4  }
0x6ea: {  	v4 =	vld [tilespmem:s0+$0xFFFFFFD0];
	[tilespmem:s31+$0x10] =	vst v1  }
0x6eb: {  	v1 =	vld [tilespmem:s0+$0xFFFFFFE0];
	v3 =	vsel vm0, v3, v5  }
0x6ec: {  	v5 =	vld [tilespmem:s0+$0xFFFFFFF0];
	[tilespmem:s31+$0x20] =	vst v3;
	s31 =	smov.u32 s4  }
0x6ed: {  	v3 =	vld [tilespmem:s0+$0x0];
	vm0 =	vlt.f32 v2, $5.000000000e-01  }
0x6ee: {  	v2 =	vld [tilespmem:s0+$0x10];
	v0 =	vsel vm0, v6, v0  }
0x6ef: {  	vm4 =	vlt.f32 v4, $5.000000000e-01;
	v4 =	vld [tilespmem:s0+$0x20];
	[tilespmem:s4+$0x30] =	vst v0  }
0x6f0: {  	v0 =	vld [tilespmem:s0+$0xFFFFFFC0];
	vm5 =	vlt.f32 v1, $5.000000000e-01  }
0x6f1: {  	v1 =	vld [tilespmem:s4+$0xFFFFFFC0];
	vm3 =	vlt.f32 v5, $5.000000000e-01  }
0x6f2: {  	v5 =	vld [tilespmem:s2+$0xFFFFFFC0];
	vm2 =	vlt.f32 v3, $5.000000000e-01  }
0x6f3: {  	v3 =	vld [tilespmem:s4+$0xFFFFFFD0];
	vm1 =	vlt.f32 v2, $5.000000000e-01  }
0x6f4: {  	v2 =	vld [tilespmem:s2+$0xFFFFFFD0];
	vm0 =	vlt.f32 v4, $5.000000000e-01  }
0x6f5: {  	vm6 =	vlt.f32 v0, $5.000000000e-01;
	v4 =	vld [tilespmem:s4+$0xFFFFFFE0]  }
0x6f6: {  	v6 =	vld [tilespmem:s2+$0xFFFFFFE0]  }
0x6f7: {  	v0 =	vsel vm6, v1, v5;
	v5 =	vld [tilespmem:s4+$0xFFFFFFF0]  }
0x6f8: {  	[tilespmem:s4+$0xFFFFFFC0] =	vst v0;
	v7 =	vld [tilespmem:s2+$0xFFFFFFF0]  }
0x6f9: {  	v1 =	vsel vm4, v3, v2;
	v0 =	vld [tilespmem:s4+$0x0]  }
.Ltmp25:
0x6fa: {  	[tilespmem:s4+$0xFFFFFFD0] =	vst v1;
	v2 =	vld [tilespmem:s2+$0x0];
	(pc) =	sbr.rel @p0 .LBB2_52-.Ltmp25, $4  }
0x6fb: {  	v3 =	vsel vm5, v4, v6;
	v1 =	vld [tilespmem:s4+$0x10]  }
0x6fc: {  	[tilespmem:s4+$0xFFFFFFE0] =	vst v3;
	v4 =	vld [tilespmem:s2+$0x10]  }
0x6fd: {  	v5 =	vsel vm3, v5, v7;
	v3 =	vld [tilespmem:s4+$0x20]  }
0x6fe: {  	s4 =	sadd.s32 $0x80, s4;
	[tilespmem:s31+$0xFFFFFFF0] =	vst v5;
	v5 =	vld [tilespmem:s2+$0x20]  }
0x6ff: {  	_ =	sdelay $0x1  }
0x700: {  	v0 =	vsel vm2, v0, v2  }
0x701: {  	[tilespmem:s31+$0x0] =	vst v0;
	v0 =	vsel vm1, v1, v4  }
0x702: {  	[tilespmem:s31+$0x10] =	vst v0;
	v0 =	vsel vm0, v3, v5  }
0x703: {  	[tilespmem:s31+$0x20] =	vst v0  }
0x704: {  	s0 =	sld [smem:$0x7F6];
	_ =	sdelay $0x1  }
0x705: {  	s4 =	sld [smem:$0x7F7]  }
0x706: {  	[tilespmem:s19], [sflag:$0x8] =	stream.linear.gather [hbm4b:s0+s1], $0x3600, $0x38;
	[tilespmem:$0x17A00] =	vst v63  }
0x707: {  	_ = 	snop  }
0x708: {  	[tilespmem:s20], [sflag:$0x8] =	stream.linear.gather [hbm4b:s4+s1], $0x3600, $0x38;
	[tilespmem:$0x17A00] =	vst v63  }
0x709: {  	_ =	swait.ge [sflag:s24], $0x3600  }
0x70a: {  	[sflag:s24] =	ssyncset.done $0x0  }
0x70b: {  	[sflag:s24] =	ssyncadd.s32 $0xFFFFCA00  }
0x70c: {  	_ =	swait.ge [sflag:s24], $0x3600  }
0x70d: {  	[sflag:s24] =	ssyncset.done $0x0  }
0x70e: {  	s31 =	simm.s32 $0x3640;
	[sflag:s24] =	ssyncadd.s32 $0xFFFFCA00  }
0x70f: {  	s0 =	simm.s32 $0x10E40;
	v0 =	vld [tilespmem:s31+$0x30]  }
0x710: {  	s2 =	simm.s32 $0xA240;
	v1 =	vld [tilespmem:s0+$0x30]  }
0x711: {  	v2 =	vld [tilespmem:s2+$0x30]  }
0x712: {  	v3 =	vld [tilespmem:s0+$0xFFFFFFD0]  }
0x713: {  	v4 =	vld [tilespmem:s0+$0xFFFFFFE0]  }
0x714: {  	v5 =	vld [tilespmem:s0+$0xFFFFFFF0]  }
0x715: {  	v6 =	vld [tilespmem:s0+$0x0]  }
0x716: {  	v7 =	vld [tilespmem:s0+$0x10]  }
0x717: {  	v8 =	vld [tilespmem:s0+$0x20]  }
0x718: {  	v9 =	vld [tilespmem:s0+$0xFFFFFFC0]  }
0x719: {  	v10 =	vld [tilespmem:s31+$0xFFFFFFC0]  }
0x71a: {  	v11 =	vld [tilespmem:s2+$0xFFFFFFC0]  }
0x71b: {  	v12 =	vld [tilespmem:s31+$0xFFFFFFD0]  }
0x71c: {  	v13 =	vld [tilespmem:s2+$0xFFFFFFD0]  }
0x71d: {  	v14 =	vld [tilespmem:s31+$0xFFFFFFE0]  }
0x71e: {  	v15 =	vld [tilespmem:s2+$0xFFFFFFE0]  }
0x71f: {  	v16 =	vld [tilespmem:s31+$0xFFFFFFF0]  }
0x720: {  	v17 =	vld [tilespmem:s2+$0xFFFFFFF0];
	vm0 =	vlt.f32 v1, $5.000000000e-01  }
0x721: {  	v1 =	vsel vm0, v0, v2;
	vm0 =	vlt.f32 v9, $5.000000000e-01;
	v0 =	vld [tilespmem:s31+$0x0]  }
0x722: {  	vm1 =	vlt.f32 v3, $5.000000000e-01;
	v2 =	vld [tilespmem:s2+$0x0];
	v3 =	vsel vm0, v10, v11;
	[tilespmem:s31+$0x30] =	vst v1  }
0x723: {  	vm0 =	vlt.f32 v4, $5.000000000e-01;
	v4 =	vsel vm1, v12, v13;
	v1 =	vld [tilespmem:s31+$0x10];
	[tilespmem:s31+$0xFFFFFFC0] =	vst v3  }
0x724: {  	vm1 =	vlt.f32 v5, $5.000000000e-01;
	[tilespmem:s31+$0xFFFFFFD0] =	vst v4;
	v3 =	vsel vm0, v14, v15;
	v4 =	vld [tilespmem:s2+$0x10]  }
0x725: {  	v5 =	vsel vm1, v16, v17;
	[tilespmem:s31+$0xFFFFFFE0] =	vst v3;
	v3 =	vld [tilespmem:s31+$0x20]  }
0x726: {  	s3 =	simm.s32 $0x0;
	s4 =	simm.s32 $0x36C0;
	vm2 =	vlt.f32 v6, $5.000000000e-01;
	vm1 =	vlt.f32 v7, $5.000000000e-01;
	vm0 =	vlt.f32 v8, $5.000000000e-01;
	[tilespmem:s31+$0xFFFFFFF0] =	vst v5;
	v5 =	vld [tilespmem:s2+$0x20]  }
.LBB2_54:
0x727: {  	v6 =	vld [tilespmem:s4+$0x30];
	v0 =	vsel vm2, v0, v2;
	s0 =	sadd.s32 $0x80, s0  }
0x728: {  	s3 =	sadd.s32 $0x80, s3;
	s2 =	sadd.s32 $0x80, s2;
	v2 =	vld [tilespmem:s0+$0x30];
	[tilespmem:s31+$0x0] =	vst v0  }
0x729: {  	p0 =	slt.u32 s3, $0x3580;
	v0 =	vld [tilespmem:s2+$0x30];
	v1 =	vsel vm1, v1, v4  }
0x72a: {  	v4 =	vld [tilespmem:s0+$0xFFFFFFD0];
	[tilespmem:s31+$0x10] =	vst v1  }
0x72b: {  	v1 =	vld [tilespmem:s0+$0xFFFFFFE0];
	v3 =	vsel vm0, v3, v5  }
0x72c: {  	v5 =	vld [tilespmem:s0+$0xFFFFFFF0];
	[tilespmem:s31+$0x20] =	vst v3;
	s31 =	smov.u32 s4  }
0x72d: {  	v3 =	vld [tilespmem:s0+$0x0];
	vm0 =	vlt.f32 v2, $5.000000000e-01  }
0x72e: {  	v2 =	vld [tilespmem:s0+$0x10];
	v0 =	vsel vm0, v6, v0  }
0x72f: {  	vm4 =	vlt.f32 v4, $5.000000000e-01;
	v4 =	vld [tilespmem:s0+$0x20];
	[tilespmem:s4+$0x30] =	vst v0  }
0x730: {  	v0 =	vld [tilespmem:s0+$0xFFFFFFC0];
	vm5 =	vlt.f32 v1, $5.000000000e-01  }
0x731: {  	v1 =	vld [tilespmem:s4+$0xFFFFFFC0];
	vm3 =	vlt.f32 v5, $5.000000000e-01  }
0x732: {  	v5 =	vld [tilespmem:s2+$0xFFFFFFC0];
	vm2 =	vlt.f32 v3, $5.000000000e-01  }
0x733: {  	v3 =	vld [tilespmem:s4+$0xFFFFFFD0];
	vm1 =	vlt.f32 v2, $5.000000000e-01  }
0x734: {  	v2 =	vld [tilespmem:s2+$0xFFFFFFD0];
	vm0 =	vlt.f32 v4, $5.000000000e-01  }
0x735: {  	vm6 =	vlt.f32 v0, $5.000000000e-01;
	v4 =	vld [tilespmem:s4+$0xFFFFFFE0]  }
0x736: {  	v6 =	vld [tilespmem:s2+$0xFFFFFFE0]  }
0x737: {  	v0 =	vsel vm6, v1, v5;
	v5 =	vld [tilespmem:s4+$0xFFFFFFF0]  }
0x738: {  	[tilespmem:s4+$0xFFFFFFC0] =	vst v0;
	v7 =	vld [tilespmem:s2+$0xFFFFFFF0]  }
0x739: {  	v1 =	vsel vm4, v3, v2;
	v0 =	vld [tilespmem:s4+$0x0]  }
.Ltmp26:
0x73a: {  	[tilespmem:s4+$0xFFFFFFD0] =	vst v1;
	v2 =	vld [tilespmem:s2+$0x0];
	(pc) =	sbr.rel @p0 .LBB2_54-.Ltmp26, $4  }
0x73b: {  	v3 =	vsel vm5, v4, v6;
	v1 =	vld [tilespmem:s4+$0x10]  }
0x73c: {  	[tilespmem:s4+$0xFFFFFFE0] =	vst v3;
	v4 =	vld [tilespmem:s2+$0x10]  }
0x73d: {  	v5 =	vsel vm3, v5, v7;
	v3 =	vld [tilespmem:s4+$0x20]  }
0x73e: {  	s4 =	sadd.s32 $0x80, s4;
	[tilespmem:s31+$0xFFFFFFF0] =	vst v5;
	v5 =	vld [tilespmem:s2+$0x20]  }
0x73f: {  	_ =	sdelay $0x1  }
0x740: {  	v0 =	vsel vm2, v0, v2  }
0x741: {  	[tilespmem:s31+$0x0] =	vst v0;
	v0 =	vsel vm1, v1, v4  }
0x742: {  	[tilespmem:s31+$0x10] =	vst v0;
	v0 =	vsel vm0, v3, v5  }
0x743: {  	[tilespmem:s31+$0x20] =	vst v0  }
0x744: {  	_ =	swait.ge [sflag:s28], $0x3600  }
0x745: {  	[sflag:s28] =	ssyncset.done $0x0  }
0x746: {  	[sflag:s28] =	ssyncadd.s32 $0xFFFFCA00  }
0x747: {  	_ =	swait.ge [sflag:s28], $0x3600  }
0x748: {  	[sflag:s28] =	ssyncset.done $0x0  }
0x749: {  	s31 =	simm.s32 $0x3640;
	[sflag:s28] =	ssyncadd.s32 $0xFFFFCA00  }
0x74a: {  	s0 =	simm.s32 $0x14440;
	v0 =	vld [tilespmem:s31+$0x30]  }
0x74b: {  	s2 =	simm.s32 $0xD840;
	v1 =	vld [tilespmem:s0+$0x30]  }
0x74c: {  	v2 =	vld [tilespmem:s2+$0x30]  }
0x74d: {  	v3 =	vld [tilespmem:s0+$0xFFFFFFD0]  }
0x74e: {  	v4 =	vld [tilespmem:s0+$0xFFFFFFE0]  }
0x74f: {  	v5 =	vld [tilespmem:s0+$0xFFFFFFF0]  }
0x750: {  	v6 =	vld [tilespmem:s0+$0x0]  }
0x751: {  	v7 =	vld [tilespmem:s0+$0x10]  }
0x752: {  	v8 =	vld [tilespmem:s0+$0x20]  }
0x753: {  	v9 =	vld [tilespmem:s0+$0xFFFFFFC0]  }
0x754: {  	v10 =	vld [tilespmem:s31+$0xFFFFFFC0]  }
0x755: {  	v11 =	vld [tilespmem:s2+$0xFFFFFFC0]  }
0x756: {  	v12 =	vld [tilespmem:s31+$0xFFFFFFD0]  }
0x757: {  	v13 =	vld [tilespmem:s2+$0xFFFFFFD0]  }
0x758: {  	v14 =	vld [tilespmem:s31+$0xFFFFFFE0]  }
0x759: {  	v15 =	vld [tilespmem:s2+$0xFFFFFFE0]  }
0x75a: {  	v16 =	vld [tilespmem:s31+$0xFFFFFFF0]  }
0x75b: {  	v17 =	vld [tilespmem:s2+$0xFFFFFFF0];
	vm0 =	vlt.f32 v1, $5.000000000e-01  }
0x75c: {  	v1 =	vsel vm0, v0, v2;
	vm0 =	vlt.f32 v9, $5.000000000e-01;
	v0 =	vld [tilespmem:s31+$0x0]  }
0x75d: {  	vm1 =	vlt.f32 v3, $5.000000000e-01;
	v2 =	vld [tilespmem:s2+$0x0];
	v3 =	vsel vm0, v10, v11;
	[tilespmem:s31+$0x30] =	vst v1  }
0x75e: {  	vm0 =	vlt.f32 v4, $5.000000000e-01;
	v4 =	vsel vm1, v12, v13;
	v1 =	vld [tilespmem:s31+$0x10];
	[tilespmem:s31+$0xFFFFFFC0] =	vst v3  }
0x75f: {  	vm1 =	vlt.f32 v5, $5.000000000e-01;
	[tilespmem:s31+$0xFFFFFFD0] =	vst v4;
	v3 =	vsel vm0, v14, v15;
	v4 =	vld [tilespmem:s2+$0x10]  }
0x760: {  	v5 =	vsel vm1, v16, v17;
	[tilespmem:s31+$0xFFFFFFE0] =	vst v3;
	v3 =	vld [tilespmem:s31+$0x20]  }
0x761: {  	s3 =	simm.s32 $0x0;
	s4 =	simm.s32 $0x36C0;
	vm2 =	vlt.f32 v6, $5.000000000e-01;
	vm1 =	vlt.f32 v7, $5.000000000e-01;
	vm0 =	vlt.f32 v8, $5.000000000e-01;
	[tilespmem:s31+$0xFFFFFFF0] =	vst v5;
	v5 =	vld [tilespmem:s2+$0x20]  }
.LBB2_56:
0x762: {  	v6 =	vld [tilespmem:s4+$0x30];
	v0 =	vsel vm2, v0, v2;
	s0 =	sadd.s32 $0x80, s0  }
0x763: {  	s3 =	sadd.s32 $0x80, s3;
	s2 =	sadd.s32 $0x80, s2;
	v2 =	vld [tilespmem:s0+$0x30];
	[tilespmem:s31+$0x0] =	vst v0  }
0x764: {  	p0 =	slt.u32 s3, $0x3580;
	v0 =	vld [tilespmem:s2+$0x30];
	v1 =	vsel vm1, v1, v4  }
0x765: {  	v4 =	vld [tilespmem:s0+$0xFFFFFFD0];
	[tilespmem:s31+$0x10] =	vst v1  }
0x766: {  	v1 =	vld [tilespmem:s0+$0xFFFFFFE0];
	v3 =	vsel vm0, v3, v5  }
0x767: {  	v5 =	vld [tilespmem:s0+$0xFFFFFFF0];
	[tilespmem:s31+$0x20] =	vst v3;
	s31 =	smov.u32 s4  }
0x768: {  	v3 =	vld [tilespmem:s0+$0x0];
	vm0 =	vlt.f32 v2, $5.000000000e-01  }
0x769: {  	v2 =	vld [tilespmem:s0+$0x10];
	v0 =	vsel vm0, v6, v0  }
0x76a: {  	vm4 =	vlt.f32 v4, $5.000000000e-01;
	v4 =	vld [tilespmem:s0+$0x20];
	[tilespmem:s4+$0x30] =	vst v0  }
0x76b: {  	v0 =	vld [tilespmem:s0+$0xFFFFFFC0];
	vm5 =	vlt.f32 v1, $5.000000000e-01  }
0x76c: {  	v1 =	vld [tilespmem:s4+$0xFFFFFFC0];
	vm3 =	vlt.f32 v5, $5.000000000e-01  }
0x76d: {  	v5 =	vld [tilespmem:s2+$0xFFFFFFC0];
	vm2 =	vlt.f32 v3, $5.000000000e-01  }
0x76e: {  	v3 =	vld [tilespmem:s4+$0xFFFFFFD0];
	vm1 =	vlt.f32 v2, $5.000000000e-01  }
0x76f: {  	v2 =	vld [tilespmem:s2+$0xFFFFFFD0];
	vm0 =	vlt.f32 v4, $5.000000000e-01  }
0x770: {  	vm6 =	vlt.f32 v0, $5.000000000e-01;
	v4 =	vld [tilespmem:s4+$0xFFFFFFE0]  }
0x771: {  	v6 =	vld [tilespmem:s2+$0xFFFFFFE0]  }
0x772: {  	v0 =	vsel vm6, v1, v5;
	v5 =	vld [tilespmem:s4+$0xFFFFFFF0]  }
0x773: {  	[tilespmem:s4+$0xFFFFFFC0] =	vst v0;
	v7 =	vld [tilespmem:s2+$0xFFFFFFF0]  }
0x774: {  	v1 =	vsel vm4, v3, v2;
	v0 =	vld [tilespmem:s4+$0x0]  }
.Ltmp27:
0x775: {  	[tilespmem:s4+$0xFFFFFFD0] =	vst v1;
	v2 =	vld [tilespmem:s2+$0x0];
	(pc) =	sbr.rel @p0 .LBB2_56-.Ltmp27, $4  }
0x776: {  	v3 =	vsel vm5, v4, v6;
	v1 =	vld [tilespmem:s4+$0x10]  }
0x777: {  	[tilespmem:s4+$0xFFFFFFE0] =	vst v3;
	v4 =	vld [tilespmem:s2+$0x10]  }
0x778: {  	v5 =	vsel vm3, v5, v7;
	v3 =	vld [tilespmem:s4+$0x20]  }
0x779: {  	s4 =	sadd.s32 $0x80, s4;
	[tilespmem:s31+$0xFFFFFFF0] =	vst v5;
	v5 =	vld [tilespmem:s2+$0x20]  }
0x77a: {  	_ =	sdelay $0x1  }
0x77b: {  	v0 =	vsel vm2, v0, v2  }
0x77c: {  	[tilespmem:s31+$0x0] =	vst v0;
	v62 =	vsel vm1, v1, v4  }
0x77d: {  	[tilespmem:s31+$0x10] =	vst v62;
	v63 =	vsel vm0, v3, v5  }
0x77e: {  	[tilespmem:s31+$0x20] =	vst v63  }
0x77f: {  	[hbm4b:s13+s1] =	stream.linear.scatter [tilespmem:s15], [sflag:$0x5], $0x3600, $0x38;
	[tilespmem:$0x17A00] =	vst v63  }
0x780: {  	_ =	swait.ge [sflag:s29], $0x3600  }
0x781: {  	[sflag:s29] =	ssyncset.done $0x0  }
0x782: {  	s30 =	sadd.s32 $0x1, s30;
	[sflag:s29] =	ssyncadd.s32 $0xFFFFCA00  }
0x783: {  	p0 =	sne.s32 s30, s14;
	_ =	swait.ge [sflag:s22], $0x3600  }
.Ltmp28:
0x784: {  	[sflag:s22] =	ssyncset.done $0x0;
	(pc) =	sbr.rel @p0 .LBB2_1-.Ltmp28, $4  }
0x785: {  	[sflag:s22] =	ssyncadd.s32 $0xFFFFCA00  }
0x786: {  	_ =	swait.ge [sflag:s25], $0x3600  }
0x787: {  	[sflag:s25] =	ssyncset.done $0x0  }
0x788: {  	[sflag:s25] =	ssyncadd.s32 $0xFFFFCA00  }
0x789: {  	_ =	sfence.sel $0x180000  }
0x78a: {  	[bflag:$0x0] =	sbarrier.arrive $0xFFFF  }
0x78b: {  	_ =	strace $0x90000047  }
0x78c: {  	s0 =	stileid.u32;
	[bflag:$0x2] =	sbarrier.arrive $0xFFFF  }
0x78d: {  	p0 =	sne.s32 s0, $0x0;
	s0 =	rddreg [dreg:$0x4]  }
0x78e: {  	s0 =	sadd.s32 @!p0 $0x100000, s0  }
0x78f: {  	[sflag:s0] =	ssyncadd.tile.s32 @!p0 $0x1;
	_ =	shalt  }
.Lfunc_end2:
_tile_overlayer_lowered:
.L_overlay_start_2:
0x790: {  	(tag) =	ssettag $0x2  }
0x791: {  	s0 =	rddreg [dreg:$0x0];
	s2 =	stileid.u32  }
0x792: {  	s1 =	rddreg [dreg:$0x1];
	p0 =	sne.s32 s2, $0x0  }
0x793: {  	s3 =	rddreg [dreg:$0x2];
	[bflag:$0x3] =	sbarrier.arrive $0xFFFF;
	s2 =	simm.s32 @!p0 $0x1C09  }
0x794: {  	[timem:s3], [sflag:s2] =	dma.local @!p0 [hbm:s0], s1  }
0x795: {  	s0 =	simm.s32 @!p0 $0x9  }
0x796: {  	_ =	swait.ge @!p0 [sflag:s0], s1  }
0x797: {  	s1 =	ssub.s32 @!p0 $0x0, s1;
	[sflag:s0] =	ssyncset.done @!p0 $0x0  }
0x798: {  	[sflag:s0] =	ssyncadd.s32 @!p0 s1  }
0x799: {  	[bflag:$0x3] =	sbarrier.arrive $0xFFFF  }
0x79a: {  	_ =	shalt  }

</sc_bundles>
